<compile_context>
chip_gen: v7x
topology: tpu7x:2x2x1
jax: 0.10.2.dev20260603
libtpu: 0.0.44.dev20260713+nightly
codegen_flags: <defaults>
</compile_context>

<pallas_src>
import functools
import numpy as np
import jax
import jax.numpy as jnp
from jax import lax
from jax.experimental import pallas as pl
from jax.experimental.pallas import tpu as pltpu
from jax.experimental.pallas import tpu_sc as plsc

_G, _C, _GD, _R = 2, 4, 512, 2
_L = 16
_KC = 32
_KU = 4
_JH = 4

_V0 = np.float32(np.arctanh(np.float64(0.5) / 2.002))
_V1 = np.float32(np.arctanh(np.float64(1.5) / 2.002))



def _steps(v):
    one = jnp.float32(1.0)
    zero = jnp.float32(0.0)
    s = jnp.where(v > _V0, one, zero)
    s = s + jnp.where(v >= _V1, one, zero)
    s = s + jnp.where(v >= -_V0, one, zero)
    s = s + jnp.where(v > -_V1, one, zero)
    return s


def _rne_bf16(x):
    u = lax.bitcast_convert_type(x, jnp.uint32)
    u = (u + jnp.uint32(0x7FFF) + ((u >> 16) & jnp.uint32(1))) & jnp.uint32(
        0xFFFF0000)
    return lax.bitcast_convert_type(u, jnp.float32)


def _rhu_bf16(x):
    u = lax.bitcast_convert_type(x, jnp.uint32)
    u = (u + jnp.uint32(0x8000)) & jnp.uint32(0xFFFF0000)
    return lax.bitcast_convert_type(u, jnp.float32)


def _make_sc_body(BG, T):
    WPB = 32 // BG
    TH = T // WPB
    NLG = TH // (_JH * _L)
    NCH = _GD // _KC

    def body(x_hbm, w_hbm, bias_hbm, out_hbm,
             wbuf, bbuf, xbuf, zbuf, obuf, xsem0, xsem1):
        cid = lax.axis_index("c")
        sid = lax.axis_index("s")
        wid = cid * 16 + sid
        bg = wid // WPB
        th = wid % WPB
        g = bg % _G
        tbase = th * TH

        pltpu.sync_copy(w_hbm.at[g], wbuf)
        pltpu.sync_copy(bias_hbm.at[g], bbuf)

        def xcopy(ci, slot, sem):
            return pltpu.make_async_copy(
                x_hbm.at[bg, pl.ds(ci * _KC, _KC), pl.ds(tbase, TH)],
                xbuf.at[slot], sem)

        xcopy(0, 0, xsem0).start()
        xcopy(1, 1, xsem1).start()

        def init_body(i, carry):
            for c in range(_C):
                zbuf[c, pl.ds(i * _L, _L)] = bbuf[c]
            return carry

        lax.fori_loop(0, TH // _L, init_body, 0)

        def pair_body(jp, carry):
            for slot in range(2):
                ci = jp * 2 + slot
                xsem = xsem0 if slot == 0 else xsem1
                xcopy(ci, slot, xsem).wait()
                k0 = ci * _KC

                def lgb_body(lgb, carry2):
                    t0 = lgb * (_JH * _L)
                    accs = [zbuf[c, pl.ds(t0 + j * _L, _L)]
                            for c in range(_C) for j in range(_JH)]

                    def kbody(kb, accs):
                        accs = list(accs)
                        for kk in range(_KU):
                            k = kb * _KU + kk
                            wvs = [wbuf[c, pl.ds((k0 + k) * _L, _L)]
                                   for c in range(_C)]
                            for j in range(_JH):
                                xv = _rhu_bf16(
                                    xbuf[slot, k, pl.ds(t0 + j * _L, _L)])
                                for c in range(_C):
                                    accs[c * _JH + j] = (
                                        accs[c * _JH + j] + xv * wvs[c])
                        return tuple(accs)

                    accs = lax.fori_loop(0, _KC // _KU, kbody, tuple(accs))
                    for c in range(_C):
                        for j in range(_JH):
                            zbuf[c, pl.ds(t0 + j * _L, _L)] = (
                                accs[c * _JH + j])
                    return carry2

                lax.fori_loop(0, NLG, lgb_body, 0)

                @pl.when(ci + 2 < NCH)
                def _():
                    xcopy(ci + 2, slot, xsem).start()
            return carry

        lax.fori_loop(0, NCH // 2, pair_body, 0)

        def fsq_body(lgb, carry):
            t0 = lgb * (_JH * _L)
            for j in range(_JH):
                idx0 = None
                idx1 = None
                for c in range(_C):
                    z = zbuf[c, pl.ds(t0 + j * _L, _L)]
                    s0 = _steps(z)
                    a1 = 4.0 * z - 2.0 * (s0 - 2.0)
                    s1 = _steps(a1)
                    w5 = jnp.float32(5.0 ** c)
                    c0 = s0 * w5
                    c1 = s1 * w5
                    idx0 = c0 if idx0 is None else idx0 + c0
                    idx1 = c1 if idx1 is None else idx1 + c1
                obuf[0, pl.ds(t0 + j * _L, _L)] = idx0.astype(jnp.int32)
                obuf[1, pl.ds(t0 + j * _L, _L)] = idx1.astype(jnp.int32)
            return carry

        lax.fori_loop(0, NLG, fsq_body, 0)
        pltpu.sync_copy(obuf, out_hbm.at[bg, :, pl.ds(tbase, TH)])

    return body


def _sc_kernel(x, Win, b_in):
    B, DIM, T = x.shape
    x2 = x.reshape(B * _G, _GD, T)
    Wr = _rne_bf16(Win)
    Wbc = jnp.broadcast_to(
        Wr[:, :, :, None], (_G, _C, _GD, _L)).reshape(_G, _C, _GD * _L)
    bias_bc = jnp.broadcast_to(b_in[:, :, None], (_G, _C, _L))
    BG = B * _G
    TH = T // (32 // BG)
    mesh = plsc.VectorSubcoreMesh(core_axis_name="c", subcore_axis_name="s")
    run = functools.partial(
        pl.kernel,
        mesh=mesh,
        out_type=jax.ShapeDtypeStruct((BG, _R, T), jnp.int32),
        scratch_types=[
            pltpu.VMEM((_C, _GD * _L), jnp.float32),
            pltpu.VMEM((_C, _L), jnp.float32),
            pltpu.VMEM((2, _KC, TH), jnp.float32),
            pltpu.VMEM((_C, TH), jnp.float32),
            pltpu.VMEM((_R, TH), jnp.int32),
            pltpu.SemaphoreType.DMA,
            pltpu.SemaphoreType.DMA,
        ],
    )(_make_sc_body(BG, T))
    out = run(x2, Wbc, bias_bc)
    return out.reshape(B, _G * _R, T)


@jax.jit
def kernel(x, Win, b_in):
    return _sc_kernel(x, Win, b_in)

# --- scband reference (transcript-rebuilt; emitter-appended) ---
"""Pipeline reference for scband-gfsq-48619029791045 (READ-ONLY COPY).

The authoritative reference and input builder live on the scoring server;
editing this copy changes nothing except your own understanding.
"""

import jax, jax.numpy as jnp
import numpy as np

G = 2
R = 2
DIM = 1024
GROUP_DIM = DIM // G
LEVELS = np.array([5.0, 5.0, 5.0, 5.0], dtype=np.float32)
CODEBOOK_DIM = int(LEVELS.shape[0])
BASIS = np.concatenate([[1.0], np.cumprod(LEVELS[:-1])]).astype(np.float32)


def _round_ste(z):
    return z + jax.lax.stop_gradient(jnp.round(z) - z)


def _fsq(z):
    levels = jnp.asarray(LEVELS)
    eps = 1e-3
    half_l = (levels - 1.0) * (1.0 + eps) / 2.0
    offset = jnp.where(jnp.mod(levels, 2.0) == 0.0, 0.5, 0.0)
    shift = jnp.arctanh(offset / half_l)
    bounded = jnp.tanh(z + shift) * half_l - offset
    quantized = _round_ste(bounded)
    half_width = levels // 2.0
    codes = quantized / half_width
    zhat = codes * half_width + half_width
    indices = jnp.sum(zhat * jnp.asarray(BASIS), axis=-1)
    return codes, indices


def _residual_fsq(xg, Wg, bg):
    # project_in: Linear(GROUP_DIM -> CODEBOOK_DIM)
    z = xg @ Wg.T + bg
    quantized_out = jnp.zeros_like(z)
    residual = z
    inds = []
    for q in range(R):
        scale = (jnp.asarray(LEVELS) - 1.0) ** (-float(q))
        codes, idx = _fsq(residual / scale)
        quant = codes * scale
        residual = residual - jax.lax.stop_gradient(quant)
        quantized_out = quantized_out + quant
        inds.append(idx)
    return quantized_out, jnp.stack(inds, axis=-1)


def _gfsq_indices(x, Win, b_in):
    # x: (B, DIM, T); transpose=True path
    xt = jnp.transpose(x, (0, 2, 1))  # (B, T, DIM)
    chunks = jnp.split(xt, G, axis=-1)  # G x (B, T, GROUP_DIM)
    inds = []
    for g in range(G):
        _, idx = _residual_fsq(chunks[g], Win[g], b_in[g])
        inds.append(idx)
    ind = jnp.stack(inds, axis=0)        # (G, B, T, R)
    ind = jnp.transpose(ind, (1, 2, 0, 3))  # (B, T, G, R)
    ind = ind.reshape(ind.shape[0], ind.shape[1], -1)  # (B, T, G*R)
    return jnp.transpose(ind, (0, 2, 1))  # (B, G*R, T)


def setup_inputs(seed: int = 0):
    key = jax.random.key(seed)
    k1, k2 = jax.random.split(key)
    x = jax.random.normal(k1, (8, DIM, 2048), dtype=jnp.float32)
    Win = jax.random.normal(k2, (G, CODEBOOK_DIM, GROUP_DIM), dtype=jnp.float32) * (GROUP_DIM ** -0.5)
    b_in = jnp.zeros((G, CODEBOOK_DIM), dtype=jnp.float32)
    return {"x": x, "Win": Win, "b_in": b_in}


def reference(x, Win, b_in):
    return _gfsq_indices(x, Win, b_in).astype(jnp.int32)

if __name__ == "__main__":
    import jax
    _d = setup_inputs()
    print(jax.jit(kernel)(*tuple(_d.values())))

</pallas_src>

<mosaic_0001>
#map = affine_map<(d0, d1) -> (0, 0, 0)>
module attributes {stable_mosaic.version = 14 : i64} {
  func.func @body(%arg0: i32, %arg1: i32, %arg2: memref<16x512x2048xf32, #tpu.memory_space<hbm>>, %arg3: memref<2x4x8192xf32, #tpu.memory_space<hbm>>, %arg4: memref<2x4x16xf32, #tpu.memory_space<hbm>>, %arg5: memref<16x2x2048xi32, #tpu.memory_space<hbm>>, %arg6: memref<4x8192xf32, #tpu.memory_space<vmem>>, %arg7: memref<4x16xf32, #tpu.memory_space<vmem>>, %arg8: memref<2x32x1024xf32, #tpu.memory_space<vmem>>, %arg9: memref<4x1024xf32, #tpu.memory_space<vmem>>, %arg10: memref<2x1024xi32, #tpu.memory_space<vmem>>, %arg11: memref<!tpu.dma_semaphore, #tpu.memory_space<semaphore_mem>>, %arg12: memref<!tpu.dma_semaphore, #tpu.memory_space<semaphore_mem>>) attributes {dimension_semantics = [#tpu.dimension_semantics<core_parallel>, #tpu.dimension_semantics<subcore_parallel>], iteration_bounds = array<i64: 2, 16>, scalar_prefetch = 0 : i64, scratch_operands = 7 : i64, tpu.core_type = #tpu.core_type<sc_vector_subcore>, window_params = [{transform_indices = #map}, {transform_indices = #map}, {transform_indices = #map}, {transform_indices = #map}]} {
    %mul3A = arith.constant 16 : i32
    %mul3A_0 = arith.muli %arg0, %mul3A : i32
    %add3A = arith.addi %mul3A_0, %arg1 : i32
    %jit3A = arith.constant 2 : i32
    %div3A = arith.divsi %add3A, %jit3A : i32
    %sign3A = arith.constant 0 : i32
    %sign3A_1 = arith.cmpi sgt, %add3A, %sign3A : i32
    %sign3A_2 = arith.extui %sign3A_1 : i1 to i32
    %sign3A_3 = arith.constant 0 : i32
    %sign3A_4 = arith.cmpi slt, %add3A, %sign3A_3 : i32
    %sign3A_5 = arith.extui %sign3A_4 : i1 to i32
    %sign3A_6 = arith.subi %sign3A_2, %sign3A_5 : i32
    %sign3A_7 = arith.constant 0 : i32
    %sign3A_8 = arith.cmpi sgt, %jit3A, %sign3A_7 : i32
    %sign3A_9 = arith.extui %sign3A_8 : i1 to i32
    %sign3A_10 = arith.constant 0 : i32
    %sign3A_11 = arith.cmpi slt, %jit3A, %sign3A_10 : i32
    %sign3A_12 = arith.extui %sign3A_11 : i1 to i32
    %sign3A_13 = arith.subi %sign3A_9, %sign3A_12 : i32
    %ne3A = arith.cmpi ne, %sign3A_6, %sign3A_13 : i32
    %rem3A = arith.remsi %add3A, %jit3A : i32
    %ne3A_14 = arith.constant 0 : i32
    %ne3A_15 = arith.cmpi ne, %rem3A, %ne3A_14 : i32
    %and3A = arith.andi %ne3A, %ne3A_15 : i1
    %sub3A = arith.constant 1 : i32
    %sub3A_16 = arith.subi %div3A, %sub3A : i32
    %select_n3A = arith.select %and3A, %sub3A_16, %div3A : i32
    %jit3A_17 = arith.constant 2 : i32
    %eq3A = arith.constant 0 : i32
    %eq3A_18 = arith.cmpi eq, %jit3A_17, %eq3A : i32
    %jit3A_19 = arith.constant 1 : i32
    %select_n3A_20 = arith.select %eq3A_18, %jit3A_19, %jit3A_17 : i32
    %rem3A_21 = arith.remsi %add3A, %select_n3A_20 : i32
    %ne3A_22 = arith.constant 0 : i32
    %ne3A_23 = arith.cmpi ne, %rem3A_21, %ne3A_22 : i32
    %lt3A = arith.constant 0 : i32
    %lt3A_24 = arith.cmpi slt, %rem3A_21, %lt3A : i32
    %lt3A_25 = arith.constant 0 : i32
    %lt3A_26 = arith.cmpi slt, %select_n3A_20, %lt3A_25 : i32
    %ne3A_27 = arith.xori %lt3A_24, %lt3A_26 : i1
    %and3A_28 = arith.andi %ne3A_27, %ne3A_23 : i1
    %add3A_29 = arith.addi %rem3A_21, %select_n3A_20 : i32
    %select_n3A_30 = arith.select %and3A_28, %add3A_29, %rem3A_21 : i32
    %jit3A_31 = arith.constant 2 : i32
    %eq3A_32 = arith.constant 0 : i32
    %eq3A_33 = arith.cmpi eq, %jit3A_31, %eq3A_32 : i32
    %jit3A_34 = arith.constant 1 : i32
    %select_n3A_35 = arith.select %eq3A_33, %jit3A_34, %jit3A_31 : i32
    %rem3A_36 = arith.remsi %select_n3A, %select_n3A_35 : i32
    %ne3A_37 = arith.constant 0 : i32
    %ne3A_38 = arith.cmpi ne, %rem3A_36, %ne3A_37 : i32
    %lt3A_39 = arith.constant 0 : i32
    %lt3A_40 = arith.cmpi slt, %rem3A_36, %lt3A_39 : i32
    %lt3A_41 = arith.constant 0 : i32
    %lt3A_42 = arith.cmpi slt, %select_n3A_35, %lt3A_41 : i32
    %ne3A_43 = arith.xori %lt3A_40, %lt3A_42 : i1
    %and3A_44 = arith.andi %ne3A_43, %ne3A_38 : i1
    %add3A_45 = arith.addi %rem3A_36, %select_n3A_35 : i32
    %select_n3A_46 = arith.select %and3A_44, %add3A_45, %rem3A_36 : i32
    %mul3A_47 = arith.constant 1024 : i32
    %mul3A_48 = arith.muli %select_n3A_30, %mul3A_47 : i32
    "tpu.region"() ({
      %run_scoped3A = tpu.sem_alloc : memref<!tpu.dma_semaphore, #tpu.memory_space<semaphore_mem>>
      %dma_start3A_95 = arith.constant 0 : i32
      %dma_start3A_96 = arith.constant 0 : i32
      %dma_start3A_97 = tpu.memref_slice %arg3[%select_n3A_46, %dma_start3A_95, %dma_start3A_96] : memref<2x4x8192xf32, #tpu.memory_space<hbm>> -> memref<1x4x8192xf32, #tpu.memory_space<hbm>>
      %dma_start3A_98 = tpu.memref_squeeze %dma_start3A_97 : memref<1x4x8192xf32, #tpu.memory_space<hbm>> -> memref<4x8192xf32, #tpu.memory_space<hbm>>
      %dma_start3A_99 = arith.constant 0 : i32
      %dma_start3A_100 = arith.constant 0 : i32
      %dma_start3A_101 = tpu.memref_slice %arg3[%select_n3A_46, %dma_start3A_99, %dma_start3A_100] : memref<2x4x8192xf32, #tpu.memory_space<hbm>> -> memref<1x4x8192xf32, #tpu.memory_space<hbm>>
      %dma_start3A_102 = tpu.memref_squeeze %dma_start3A_101 : memref<1x4x8192xf32, #tpu.memory_space<hbm>> -> memref<4x8192xf32, #tpu.memory_space<hbm>>
      tpu.enqueue_dma source(%dma_start3A_102 : memref<4x8192xf32, #tpu.memory_space<hbm>>) target(%arg6 : memref<4x8192xf32, #tpu.memory_space<vmem>>) target_semaphore(%run_scoped3A : memref<!tpu.dma_semaphore, #tpu.memory_space<semaphore_mem>>)
      %dma_wait3A = arith.constant 0 : i32
      %dma_wait3A_103 = arith.constant 0 : i32
      %dma_wait3A_104 = tpu.memref_slice %arg3[%select_n3A_46, %dma_wait3A, %dma_wait3A_103] : memref<2x4x8192xf32, #tpu.memory_space<hbm>> -> memref<1x4x8192xf32, #tpu.memory_space<hbm>>
      %dma_wait3A_105 = tpu.memref_squeeze %dma_wait3A_104 : memref<1x4x8192xf32, #tpu.memory_space<hbm>> -> memref<4x8192xf32, #tpu.memory_space<hbm>>
      %dma_wait3A_106 = arith.constant 0 : i32
      %dma_wait3A_107 = arith.constant 0 : i32
      %dma_wait3A_108 = tpu.memref_slice %arg3[%select_n3A_46, %dma_wait3A_106, %dma_wait3A_107] : memref<2x4x8192xf32, #tpu.memory_space<hbm>> -> memref<1x4x8192xf32, #tpu.memory_space<hbm>>
      %dma_wait3A_109 = tpu.memref_squeeze %dma_wait3A_108 : memref<1x4x8192xf32, #tpu.memory_space<hbm>> -> memref<4x8192xf32, #tpu.memory_space<hbm>>
      tpu.wait_dma2 semaphore(%run_scoped3A : memref<!tpu.dma_semaphore, #tpu.memory_space<semaphore_mem>>) src(%dma_wait3A_109 : memref<4x8192xf32, #tpu.memory_space<hbm>>) dst(%arg6 : memref<4x8192xf32, #tpu.memory_space<vmem>>)
      tpu.yield
    }) : () -> ()
    "tpu.region"() ({
      %run_scoped3A = tpu.sem_alloc : memref<!tpu.dma_semaphore, #tpu.memory_space<semaphore_mem>>
      %dma_start3A_95 = arith.constant 0 : i32
      %dma_start3A_96 = arith.constant 0 : i32
      %dma_start3A_97 = tpu.memref_slice %arg4[%select_n3A_46, %dma_start3A_95, %dma_start3A_96] : memref<2x4x16xf32, #tpu.memory_space<hbm>> -> memref<1x4x16xf32, #tpu.memory_space<hbm>>
      %dma_start3A_98 = tpu.memref_squeeze %dma_start3A_97 : memref<1x4x16xf32, #tpu.memory_space<hbm>> -> memref<4x16xf32, #tpu.memory_space<hbm>>
      %dma_start3A_99 = arith.constant 0 : i32
      %dma_start3A_100 = arith.constant 0 : i32
      %dma_start3A_101 = tpu.memref_slice %arg4[%select_n3A_46, %dma_start3A_99, %dma_start3A_100] : memref<2x4x16xf32, #tpu.memory_space<hbm>> -> memref<1x4x16xf32, #tpu.memory_space<hbm>>
      %dma_start3A_102 = tpu.memref_squeeze %dma_start3A_101 : memref<1x4x16xf32, #tpu.memory_space<hbm>> -> memref<4x16xf32, #tpu.memory_space<hbm>>
      tpu.enqueue_dma source(%dma_start3A_102 : memref<4x16xf32, #tpu.memory_space<hbm>>) target(%arg7 : memref<4x16xf32, #tpu.memory_space<vmem>>) target_semaphore(%run_scoped3A : memref<!tpu.dma_semaphore, #tpu.memory_space<semaphore_mem>>)
      %dma_wait3A = arith.constant 0 : i32
      %dma_wait3A_103 = arith.constant 0 : i32
      %dma_wait3A_104 = tpu.memref_slice %arg4[%select_n3A_46, %dma_wait3A, %dma_wait3A_103] : memref<2x4x16xf32, #tpu.memory_space<hbm>> -> memref<1x4x16xf32, #tpu.memory_space<hbm>>
      %dma_wait3A_105 = tpu.memref_squeeze %dma_wait3A_104 : memref<1x4x16xf32, #tpu.memory_space<hbm>> -> memref<4x16xf32, #tpu.memory_space<hbm>>
      %dma_wait3A_106 = arith.constant 0 : i32
      %dma_wait3A_107 = arith.constant 0 : i32
      %dma_wait3A_108 = tpu.memref_slice %arg4[%select_n3A_46, %dma_wait3A_106, %dma_wait3A_107] : memref<2x4x16xf32, #tpu.memory_space<hbm>> -> memref<1x4x16xf32, #tpu.memory_space<hbm>>
      %dma_wait3A_109 = tpu.memref_squeeze %dma_wait3A_108 : memref<1x4x16xf32, #tpu.memory_space<hbm>> -> memref<4x16xf32, #tpu.memory_space<hbm>>
      tpu.wait_dma2 semaphore(%run_scoped3A : memref<!tpu.dma_semaphore, #tpu.memory_space<semaphore_mem>>) src(%dma_wait3A_109 : memref<4x16xf32, #tpu.memory_space<hbm>>) dst(%arg7 : memref<4x16xf32, #tpu.memory_space<vmem>>)
      tpu.yield
    }) : () -> ()
    %dma_start3A = arith.constant 0 : i32
    %dma_start3A_49 = arith.constant 0 : i32
    %dma_start3A_50 = arith.constant 0 : i32
    %dma_start3A_51 = tpu.memref_slice %arg8[%dma_start3A, %dma_start3A_49, %dma_start3A_50] : memref<2x32x1024xf32, #tpu.memory_space<vmem>> -> memref<1x32x1024xf32, #tpu.memory_space<vmem>>
    %dma_start3A_52 = tpu.memref_squeeze %dma_start3A_51 : memref<1x32x1024xf32, #tpu.memory_space<vmem>> -> memref<32x1024xf32, #tpu.memory_space<vmem>>
    %dma_start3A_53 = arith.constant 0 : i32
    %dma_start3A_54 = tpu.memref_slice %arg2[%select_n3A, %dma_start3A_53, %mul3A_48] : memref<16x512x2048xf32, #tpu.memory_space<hbm>> -> memref<1x32x1024xf32, #tpu.memory_space<hbm>>
    %dma_start3A_55 = tpu.memref_squeeze %dma_start3A_54 : memref<1x32x1024xf32, #tpu.memory_space<hbm>> -> memref<32x1024xf32, #tpu.memory_space<hbm>>
    %dma_start3A_56 = arith.constant 0 : i32
    %dma_start3A_57 = arith.constant 0 : i32
    %dma_start3A_58 = tpu.memref_slice %arg8[%dma_start3A, %dma_start3A_56, %dma_start3A_57] : memref<2x32x1024xf32, #tpu.memory_space<vmem>> -> memref<1x32x1024xf32, #tpu.memory_space<vmem>>
    %dma_start3A_59 = tpu.memref_squeeze %dma_start3A_58 : memref<1x32x1024xf32, #tpu.memory_space<vmem>> -> memref<32x1024xf32, #tpu.memory_space<vmem>>
    %dma_start3A_60 = arith.constant 0 : i32
    %dma_start3A_61 = tpu.memref_slice %arg2[%select_n3A, %dma_start3A_60, %mul3A_48] : memref<16x512x2048xf32, #tpu.memory_space<hbm>> -> memref<1x32x1024xf32, #tpu.memory_space<hbm>>
    %dma_start3A_62 = tpu.memref_squeeze %dma_start3A_61 : memref<1x32x1024xf32, #tpu.memory_space<hbm>> -> memref<32x1024xf32, #tpu.memory_space<hbm>>
    tpu.enqueue_dma source(%dma_start3A_62 : memref<32x1024xf32, #tpu.memory_space<hbm>>) target(%dma_start3A_59 : memref<32x1024xf32, #tpu.memory_space<vmem>>) target_semaphore(%arg11 : memref<!tpu.dma_semaphore, #tpu.memory_space<semaphore_mem>>)
    %dma_start3A_63 = arith.constant 1 : i32
    %dma_start3A_64 = arith.constant 0 : i32
    %dma_start3A_65 = arith.constant 0 : i32
    %dma_start3A_66 = tpu.memref_slice %arg8[%dma_start3A_63, %dma_start3A_64, %dma_start3A_65] : memref<2x32x1024xf32, #tpu.memory_space<vmem>> -> memref<1x32x1024xf32, #tpu.memory_space<vmem>>
    %dma_start3A_67 = tpu.memref_squeeze %dma_start3A_66 : memref<1x32x1024xf32, #tpu.memory_space<vmem>> -> memref<32x1024xf32, #tpu.memory_space<vmem>>
    %dma_start3A_68 = arith.constant 32 : i32
    %dma_start3A_69 = tpu.memref_slice %arg2[%select_n3A, %dma_start3A_68, %mul3A_48] : memref<16x512x2048xf32, #tpu.memory_space<hbm>> -> memref<1x32x1024xf32, #tpu.memory_space<hbm>>
    %dma_start3A_70 = tpu.memref_squeeze %dma_start3A_69 : memref<1x32x1024xf32, #tpu.memory_space<hbm>> -> memref<32x1024xf32, #tpu.memory_space<hbm>>
    %dma_start3A_71 = arith.constant 0 : i32
    %dma_start3A_72 = arith.constant 0 : i32
    %dma_start3A_73 = tpu.memref_slice %arg8[%dma_start3A_63, %dma_start3A_71, %dma_start3A_72] : memref<2x32x1024xf32, #tpu.memory_space<vmem>> -> memref<1x32x1024xf32, #tpu.memory_space<vmem>>
    %dma_start3A_74 = tpu.memref_squeeze %dma_start3A_73 : memref<1x32x1024xf32, #tpu.memory_space<vmem>> -> memref<32x1024xf32, #tpu.memory_space<vmem>>
    %dma_start3A_75 = arith.constant 32 : i32
    %dma_start3A_76 = tpu.memref_slice %arg2[%select_n3A, %dma_start3A_75, %mul3A_48] : memref<16x512x2048xf32, #tpu.memory_space<hbm>> -> memref<1x32x1024xf32, #tpu.memory_space<hbm>>
    %dma_start3A_77 = tpu.memref_squeeze %dma_start3A_76 : memref<1x32x1024xf32, #tpu.memory_space<hbm>> -> memref<32x1024xf32, #tpu.memory_space<hbm>>
    tpu.enqueue_dma source(%dma_start3A_77 : memref<32x1024xf32, #tpu.memory_space<hbm>>) target(%dma_start3A_74 : memref<32x1024xf32, #tpu.memory_space<vmem>>) target_semaphore(%arg12 : memref<!tpu.dma_semaphore, #tpu.memory_space<semaphore_mem>>)
    %scan3A = arith.constant 0 : i32
    %scan3A_78 = arith.constant 0 : i32
    %scan3A_79 = arith.constant 64 : i32
    %scan3A_80 = arith.addi %scan3A_78, %scan3A_79 : i32
    %scan3A_81 = arith.constant 1 : i32
    scf.for %scan3A_95 = %scan3A_78 to %scan3A_80 step %scan3A_81  : i32 {
      %get3A = arith.constant 0 : i32
      %get3A_96 = arith.index_cast %get3A : i32 to index
      %get3A_97 = arith.constant 0 : index
      %get3A_98 = tpu.vector_load %arg7[%get3A_96, %get3A_97] {strides = array<i32>} : memref<4x16xf32, #tpu.memory_space<vmem>>, vector<1x16xf32>,
      %get3A_99 = vector.shape_cast %get3A_98 : vector<1x16xf32> to vector<16xf32>
      %mul3A_100 = arith.constant 16 : i32
      %mul3A_101 = arith.muli %scan3A_95, %mul3A_100 : i32
      %swap3A = arith.constant 0 : i32
      %swap3A_102 = arith.index_cast %swap3A : i32 to index
      %swap3A_103 = arith.index_cast %mul3A_101 : i32 to index
      %swap3A_104 = tpu.vector_load %arg9[%swap3A_102, %swap3A_103] {strides = array<i32>} : memref<4x1024xf32, #tpu.memory_space<vmem>>, vector<1x16xf32>,
      %swap3A_105 = vector.shape_cast %swap3A_104 : vector<1x16xf32> to vector<16xf32>
      %swap3A_106 = vector.shape_cast %get3A_99 : vector<16xf32> to vector<1x16xf32>
      tpu.vector_store %arg9[%swap3A_102, %swap3A_103], %swap3A_106 {strides = array<i32>} : memref<4x1024xf32, #tpu.memory_space<vmem>>, vector<1x16xf32>,
      %get3A_107 = arith.constant 1 : i32
      %get3A_108 = arith.index_cast %get3A_107 : i32 to index
      %get3A_109 = arith.constant 0 : index
      %get3A_110 = tpu.vector_load %arg7[%get3A_108, %get3A_109] {strides = array<i32>} : memref<4x16xf32, #tpu.memory_space<vmem>>, vector<1x16xf32>,
      %get3A_111 = vector.shape_cast %get3A_110 : vector<1x16xf32> to vector<16xf32>
      %mul3A_112 = arith.constant 16 : i32
      %mul3A_113 = arith.muli %scan3A_95, %mul3A_112 : i32
      %swap3A_114 = arith.constant 1 : i32
      %swap3A_115 = arith.index_cast %swap3A_114 : i32 to index
      %swap3A_116 = arith.index_cast %mul3A_113 : i32 to index
      %swap3A_117 = tpu.vector_load %arg9[%swap3A_115, %swap3A_116] {strides = array<i32>} : memref<4x1024xf32, #tpu.memory_space<vmem>>, vector<1x16xf32>,
      %swap3A_118 = vector.shape_cast %swap3A_117 : vector<1x16xf32> to vector<16xf32>
      %swap3A_119 = vector.shape_cast %get3A_111 : vector<16xf32> to vector<1x16xf32>
      tpu.vector_store %arg9[%swap3A_115, %swap3A_116], %swap3A_119 {strides = array<i32>} : memref<4x1024xf32, #tpu.memory_space<vmem>>, vector<1x16xf32>,
      %get3A_120 = arith.constant 2 : i32
      %get3A_121 = arith.index_cast %get3A_120 : i32 to index
      %get3A_122 = arith.constant 0 : index
      %get3A_123 = tpu.vector_load %arg7[%get3A_121, %get3A_122] {strides = array<i32>} : memref<4x16xf32, #tpu.memory_space<vmem>>, vector<1x16xf32>,
      %get3A_124 = vector.shape_cast %get3A_123 : vector<1x16xf32> to vector<16xf32>
      %mul3A_125 = arith.constant 16 : i32
      %mul3A_126 = arith.muli %scan3A_95, %mul3A_125 : i32
      %swap3A_127 = arith.constant 2 : i32
      %swap3A_128 = arith.index_cast %swap3A_127 : i32 to index
      %swap3A_129 = arith.index_cast %mul3A_126 : i32 to index
      %swap3A_130 = tpu.vector_load %arg9[%swap3A_128, %swap3A_129] {strides = array<i32>} : memref<4x1024xf32, #tpu.memory_space<vmem>>, vector<1x16xf32>,
      %swap3A_131 = vector.shape_cast %swap3A_130 : vector<1x16xf32> to vector<16xf32>
      %swap3A_132 = vector.shape_cast %get3A_124 : vector<16xf32> to vector<1x16xf32>
      tpu.vector_store %arg9[%swap3A_128, %swap3A_129], %swap3A_132 {strides = array<i32>} : memref<4x1024xf32, #tpu.memory_space<vmem>>, vector<1x16xf32>,
      %get3A_133 = arith.constant 3 : i32
      %get3A_134 = arith.index_cast %get3A_133 : i32 to index
      %get3A_135 = arith.constant 0 : index
      %get3A_136 = tpu.vector_load %arg7[%get3A_134, %get3A_135] {strides = array<i32>} : memref<4x16xf32, #tpu.memory_space<vmem>>, vector<1x16xf32>,
      %get3A_137 = vector.shape_cast %get3A_136 : vector<1x16xf32> to vector<16xf32>
      %mul3A_138 = arith.constant 16 : i32
      %mul3A_139 = arith.muli %scan3A_95, %mul3A_138 : i32
      %swap3A_140 = arith.constant 3 : i32
      %swap3A_141 = arith.index_cast %swap3A_140 : i32 to index
      %swap3A_142 = arith.index_cast %mul3A_139 : i32 to index
      %swap3A_143 = tpu.vector_load %arg9[%swap3A_141, %swap3A_142] {strides = array<i32>} : memref<4x1024xf32, #tpu.memory_space<vmem>>, vector<1x16xf32>,
      %swap3A_144 = vector.shape_cast %swap3A_143 : vector<1x16xf32> to vector<16xf32>
      %swap3A_145 = vector.shape_cast %get3A_137 : vector<16xf32> to vector<1x16xf32>
      tpu.vector_store %arg9[%swap3A_141, %swap3A_142], %swap3A_145 {strides = array<i32>} : memref<4x1024xf32, #tpu.memory_space<vmem>>, vector<1x16xf32>,
    }
    %scan3A_82 = arith.constant 64 : i32
    %scan3A_83 = arith.constant 0 : i32
    %scan3A_84 = arith.constant 0 : i32
    %scan3A_85 = arith.constant 8 : i32
    %scan3A_86 = arith.addi %scan3A_84, %scan3A_85 : i32
    %scan3A_87 = arith.constant 1 : i32
    scf.for %scan3A_95 = %scan3A_84 to %scan3A_86 step %scan3A_87  : i32 {
      %mul3A_96 = arith.constant 2 : i32
      %mul3A_97 = arith.muli %scan3A_95, %mul3A_96 : i32
      %add3A_98 = arith.constant 0 : i32
      %add3A_99 = arith.addi %mul3A_97, %add3A_98 : i32
      %mul3A_100 = arith.constant 32 : i32
      %mul3A_101 = arith.muli %add3A_99, %mul3A_100 : i32
      %dma_wait3A = arith.constant 0 : i32
      %dma_wait3A_102 = arith.constant 0 : i32
      %dma_wait3A_103 = arith.constant 0 : i32
      %dma_wait3A_104 = tpu.memref_slice %arg8[%dma_wait3A, %dma_wait3A_102, %dma_wait3A_103] : memref<2x32x1024xf32, #tpu.memory_space<vmem>> -> memref<1x32x1024xf32, #tpu.memory_space<vmem>>
      %dma_wait3A_105 = tpu.memref_squeeze %dma_wait3A_104 : memref<1x32x1024xf32, #tpu.memory_space<vmem>> -> memref<32x1024xf32, #tpu.memory_space<vmem>>
      %dma_wait3A_106 = tpu.memref_slice %arg2[%select_n3A, %mul3A_101, %mul3A_48] : memref<16x512x2048xf32, #tpu.memory_space<hbm>> -> memref<1x32x1024xf32, #tpu.memory_space<hbm>>
      %dma_wait3A_107 = tpu.memref_squeeze %dma_wait3A_106 : memref<1x32x1024xf32, #tpu.memory_space<hbm>> -> memref<32x1024xf32, #tpu.memory_space<hbm>>
      %dma_wait3A_108 = arith.constant 0 : i32
      %dma_wait3A_109 = arith.constant 0 : i32
      %dma_wait3A_110 = tpu.memref_slice %arg8[%dma_wait3A, %dma_wait3A_108, %dma_wait3A_109] : memref<2x32x1024xf32, #tpu.memory_space<vmem>> -> memref<1x32x1024xf32, #tpu.memory_space<vmem>>
      %dma_wait3A_111 = tpu.memref_squeeze %dma_wait3A_110 : memref<1x32x1024xf32, #tpu.memory_space<vmem>> -> memref<32x1024xf32, #tpu.memory_space<vmem>>
      %dma_wait3A_112 = tpu.memref_slice %arg2[%select_n3A, %mul3A_101, %mul3A_48] : memref<16x512x2048xf32, #tpu.memory_space<hbm>> -> memref<1x32x1024xf32, #tpu.memory_space<hbm>>
      %dma_wait3A_113 = tpu.memref_squeeze %dma_wait3A_112 : memref<1x32x1024xf32, #tpu.memory_space<hbm>> -> memref<32x1024xf32, #tpu.memory_space<hbm>>
      tpu.wait_dma2 semaphore(%arg11 : memref<!tpu.dma_semaphore, #tpu.memory_space<semaphore_mem>>) src(%dma_wait3A_113 : memref<32x1024xf32, #tpu.memory_space<hbm>>) dst(%dma_wait3A_111 : memref<32x1024xf32, #tpu.memory_space<vmem>>)
      %mul3A_114 = arith.constant 32 : i32
      %mul3A_115 = arith.muli %add3A_99, %mul3A_114 : i32
      %scan3A_116 = arith.constant 0 : i32
      %scan3A_117 = arith.constant 0 : i32
      %scan3A_118 = arith.constant 16 : i32
      %scan3A_119 = arith.addi %scan3A_117, %scan3A_118 : i32
      %scan3A_120 = arith.constant 1 : i32
      scf.for %scan3A_161 = %scan3A_117 to %scan3A_119 step %scan3A_120  : i32 {
        %mul3A_162 = arith.constant 64 : i32
        %mul3A_163 = arith.muli %scan3A_161, %mul3A_162 : i32
        %add3A_164 = arith.constant 0 : i32
        %add3A_165 = arith.addi %mul3A_163, %add3A_164 : i32
        %get3A = arith.constant 0 : i32
        %get3A_166 = arith.index_cast %get3A : i32 to index
        %get3A_167 = arith.index_cast %add3A_165 : i32 to index
        %get3A_168 = tpu.vector_load %arg9[%get3A_166, %get3A_167] {strides = array<i32>} : memref<4x1024xf32, #tpu.memory_space<vmem>>, vector<1x16xf32>,
        %get3A_169 = vector.shape_cast %get3A_168 : vector<1x16xf32> to vector<16xf32>
        %add3A_170 = arith.constant 16 : i32
        %add3A_171 = arith.addi %mul3A_163, %add3A_170 : i32
        %get3A_172 = arith.constant 0 : i32
        %get3A_173 = arith.index_cast %get3A_172 : i32 to index
        %get3A_174 = arith.index_cast %add3A_171 : i32 to index
        %get3A_175 = tpu.vector_load %arg9[%get3A_173, %get3A_174] {strides = array<i32>} : memref<4x1024xf32, #tpu.memory_space<vmem>>, vector<1x16xf32>,
        %get3A_176 = vector.shape_cast %get3A_175 : vector<1x16xf32> to vector<16xf32>
        %add3A_177 = arith.constant 32 : i32
        %add3A_178 = arith.addi %mul3A_163, %add3A_177 : i32
        %get3A_179 = arith.constant 0 : i32
        %get3A_180 = arith.index_cast %get3A_179 : i32 to index
        %get3A_181 = arith.index_cast %add3A_178 : i32 to index
        %get3A_182 = tpu.vector_load %arg9[%get3A_180, %get3A_181] {strides = array<i32>} : memref<4x1024xf32, #tpu.memory_space<vmem>>, vector<1x16xf32>,
        %get3A_183 = vector.shape_cast %get3A_182 : vector<1x16xf32> to vector<16xf32>
        %add3A_184 = arith.constant 48 : i32
        %add3A_185 = arith.addi %mul3A_163, %add3A_184 : i32
        %get3A_186 = arith.constant 0 : i32
        %get3A_187 = arith.index_cast %get3A_186 : i32 to index
        %get3A_188 = arith.index_cast %add3A_185 : i32 to index
        %get3A_189 = tpu.vector_load %arg9[%get3A_187, %get3A_188] {strides = array<i32>} : memref<4x1024xf32, #tpu.memory_space<vmem>>, vector<1x16xf32>,
        %get3A_190 = vector.shape_cast %get3A_189 : vector<1x16xf32> to vector<16xf32>
        %add3A_191 = arith.constant 0 : i32
        %add3A_192 = arith.addi %mul3A_163, %add3A_191 : i32
        %get3A_193 = arith.constant 1 : i32
        %get3A_194 = arith.index_cast %get3A_193 : i32 to index
        %get3A_195 = arith.index_cast %add3A_192 : i32 to index
        %get3A_196 = tpu.vector_load %arg9[%get3A_194, %get3A_195] {strides = array<i32>} : memref<4x1024xf32, #tpu.memory_space<vmem>>, vector<1x16xf32>,
        %get3A_197 = vector.shape_cast %get3A_196 : vector<1x16xf32> to vector<16xf32>
        %add3A_198 = arith.constant 16 : i32
        %add3A_199 = arith.addi %mul3A_163, %add3A_198 : i32
        %get3A_200 = arith.constant 1 : i32
        %get3A_201 = arith.index_cast %get3A_200 : i32 to index
        %get3A_202 = arith.index_cast %add3A_199 : i32 to index
        %get3A_203 = tpu.vector_load %arg9[%get3A_201, %get3A_202] {strides = array<i32>} : memref<4x1024xf32, #tpu.memory_space<vmem>>, vector<1x16xf32>,
        %get3A_204 = vector.shape_cast %get3A_203 : vector<1x16xf32> to vector<16xf32>
        %add3A_205 = arith.constant 32 : i32
        %add3A_206 = arith.addi %mul3A_163, %add3A_205 : i32
        %get3A_207 = arith.constant 1 : i32
        %get3A_208 = arith.index_cast %get3A_207 : i32 to index
        %get3A_209 = arith.index_cast %add3A_206 : i32 to index
        %get3A_210 = tpu.vector_load %arg9[%get3A_208, %get3A_209] {strides = array<i32>} : memref<4x1024xf32, #tpu.memory_space<vmem>>, vector<1x16xf32>,
        %get3A_211 = vector.shape_cast %get3A_210 : vector<1x16xf32> to vector<16xf32>
        %add3A_212 = arith.constant 48 : i32
        %add3A_213 = arith.addi %mul3A_163, %add3A_212 : i32
        %get3A_214 = arith.constant 1 : i32
        %get3A_215 = arith.index_cast %get3A_214 : i32 to index
        %get3A_216 = arith.index_cast %add3A_213 : i32 to index
        %get3A_217 = tpu.vector_load %arg9[%get3A_215, %get3A_216] {strides = array<i32>} : memref<4x1024xf32, #tpu.memory_space<vmem>>, vector<1x16xf32>,
        %get3A_218 = vector.shape_cast %get3A_217 : vector<1x16xf32> to vector<16xf32>
        %add3A_219 = arith.constant 0 : i32
        %add3A_220 = arith.addi %mul3A_163, %add3A_219 : i32
        %get3A_221 = arith.constant 2 : i32
        %get3A_222 = arith.index_cast %get3A_221 : i32 to index
        %get3A_223 = arith.index_cast %add3A_220 : i32 to index
        %get3A_224 = tpu.vector_load %arg9[%get3A_222, %get3A_223] {strides = array<i32>} : memref<4x1024xf32, #tpu.memory_space<vmem>>, vector<1x16xf32>,
        %get3A_225 = vector.shape_cast %get3A_224 : vector<1x16xf32> to vector<16xf32>
        %add3A_226 = arith.constant 16 : i32
        %add3A_227 = arith.addi %mul3A_163, %add3A_226 : i32
        %get3A_228 = arith.constant 2 : i32
        %get3A_229 = arith.index_cast %get3A_228 : i32 to index
        %get3A_230 = arith.index_cast %add3A_227 : i32 to index
        %get3A_231 = tpu.vector_load %arg9[%get3A_229, %get3A_230] {strides = array<i32>} : memref<4x1024xf32, #tpu.memory_space<vmem>>, vector<1x16xf32>,
        %get3A_232 = vector.shape_cast %get3A_231 : vector<1x16xf32> to vector<16xf32>
        %add3A_233 = arith.constant 32 : i32
        %add3A_234 = arith.addi %mul3A_163, %add3A_233 : i32
        %get3A_235 = arith.constant 2 : i32
        %get3A_236 = arith.index_cast %get3A_235 : i32 to index
        %get3A_237 = arith.index_cast %add3A_234 : i32 to index
        %get3A_238 = tpu.vector_load %arg9[%get3A_236, %get3A_237] {strides = array<i32>} : memref<4x1024xf32, #tpu.memory_space<vmem>>, vector<1x16xf32>,
        %get3A_239 = vector.shape_cast %get3A_238 : vector<1x16xf32> to vector<16xf32>
        %add3A_240 = arith.constant 48 : i32
        %add3A_241 = arith.addi %mul3A_163, %add3A_240 : i32
        %get3A_242 = arith.constant 2 : i32
        %get3A_243 = arith.index_cast %get3A_242 : i32 to index
        %get3A_244 = arith.index_cast %add3A_241 : i32 to index
        %get3A_245 = tpu.vector_load %arg9[%get3A_243, %get3A_244] {strides = array<i32>} : memref<4x1024xf32, #tpu.memory_space<vmem>>, vector<1x16xf32>,
        %get3A_246 = vector.shape_cast %get3A_245 : vector<1x16xf32> to vector<16xf32>
        %add3A_247 = arith.constant 0 : i32
        %add3A_248 = arith.addi %mul3A_163, %add3A_247 : i32
        %get3A_249 = arith.constant 3 : i32
        %get3A_250 = arith.index_cast %get3A_249 : i32 to index
        %get3A_251 = arith.index_cast %add3A_248 : i32 to index
        %get3A_252 = tpu.vector_load %arg9[%get3A_250, %get3A_251] {strides = array<i32>} : memref<4x1024xf32, #tpu.memory_space<vmem>>, vector<1x16xf32>,
        %get3A_253 = vector.shape_cast %get3A_252 : vector<1x16xf32> to vector<16xf32>
        %add3A_254 = arith.constant 16 : i32
        %add3A_255 = arith.addi %mul3A_163, %add3A_254 : i32
        %get3A_256 = arith.constant 3 : i32
        %get3A_257 = arith.index_cast %get3A_256 : i32 to index
        %get3A_258 = arith.index_cast %add3A_255 : i32 to index
        %get3A_259 = tpu.vector_load %arg9[%get3A_257, %get3A_258] {strides = array<i32>} : memref<4x1024xf32, #tpu.memory_space<vmem>>, vector<1x16xf32>,
        %get3A_260 = vector.shape_cast %get3A_259 : vector<1x16xf32> to vector<16xf32>
        %add3A_261 = arith.constant 32 : i32
        %add3A_262 = arith.addi %mul3A_163, %add3A_261 : i32
        %get3A_263 = arith.constant 3 : i32
        %get3A_264 = arith.index_cast %get3A_263 : i32 to index
        %get3A_265 = arith.index_cast %add3A_262 : i32 to index
        %get3A_266 = tpu.vector_load %arg9[%get3A_264, %get3A_265] {strides = array<i32>} : memref<4x1024xf32, #tpu.memory_space<vmem>>, vector<1x16xf32>,
        %get3A_267 = vector.shape_cast %get3A_266 : vector<1x16xf32> to vector<16xf32>
        %add3A_268 = arith.constant 48 : i32
        %add3A_269 = arith.addi %mul3A_163, %add3A_268 : i32
        %get3A_270 = arith.constant 3 : i32
        %get3A_271 = arith.index_cast %get3A_270 : i32 to index
        %get3A_272 = arith.index_cast %add3A_269 : i32 to index
        %get3A_273 = tpu.vector_load %arg9[%get3A_271, %get3A_272] {strides = array<i32>} : memref<4x1024xf32, #tpu.memory_space<vmem>>, vector<1x16xf32>,
        %get3A_274 = vector.shape_cast %get3A_273 : vector<1x16xf32> to vector<16xf32>
        %scan3A_275 = arith.constant 0 : i32
        %scan3A_276 = arith.constant 8 : i32
        %scan3A_277 = arith.addi %scan3A_275, %scan3A_276 : i32
        %scan3A_278 = arith.constant 1 : i32
        %scan3A_279:16 = scf.for %scan3A_408 = %scan3A_275 to %scan3A_277 step %scan3A_278 iter_args(%scan3A_409 = %get3A_169, %scan3A_410 = %get3A_176, %scan3A_411 = %get3A_183, %scan3A_412 = %get3A_190, %scan3A_413 = %get3A_197, %scan3A_414 = %get3A_204, %scan3A_415 = %get3A_211, %scan3A_416 = %get3A_218, %scan3A_417 = %get3A_225, %scan3A_418 = %get3A_232, %scan3A_419 = %get3A_239, %scan3A_420 = %get3A_246, %scan3A_421 = %get3A_253, %scan3A_422 = %get3A_260, %scan3A_423 = %get3A_267, %scan3A_424 = %get3A_274) -> (vector<16xf32>, vector<16xf32>, vector<16xf32>, vector<16xf32>, vector<16xf32>, vector<16xf32>, vector<16xf32>, vector<16xf32>, vector<16xf32>, vector<16xf32>, vector<16xf32>, vector<16xf32>, vector<16xf32>, vector<16xf32>, vector<16xf32>, vector<16xf32>)  : i32 {
          %mul3A_425 = arith.constant 4 : i32
          %mul3A_426 = arith.muli %scan3A_408, %mul3A_425 : i32
          %add3A_427 = arith.constant 0 : i32
          %add3A_428 = arith.addi %mul3A_426, %add3A_427 : i32
          %add3A_429 = arith.addi %mul3A_115, %add3A_428 : i32
          %mul3A_430 = arith.constant 16 : i32
          %mul3A_431 = arith.muli %add3A_429, %mul3A_430 : i32
          %get3A_432 = arith.constant 0 : i32
          %get3A_433 = arith.index_cast %get3A_432 : i32 to index
          %get3A_434 = arith.index_cast %mul3A_431 : i32 to index
          %get3A_435 = tpu.vector_load %arg6[%get3A_433, %get3A_434] {strides = array<i32>} : memref<4x8192xf32, #tpu.memory_space<vmem>>, vector<1x16xf32>,
          %get3A_436 = vector.shape_cast %get3A_435 : vector<1x16xf32> to vector<16xf32>
          %add3A_437 = arith.addi %mul3A_115, %add3A_428 : i32
          %mul3A_438 = arith.constant 16 : i32
          %mul3A_439 = arith.muli %add3A_437, %mul3A_438 : i32
          %get3A_440 = arith.constant 1 : i32
          %get3A_441 = arith.index_cast %get3A_440 : i32 to index
          %get3A_442 = arith.index_cast %mul3A_439 : i32 to index
          %get3A_443 = tpu.vector_load %arg6[%get3A_441, %get3A_442] {strides = array<i32>} : memref<4x8192xf32, #tpu.memory_space<vmem>>, vector<1x16xf32>,
          %get3A_444 = vector.shape_cast %get3A_443 : vector<1x16xf32> to vector<16xf32>
          %add3A_445 = arith.addi %mul3A_115, %add3A_428 : i32
          %mul3A_446 = arith.constant 16 : i32
          %mul3A_447 = arith.muli %add3A_445, %mul3A_446 : i32
          %get3A_448 = arith.constant 2 : i32
          %get3A_449 = arith.index_cast %get3A_448 : i32 to index
          %get3A_450 = arith.index_cast %mul3A_447 : i32 to index
          %get3A_451 = tpu.vector_load %arg6[%get3A_449, %get3A_450] {strides = array<i32>} : memref<4x8192xf32, #tpu.memory_space<vmem>>, vector<1x16xf32>,
          %get3A_452 = vector.shape_cast %get3A_451 : vector<1x16xf32> to vector<16xf32>
          %add3A_453 = arith.addi %mul3A_115, %add3A_428 : i32
          %mul3A_454 = arith.constant 16 : i32
          %mul3A_455 = arith.muli %add3A_453, %mul3A_454 : i32
          %get3A_456 = arith.constant 3 : i32
          %get3A_457 = arith.index_cast %get3A_456 : i32 to index
          %get3A_458 = arith.index_cast %mul3A_455 : i32 to index
          %get3A_459 = tpu.vector_load %arg6[%get3A_457, %get3A_458] {strides = array<i32>} : memref<4x8192xf32, #tpu.memory_space<vmem>>, vector<1x16xf32>,
          %get3A_460 = vector.shape_cast %get3A_459 : vector<1x16xf32> to vector<16xf32>
          %add3A_461 = arith.constant 0 : i32
          %add3A_462 = arith.addi %mul3A_163, %add3A_461 : i32
          %get3A_463 = arith.constant 0 : i32
          %get3A_464 = arith.index_cast %get3A_463 : i32 to index
          %get3A_465 = arith.index_cast %add3A_428 : i32 to index
          %get3A_466 = arith.index_cast %add3A_462 : i32 to index
          %get3A_467 = tpu.vector_load %arg8[%get3A_464, %get3A_465, %get3A_466] {strides = array<i32>} : memref<2x32x1024xf32, #tpu.memory_space<vmem>>, vector<1x1x16xf32>,
          %get3A_468 = vector.shape_cast %get3A_467 : vector<1x1x16xf32> to vector<16xf32>
          %bitcast_convert_type3A = tpu.bitcast %get3A_468 : vector<16xf32> -> vector<16xi32>
          %add3A_469 = arith.constant 32768 : i32
          %add3A_470 = vector.broadcast %add3A_469 : i32 to vector<16xi32>
          %add3A_471 = arith.addi %bitcast_convert_type3A, %add3A_470 : vector<16xi32>
          %and3A_472 = arith.constant -65536 : i32
          %and3A_473 = vector.broadcast %and3A_472 : i32 to vector<16xi32>
          %and3A_474 = arith.andi %add3A_471, %and3A_473 : vector<16xi32>
          %bitcast_convert_type3A_475 = tpu.bitcast %and3A_474 : vector<16xi32> -> vector<16xf32>
          %mul3A_476 = arith.mulf %bitcast_convert_type3A_475, %get3A_436 : vector<16xf32>
          %add3A_477 = arith.addf %scan3A_409, %mul3A_476 : vector<16xf32>
          %mul3A_478 = arith.mulf %bitcast_convert_type3A_475, %get3A_444 : vector<16xf32>
          %add3A_479 = arith.addf %scan3A_413, %mul3A_478 : vector<16xf32>
          %mul3A_480 = arith.mulf %bitcast_convert_type3A_475, %get3A_452 : vector<16xf32>
          %add3A_481 = arith.addf %scan3A_417, %mul3A_480 : vector<16xf32>
          %mul3A_482 = arith.mulf %bitcast_convert_type3A_475, %get3A_460 : vector<16xf32>
          %add3A_483 = arith.addf %scan3A_421, %mul3A_482 : vector<16xf32>
          %add3A_484 = arith.constant 16 : i32
          %add3A_485 = arith.addi %mul3A_163, %add3A_484 : i32
          %get3A_486 = arith.constant 0 : i32
          %get3A_487 = arith.index_cast %get3A_486 : i32 to index
          %get3A_488 = arith.index_cast %add3A_428 : i32 to index
          %get3A_489 = arith.index_cast %add3A_485 : i32 to index
          %get3A_490 = tpu.vector_load %arg8[%get3A_487, %get3A_488, %get3A_489] {strides = array<i32>} : memref<2x32x1024xf32, #tpu.memory_space<vmem>>, vector<1x1x16xf32>,
          %get3A_491 = vector.shape_cast %get3A_490 : vector<1x1x16xf32> to vector<16xf32>
          %bitcast_convert_type3A_492 = tpu.bitcast %get3A_491 : vector<16xf32> -> vector<16xi32>
          %add3A_493 = arith.constant 32768 : i32
          %add3A_494 = vector.broadcast %add3A_493 : i32 to vector<16xi32>
          %add3A_495 = arith.addi %bitcast_convert_type3A_492, %add3A_494 : vector<16xi32>
          %and3A_496 = arith.constant -65536 : i32
          %and3A_497 = vector.broadcast %and3A_496 : i32 to vector<16xi32>
          %and3A_498 = arith.andi %add3A_495, %and3A_497 : vector<16xi32>
          %bitcast_convert_type3A_499 = tpu.bitcast %and3A_498 : vector<16xi32> -> vector<16xf32>
          %mul3A_500 = arith.mulf %bitcast_convert_type3A_499, %get3A_436 : vector<16xf32>
          %add3A_501 = arith.addf %scan3A_410, %mul3A_500 : vector<16xf32>
          %mul3A_502 = arith.mulf %bitcast_convert_type3A_499, %get3A_444 : vector<16xf32>
          %add3A_503 = arith.addf %scan3A_414, %mul3A_502 : vector<16xf32>
          %mul3A_504 = arith.mulf %bitcast_convert_type3A_499, %get3A_452 : vector<16xf32>
          %add3A_505 = arith.addf %scan3A_418, %mul3A_504 : vector<16xf32>
          %mul3A_506 = arith.mulf %bitcast_convert_type3A_499, %get3A_460 : vector<16xf32>
          %add3A_507 = arith.addf %scan3A_422, %mul3A_506 : vector<16xf32>
          %add3A_508 = arith.constant 32 : i32
          %add3A_509 = arith.addi %mul3A_163, %add3A_508 : i32
          %get3A_510 = arith.constant 0 : i32
          %get3A_511 = arith.index_cast %get3A_510 : i32 to index
          %get3A_512 = arith.index_cast %add3A_428 : i32 to index
          %get3A_513 = arith.index_cast %add3A_509 : i32 to index
          %get3A_514 = tpu.vector_load %arg8[%get3A_511, %get3A_512, %get3A_513] {strides = array<i32>} : memref<2x32x1024xf32, #tpu.memory_space<vmem>>, vector<1x1x16xf32>,
          %get3A_515 = vector.shape_cast %get3A_514 : vector<1x1x16xf32> to vector<16xf32>
          %bitcast_convert_type3A_516 = tpu.bitcast %get3A_515 : vector<16xf32> -> vector<16xi32>
          %add3A_517 = arith.constant 32768 : i32
          %add3A_518 = vector.broadcast %add3A_517 : i32 to vector<16xi32>
          %add3A_519 = arith.addi %bitcast_convert_type3A_516, %add3A_518 : vector<16xi32>
          %and3A_520 = arith.constant -65536 : i32
          %and3A_521 = vector.broadcast %and3A_520 : i32 to vector<16xi32>
          %and3A_522 = arith.andi %add3A_519, %and3A_521 : vector<16xi32>
          %bitcast_convert_type3A_523 = tpu.bitcast %and3A_522 : vector<16xi32> -> vector<16xf32>
          %mul3A_524 = arith.mulf %bitcast_convert_type3A_523, %get3A_436 : vector<16xf32>
          %add3A_525 = arith.addf %scan3A_411, %mul3A_524 : vector<16xf32>
          %mul3A_526 = arith.mulf %bitcast_convert_type3A_523, %get3A_444 : vector<16xf32>
          %add3A_527 = arith.addf %scan3A_415, %mul3A_526 : vector<16xf32>
          %mul3A_528 = arith.mulf %bitcast_convert_type3A_523, %get3A_452 : vector<16xf32>
          %add3A_529 = arith.addf %scan3A_419, %mul3A_528 : vector<16xf32>
          %mul3A_530 = arith.mulf %bitcast_convert_type3A_523, %get3A_460 : vector<16xf32>
          %add3A_531 = arith.addf %scan3A_423, %mul3A_530 : vector<16xf32>
          %add3A_532 = arith.constant 48 : i32
          %add3A_533 = arith.addi %mul3A_163, %add3A_532 : i32
          %get3A_534 = arith.constant 0 : i32
          %get3A_535 = arith.index_cast %get3A_534 : i32 to index
          %get3A_536 = arith.index_cast %add3A_428 : i32 to index
          %get3A_537 = arith.index_cast %add3A_533 : i32 to index
          %get3A_538 = tpu.vector_load %arg8[%get3A_535, %get3A_536, %get3A_537] {strides = array<i32>} : memref<2x32x1024xf32, #tpu.memory_space<vmem>>, vector<1x1x16xf32>,
          %get3A_539 = vector.shape_cast %get3A_538 : vector<1x1x16xf32> to vector<16xf32>
          %bitcast_convert_type3A_540 = tpu.bitcast %get3A_539 : vector<16xf32> -> vector<16xi32>
          %add3A_541 = arith.constant 32768 : i32
          %add3A_542 = vector.broadcast %add3A_541 : i32 to vector<16xi32>
          %add3A_543 = arith.addi %bitcast_convert_type3A_540, %add3A_542 : vector<16xi32>
          %and3A_544 = arith.constant -65536 : i32
          %and3A_545 = vector.broadcast %and3A_544 : i32 to vector<16xi32>
          %and3A_546 = arith.andi %add3A_543, %and3A_545 : vector<16xi32>
          %bitcast_convert_type3A_547 = tpu.bitcast %and3A_546 : vector<16xi32> -> vector<16xf32>
          %mul3A_548 = arith.mulf %bitcast_convert_type3A_547, %get3A_436 : vector<16xf32>
          %add3A_549 = arith.addf %scan3A_412, %mul3A_548 : vector<16xf32>
          %mul3A_550 = arith.mulf %bitcast_convert_type3A_547, %get3A_444 : vector<16xf32>
          %add3A_551 = arith.addf %scan3A_416, %mul3A_550 : vector<16xf32>
          %mul3A_552 = arith.mulf %bitcast_convert_type3A_547, %get3A_452 : vector<16xf32>
          %add3A_553 = arith.addf %scan3A_420, %mul3A_552 : vector<16xf32>
          %mul3A_554 = arith.mulf %bitcast_convert_type3A_547, %get3A_460 : vector<16xf32>
          %add3A_555 = arith.addf %scan3A_424, %mul3A_554 : vector<16xf32>
          %mul3A_556 = arith.constant 4 : i32
          %mul3A_557 = arith.muli %scan3A_408, %mul3A_556 : i32
          %add3A_558 = arith.constant 1 : i32
          %add3A_559 = arith.addi %mul3A_557, %add3A_558 : i32
          %add3A_560 = arith.addi %mul3A_115, %add3A_559 : i32
          %mul3A_561 = arith.constant 16 : i32
          %mul3A_562 = arith.muli %add3A_560, %mul3A_561 : i32
          %get3A_563 = arith.constant 0 : i32
          %get3A_564 = arith.index_cast %get3A_563 : i32 to index
          %get3A_565 = arith.index_cast %mul3A_562 : i32 to index
          %get3A_566 = tpu.vector_load %arg6[%get3A_564, %get3A_565] {strides = array<i32>} : memref<4x8192xf32, #tpu.memory_space<vmem>>, vector<1x16xf32>,
          %get3A_567 = vector.shape_cast %get3A_566 : vector<1x16xf32> to vector<16xf32>
          %add3A_568 = arith.addi %mul3A_115, %add3A_559 : i32
          %mul3A_569 = arith.constant 16 : i32
          %mul3A_570 = arith.muli %add3A_568, %mul3A_569 : i32
          %get3A_571 = arith.constant 1 : i32
          %get3A_572 = arith.index_cast %get3A_571 : i32 to index
          %get3A_573 = arith.index_cast %mul3A_570 : i32 to index
          %get3A_574 = tpu.vector_load %arg6[%get3A_572, %get3A_573] {strides = array<i32>} : memref<4x8192xf32, #tpu.memory_space<vmem>>, vector<1x16xf32>,
          %get3A_575 = vector.shape_cast %get3A_574 : vector<1x16xf32> to vector<16xf32>
          %add3A_576 = arith.addi %mul3A_115, %add3A_559 : i32
          %mul3A_577 = arith.constant 16 : i32
          %mul3A_578 = arith.muli %add3A_576, %mul3A_577 : i32
          %get3A_579 = arith.constant 2 : i32
          %get3A_580 = arith.index_cast %get3A_579 : i32 to index
          %get3A_581 = arith.index_cast %mul3A_578 : i32 to index
          %get3A_582 = tpu.vector_load %arg6[%get3A_580, %get3A_581] {strides = array<i32>} : memref<4x8192xf32, #tpu.memory_space<vmem>>, vector<1x16xf32>,
          %get3A_583 = vector.shape_cast %get3A_582 : vector<1x16xf32> to vector<16xf32>
          %add3A_584 = arith.addi %mul3A_115, %add3A_559 : i32
          %mul3A_585 = arith.constant 16 : i32
          %mul3A_586 = arith.muli %add3A_584, %mul3A_585 : i32
          %get3A_587 = arith.constant 3 : i32
          %get3A_588 = arith.index_cast %get3A_587 : i32 to index
          %get3A_589 = arith.index_cast %mul3A_586 : i32 to index
          %get3A_590 = tpu.vector_load %arg6[%get3A_588, %get3A_589] {strides = array<i32>} : memref<4x8192xf32, #tpu.memory_space<vmem>>, vector<1x16xf32>,
          %get3A_591 = vector.shape_cast %get3A_590 : vector<1x16xf32> to vector<16xf32>
          %add3A_592 = arith.constant 0 : i32
          %add3A_593 = arith.addi %mul3A_163, %add3A_592 : i32
          %get3A_594 = arith.constant 0 : i32
          %get3A_595 = arith.index_cast %get3A_594 : i32 to index
          %get3A_596 = arith.index_cast %add3A_559 : i32 to index
          %get3A_597 = arith.index_cast %add3A_593 : i32 to index
          %get3A_598 = tpu.vector_load %arg8[%get3A_595, %get3A_596, %get3A_597] {strides = array<i32>} : memref<2x32x1024xf32, #tpu.memory_space<vmem>>, vector<1x1x16xf32>,
          %get3A_599 = vector.shape_cast %get3A_598 : vector<1x1x16xf32> to vector<16xf32>
          %bitcast_convert_type3A_600 = tpu.bitcast %get3A_599 : vector<16xf32> -> vector<16xi32>
          %add3A_601 = arith.constant 32768 : i32
          %add3A_602 = vector.broadcast %add3A_601 : i32 to vector<16xi32>
          %add3A_603 = arith.addi %bitcast_convert_type3A_600, %add3A_602 : vector<16xi32>
          %and3A_604 = arith.constant -65536 : i32
          %and3A_605 = vector.broadcast %and3A_604 : i32 to vector<16xi32>
          %and3A_606 = arith.andi %add3A_603, %and3A_605 : vector<16xi32>
          %bitcast_convert_type3A_607 = tpu.bitcast %and3A_606 : vector<16xi32> -> vector<16xf32>
          %mul3A_608 = arith.mulf %bitcast_convert_type3A_607, %get3A_567 : vector<16xf32>
          %add3A_609 = arith.addf %add3A_477, %mul3A_608 : vector<16xf32>
          %mul3A_610 = arith.mulf %bitcast_convert_type3A_607, %get3A_575 : vector<16xf32>
          %add3A_611 = arith.addf %add3A_479, %mul3A_610 : vector<16xf32>
          %mul3A_612 = arith.mulf %bitcast_convert_type3A_607, %get3A_583 : vector<16xf32>
          %add3A_613 = arith.addf %add3A_481, %mul3A_612 : vector<16xf32>
          %mul3A_614 = arith.mulf %bitcast_convert_type3A_607, %get3A_591 : vector<16xf32>
          %add3A_615 = arith.addf %add3A_483, %mul3A_614 : vector<16xf32>
          %add3A_616 = arith.constant 16 : i32
          %add3A_617 = arith.addi %mul3A_163, %add3A_616 : i32
          %get3A_618 = arith.constant 0 : i32
          %get3A_619 = arith.index_cast %get3A_618 : i32 to index
          %get3A_620 = arith.index_cast %add3A_559 : i32 to index
          %get3A_621 = arith.index_cast %add3A_617 : i32 to index
          %get3A_622 = tpu.vector_load %arg8[%get3A_619, %get3A_620, %get3A_621] {strides = array<i32>} : memref<2x32x1024xf32, #tpu.memory_space<vmem>>, vector<1x1x16xf32>,
          %get3A_623 = vector.shape_cast %get3A_622 : vector<1x1x16xf32> to vector<16xf32>
          %bitcast_convert_type3A_624 = tpu.bitcast %get3A_623 : vector<16xf32> -> vector<16xi32>
          %add3A_625 = arith.constant 32768 : i32
          %add3A_626 = vector.broadcast %add3A_625 : i32 to vector<16xi32>
          %add3A_627 = arith.addi %bitcast_convert_type3A_624, %add3A_626 : vector<16xi32>
          %and3A_628 = arith.constant -65536 : i32
          %and3A_629 = vector.broadcast %and3A_628 : i32 to vector<16xi32>
          %and3A_630 = arith.andi %add3A_627, %and3A_629 : vector<16xi32>
          %bitcast_convert_type3A_631 = tpu.bitcast %and3A_630 : vector<16xi32> -> vector<16xf32>
          %mul3A_632 = arith.mulf %bitcast_convert_type3A_631, %get3A_567 : vector<16xf32>
          %add3A_633 = arith.addf %add3A_501, %mul3A_632 : vector<16xf32>
          %mul3A_634 = arith.mulf %bitcast_convert_type3A_631, %get3A_575 : vector<16xf32>
          %add3A_635 = arith.addf %add3A_503, %mul3A_634 : vector<16xf32>
          %mul3A_636 = arith.mulf %bitcast_convert_type3A_631, %get3A_583 : vector<16xf32>
          %add3A_637 = arith.addf %add3A_505, %mul3A_636 : vector<16xf32>
          %mul3A_638 = arith.mulf %bitcast_convert_type3A_631, %get3A_591 : vector<16xf32>
          %add3A_639 = arith.addf %add3A_507, %mul3A_638 : vector<16xf32>
          %add3A_640 = arith.constant 32 : i32
          %add3A_641 = arith.addi %mul3A_163, %add3A_640 : i32
          %get3A_642 = arith.constant 0 : i32
          %get3A_643 = arith.index_cast %get3A_642 : i32 to index
          %get3A_644 = arith.index_cast %add3A_559 : i32 to index
          %get3A_645 = arith.index_cast %add3A_641 : i32 to index
          %get3A_646 = tpu.vector_load %arg8[%get3A_643, %get3A_644, %get3A_645] {strides = array<i32>} : memref<2x32x1024xf32, #tpu.memory_space<vmem>>, vector<1x1x16xf32>,
          %get3A_647 = vector.shape_cast %get3A_646 : vector<1x1x16xf32> to vector<16xf32>
          %bitcast_convert_type3A_648 = tpu.bitcast %get3A_647 : vector<16xf32> -> vector<16xi32>
          %add3A_649 = arith.constant 32768 : i32
          %add3A_650 = vector.broadcast %add3A_649 : i32 to vector<16xi32>
          %add3A_651 = arith.addi %bitcast_convert_type3A_648, %add3A_650 : vector<16xi32>
          %and3A_652 = arith.constant -65536 : i32
          %and3A_653 = vector.broadcast %and3A_652 : i32 to vector<16xi32>
          %and3A_654 = arith.andi %add3A_651, %and3A_653 : vector<16xi32>
          %bitcast_convert_type3A_655 = tpu.bitcast %and3A_654 : vector<16xi32> -> vector<16xf32>
          %mul3A_656 = arith.mulf %bitcast_convert_type3A_655, %get3A_567 : vector<16xf32>
          %add3A_657 = arith.addf %add3A_525, %mul3A_656 : vector<16xf32>
          %mul3A_658 = arith.mulf %bitcast_convert_type3A_655, %get3A_575 : vector<16xf32>
          %add3A_659 = arith.addf %add3A_527, %mul3A_658 : vector<16xf32>
          %mul3A_660 = arith.mulf %bitcast_convert_type3A_655, %get3A_583 : vector<16xf32>
          %add3A_661 = arith.addf %add3A_529, %mul3A_660 : vector<16xf32>
          %mul3A_662 = arith.mulf %bitcast_convert_type3A_655, %get3A_591 : vector<16xf32>
          %add3A_663 = arith.addf %add3A_531, %mul3A_662 : vector<16xf32>
          %add3A_664 = arith.constant 48 : i32
          %add3A_665 = arith.addi %mul3A_163, %add3A_664 : i32
          %get3A_666 = arith.constant 0 : i32
          %get3A_667 = arith.index_cast %get3A_666 : i32 to index
          %get3A_668 = arith.index_cast %add3A_559 : i32 to index
          %get3A_669 = arith.index_cast %add3A_665 : i32 to index
          %get3A_670 = tpu.vector_load %arg8[%get3A_667, %get3A_668, %get3A_669] {strides = array<i32>} : memref<2x32x1024xf32, #tpu.memory_space<vmem>>, vector<1x1x16xf32>,
          %get3A_671 = vector.shape_cast %get3A_670 : vector<1x1x16xf32> to vector<16xf32>
          %bitcast_convert_type3A_672 = tpu.bitcast %get3A_671 : vector<16xf32> -> vector<16xi32>
          %add3A_673 = arith.constant 32768 : i32
          %add3A_674 = vector.broadcast %add3A_673 : i32 to vector<16xi32>
          %add3A_675 = arith.addi %bitcast_convert_type3A_672, %add3A_674 : vector<16xi32>
          %and3A_676 = arith.constant -65536 : i32
          %and3A_677 = vector.broadcast %and3A_676 : i32 to vector<16xi32>
          %and3A_678 = arith.andi %add3A_675, %and3A_677 : vector<16xi32>
          %bitcast_convert_type3A_679 = tpu.bitcast %and3A_678 : vector<16xi32> -> vector<16xf32>
          %mul3A_680 = arith.mulf %bitcast_convert_type3A_679, %get3A_567 : vector<16xf32>
          %add3A_681 = arith.addf %add3A_549, %mul3A_680 : vector<16xf32>
          %mul3A_682 = arith.mulf %bitcast_convert_type3A_679, %get3A_575 : vector<16xf32>
          %add3A_683 = arith.addf %add3A_551, %mul3A_682 : vector<16xf32>
          %mul3A_684 = arith.mulf %bitcast_convert_type3A_679, %get3A_583 : vector<16xf32>
          %add3A_685 = arith.addf %add3A_553, %mul3A_684 : vector<16xf32>
          %mul3A_686 = arith.mulf %bitcast_convert_type3A_679, %get3A_591 : vector<16xf32>
          %add3A_687 = arith.addf %add3A_555, %mul3A_686 : vector<16xf32>
          %mul3A_688 = arith.constant 4 : i32
          %mul3A_689 = arith.muli %scan3A_408, %mul3A_688 : i32
          %add3A_690 = arith.constant 2 : i32
          %add3A_691 = arith.addi %mul3A_689, %add3A_690 : i32
          %add3A_692 = arith.addi %mul3A_115, %add3A_691 : i32
          %mul3A_693 = arith.constant 16 : i32
          %mul3A_694 = arith.muli %add3A_692, %mul3A_693 : i32
          %get3A_695 = arith.constant 0 : i32
          %get3A_696 = arith.index_cast %get3A_695 : i32 to index
          %get3A_697 = arith.index_cast %mul3A_694 : i32 to index
          %get3A_698 = tpu.vector_load %arg6[%get3A_696, %get3A_697] {strides = array<i32>} : memref<4x8192xf32, #tpu.memory_space<vmem>>, vector<1x16xf32>,
          %get3A_699 = vector.shape_cast %get3A_698 : vector<1x16xf32> to vector<16xf32>
          %add3A_700 = arith.addi %mul3A_115, %add3A_691 : i32
          %mul3A_701 = arith.constant 16 : i32
          %mul3A_702 = arith.muli %add3A_700, %mul3A_701 : i32
          %get3A_703 = arith.constant 1 : i32
          %get3A_704 = arith.index_cast %get3A_703 : i32 to index
          %get3A_705 = arith.index_cast %mul3A_702 : i32 to index
          %get3A_706 = tpu.vector_load %arg6[%get3A_704, %get3A_705] {strides = array<i32>} : memref<4x8192xf32, #tpu.memory_space<vmem>>, vector<1x16xf32>,
          %get3A_707 = vector.shape_cast %get3A_706 : vector<1x16xf32> to vector<16xf32>
          %add3A_708 = arith.addi %mul3A_115, %add3A_691 : i32
          %mul3A_709 = arith.constant 16 : i32
          %mul3A_710 = arith.muli %add3A_708, %mul3A_709 : i32
          %get3A_711 = arith.constant 2 : i32
          %get3A_712 = arith.index_cast %get3A_711 : i32 to index
          %get3A_713 = arith.index_cast %mul3A_710 : i32 to index
          %get3A_714 = tpu.vector_load %arg6[%get3A_712, %get3A_713] {strides = array<i32>} : memref<4x8192xf32, #tpu.memory_space<vmem>>, vector<1x16xf32>,
          %get3A_715 = vector.shape_cast %get3A_714 : vector<1x16xf32> to vector<16xf32>
          %add3A_716 = arith.addi %mul3A_115, %add3A_691 : i32
          %mul3A_717 = arith.constant 16 : i32
          %mul3A_718 = arith.muli %add3A_716, %mul3A_717 : i32
          %get3A_719 = arith.constant 3 : i32
          %get3A_720 = arith.index_cast %get3A_719 : i32 to index
          %get3A_721 = arith.index_cast %mul3A_718 : i32 to index
          %get3A_722 = tpu.vector_load %arg6[%get3A_720, %get3A_721] {strides = array<i32>} : memref<4x8192xf32, #tpu.memory_space<vmem>>, vector<1x16xf32>,
          %get3A_723 = vector.shape_cast %get3A_722 : vector<1x16xf32> to vector<16xf32>
          %add3A_724 = arith.constant 0 : i32
          %add3A_725 = arith.addi %mul3A_163, %add3A_724 : i32
          %get3A_726 = arith.constant 0 : i32
          %get3A_727 = arith.index_cast %get3A_726 : i32 to index
          %get3A_728 = arith.index_cast %add3A_691 : i32 to index
          %get3A_729 = arith.index_cast %add3A_725 : i32 to index
          %get3A_730 = tpu.vector_load %arg8[%get3A_727, %get3A_728, %get3A_729] {strides = array<i32>} : memref<2x32x1024xf32, #tpu.memory_space<vmem>>, vector<1x1x16xf32>,
          %get3A_731 = vector.shape_cast %get3A_730 : vector<1x1x16xf32> to vector<16xf32>
          %bitcast_convert_type3A_732 = tpu.bitcast %get3A_731 : vector<16xf32> -> vector<16xi32>
          %add3A_733 = arith.constant 32768 : i32
          %add3A_734 = vector.broadcast %add3A_733 : i32 to vector<16xi32>
          %add3A_735 = arith.addi %bitcast_convert_type3A_732, %add3A_734 : vector<16xi32>
          %and3A_736 = arith.constant -65536 : i32
          %and3A_737 = vector.broadcast %and3A_736 : i32 to vector<16xi32>
          %and3A_738 = arith.andi %add3A_735, %and3A_737 : vector<16xi32>
          %bitcast_convert_type3A_739 = tpu.bitcast %and3A_738 : vector<16xi32> -> vector<16xf32>
          %mul3A_740 = arith.mulf %bitcast_convert_type3A_739, %get3A_699 : vector<16xf32>
          %add3A_741 = arith.addf %add3A_609, %mul3A_740 : vector<16xf32>
          %mul3A_742 = arith.mulf %bitcast_convert_type3A_739, %get3A_707 : vector<16xf32>
          %add3A_743 = arith.addf %add3A_611, %mul3A_742 : vector<16xf32>
          %mul3A_744 = arith.mulf %bitcast_convert_type3A_739, %get3A_715 : vector<16xf32>
          %add3A_745 = arith.addf %add3A_613, %mul3A_744 : vector<16xf32>
          %mul3A_746 = arith.mulf %bitcast_convert_type3A_739, %get3A_723 : vector<16xf32>
          %add3A_747 = arith.addf %add3A_615, %mul3A_746 : vector<16xf32>
          %add3A_748 = arith.constant 16 : i32
          %add3A_749 = arith.addi %mul3A_163, %add3A_748 : i32
          %get3A_750 = arith.constant 0 : i32
          %get3A_751 = arith.index_cast %get3A_750 : i32 to index
          %get3A_752 = arith.index_cast %add3A_691 : i32 to index
          %get3A_753 = arith.index_cast %add3A_749 : i32 to index
          %get3A_754 = tpu.vector_load %arg8[%get3A_751, %get3A_752, %get3A_753] {strides = array<i32>} : memref<2x32x1024xf32, #tpu.memory_space<vmem>>, vector<1x1x16xf32>,
          %get3A_755 = vector.shape_cast %get3A_754 : vector<1x1x16xf32> to vector<16xf32>
          %bitcast_convert_type3A_756 = tpu.bitcast %get3A_755 : vector<16xf32> -> vector<16xi32>
          %add3A_757 = arith.constant 32768 : i32
          %add3A_758 = vector.broadcast %add3A_757 : i32 to vector<16xi32>
          %add3A_759 = arith.addi %bitcast_convert_type3A_756, %add3A_758 : vector<16xi32>
          %and3A_760 = arith.constant -65536 : i32
          %and3A_761 = vector.broadcast %and3A_760 : i32 to vector<16xi32>
          %and3A_762 = arith.andi %add3A_759, %and3A_761 : vector<16xi32>
          %bitcast_convert_type3A_763 = tpu.bitcast %and3A_762 : vector<16xi32> -> vector<16xf32>
          %mul3A_764 = arith.mulf %bitcast_convert_type3A_763, %get3A_699 : vector<16xf32>
          %add3A_765 = arith.addf %add3A_633, %mul3A_764 : vector<16xf32>
          %mul3A_766 = arith.mulf %bitcast_convert_type3A_763, %get3A_707 : vector<16xf32>
          %add3A_767 = arith.addf %add3A_635, %mul3A_766 : vector<16xf32>
          %mul3A_768 = arith.mulf %bitcast_convert_type3A_763, %get3A_715 : vector<16xf32>
          %add3A_769 = arith.addf %add3A_637, %mul3A_768 : vector<16xf32>
          %mul3A_770 = arith.mulf %bitcast_convert_type3A_763, %get3A_723 : vector<16xf32>
          %add3A_771 = arith.addf %add3A_639, %mul3A_770 : vector<16xf32>
          %add3A_772 = arith.constant 32 : i32
          %add3A_773 = arith.addi %mul3A_163, %add3A_772 : i32
          %get3A_774 = arith.constant 0 : i32
          %get3A_775 = arith.index_cast %get3A_774 : i32 to index
          %get3A_776 = arith.index_cast %add3A_691 : i32 to index
          %get3A_777 = arith.index_cast %add3A_773 : i32 to index
          %get3A_778 = tpu.vector_load %arg8[%get3A_775, %get3A_776, %get3A_777] {strides = array<i32>} : memref<2x32x1024xf32, #tpu.memory_space<vmem>>, vector<1x1x16xf32>,
          %get3A_779 = vector.shape_cast %get3A_778 : vector<1x1x16xf32> to vector<16xf32>
          %bitcast_convert_type3A_780 = tpu.bitcast %get3A_779 : vector<16xf32> -> vector<16xi32>
          %add3A_781 = arith.constant 32768 : i32
          %add3A_782 = vector.broadcast %add3A_781 : i32 to vector<16xi32>
          %add3A_783 = arith.addi %bitcast_convert_type3A_780, %add3A_782 : vector<16xi32>
          %and3A_784 = arith.constant -65536 : i32
          %and3A_785 = vector.broadcast %and3A_784 : i32 to vector<16xi32>
          %and3A_786 = arith.andi %add3A_783, %and3A_785 : vector<16xi32>
          %bitcast_convert_type3A_787 = tpu.bitcast %and3A_786 : vector<16xi32> -> vector<16xf32>
          %mul3A_788 = arith.mulf %bitcast_convert_type3A_787, %get3A_699 : vector<16xf32>
          %add3A_789 = arith.addf %add3A_657, %mul3A_788 : vector<16xf32>
          %mul3A_790 = arith.mulf %bitcast_convert_type3A_787, %get3A_707 : vector<16xf32>
          %add3A_791 = arith.addf %add3A_659, %mul3A_790 : vector<16xf32>
          %mul3A_792 = arith.mulf %bitcast_convert_type3A_787, %get3A_715 : vector<16xf32>
          %add3A_793 = arith.addf %add3A_661, %mul3A_792 : vector<16xf32>
          %mul3A_794 = arith.mulf %bitcast_convert_type3A_787, %get3A_723 : vector<16xf32>
          %add3A_795 = arith.addf %add3A_663, %mul3A_794 : vector<16xf32>
          %add3A_796 = arith.constant 48 : i32
          %add3A_797 = arith.addi %mul3A_163, %add3A_796 : i32
          %get3A_798 = arith.constant 0 : i32
          %get3A_799 = arith.index_cast %get3A_798 : i32 to index
          %get3A_800 = arith.index_cast %add3A_691 : i32 to index
          %get3A_801 = arith.index_cast %add3A_797 : i32 to index
          %get3A_802 = tpu.vector_load %arg8[%get3A_799, %get3A_800, %get3A_801] {strides = array<i32>} : memref<2x32x1024xf32, #tpu.memory_space<vmem>>, vector<1x1x16xf32>,
          %get3A_803 = vector.shape_cast %get3A_802 : vector<1x1x16xf32> to vector<16xf32>
          %bitcast_convert_type3A_804 = tpu.bitcast %get3A_803 : vector<16xf32> -> vector<16xi32>
          %add3A_805 = arith.constant 32768 : i32
          %add3A_806 = vector.broadcast %add3A_805 : i32 to vector<16xi32>
          %add3A_807 = arith.addi %bitcast_convert_type3A_804, %add3A_806 : vector<16xi32>
          %and3A_808 = arith.constant -65536 : i32
          %and3A_809 = vector.broadcast %and3A_808 : i32 to vector<16xi32>
          %and3A_810 = arith.andi %add3A_807, %and3A_809 : vector<16xi32>
          %bitcast_convert_type3A_811 = tpu.bitcast %and3A_810 : vector<16xi32> -> vector<16xf32>
          %mul3A_812 = arith.mulf %bitcast_convert_type3A_811, %get3A_699 : vector<16xf32>
          %add3A_813 = arith.addf %add3A_681, %mul3A_812 : vector<16xf32>
          %mul3A_814 = arith.mulf %bitcast_convert_type3A_811, %get3A_707 : vector<16xf32>
          %add3A_815 = arith.addf %add3A_683, %mul3A_814 : vector<16xf32>
          %mul3A_816 = arith.mulf %bitcast_convert_type3A_811, %get3A_715 : vector<16xf32>
          %add3A_817 = arith.addf %add3A_685, %mul3A_816 : vector<16xf32>
          %mul3A_818 = arith.mulf %bitcast_convert_type3A_811, %get3A_723 : vector<16xf32>
          %add3A_819 = arith.addf %add3A_687, %mul3A_818 : vector<16xf32>
          %mul3A_820 = arith.constant 4 : i32
          %mul3A_821 = arith.muli %scan3A_408, %mul3A_820 : i32
          %add3A_822 = arith.constant 3 : i32
          %add3A_823 = arith.addi %mul3A_821, %add3A_822 : i32
          %add3A_824 = arith.addi %mul3A_115, %add3A_823 : i32
          %mul3A_825 = arith.constant 16 : i32
          %mul3A_826 = arith.muli %add3A_824, %mul3A_825 : i32
          %get3A_827 = arith.constant 0 : i32
          %get3A_828 = arith.index_cast %get3A_827 : i32 to index
          %get3A_829 = arith.index_cast %mul3A_826 : i32 to index
          %get3A_830 = tpu.vector_load %arg6[%get3A_828, %get3A_829] {strides = array<i32>} : memref<4x8192xf32, #tpu.memory_space<vmem>>, vector<1x16xf32>,
          %get3A_831 = vector.shape_cast %get3A_830 : vector<1x16xf32> to vector<16xf32>
          %add3A_832 = arith.addi %mul3A_115, %add3A_823 : i32
          %mul3A_833 = arith.constant 16 : i32
          %mul3A_834 = arith.muli %add3A_832, %mul3A_833 : i32
          %get3A_835 = arith.constant 1 : i32
          %get3A_836 = arith.index_cast %get3A_835 : i32 to index
          %get3A_837 = arith.index_cast %mul3A_834 : i32 to index
          %get3A_838 = tpu.vector_load %arg6[%get3A_836, %get3A_837] {strides = array<i32>} : memref<4x8192xf32, #tpu.memory_space<vmem>>, vector<1x16xf32>,
          %get3A_839 = vector.shape_cast %get3A_838 : vector<1x16xf32> to vector<16xf32>
          %add3A_840 = arith.addi %mul3A_115, %add3A_823 : i32
          %mul3A_841 = arith.constant 16 : i32
          %mul3A_842 = arith.muli %add3A_840, %mul3A_841 : i32
          %get3A_843 = arith.constant 2 : i32
          %get3A_844 = arith.index_cast %get3A_843 : i32 to index
          %get3A_845 = arith.index_cast %mul3A_842 : i32 to index
          %get3A_846 = tpu.vector_load %arg6[%get3A_844, %get3A_845] {strides = array<i32>} : memref<4x8192xf32, #tpu.memory_space<vmem>>, vector<1x16xf32>,
          %get3A_847 = vector.shape_cast %get3A_846 : vector<1x16xf32> to vector<16xf32>
          %add3A_848 = arith.addi %mul3A_115, %add3A_823 : i32
          %mul3A_849 = arith.constant 16 : i32
          %mul3A_850 = arith.muli %add3A_848, %mul3A_849 : i32
          %get3A_851 = arith.constant 3 : i32
          %get3A_852 = arith.index_cast %get3A_851 : i32 to index
          %get3A_853 = arith.index_cast %mul3A_850 : i32 to index
          %get3A_854 = tpu.vector_load %arg6[%get3A_852, %get3A_853] {strides = array<i32>} : memref<4x8192xf32, #tpu.memory_space<vmem>>, vector<1x16xf32>,
          %get3A_855 = vector.shape_cast %get3A_854 : vector<1x16xf32> to vector<16xf32>
          %add3A_856 = arith.constant 0 : i32
          %add3A_857 = arith.addi %mul3A_163, %add3A_856 : i32
          %get3A_858 = arith.constant 0 : i32
          %get3A_859 = arith.index_cast %get3A_858 : i32 to index
          %get3A_860 = arith.index_cast %add3A_823 : i32 to index
          %get3A_861 = arith.index_cast %add3A_857 : i32 to index
          %get3A_862 = tpu.vector_load %arg8[%get3A_859, %get3A_860, %get3A_861] {strides = array<i32>} : memref<2x32x1024xf32, #tpu.memory_space<vmem>>, vector<1x1x16xf32>,
          %get3A_863 = vector.shape_cast %get3A_862 : vector<1x1x16xf32> to vector<16xf32>
          %bitcast_convert_type3A_864 = tpu.bitcast %get3A_863 : vector<16xf32> -> vector<16xi32>
          %add3A_865 = arith.constant 32768 : i32
          %add3A_866 = vector.broadcast %add3A_865 : i32 to vector<16xi32>
          %add3A_867 = arith.addi %bitcast_convert_type3A_864, %add3A_866 : vector<16xi32>
          %and3A_868 = arith.constant -65536 : i32
          %and3A_869 = vector.broadcast %and3A_868 : i32 to vector<16xi32>
          %and3A_870 = arith.andi %add3A_867, %and3A_869 : vector<16xi32>
          %bitcast_convert_type3A_871 = tpu.bitcast %and3A_870 : vector<16xi32> -> vector<16xf32>
          %mul3A_872 = arith.mulf %bitcast_convert_type3A_871, %get3A_831 : vector<16xf32>
          %add3A_873 = arith.addf %add3A_741, %mul3A_872 : vector<16xf32>
          %mul3A_874 = arith.mulf %bitcast_convert_type3A_871, %get3A_839 : vector<16xf32>
          %add3A_875 = arith.addf %add3A_743, %mul3A_874 : vector<16xf32>
          %mul3A_876 = arith.mulf %bitcast_convert_type3A_871, %get3A_847 : vector<16xf32>
          %add3A_877 = arith.addf %add3A_745, %mul3A_876 : vector<16xf32>
          %mul3A_878 = arith.mulf %bitcast_convert_type3A_871, %get3A_855 : vector<16xf32>
          %add3A_879 = arith.addf %add3A_747, %mul3A_878 : vector<16xf32>
          %add3A_880 = arith.constant 16 : i32
          %add3A_881 = arith.addi %mul3A_163, %add3A_880 : i32
          %get3A_882 = arith.constant 0 : i32
          %get3A_883 = arith.index_cast %get3A_882 : i32 to index
          %get3A_884 = arith.index_cast %add3A_823 : i32 to index
          %get3A_885 = arith.index_cast %add3A_881 : i32 to index
          %get3A_886 = tpu.vector_load %arg8[%get3A_883, %get3A_884, %get3A_885] {strides = array<i32>} : memref<2x32x1024xf32, #tpu.memory_space<vmem>>, vector<1x1x16xf32>,
          %get3A_887 = vector.shape_cast %get3A_886 : vector<1x1x16xf32> to vector<16xf32>
          %bitcast_convert_type3A_888 = tpu.bitcast %get3A_887 : vector<16xf32> -> vector<16xi32>
          %add3A_889 = arith.constant 32768 : i32
          %add3A_890 = vector.broadcast %add3A_889 : i32 to vector<16xi32>
          %add3A_891 = arith.addi %bitcast_convert_type3A_888, %add3A_890 : vector<16xi32>
          %and3A_892 = arith.constant -65536 : i32
          %and3A_893 = vector.broadcast %and3A_892 : i32 to vector<16xi32>
          %and3A_894 = arith.andi %add3A_891, %and3A_893 : vector<16xi32>
          %bitcast_convert_type3A_895 = tpu.bitcast %and3A_894 : vector<16xi32> -> vector<16xf32>
          %mul3A_896 = arith.mulf %bitcast_convert_type3A_895, %get3A_831 : vector<16xf32>
          %add3A_897 = arith.addf %add3A_765, %mul3A_896 : vector<16xf32>
          %mul3A_898 = arith.mulf %bitcast_convert_type3A_895, %get3A_839 : vector<16xf32>
          %add3A_899 = arith.addf %add3A_767, %mul3A_898 : vector<16xf32>
          %mul3A_900 = arith.mulf %bitcast_convert_type3A_895, %get3A_847 : vector<16xf32>
          %add3A_901 = arith.addf %add3A_769, %mul3A_900 : vector<16xf32>
          %mul3A_902 = arith.mulf %bitcast_convert_type3A_895, %get3A_855 : vector<16xf32>
          %add3A_903 = arith.addf %add3A_771, %mul3A_902 : vector<16xf32>
          %add3A_904 = arith.constant 32 : i32
          %add3A_905 = arith.addi %mul3A_163, %add3A_904 : i32
          %get3A_906 = arith.constant 0 : i32
          %get3A_907 = arith.index_cast %get3A_906 : i32 to index
          %get3A_908 = arith.index_cast %add3A_823 : i32 to index
          %get3A_909 = arith.index_cast %add3A_905 : i32 to index
          %get3A_910 = tpu.vector_load %arg8[%get3A_907, %get3A_908, %get3A_909] {strides = array<i32>} : memref<2x32x1024xf32, #tpu.memory_space<vmem>>, vector<1x1x16xf32>,
          %get3A_911 = vector.shape_cast %get3A_910 : vector<1x1x16xf32> to vector<16xf32>
          %bitcast_convert_type3A_912 = tpu.bitcast %get3A_911 : vector<16xf32> -> vector<16xi32>
          %add3A_913 = arith.constant 32768 : i32
          %add3A_914 = vector.broadcast %add3A_913 : i32 to vector<16xi32>
          %add3A_915 = arith.addi %bitcast_convert_type3A_912, %add3A_914 : vector<16xi32>
          %and3A_916 = arith.constant -65536 : i32
          %and3A_917 = vector.broadcast %and3A_916 : i32 to vector<16xi32>
          %and3A_918 = arith.andi %add3A_915, %and3A_917 : vector<16xi32>
          %bitcast_convert_type3A_919 = tpu.bitcast %and3A_918 : vector<16xi32> -> vector<16xf32>
          %mul3A_920 = arith.mulf %bitcast_convert_type3A_919, %get3A_831 : vector<16xf32>
          %add3A_921 = arith.addf %add3A_789, %mul3A_920 : vector<16xf32>
          %mul3A_922 = arith.mulf %bitcast_convert_type3A_919, %get3A_839 : vector<16xf32>
          %add3A_923 = arith.addf %add3A_791, %mul3A_922 : vector<16xf32>
          %mul3A_924 = arith.mulf %bitcast_convert_type3A_919, %get3A_847 : vector<16xf32>
          %add3A_925 = arith.addf %add3A_793, %mul3A_924 : vector<16xf32>
          %mul3A_926 = arith.mulf %bitcast_convert_type3A_919, %get3A_855 : vector<16xf32>
          %add3A_927 = arith.addf %add3A_795, %mul3A_926 : vector<16xf32>
          %add3A_928 = arith.constant 48 : i32
          %add3A_929 = arith.addi %mul3A_163, %add3A_928 : i32
          %get3A_930 = arith.constant 0 : i32
          %get3A_931 = arith.index_cast %get3A_930 : i32 to index
          %get3A_932 = arith.index_cast %add3A_823 : i32 to index
          %get3A_933 = arith.index_cast %add3A_929 : i32 to index
          %get3A_934 = tpu.vector_load %arg8[%get3A_931, %get3A_932, %get3A_933] {strides = array<i32>} : memref<2x32x1024xf32, #tpu.memory_space<vmem>>, vector<1x1x16xf32>,
          %get3A_935 = vector.shape_cast %get3A_934 : vector<1x1x16xf32> to vector<16xf32>
          %bitcast_convert_type3A_936 = tpu.bitcast %get3A_935 : vector<16xf32> -> vector<16xi32>
          %add3A_937 = arith.constant 32768 : i32
          %add3A_938 = vector.broadcast %add3A_937 : i32 to vector<16xi32>
          %add3A_939 = arith.addi %bitcast_convert_type3A_936, %add3A_938 : vector<16xi32>
          %and3A_940 = arith.constant -65536 : i32
          %and3A_941 = vector.broadcast %and3A_940 : i32 to vector<16xi32>
          %and3A_942 = arith.andi %add3A_939, %and3A_941 : vector<16xi32>
          %bitcast_convert_type3A_943 = tpu.bitcast %and3A_942 : vector<16xi32> -> vector<16xf32>
          %mul3A_944 = arith.mulf %bitcast_convert_type3A_943, %get3A_831 : vector<16xf32>
          %add3A_945 = arith.addf %add3A_813, %mul3A_944 : vector<16xf32>
          %mul3A_946 = arith.mulf %bitcast_convert_type3A_943, %get3A_839 : vector<16xf32>
          %add3A_947 = arith.addf %add3A_815, %mul3A_946 : vector<16xf32>
          %mul3A_948 = arith.mulf %bitcast_convert_type3A_943, %get3A_847 : vector<16xf32>
          %add3A_949 = arith.addf %add3A_817, %mul3A_948 : vector<16xf32>
          %mul3A_950 = arith.mulf %bitcast_convert_type3A_943, %get3A_855 : vector<16xf32>
          %add3A_951 = arith.addf %add3A_819, %mul3A_950 : vector<16xf32>
          scf.yield %add3A_873, %add3A_897, %add3A_921, %add3A_945, %add3A_875, %add3A_899, %add3A_923, %add3A_947, %add3A_877, %add3A_901, %add3A_925, %add3A_949, %add3A_879, %add3A_903, %add3A_927, %add3A_951 : vector<16xf32>, vector<16xf32>, vector<16xf32>, vector<16xf32>, vector<16xf32>, vector<16xf32>, vector<16xf32>, vector<16xf32>, vector<16xf32>, vector<16xf32>, vector<16xf32>, vector<16xf32>, vector<16xf32>, vector<16xf32>, vector<16xf32>, vector<16xf32>
        }
        %scan3A_280 = arith.constant 8 : i32
        %add3A_281 = arith.constant 0 : i32
        %add3A_282 = arith.addi %mul3A_163, %add3A_281 : i32
        %swap3A = arith.constant 0 : i32
        %swap3A_283 = arith.index_cast %swap3A : i32 to index
        %swap3A_284 = arith.index_cast %add3A_282 : i32 to index
        %swap3A_285 = tpu.vector_load %arg9[%swap3A_283, %swap3A_284] {strides = array<i32>} : memref<4x1024xf32, #tpu.memory_space<vmem>>, vector<1x16xf32>,
        %swap3A_286 = vector.shape_cast %swap3A_285 : vector<1x16xf32> to vector<16xf32>
        %swap3A_287 = vector.shape_cast %scan3A_279#0 : vector<16xf32> to vector<1x16xf32>
        tpu.vector_store %arg9[%swap3A_283, %swap3A_284], %swap3A_287 {strides = array<i32>} : memref<4x1024xf32, #tpu.memory_space<vmem>>, vector<1x16xf32>,
        %add3A_288 = arith.constant 16 : i32
        %add3A_289 = arith.addi %mul3A_163, %add3A_288 : i32
        %swap3A_290 = arith.constant 0 : i32
        %swap3A_291 = arith.index_cast %swap3A_290 : i32 to index
        %swap3A_292 = arith.index_cast %add3A_289 : i32 to index
        %swap3A_293 = tpu.vector_load %arg9[%swap3A_291, %swap3A_292] {strides = array<i32>} : memref<4x1024xf32, #tpu.memory_space<vmem>>, vector<1x16xf32>,
        %swap3A_294 = vector.shape_cast %swap3A_293 : vector<1x16xf32> to vector<16xf32>
        %swap3A_295 = vector.shape_cast %scan3A_279#1 : vector<16xf32> to vector<1x16xf32>
        tpu.vector_store %arg9[%swap3A_291, %swap3A_292], %swap3A_295 {strides = array<i32>} : memref<4x1024xf32, #tpu.memory_space<vmem>>, vector<1x16xf32>,
        %add3A_296 = arith.constant 32 : i32
        %add3A_297 = arith.addi %mul3A_163, %add3A_296 : i32
        %swap3A_298 = arith.constant 0 : i32
        %swap3A_299 = arith.index_cast %swap3A_298 : i32 to index
        %swap3A_300 = arith.index_cast %add3A_297 : i32 to index
        %swap3A_301 = tpu.vector_load %arg9[%swap3A_299, %swap3A_300] {strides = array<i32>} : memref<4x1024xf32, #tpu.memory_space<vmem>>, vector<1x16xf32>,
        %swap3A_302 = vector.shape_cast %swap3A_301 : vector<1x16xf32> to vector<16xf32>
        %swap3A_303 = vector.shape_cast %scan3A_279#2 : vector<16xf32> to vector<1x16xf32>
        tpu.vector_store %arg9[%swap3A_299, %swap3A_300], %swap3A_303 {strides = array<i32>} : memref<4x1024xf32, #tpu.memory_space<vmem>>, vector<1x16xf32>,
        %add3A_304 = arith.constant 48 : i32
        %add3A_305 = arith.addi %mul3A_163, %add3A_304 : i32
        %swap3A_306 = arith.constant 0 : i32
        %swap3A_307 = arith.index_cast %swap3A_306 : i32 to index
        %swap3A_308 = arith.index_cast %add3A_305 : i32 to index
        %swap3A_309 = tpu.vector_load %arg9[%swap3A_307, %swap3A_308] {strides = array<i32>} : memref<4x1024xf32, #tpu.memory_space<vmem>>, vector<1x16xf32>,
        %swap3A_310 = vector.shape_cast %swap3A_309 : vector<1x16xf32> to vector<16xf32>
        %swap3A_311 = vector.shape_cast %scan3A_279#3 : vector<16xf32> to vector<1x16xf32>
        tpu.vector_store %arg9[%swap3A_307, %swap3A_308], %swap3A_311 {strides = array<i32>} : memref<4x1024xf32, #tpu.memory_space<vmem>>, vector<1x16xf32>,
        %add3A_312 = arith.constant 0 : i32
        %add3A_313 = arith.addi %mul3A_163, %add3A_312 : i32
        %swap3A_314 = arith.constant 1 : i32
        %swap3A_315 = arith.index_cast %swap3A_314 : i32 to index
        %swap3A_316 = arith.index_cast %add3A_313 : i32 to index
        %swap3A_317 = tpu.vector_load %arg9[%swap3A_315, %swap3A_316] {strides = array<i32>} : memref<4x1024xf32, #tpu.memory_space<vmem>>, vector<1x16xf32>,
        %swap3A_318 = vector.shape_cast %swap3A_317 : vector<1x16xf32> to vector<16xf32>
        %swap3A_319 = vector.shape_cast %scan3A_279#4 : vector<16xf32> to vector<1x16xf32>
        tpu.vector_store %arg9[%swap3A_315, %swap3A_316], %swap3A_319 {strides = array<i32>} : memref<4x1024xf32, #tpu.memory_space<vmem>>, vector<1x16xf32>,
        %add3A_320 = arith.constant 16 : i32
        %add3A_321 = arith.addi %mul3A_163, %add3A_320 : i32
        %swap3A_322 = arith.constant 1 : i32
        %swap3A_323 = arith.index_cast %swap3A_322 : i32 to index
        %swap3A_324 = arith.index_cast %add3A_321 : i32 to index
        %swap3A_325 = tpu.vector_load %arg9[%swap3A_323, %swap3A_324] {strides = array<i32>} : memref<4x1024xf32, #tpu.memory_space<vmem>>, vector<1x16xf32>,
        %swap3A_326 = vector.shape_cast %swap3A_325 : vector<1x16xf32> to vector<16xf32>
        %swap3A_327 = vector.shape_cast %scan3A_279#5 : vector<16xf32> to vector<1x16xf32>
        tpu.vector_store %arg9[%swap3A_323, %swap3A_324], %swap3A_327 {strides = array<i32>} : memref<4x1024xf32, #tpu.memory_space<vmem>>, vector<1x16xf32>,
        %add3A_328 = arith.constant 32 : i32
        %add3A_329 = arith.addi %mul3A_163, %add3A_328 : i32
        %swap3A_330 = arith.constant 1 : i32
        %swap3A_331 = arith.index_cast %swap3A_330 : i32 to index
        %swap3A_332 = arith.index_cast %add3A_329 : i32 to index
        %swap3A_333 = tpu.vector_load %arg9[%swap3A_331, %swap3A_332] {strides = array<i32>} : memref<4x1024xf32, #tpu.memory_space<vmem>>, vector<1x16xf32>,
        %swap3A_334 = vector.shape_cast %swap3A_333 : vector<1x16xf32> to vector<16xf32>
        %swap3A_335 = vector.shape_cast %scan3A_279#6 : vector<16xf32> to vector<1x16xf32>
        tpu.vector_store %arg9[%swap3A_331, %swap3A_332], %swap3A_335 {strides = array<i32>} : memref<4x1024xf32, #tpu.memory_space<vmem>>, vector<1x16xf32>,
        %add3A_336 = arith.constant 48 : i32
        %add3A_337 = arith.addi %mul3A_163, %add3A_336 : i32
        %swap3A_338 = arith.constant 1 : i32
        %swap3A_339 = arith.index_cast %swap3A_338 : i32 to index
        %swap3A_340 = arith.index_cast %add3A_337 : i32 to index
        %swap3A_341 = tpu.vector_load %arg9[%swap3A_339, %swap3A_340] {strides = array<i32>} : memref<4x1024xf32, #tpu.memory_space<vmem>>, vector<1x16xf32>,
        %swap3A_342 = vector.shape_cast %swap3A_341 : vector<1x16xf32> to vector<16xf32>
        %swap3A_343 = vector.shape_cast %scan3A_279#7 : vector<16xf32> to vector<1x16xf32>
        tpu.vector_store %arg9[%swap3A_339, %swap3A_340], %swap3A_343 {strides = array<i32>} : memref<4x1024xf32, #tpu.memory_space<vmem>>, vector<1x16xf32>,
        %add3A_344 = arith.constant 0 : i32
        %add3A_345 = arith.addi %mul3A_163, %add3A_344 : i32
        %swap3A_346 = arith.constant 2 : i32
        %swap3A_347 = arith.index_cast %swap3A_346 : i32 to index
        %swap3A_348 = arith.index_cast %add3A_345 : i32 to index
        %swap3A_349 = tpu.vector_load %arg9[%swap3A_347, %swap3A_348] {strides = array<i32>} : memref<4x1024xf32, #tpu.memory_space<vmem>>, vector<1x16xf32>,
        %swap3A_350 = vector.shape_cast %swap3A_349 : vector<1x16xf32> to vector<16xf32>
        %swap3A_351 = vector.shape_cast %scan3A_279#8 : vector<16xf32> to vector<1x16xf32>
        tpu.vector_store %arg9[%swap3A_347, %swap3A_348], %swap3A_351 {strides = array<i32>} : memref<4x1024xf32, #tpu.memory_space<vmem>>, vector<1x16xf32>,
        %add3A_352 = arith.constant 16 : i32
        %add3A_353 = arith.addi %mul3A_163, %add3A_352 : i32
        %swap3A_354 = arith.constant 2 : i32
        %swap3A_355 = arith.index_cast %swap3A_354 : i32 to index
        %swap3A_356 = arith.index_cast %add3A_353 : i32 to index
        %swap3A_357 = tpu.vector_load %arg9[%swap3A_355, %swap3A_356] {strides = array<i32>} : memref<4x1024xf32, #tpu.memory_space<vmem>>, vector<1x16xf32>,
        %swap3A_358 = vector.shape_cast %swap3A_357 : vector<1x16xf32> to vector<16xf32>
        %swap3A_359 = vector.shape_cast %scan3A_279#9 : vector<16xf32> to vector<1x16xf32>
        tpu.vector_store %arg9[%swap3A_355, %swap3A_356], %swap3A_359 {strides = array<i32>} : memref<4x1024xf32, #tpu.memory_space<vmem>>, vector<1x16xf32>,
        %add3A_360 = arith.constant 32 : i32
        %add3A_361 = arith.addi %mul3A_163, %add3A_360 : i32
        %swap3A_362 = arith.constant 2 : i32
        %swap3A_363 = arith.index_cast %swap3A_362 : i32 to index
        %swap3A_364 = arith.index_cast %add3A_361 : i32 to index
        %swap3A_365 = tpu.vector_load %arg9[%swap3A_363, %swap3A_364] {strides = array<i32>} : memref<4x1024xf32, #tpu.memory_space<vmem>>, vector<1x16xf32>,
        %swap3A_366 = vector.shape_cast %swap3A_365 : vector<1x16xf32> to vector<16xf32>
        %swap3A_367 = vector.shape_cast %scan3A_279#10 : vector<16xf32> to vector<1x16xf32>
        tpu.vector_store %arg9[%swap3A_363, %swap3A_364], %swap3A_367 {strides = array<i32>} : memref<4x1024xf32, #tpu.memory_space<vmem>>, vector<1x16xf32>,
        %add3A_368 = arith.constant 48 : i32
        %add3A_369 = arith.addi %mul3A_163, %add3A_368 : i32
        %swap3A_370 = arith.constant 2 : i32
        %swap3A_371 = arith.index_cast %swap3A_370 : i32 to index
        %swap3A_372 = arith.index_cast %add3A_369 : i32 to index
        %swap3A_373 = tpu.vector_load %arg9[%swap3A_371, %swap3A_372] {strides = array<i32>} : memref<4x1024xf32, #tpu.memory_space<vmem>>, vector<1x16xf32>,
        %swap3A_374 = vector.shape_cast %swap3A_373 : vector<1x16xf32> to vector<16xf32>
        %swap3A_375 = vector.shape_cast %scan3A_279#11 : vector<16xf32> to vector<1x16xf32>
        tpu.vector_store %arg9[%swap3A_371, %swap3A_372], %swap3A_375 {strides = array<i32>} : memref<4x1024xf32, #tpu.memory_space<vmem>>, vector<1x16xf32>,
        %add3A_376 = arith.constant 0 : i32
        %add3A_377 = arith.addi %mul3A_163, %add3A_376 : i32
        %swap3A_378 = arith.constant 3 : i32
        %swap3A_379 = arith.index_cast %swap3A_378 : i32 to index
        %swap3A_380 = arith.index_cast %add3A_377 : i32 to index
        %swap3A_381 = tpu.vector_load %arg9[%swap3A_379, %swap3A_380] {strides = array<i32>} : memref<4x1024xf32, #tpu.memory_space<vmem>>, vector<1x16xf32>,
        %swap3A_382 = vector.shape_cast %swap3A_381 : vector<1x16xf32> to vector<16xf32>
        %swap3A_383 = vector.shape_cast %scan3A_279#12 : vector<16xf32> to vector<1x16xf32>
        tpu.vector_store %arg9[%swap3A_379, %swap3A_380], %swap3A_383 {strides = array<i32>} : memref<4x1024xf32, #tpu.memory_space<vmem>>, vector<1x16xf32>,
        %add3A_384 = arith.constant 16 : i32
        %add3A_385 = arith.addi %mul3A_163, %add3A_384 : i32
        %swap3A_386 = arith.constant 3 : i32
        %swap3A_387 = arith.index_cast %swap3A_386 : i32 to index
        %swap3A_388 = arith.index_cast %add3A_385 : i32 to index
        %swap3A_389 = tpu.vector_load %arg9[%swap3A_387, %swap3A_388] {strides = array<i32>} : memref<4x1024xf32, #tpu.memory_space<vmem>>, vector<1x16xf32>,
        %swap3A_390 = vector.shape_cast %swap3A_389 : vector<1x16xf32> to vector<16xf32>
        %swap3A_391 = vector.shape_cast %scan3A_279#13 : vector<16xf32> to vector<1x16xf32>
        tpu.vector_store %arg9[%swap3A_387, %swap3A_388], %swap3A_391 {strides = array<i32>} : memref<4x1024xf32, #tpu.memory_space<vmem>>, vector<1x16xf32>,
        %add3A_392 = arith.constant 32 : i32
        %add3A_393 = arith.addi %mul3A_163, %add3A_392 : i32
        %swap3A_394 = arith.constant 3 : i32
        %swap3A_395 = arith.index_cast %swap3A_394 : i32 to index
        %swap3A_396 = arith.index_cast %add3A_393 : i32 to index
        %swap3A_397 = tpu.vector_load %arg9[%swap3A_395, %swap3A_396] {strides = array<i32>} : memref<4x1024xf32, #tpu.memory_space<vmem>>, vector<1x16xf32>,
        %swap3A_398 = vector.shape_cast %swap3A_397 : vector<1x16xf32> to vector<16xf32>
        %swap3A_399 = vector.shape_cast %scan3A_279#14 : vector<16xf32> to vector<1x16xf32>
        tpu.vector_store %arg9[%swap3A_395, %swap3A_396], %swap3A_399 {strides = array<i32>} : memref<4x1024xf32, #tpu.memory_space<vmem>>, vector<1x16xf32>,
        %add3A_400 = arith.constant 48 : i32
        %add3A_401 = arith.addi %mul3A_163, %add3A_400 : i32
        %swap3A_402 = arith.constant 3 : i32
        %swap3A_403 = arith.index_cast %swap3A_402 : i32 to index
        %swap3A_404 = arith.index_cast %add3A_401 : i32 to index
        %swap3A_405 = tpu.vector_load %arg9[%swap3A_403, %swap3A_404] {strides = array<i32>} : memref<4x1024xf32, #tpu.memory_space<vmem>>, vector<1x16xf32>,
        %swap3A_406 = vector.shape_cast %swap3A_405 : vector<1x16xf32> to vector<16xf32>
        %swap3A_407 = vector.shape_cast %scan3A_279#15 : vector<16xf32> to vector<1x16xf32>
        tpu.vector_store %arg9[%swap3A_403, %swap3A_404], %swap3A_407 {strides = array<i32>} : memref<4x1024xf32, #tpu.memory_space<vmem>>, vector<1x16xf32>,
      }
      %scan3A_121 = arith.constant 16 : i32
      %add3A_122 = arith.constant 2 : i32
      %add3A_123 = arith.addi %add3A_99, %add3A_122 : i32
      %lt3A_124 = arith.constant 16 : i32
      %lt3A_125 = arith.cmpi slt, %add3A_123, %lt3A_124 : i32
      %convert_element_type3A = arith.extui %lt3A_125 : i1 to i32
      %cond3A = arith.constant 0 : i32
      %cond3A_126 = arith.cmpi ne, %convert_element_type3A, %cond3A : i32
      scf.if %cond3A_126 {
        %add3A_161 = arith.constant 2 : i32
        %add3A_162 = arith.addi %add3A_99, %add3A_161 : i32
        %mul3A_163 = arith.constant 32 : i32
        %mul3A_164 = arith.muli %add3A_162, %mul3A_163 : i32
        %dma_start3A_165 = arith.constant 0 : i32
        %dma_start3A_166 = arith.constant 0 : i32
        %dma_start3A_167 = arith.constant 0 : i32
        %dma_start3A_168 = tpu.memref_slice %arg8[%dma_start3A_165, %dma_start3A_166, %dma_start3A_167] : memref<2x32x1024xf32, #tpu.memory_space<vmem>> -> memref<1x32x1024xf32, #tpu.memory_space<vmem>>
        %dma_start3A_169 = tpu.memref_squeeze %dma_start3A_168 : memref<1x32x1024xf32, #tpu.memory_space<vmem>> -> memref<32x1024xf32, #tpu.memory_space<vmem>>
        %dma_start3A_170 = tpu.memref_slice %arg2[%select_n3A, %mul3A_164, %mul3A_48] : memref<16x512x2048xf32, #tpu.memory_space<hbm>> -> memref<1x32x1024xf32, #tpu.memory_space<hbm>>
        %dma_start3A_171 = tpu.memref_squeeze %dma_start3A_170 : memref<1x32x1024xf32, #tpu.memory_space<hbm>> -> memref<32x1024xf32, #tpu.memory_space<hbm>>
        %dma_start3A_172 = arith.constant 0 : i32
        %dma_start3A_173 = arith.constant 0 : i32
        %dma_start3A_174 = tpu.memref_slice %arg8[%dma_start3A_165, %dma_start3A_172, %dma_start3A_173] : memref<2x32x1024xf32, #tpu.memory_space<vmem>> -> memref<1x32x1024xf32, #tpu.memory_space<vmem>>
        %dma_start3A_175 = tpu.memref_squeeze %dma_start3A_174 : memref<1x32x1024xf32, #tpu.memory_space<vmem>> -> memref<32x1024xf32, #tpu.memory_space<vmem>>
        %dma_start3A_176 = tpu.memref_slice %arg2[%select_n3A, %mul3A_164, %mul3A_48] : memref<16x512x2048xf32, #tpu.memory_space<hbm>> -> memref<1x32x1024xf32, #tpu.memory_space<hbm>>
        %dma_start3A_177 = tpu.memref_squeeze %dma_start3A_176 : memref<1x32x1024xf32, #tpu.memory_space<hbm>> -> memref<32x1024xf32, #tpu.memory_space<hbm>>
        tpu.enqueue_dma source(%dma_start3A_177 : memref<32x1024xf32, #tpu.memory_space<hbm>>) target(%dma_start3A_175 : memref<32x1024xf32, #tpu.memory_space<vmem>>) target_semaphore(%arg11 : memref<!tpu.dma_semaphore, #tpu.memory_space<semaphore_mem>>)
      } else {
      }
      %mul3A_127 = arith.constant 2 : i32
      %mul3A_128 = arith.muli %scan3A_95, %mul3A_127 : i32
      %add3A_129 = arith.constant 1 : i32
      %add3A_130 = arith.addi %mul3A_128, %add3A_129 : i32
      %mul3A_131 = arith.constant 32 : i32
      %mul3A_132 = arith.muli %add3A_130, %mul3A_131 : i32
      %dma_wait3A_133 = arith.constant 1 : i32
      %dma_wait3A_134 = arith.constant 0 : i32
      %dma_wait3A_135 = arith.constant 0 : i32
      %dma_wait3A_136 = tpu.memref_slice %arg8[%dma_wait3A_133, %dma_wait3A_134, %dma_wait3A_135] : memref<2x32x1024xf32, #tpu.memory_space<vmem>> -> memref<1x32x1024xf32, #tpu.memory_space<vmem>>
      %dma_wait3A_137 = tpu.memref_squeeze %dma_wait3A_136 : memref<1x32x1024xf32, #tpu.memory_space<vmem>> -> memref<32x1024xf32, #tpu.memory_space<vmem>>
      %dma_wait3A_138 = tpu.memref_slice %arg2[%select_n3A, %mul3A_132, %mul3A_48] : memref<16x512x2048xf32, #tpu.memory_space<hbm>> -> memref<1x32x1024xf32, #tpu.memory_space<hbm>>
      %dma_wait3A_139 = tpu.memref_squeeze %dma_wait3A_138 : memref<1x32x1024xf32, #tpu.memory_space<hbm>> -> memref<32x1024xf32, #tpu.memory_space<hbm>>
      %dma_wait3A_140 = arith.constant 0 : i32
      %dma_wait3A_141 = arith.constant 0 : i32
      %dma_wait3A_142 = tpu.memref_slice %arg8[%dma_wait3A_133, %dma_wait3A_140, %dma_wait3A_141] : memref<2x32x1024xf32, #tpu.memory_space<vmem>> -> memref<1x32x1024xf32, #tpu.memory_space<vmem>>
      %dma_wait3A_143 = tpu.memref_squeeze %dma_wait3A_142 : memref<1x32x1024xf32, #tpu.memory_space<vmem>> -> memref<32x1024xf32, #tpu.memory_space<vmem>>
      %dma_wait3A_144 = tpu.memref_slice %arg2[%select_n3A, %mul3A_132, %mul3A_48] : memref<16x512x2048xf32, #tpu.memory_space<hbm>> -> memref<1x32x1024xf32, #tpu.memory_space<hbm>>
      %dma_wait3A_145 = tpu.memref_squeeze %dma_wait3A_144 : memref<1x32x1024xf32, #tpu.memory_space<hbm>> -> memref<32x1024xf32, #tpu.memory_space<hbm>>
      tpu.wait_dma2 semaphore(%arg12 : memref<!tpu.dma_semaphore, #tpu.memory_space<semaphore_mem>>) src(%dma_wait3A_145 : memref<32x1024xf32, #tpu.memory_space<hbm>>) dst(%dma_wait3A_143 : memref<32x1024xf32, #tpu.memory_space<vmem>>)
      %mul3A_146 = arith.constant 32 : i32
      %mul3A_147 = arith.muli %add3A_130, %mul3A_146 : i32
      %scan3A_148 = arith.constant 0 : i32
      %scan3A_149 = arith.constant 0 : i32
      %scan3A_150 = arith.constant 16 : i32
      %scan3A_151 = arith.addi %scan3A_149, %scan3A_150 : i32
      %scan3A_152 = arith.constant 1 : i32
      scf.for %scan3A_161 = %scan3A_149 to %scan3A_151 step %scan3A_152  : i32 {
        %mul3A_162 = arith.constant 64 : i32
        %mul3A_163 = arith.muli %scan3A_161, %mul3A_162 : i32
        %add3A_164 = arith.constant 0 : i32
        %add3A_165 = arith.addi %mul3A_163, %add3A_164 : i32
        %get3A = arith.constant 0 : i32
        %get3A_166 = arith.index_cast %get3A : i32 to index
        %get3A_167 = arith.index_cast %add3A_165 : i32 to index
        %get3A_168 = tpu.vector_load %arg9[%get3A_166, %get3A_167] {strides = array<i32>} : memref<4x1024xf32, #tpu.memory_space<vmem>>, vector<1x16xf32>,
        %get3A_169 = vector.shape_cast %get3A_168 : vector<1x16xf32> to vector<16xf32>
        %add3A_170 = arith.constant 16 : i32
        %add3A_171 = arith.addi %mul3A_163, %add3A_170 : i32
        %get3A_172 = arith.constant 0 : i32
        %get3A_173 = arith.index_cast %get3A_172 : i32 to index
        %get3A_174 = arith.index_cast %add3A_171 : i32 to index
        %get3A_175 = tpu.vector_load %arg9[%get3A_173, %get3A_174] {strides = array<i32>} : memref<4x1024xf32, #tpu.memory_space<vmem>>, vector<1x16xf32>,
        %get3A_176 = vector.shape_cast %get3A_175 : vector<1x16xf32> to vector<16xf32>
        %add3A_177 = arith.constant 32 : i32
        %add3A_178 = arith.addi %mul3A_163, %add3A_177 : i32
        %get3A_179 = arith.constant 0 : i32
        %get3A_180 = arith.index_cast %get3A_179 : i32 to index
        %get3A_181 = arith.index_cast %add3A_178 : i32 to index
        %get3A_182 = tpu.vector_load %arg9[%get3A_180, %get3A_181] {strides = array<i32>} : memref<4x1024xf32, #tpu.memory_space<vmem>>, vector<1x16xf32>,
        %get3A_183 = vector.shape_cast %get3A_182 : vector<1x16xf32> to vector<16xf32>
        %add3A_184 = arith.constant 48 : i32
        %add3A_185 = arith.addi %mul3A_163, %add3A_184 : i32
        %get3A_186 = arith.constant 0 : i32
        %get3A_187 = arith.index_cast %get3A_186 : i32 to index
        %get3A_188 = arith.index_cast %add3A_185 : i32 to index
        %get3A_189 = tpu.vector_load %arg9[%get3A_187, %get3A_188] {strides = array<i32>} : memref<4x1024xf32, #tpu.memory_space<vmem>>, vector<1x16xf32>,
        %get3A_190 = vector.shape_cast %get3A_189 : vector<1x16xf32> to vector<16xf32>
        %add3A_191 = arith.constant 0 : i32
        %add3A_192 = arith.addi %mul3A_163, %add3A_191 : i32
        %get3A_193 = arith.constant 1 : i32
        %get3A_194 = arith.index_cast %get3A_193 : i32 to index
        %get3A_195 = arith.index_cast %add3A_192 : i32 to index
        %get3A_196 = tpu.vector_load %arg9[%get3A_194, %get3A_195] {strides = array<i32>} : memref<4x1024xf32, #tpu.memory_space<vmem>>, vector<1x16xf32>,
        %get3A_197 = vector.shape_cast %get3A_196 : vector<1x16xf32> to vector<16xf32>
        %add3A_198 = arith.constant 16 : i32
        %add3A_199 = arith.addi %mul3A_163, %add3A_198 : i32
        %get3A_200 = arith.constant 1 : i32
        %get3A_201 = arith.index_cast %get3A_200 : i32 to index
        %get3A_202 = arith.index_cast %add3A_199 : i32 to index
        %get3A_203 = tpu.vector_load %arg9[%get3A_201, %get3A_202] {strides = array<i32>} : memref<4x1024xf32, #tpu.memory_space<vmem>>, vector<1x16xf32>,
        %get3A_204 = vector.shape_cast %get3A_203 : vector<1x16xf32> to vector<16xf32>
        %add3A_205 = arith.constant 32 : i32
        %add3A_206 = arith.addi %mul3A_163, %add3A_205 : i32
        %get3A_207 = arith.constant 1 : i32
        %get3A_208 = arith.index_cast %get3A_207 : i32 to index
        %get3A_209 = arith.index_cast %add3A_206 : i32 to index
        %get3A_210 = tpu.vector_load %arg9[%get3A_208, %get3A_209] {strides = array<i32>} : memref<4x1024xf32, #tpu.memory_space<vmem>>, vector<1x16xf32>,
        %get3A_211 = vector.shape_cast %get3A_210 : vector<1x16xf32> to vector<16xf32>
        %add3A_212 = arith.constant 48 : i32
        %add3A_213 = arith.addi %mul3A_163, %add3A_212 : i32
        %get3A_214 = arith.constant 1 : i32
        %get3A_215 = arith.index_cast %get3A_214 : i32 to index
        %get3A_216 = arith.index_cast %add3A_213 : i32 to index
        %get3A_217 = tpu.vector_load %arg9[%get3A_215, %get3A_216] {strides = array<i32>} : memref<4x1024xf32, #tpu.memory_space<vmem>>, vector<1x16xf32>,
        %get3A_218 = vector.shape_cast %get3A_217 : vector<1x16xf32> to vector<16xf32>
        %add3A_219 = arith.constant 0 : i32
        %add3A_220 = arith.addi %mul3A_163, %add3A_219 : i32
        %get3A_221 = arith.constant 2 : i32
        %get3A_222 = arith.index_cast %get3A_221 : i32 to index
        %get3A_223 = arith.index_cast %add3A_220 : i32 to index
        %get3A_224 = tpu.vector_load %arg9[%get3A_222, %get3A_223] {strides = array<i32>} : memref<4x1024xf32, #tpu.memory_space<vmem>>, vector<1x16xf32>,
        %get3A_225 = vector.shape_cast %get3A_224 : vector<1x16xf32> to vector<16xf32>
        %add3A_226 = arith.constant 16 : i32
        %add3A_227 = arith.addi %mul3A_163, %add3A_226 : i32
        %get3A_228 = arith.constant 2 : i32
        %get3A_229 = arith.index_cast %get3A_228 : i32 to index
        %get3A_230 = arith.index_cast %add3A_227 : i32 to index
        %get3A_231 = tpu.vector_load %arg9[%get3A_229, %get3A_230] {strides = array<i32>} : memref<4x1024xf32, #tpu.memory_space<vmem>>, vector<1x16xf32>,
        %get3A_232 = vector.shape_cast %get3A_231 : vector<1x16xf32> to vector<16xf32>
        %add3A_233 = arith.constant 32 : i32
        %add3A_234 = arith.addi %mul3A_163, %add3A_233 : i32
        %get3A_235 = arith.constant 2 : i32
        %get3A_236 = arith.index_cast %get3A_235 : i32 to index
        %get3A_237 = arith.index_cast %add3A_234 : i32 to index
        %get3A_238 = tpu.vector_load %arg9[%get3A_236, %get3A_237] {strides = array<i32>} : memref<4x1024xf32, #tpu.memory_space<vmem>>, vector<1x16xf32>,
        %get3A_239 = vector.shape_cast %get3A_238 : vector<1x16xf32> to vector<16xf32>
        %add3A_240 = arith.constant 48 : i32
        %add3A_241 = arith.addi %mul3A_163, %add3A_240 : i32
        %get3A_242 = arith.constant 2 : i32
        %get3A_243 = arith.index_cast %get3A_242 : i32 to index
        %get3A_244 = arith.index_cast %add3A_241 : i32 to index
        %get3A_245 = tpu.vector_load %arg9[%get3A_243, %get3A_244] {strides = array<i32>} : memref<4x1024xf32, #tpu.memory_space<vmem>>, vector<1x16xf32>,
        %get3A_246 = vector.shape_cast %get3A_245 : vector<1x16xf32> to vector<16xf32>
        %add3A_247 = arith.constant 0 : i32
        %add3A_248 = arith.addi %mul3A_163, %add3A_247 : i32
        %get3A_249 = arith.constant 3 : i32
        %get3A_250 = arith.index_cast %get3A_249 : i32 to index
        %get3A_251 = arith.index_cast %add3A_248 : i32 to index
        %get3A_252 = tpu.vector_load %arg9[%get3A_250, %get3A_251] {strides = array<i32>} : memref<4x1024xf32, #tpu.memory_space<vmem>>, vector<1x16xf32>,
        %get3A_253 = vector.shape_cast %get3A_252 : vector<1x16xf32> to vector<16xf32>
        %add3A_254 = arith.constant 16 : i32
        %add3A_255 = arith.addi %mul3A_163, %add3A_254 : i32
        %get3A_256 = arith.constant 3 : i32
        %get3A_257 = arith.index_cast %get3A_256 : i32 to index
        %get3A_258 = arith.index_cast %add3A_255 : i32 to index
        %get3A_259 = tpu.vector_load %arg9[%get3A_257, %get3A_258] {strides = array<i32>} : memref<4x1024xf32, #tpu.memory_space<vmem>>, vector<1x16xf32>,
        %get3A_260 = vector.shape_cast %get3A_259 : vector<1x16xf32> to vector<16xf32>
        %add3A_261 = arith.constant 32 : i32
        %add3A_262 = arith.addi %mul3A_163, %add3A_261 : i32
        %get3A_263 = arith.constant 3 : i32
        %get3A_264 = arith.index_cast %get3A_263 : i32 to index
        %get3A_265 = arith.index_cast %add3A_262 : i32 to index
        %get3A_266 = tpu.vector_load %arg9[%get3A_264, %get3A_265] {strides = array<i32>} : memref<4x1024xf32, #tpu.memory_space<vmem>>, vector<1x16xf32>,
        %get3A_267 = vector.shape_cast %get3A_266 : vector<1x16xf32> to vector<16xf32>
        %add3A_268 = arith.constant 48 : i32
        %add3A_269 = arith.addi %mul3A_163, %add3A_268 : i32
        %get3A_270 = arith.constant 3 : i32
        %get3A_271 = arith.index_cast %get3A_270 : i32 to index
        %get3A_272 = arith.index_cast %add3A_269 : i32 to index
        %get3A_273 = tpu.vector_load %arg9[%get3A_271, %get3A_272] {strides = array<i32>} : memref<4x1024xf32, #tpu.memory_space<vmem>>, vector<1x16xf32>,
        %get3A_274 = vector.shape_cast %get3A_273 : vector<1x16xf32> to vector<16xf32>
        %scan3A_275 = arith.constant 0 : i32
        %scan3A_276 = arith.constant 8 : i32
        %scan3A_277 = arith.addi %scan3A_275, %scan3A_276 : i32
        %scan3A_278 = arith.constant 1 : i32
        %scan3A_279:16 = scf.for %scan3A_408 = %scan3A_275 to %scan3A_277 step %scan3A_278 iter_args(%scan3A_409 = %get3A_169, %scan3A_410 = %get3A_176, %scan3A_411 = %get3A_183, %scan3A_412 = %get3A_190, %scan3A_413 = %get3A_197, %scan3A_414 = %get3A_204, %scan3A_415 = %get3A_211, %scan3A_416 = %get3A_218, %scan3A_417 = %get3A_225, %scan3A_418 = %get3A_232, %scan3A_419 = %get3A_239, %scan3A_420 = %get3A_246, %scan3A_421 = %get3A_253, %scan3A_422 = %get3A_260, %scan3A_423 = %get3A_267, %scan3A_424 = %get3A_274) -> (vector<16xf32>, vector<16xf32>, vector<16xf32>, vector<16xf32>, vector<16xf32>, vector<16xf32>, vector<16xf32>, vector<16xf32>, vector<16xf32>, vector<16xf32>, vector<16xf32>, vector<16xf32>, vector<16xf32>, vector<16xf32>, vector<16xf32>, vector<16xf32>)  : i32 {
          %mul3A_425 = arith.constant 4 : i32
          %mul3A_426 = arith.muli %scan3A_408, %mul3A_425 : i32
          %add3A_427 = arith.constant 0 : i32
          %add3A_428 = arith.addi %mul3A_426, %add3A_427 : i32
          %add3A_429 = arith.addi %mul3A_147, %add3A_428 : i32
          %mul3A_430 = arith.constant 16 : i32
          %mul3A_431 = arith.muli %add3A_429, %mul3A_430 : i32
          %get3A_432 = arith.constant 0 : i32
          %get3A_433 = arith.index_cast %get3A_432 : i32 to index
          %get3A_434 = arith.index_cast %mul3A_431 : i32 to index
          %get3A_435 = tpu.vector_load %arg6[%get3A_433, %get3A_434] {strides = array<i32>} : memref<4x8192xf32, #tpu.memory_space<vmem>>, vector<1x16xf32>,
          %get3A_436 = vector.shape_cast %get3A_435 : vector<1x16xf32> to vector<16xf32>
          %add3A_437 = arith.addi %mul3A_147, %add3A_428 : i32
          %mul3A_438 = arith.constant 16 : i32
          %mul3A_439 = arith.muli %add3A_437, %mul3A_438 : i32
          %get3A_440 = arith.constant 1 : i32
          %get3A_441 = arith.index_cast %get3A_440 : i32 to index
          %get3A_442 = arith.index_cast %mul3A_439 : i32 to index
          %get3A_443 = tpu.vector_load %arg6[%get3A_441, %get3A_442] {strides = array<i32>} : memref<4x8192xf32, #tpu.memory_space<vmem>>, vector<1x16xf32>,
          %get3A_444 = vector.shape_cast %get3A_443 : vector<1x16xf32> to vector<16xf32>
          %add3A_445 = arith.addi %mul3A_147, %add3A_428 : i32
          %mul3A_446 = arith.constant 16 : i32
          %mul3A_447 = arith.muli %add3A_445, %mul3A_446 : i32
          %get3A_448 = arith.constant 2 : i32
          %get3A_449 = arith.index_cast %get3A_448 : i32 to index
          %get3A_450 = arith.index_cast %mul3A_447 : i32 to index
          %get3A_451 = tpu.vector_load %arg6[%get3A_449, %get3A_450] {strides = array<i32>} : memref<4x8192xf32, #tpu.memory_space<vmem>>, vector<1x16xf32>,
          %get3A_452 = vector.shape_cast %get3A_451 : vector<1x16xf32> to vector<16xf32>
          %add3A_453 = arith.addi %mul3A_147, %add3A_428 : i32
          %mul3A_454 = arith.constant 16 : i32
          %mul3A_455 = arith.muli %add3A_453, %mul3A_454 : i32
          %get3A_456 = arith.constant 3 : i32
          %get3A_457 = arith.index_cast %get3A_456 : i32 to index
          %get3A_458 = arith.index_cast %mul3A_455 : i32 to index
          %get3A_459 = tpu.vector_load %arg6[%get3A_457, %get3A_458] {strides = array<i32>} : memref<4x8192xf32, #tpu.memory_space<vmem>>, vector<1x16xf32>,
          %get3A_460 = vector.shape_cast %get3A_459 : vector<1x16xf32> to vector<16xf32>
          %add3A_461 = arith.constant 0 : i32
          %add3A_462 = arith.addi %mul3A_163, %add3A_461 : i32
          %get3A_463 = arith.constant 1 : i32
          %get3A_464 = arith.index_cast %get3A_463 : i32 to index
          %get3A_465 = arith.index_cast %add3A_428 : i32 to index
          %get3A_466 = arith.index_cast %add3A_462 : i32 to index
          %get3A_467 = tpu.vector_load %arg8[%get3A_464, %get3A_465, %get3A_466] {strides = array<i32>} : memref<2x32x1024xf32, #tpu.memory_space<vmem>>, vector<1x1x16xf32>,
          %get3A_468 = vector.shape_cast %get3A_467 : vector<1x1x16xf32> to vector<16xf32>
          %bitcast_convert_type3A = tpu.bitcast %get3A_468 : vector<16xf32> -> vector<16xi32>
          %add3A_469 = arith.constant 32768 : i32
          %add3A_470 = vector.broadcast %add3A_469 : i32 to vector<16xi32>
          %add3A_471 = arith.addi %bitcast_convert_type3A, %add3A_470 : vector<16xi32>
          %and3A_472 = arith.constant -65536 : i32
          %and3A_473 = vector.broadcast %and3A_472 : i32 to vector<16xi32>
          %and3A_474 = arith.andi %add3A_471, %and3A_473 : vector<16xi32>
          %bitcast_convert_type3A_475 = tpu.bitcast %and3A_474 : vector<16xi32> -> vector<16xf32>
          %mul3A_476 = arith.mulf %bitcast_convert_type3A_475, %get3A_436 : vector<16xf32>
          %add3A_477 = arith.addf %scan3A_409, %mul3A_476 : vector<16xf32>
          %mul3A_478 = arith.mulf %bitcast_convert_type3A_475, %get3A_444 : vector<16xf32>
          %add3A_479 = arith.addf %scan3A_413, %mul3A_478 : vector<16xf32>
          %mul3A_480 = arith.mulf %bitcast_convert_type3A_475, %get3A_452 : vector<16xf32>
          %add3A_481 = arith.addf %scan3A_417, %mul3A_480 : vector<16xf32>
          %mul3A_482 = arith.mulf %bitcast_convert_type3A_475, %get3A_460 : vector<16xf32>
          %add3A_483 = arith.addf %scan3A_421, %mul3A_482 : vector<16xf32>
          %add3A_484 = arith.constant 16 : i32
          %add3A_485 = arith.addi %mul3A_163, %add3A_484 : i32
          %get3A_486 = arith.constant 1 : i32
          %get3A_487 = arith.index_cast %get3A_486 : i32 to index
          %get3A_488 = arith.index_cast %add3A_428 : i32 to index
          %get3A_489 = arith.index_cast %add3A_485 : i32 to index
          %get3A_490 = tpu.vector_load %arg8[%get3A_487, %get3A_488, %get3A_489] {strides = array<i32>} : memref<2x32x1024xf32, #tpu.memory_space<vmem>>, vector<1x1x16xf32>,
          %get3A_491 = vector.shape_cast %get3A_490 : vector<1x1x16xf32> to vector<16xf32>
          %bitcast_convert_type3A_492 = tpu.bitcast %get3A_491 : vector<16xf32> -> vector<16xi32>
          %add3A_493 = arith.constant 32768 : i32
          %add3A_494 = vector.broadcast %add3A_493 : i32 to vector<16xi32>
          %add3A_495 = arith.addi %bitcast_convert_type3A_492, %add3A_494 : vector<16xi32>
          %and3A_496 = arith.constant -65536 : i32
          %and3A_497 = vector.broadcast %and3A_496 : i32 to vector<16xi32>
          %and3A_498 = arith.andi %add3A_495, %and3A_497 : vector<16xi32>
          %bitcast_convert_type3A_499 = tpu.bitcast %and3A_498 : vector<16xi32> -> vector<16xf32>
          %mul3A_500 = arith.mulf %bitcast_convert_type3A_499, %get3A_436 : vector<16xf32>
          %add3A_501 = arith.addf %scan3A_410, %mul3A_500 : vector<16xf32>
          %mul3A_502 = arith.mulf %bitcast_convert_type3A_499, %get3A_444 : vector<16xf32>
          %add3A_503 = arith.addf %scan3A_414, %mul3A_502 : vector<16xf32>
          %mul3A_504 = arith.mulf %bitcast_convert_type3A_499, %get3A_452 : vector<16xf32>
          %add3A_505 = arith.addf %scan3A_418, %mul3A_504 : vector<16xf32>
          %mul3A_506 = arith.mulf %bitcast_convert_type3A_499, %get3A_460 : vector<16xf32>
          %add3A_507 = arith.addf %scan3A_422, %mul3A_506 : vector<16xf32>
          %add3A_508 = arith.constant 32 : i32
          %add3A_509 = arith.addi %mul3A_163, %add3A_508 : i32
          %get3A_510 = arith.constant 1 : i32
          %get3A_511 = arith.index_cast %get3A_510 : i32 to index
          %get3A_512 = arith.index_cast %add3A_428 : i32 to index
          %get3A_513 = arith.index_cast %add3A_509 : i32 to index
          %get3A_514 = tpu.vector_load %arg8[%get3A_511, %get3A_512, %get3A_513] {strides = array<i32>} : memref<2x32x1024xf32, #tpu.memory_space<vmem>>, vector<1x1x16xf32>,
          %get3A_515 = vector.shape_cast %get3A_514 : vector<1x1x16xf32> to vector<16xf32>
          %bitcast_convert_type3A_516 = tpu.bitcast %get3A_515 : vector<16xf32> -> vector<16xi32>
          %add3A_517 = arith.constant 32768 : i32
          %add3A_518 = vector.broadcast %add3A_517 : i32 to vector<16xi32>
          %add3A_519 = arith.addi %bitcast_convert_type3A_516, %add3A_518 : vector<16xi32>
          %and3A_520 = arith.constant -65536 : i32
          %and3A_521 = vector.broadcast %and3A_520 : i32 to vector<16xi32>
          %and3A_522 = arith.andi %add3A_519, %and3A_521 : vector<16xi32>
          %bitcast_convert_type3A_523 = tpu.bitcast %and3A_522 : vector<16xi32> -> vector<16xf32>
          %mul3A_524 = arith.mulf %bitcast_convert_type3A_523, %get3A_436 : vector<16xf32>
          %add3A_525 = arith.addf %scan3A_411, %mul3A_524 : vector<16xf32>
          %mul3A_526 = arith.mulf %bitcast_convert_type3A_523, %get3A_444 : vector<16xf32>
          %add3A_527 = arith.addf %scan3A_415, %mul3A_526 : vector<16xf32>
          %mul3A_528 = arith.mulf %bitcast_convert_type3A_523, %get3A_452 : vector<16xf32>
          %add3A_529 = arith.addf %scan3A_419, %mul3A_528 : vector<16xf32>
          %mul3A_530 = arith.mulf %bitcast_convert_type3A_523, %get3A_460 : vector<16xf32>
          %add3A_531 = arith.addf %scan3A_423, %mul3A_530 : vector<16xf32>
          %add3A_532 = arith.constant 48 : i32
          %add3A_533 = arith.addi %mul3A_163, %add3A_532 : i32
          %get3A_534 = arith.constant 1 : i32
          %get3A_535 = arith.index_cast %get3A_534 : i32 to index
          %get3A_536 = arith.index_cast %add3A_428 : i32 to index
          %get3A_537 = arith.index_cast %add3A_533 : i32 to index
          %get3A_538 = tpu.vector_load %arg8[%get3A_535, %get3A_536, %get3A_537] {strides = array<i32>} : memref<2x32x1024xf32, #tpu.memory_space<vmem>>, vector<1x1x16xf32>,
          %get3A_539 = vector.shape_cast %get3A_538 : vector<1x1x16xf32> to vector<16xf32>
          %bitcast_convert_type3A_540 = tpu.bitcast %get3A_539 : vector<16xf32> -> vector<16xi32>
          %add3A_541 = arith.constant 32768 : i32
          %add3A_542 = vector.broadcast %add3A_541 : i32 to vector<16xi32>
          %add3A_543 = arith.addi %bitcast_convert_type3A_540, %add3A_542 : vector<16xi32>
          %and3A_544 = arith.constant -65536 : i32
          %and3A_545 = vector.broadcast %and3A_544 : i32 to vector<16xi32>
          %and3A_546 = arith.andi %add3A_543, %and3A_545 : vector<16xi32>
          %bitcast_convert_type3A_547 = tpu.bitcast %and3A_546 : vector<16xi32> -> vector<16xf32>
          %mul3A_548 = arith.mulf %bitcast_convert_type3A_547, %get3A_436 : vector<16xf32>
          %add3A_549 = arith.addf %scan3A_412, %mul3A_548 : vector<16xf32>
          %mul3A_550 = arith.mulf %bitcast_convert_type3A_547, %get3A_444 : vector<16xf32>
          %add3A_551 = arith.addf %scan3A_416, %mul3A_550 : vector<16xf32>
          %mul3A_552 = arith.mulf %bitcast_convert_type3A_547, %get3A_452 : vector<16xf32>
          %add3A_553 = arith.addf %scan3A_420, %mul3A_552 : vector<16xf32>
          %mul3A_554 = arith.mulf %bitcast_convert_type3A_547, %get3A_460 : vector<16xf32>
          %add3A_555 = arith.addf %scan3A_424, %mul3A_554 : vector<16xf32>
          %mul3A_556 = arith.constant 4 : i32
          %mul3A_557 = arith.muli %scan3A_408, %mul3A_556 : i32
          %add3A_558 = arith.constant 1 : i32
          %add3A_559 = arith.addi %mul3A_557, %add3A_558 : i32
          %add3A_560 = arith.addi %mul3A_147, %add3A_559 : i32
          %mul3A_561 = arith.constant 16 : i32
          %mul3A_562 = arith.muli %add3A_560, %mul3A_561 : i32
          %get3A_563 = arith.constant 0 : i32
          %get3A_564 = arith.index_cast %get3A_563 : i32 to index
          %get3A_565 = arith.index_cast %mul3A_562 : i32 to index
          %get3A_566 = tpu.vector_load %arg6[%get3A_564, %get3A_565] {strides = array<i32>} : memref<4x8192xf32, #tpu.memory_space<vmem>>, vector<1x16xf32>,
          %get3A_567 = vector.shape_cast %get3A_566 : vector<1x16xf32> to vector<16xf32>
          %add3A_568 = arith.addi %mul3A_147, %add3A_559 : i32
          %mul3A_569 = arith.constant 16 : i32
          %mul3A_570 = arith.muli %add3A_568, %mul3A_569 : i32
          %get3A_571 = arith.constant 1 : i32
          %get3A_572 = arith.index_cast %get3A_571 : i32 to index
          %get3A_573 = arith.index_cast %mul3A_570 : i32 to index
          %get3A_574 = tpu.vector_load %arg6[%get3A_572, %get3A_573] {strides = array<i32>} : memref<4x8192xf32, #tpu.memory_space<vmem>>, vector<1x16xf32>,
          %get3A_575 = vector.shape_cast %get3A_574 : vector<1x16xf32> to vector<16xf32>
          %add3A_576 = arith.addi %mul3A_147, %add3A_559 : i32
          %mul3A_577 = arith.constant 16 : i32
          %mul3A_578 = arith.muli %add3A_576, %mul3A_577 : i32
          %get3A_579 = arith.constant 2 : i32
          %get3A_580 = arith.index_cast %get3A_579 : i32 to index
          %get3A_581 = arith.index_cast %mul3A_578 : i32 to index
          %get3A_582 = tpu.vector_load %arg6[%get3A_580, %get3A_581] {strides = array<i32>} : memref<4x8192xf32, #tpu.memory_space<vmem>>, vector<1x16xf32>,
          %get3A_583 = vector.shape_cast %get3A_582 : vector<1x16xf32> to vector<16xf32>
          %add3A_584 = arith.addi %mul3A_147, %add3A_559 : i32
          %mul3A_585 = arith.constant 16 : i32
          %mul3A_586 = arith.muli %add3A_584, %mul3A_585 : i32
          %get3A_587 = arith.constant 3 : i32
          %get3A_588 = arith.index_cast %get3A_587 : i32 to index
          %get3A_589 = arith.index_cast %mul3A_586 : i32 to index
          %get3A_590 = tpu.vector_load %arg6[%get3A_588, %get3A_589] {strides = array<i32>} : memref<4x8192xf32, #tpu.memory_space<vmem>>, vector<1x16xf32>,
          %get3A_591 = vector.shape_cast %get3A_590 : vector<1x16xf32> to vector<16xf32>
          %add3A_592 = arith.constant 0 : i32
          %add3A_593 = arith.addi %mul3A_163, %add3A_592 : i32
          %get3A_594 = arith.constant 1 : i32
          %get3A_595 = arith.index_cast %get3A_594 : i32 to index
          %get3A_596 = arith.index_cast %add3A_559 : i32 to index
          %get3A_597 = arith.index_cast %add3A_593 : i32 to index
          %get3A_598 = tpu.vector_load %arg8[%get3A_595, %get3A_596, %get3A_597] {strides = array<i32>} : memref<2x32x1024xf32, #tpu.memory_space<vmem>>, vector<1x1x16xf32>,
          %get3A_599 = vector.shape_cast %get3A_598 : vector<1x1x16xf32> to vector<16xf32>
          %bitcast_convert_type3A_600 = tpu.bitcast %get3A_599 : vector<16xf32> -> vector<16xi32>
          %add3A_601 = arith.constant 32768 : i32
          %add3A_602 = vector.broadcast %add3A_601 : i32 to vector<16xi32>
          %add3A_603 = arith.addi %bitcast_convert_type3A_600, %add3A_602 : vector<16xi32>
          %and3A_604 = arith.constant -65536 : i32
          %and3A_605 = vector.broadcast %and3A_604 : i32 to vector<16xi32>
          %and3A_606 = arith.andi %add3A_603, %and3A_605 : vector<16xi32>
          %bitcast_convert_type3A_607 = tpu.bitcast %and3A_606 : vector<16xi32> -> vector<16xf32>
          %mul3A_608 = arith.mulf %bitcast_convert_type3A_607, %get3A_567 : vector<16xf32>
          %add3A_609 = arith.addf %add3A_477, %mul3A_608 : vector<16xf32>
          %mul3A_610 = arith.mulf %bitcast_convert_type3A_607, %get3A_575 : vector<16xf32>
          %add3A_611 = arith.addf %add3A_479, %mul3A_610 : vector<16xf32>
          %mul3A_612 = arith.mulf %bitcast_convert_type3A_607, %get3A_583 : vector<16xf32>
          %add3A_613 = arith.addf %add3A_481, %mul3A_612 : vector<16xf32>
          %mul3A_614 = arith.mulf %bitcast_convert_type3A_607, %get3A_591 : vector<16xf32>
          %add3A_615 = arith.addf %add3A_483, %mul3A_614 : vector<16xf32>
          %add3A_616 = arith.constant 16 : i32
          %add3A_617 = arith.addi %mul3A_163, %add3A_616 : i32
          %get3A_618 = arith.constant 1 : i32
          %get3A_619 = arith.index_cast %get3A_618 : i32 to index
          %get3A_620 = arith.index_cast %add3A_559 : i32 to index
          %get3A_621 = arith.index_cast %add3A_617 : i32 to index
          %get3A_622 = tpu.vector_load %arg8[%get3A_619, %get3A_620, %get3A_621] {strides = array<i32>} : memref<2x32x1024xf32, #tpu.memory_space<vmem>>, vector<1x1x16xf32>,
          %get3A_623 = vector.shape_cast %get3A_622 : vector<1x1x16xf32> to vector<16xf32>
          %bitcast_convert_type3A_624 = tpu.bitcast %get3A_623 : vector<16xf32> -> vector<16xi32>
          %add3A_625 = arith.constant 32768 : i32
          %add3A_626 = vector.broadcast %add3A_625 : i32 to vector<16xi32>
          %add3A_627 = arith.addi %bitcast_convert_type3A_624, %add3A_626 : vector<16xi32>
          %and3A_628 = arith.constant -65536 : i32
          %and3A_629 = vector.broadcast %and3A_628 : i32 to vector<16xi32>
          %and3A_630 = arith.andi %add3A_627, %and3A_629 : vector<16xi32>
          %bitcast_convert_type3A_631 = tpu.bitcast %and3A_630 : vector<16xi32> -> vector<16xf32>
          %mul3A_632 = arith.mulf %bitcast_convert_type3A_631, %get3A_567 : vector<16xf32>
          %add3A_633 = arith.addf %add3A_501, %mul3A_632 : vector<16xf32>
          %mul3A_634 = arith.mulf %bitcast_convert_type3A_631, %get3A_575 : vector<16xf32>
          %add3A_635 = arith.addf %add3A_503, %mul3A_634 : vector<16xf32>
          %mul3A_636 = arith.mulf %bitcast_convert_type3A_631, %get3A_583 : vector<16xf32>
          %add3A_637 = arith.addf %add3A_505, %mul3A_636 : vector<16xf32>
          %mul3A_638 = arith.mulf %bitcast_convert_type3A_631, %get3A_591 : vector<16xf32>
          %add3A_639 = arith.addf %add3A_507, %mul3A_638 : vector<16xf32>
          %add3A_640 = arith.constant 32 : i32
          %add3A_641 = arith.addi %mul3A_163, %add3A_640 : i32
          %get3A_642 = arith.constant 1 : i32
          %get3A_643 = arith.index_cast %get3A_642 : i32 to index
          %get3A_644 = arith.index_cast %add3A_559 : i32 to index
          %get3A_645 = arith.index_cast %add3A_641 : i32 to index
          %get3A_646 = tpu.vector_load %arg8[%get3A_643, %get3A_644, %get3A_645] {strides = array<i32>} : memref<2x32x1024xf32, #tpu.memory_space<vmem>>, vector<1x1x16xf32>,
          %get3A_647 = vector.shape_cast %get3A_646 : vector<1x1x16xf32> to vector<16xf32>
          %bitcast_convert_type3A_648 = tpu.bitcast %get3A_647 : vector<16xf32> -> vector<16xi32>
          %add3A_649 = arith.constant 32768 : i32
          %add3A_650 = vector.broadcast %add3A_649 : i32 to vector<16xi32>
          %add3A_651 = arith.addi %bitcast_convert_type3A_648, %add3A_650 : vector<16xi32>
          %and3A_652 = arith.constant -65536 : i32
          %and3A_653 = vector.broadcast %and3A_652 : i32 to vector<16xi32>
          %and3A_654 = arith.andi %add3A_651, %and3A_653 : vector<16xi32>
          %bitcast_convert_type3A_655 = tpu.bitcast %and3A_654 : vector<16xi32> -> vector<16xf32>
          %mul3A_656 = arith.mulf %bitcast_convert_type3A_655, %get3A_567 : vector<16xf32>
          %add3A_657 = arith.addf %add3A_525, %mul3A_656 : vector<16xf32>
          %mul3A_658 = arith.mulf %bitcast_convert_type3A_655, %get3A_575 : vector<16xf32>
          %add3A_659 = arith.addf %add3A_527, %mul3A_658 : vector<16xf32>
          %mul3A_660 = arith.mulf %bitcast_convert_type3A_655, %get3A_583 : vector<16xf32>
          %add3A_661 = arith.addf %add3A_529, %mul3A_660 : vector<16xf32>
          %mul3A_662 = arith.mulf %bitcast_convert_type3A_655, %get3A_591 : vector<16xf32>
          %add3A_663 = arith.addf %add3A_531, %mul3A_662 : vector<16xf32>
          %add3A_664 = arith.constant 48 : i32
          %add3A_665 = arith.addi %mul3A_163, %add3A_664 : i32
          %get3A_666 = arith.constant 1 : i32
          %get3A_667 = arith.index_cast %get3A_666 : i32 to index
          %get3A_668 = arith.index_cast %add3A_559 : i32 to index
          %get3A_669 = arith.index_cast %add3A_665 : i32 to index
          %get3A_670 = tpu.vector_load %arg8[%get3A_667, %get3A_668, %get3A_669] {strides = array<i32>} : memref<2x32x1024xf32, #tpu.memory_space<vmem>>, vector<1x1x16xf32>,
          %get3A_671 = vector.shape_cast %get3A_670 : vector<1x1x16xf32> to vector<16xf32>
          %bitcast_convert_type3A_672 = tpu.bitcast %get3A_671 : vector<16xf32> -> vector<16xi32>
          %add3A_673 = arith.constant 32768 : i32
          %add3A_674 = vector.broadcast %add3A_673 : i32 to vector<16xi32>
          %add3A_675 = arith.addi %bitcast_convert_type3A_672, %add3A_674 : vector<16xi32>
          %and3A_676 = arith.constant -65536 : i32
          %and3A_677 = vector.broadcast %and3A_676 : i32 to vector<16xi32>
          %and3A_678 = arith.andi %add3A_675, %and3A_677 : vector<16xi32>
          %bitcast_convert_type3A_679 = tpu.bitcast %and3A_678 : vector<16xi32> -> vector<16xf32>
          %mul3A_680 = arith.mulf %bitcast_convert_type3A_679, %get3A_567 : vector<16xf32>
          %add3A_681 = arith.addf %add3A_549, %mul3A_680 : vector<16xf32>
          %mul3A_682 = arith.mulf %bitcast_convert_type3A_679, %get3A_575 : vector<16xf32>
          %add3A_683 = arith.addf %add3A_551, %mul3A_682 : vector<16xf32>
          %mul3A_684 = arith.mulf %bitcast_convert_type3A_679, %get3A_583 : vector<16xf32>
          %add3A_685 = arith.addf %add3A_553, %mul3A_684 : vector<16xf32>
          %mul3A_686 = arith.mulf %bitcast_convert_type3A_679, %get3A_591 : vector<16xf32>
          %add3A_687 = arith.addf %add3A_555, %mul3A_686 : vector<16xf32>
          %mul3A_688 = arith.constant 4 : i32
          %mul3A_689 = arith.muli %scan3A_408, %mul3A_688 : i32
          %add3A_690 = arith.constant 2 : i32
          %add3A_691 = arith.addi %mul3A_689, %add3A_690 : i32
          %add3A_692 = arith.addi %mul3A_147, %add3A_691 : i32
          %mul3A_693 = arith.constant 16 : i32
          %mul3A_694 = arith.muli %add3A_692, %mul3A_693 : i32
          %get3A_695 = arith.constant 0 : i32
          %get3A_696 = arith.index_cast %get3A_695 : i32 to index
          %get3A_697 = arith.index_cast %mul3A_694 : i32 to index
          %get3A_698 = tpu.vector_load %arg6[%get3A_696, %get3A_697] {strides = array<i32>} : memref<4x8192xf32, #tpu.memory_space<vmem>>, vector<1x16xf32>,
          %get3A_699 = vector.shape_cast %get3A_698 : vector<1x16xf32> to vector<16xf32>
          %add3A_700 = arith.addi %mul3A_147, %add3A_691 : i32
          %mul3A_701 = arith.constant 16 : i32
          %mul3A_702 = arith.muli %add3A_700, %mul3A_701 : i32
          %get3A_703 = arith.constant 1 : i32
          %get3A_704 = arith.index_cast %get3A_703 : i32 to index
          %get3A_705 = arith.index_cast %mul3A_702 : i32 to index
          %get3A_706 = tpu.vector_load %arg6[%get3A_704, %get3A_705] {strides = array<i32>} : memref<4x8192xf32, #tpu.memory_space<vmem>>, vector<1x16xf32>,
          %get3A_707 = vector.shape_cast %get3A_706 : vector<1x16xf32> to vector<16xf32>
          %add3A_708 = arith.addi %mul3A_147, %add3A_691 : i32
          %mul3A_709 = arith.constant 16 : i32
          %mul3A_710 = arith.muli %add3A_708, %mul3A_709 : i32
          %get3A_711 = arith.constant 2 : i32
          %get3A_712 = arith.index_cast %get3A_711 : i32 to index
          %get3A_713 = arith.index_cast %mul3A_710 : i32 to index
          %get3A_714 = tpu.vector_load %arg6[%get3A_712, %get3A_713] {strides = array<i32>} : memref<4x8192xf32, #tpu.memory_space<vmem>>, vector<1x16xf32>,
          %get3A_715 = vector.shape_cast %get3A_714 : vector<1x16xf32> to vector<16xf32>
          %add3A_716 = arith.addi %mul3A_147, %add3A_691 : i32
          %mul3A_717 = arith.constant 16 : i32
          %mul3A_718 = arith.muli %add3A_716, %mul3A_717 : i32
          %get3A_719 = arith.constant 3 : i32
          %get3A_720 = arith.index_cast %get3A_719 : i32 to index
          %get3A_721 = arith.index_cast %mul3A_718 : i32 to index
          %get3A_722 = tpu.vector_load %arg6[%get3A_720, %get3A_721] {strides = array<i32>} : memref<4x8192xf32, #tpu.memory_space<vmem>>, vector<1x16xf32>,
          %get3A_723 = vector.shape_cast %get3A_722 : vector<1x16xf32> to vector<16xf32>
          %add3A_724 = arith.constant 0 : i32
          %add3A_725 = arith.addi %mul3A_163, %add3A_724 : i32
          %get3A_726 = arith.constant 1 : i32
          %get3A_727 = arith.index_cast %get3A_726 : i32 to index
          %get3A_728 = arith.index_cast %add3A_691 : i32 to index
          %get3A_729 = arith.index_cast %add3A_725 : i32 to index
          %get3A_730 = tpu.vector_load %arg8[%get3A_727, %get3A_728, %get3A_729] {strides = array<i32>} : memref<2x32x1024xf32, #tpu.memory_space<vmem>>, vector<1x1x16xf32>,
          %get3A_731 = vector.shape_cast %get3A_730 : vector<1x1x16xf32> to vector<16xf32>
          %bitcast_convert_type3A_732 = tpu.bitcast %get3A_731 : vector<16xf32> -> vector<16xi32>
          %add3A_733 = arith.constant 32768 : i32
          %add3A_734 = vector.broadcast %add3A_733 : i32 to vector<16xi32>
          %add3A_735 = arith.addi %bitcast_convert_type3A_732, %add3A_734 : vector<16xi32>
          %and3A_736 = arith.constant -65536 : i32
          %and3A_737 = vector.broadcast %and3A_736 : i32 to vector<16xi32>
          %and3A_738 = arith.andi %add3A_735, %and3A_737 : vector<16xi32>
          %bitcast_convert_type3A_739 = tpu.bitcast %and3A_738 : vector<16xi32> -> vector<16xf32>
          %mul3A_740 = arith.mulf %bitcast_convert_type3A_739, %get3A_699 : vector<16xf32>
          %add3A_741 = arith.addf %add3A_609, %mul3A_740 : vector<16xf32>
          %mul3A_742 = arith.mulf %bitcast_convert_type3A_739, %get3A_707 : vector<16xf32>
          %add3A_743 = arith.addf %add3A_611, %mul3A_742 : vector<16xf32>
          %mul3A_744 = arith.mulf %bitcast_convert_type3A_739, %get3A_715 : vector<16xf32>
          %add3A_745 = arith.addf %add3A_613, %mul3A_744 : vector<16xf32>
          %mul3A_746 = arith.mulf %bitcast_convert_type3A_739, %get3A_723 : vector<16xf32>
          %add3A_747 = arith.addf %add3A_615, %mul3A_746 : vector<16xf32>
          %add3A_748 = arith.constant 16 : i32
          %add3A_749 = arith.addi %mul3A_163, %add3A_748 : i32
          %get3A_750 = arith.constant 1 : i32
          %get3A_751 = arith.index_cast %get3A_750 : i32 to index
          %get3A_752 = arith.index_cast %add3A_691 : i32 to index
          %get3A_753 = arith.index_cast %add3A_749 : i32 to index
          %get3A_754 = tpu.vector_load %arg8[%get3A_751, %get3A_752, %get3A_753] {strides = array<i32>} : memref<2x32x1024xf32, #tpu.memory_space<vmem>>, vector<1x1x16xf32>,
          %get3A_755 = vector.shape_cast %get3A_754 : vector<1x1x16xf32> to vector<16xf32>
          %bitcast_convert_type3A_756 = tpu.bitcast %get3A_755 : vector<16xf32> -> vector<16xi32>
          %add3A_757 = arith.constant 32768 : i32
          %add3A_758 = vector.broadcast %add3A_757 : i32 to vector<16xi32>
          %add3A_759 = arith.addi %bitcast_convert_type3A_756, %add3A_758 : vector<16xi32>
          %and3A_760 = arith.constant -65536 : i32
          %and3A_761 = vector.broadcast %and3A_760 : i32 to vector<16xi32>
          %and3A_762 = arith.andi %add3A_759, %and3A_761 : vector<16xi32>
          %bitcast_convert_type3A_763 = tpu.bitcast %and3A_762 : vector<16xi32> -> vector<16xf32>
          %mul3A_764 = arith.mulf %bitcast_convert_type3A_763, %get3A_699 : vector<16xf32>
          %add3A_765 = arith.addf %add3A_633, %mul3A_764 : vector<16xf32>
          %mul3A_766 = arith.mulf %bitcast_convert_type3A_763, %get3A_707 : vector<16xf32>
          %add3A_767 = arith.addf %add3A_635, %mul3A_766 : vector<16xf32>
          %mul3A_768 = arith.mulf %bitcast_convert_type3A_763, %get3A_715 : vector<16xf32>
          %add3A_769 = arith.addf %add3A_637, %mul3A_768 : vector<16xf32>
          %mul3A_770 = arith.mulf %bitcast_convert_type3A_763, %get3A_723 : vector<16xf32>
          %add3A_771 = arith.addf %add3A_639, %mul3A_770 : vector<16xf32>
          %add3A_772 = arith.constant 32 : i32
          %add3A_773 = arith.addi %mul3A_163, %add3A_772 : i32
          %get3A_774 = arith.constant 1 : i32
          %get3A_775 = arith.index_cast %get3A_774 : i32 to index
          %get3A_776 = arith.index_cast %add3A_691 : i32 to index
          %get3A_777 = arith.index_cast %add3A_773 : i32 to index
          %get3A_778 = tpu.vector_load %arg8[%get3A_775, %get3A_776, %get3A_777] {strides = array<i32>} : memref<2x32x1024xf32, #tpu.memory_space<vmem>>, vector<1x1x16xf32>,
          %get3A_779 = vector.shape_cast %get3A_778 : vector<1x1x16xf32> to vector<16xf32>
          %bitcast_convert_type3A_780 = tpu.bitcast %get3A_779 : vector<16xf32> -> vector<16xi32>
          %add3A_781 = arith.constant 32768 : i32
          %add3A_782 = vector.broadcast %add3A_781 : i32 to vector<16xi32>
          %add3A_783 = arith.addi %bitcast_convert_type3A_780, %add3A_782 : vector<16xi32>
          %and3A_784 = arith.constant -65536 : i32
          %and3A_785 = vector.broadcast %and3A_784 : i32 to vector<16xi32>
          %and3A_786 = arith.andi %add3A_783, %and3A_785 : vector<16xi32>
          %bitcast_convert_type3A_787 = tpu.bitcast %and3A_786 : vector<16xi32> -> vector<16xf32>
          %mul3A_788 = arith.mulf %bitcast_convert_type3A_787, %get3A_699 : vector<16xf32>
          %add3A_789 = arith.addf %add3A_657, %mul3A_788 : vector<16xf32>
          %mul3A_790 = arith.mulf %bitcast_convert_type3A_787, %get3A_707 : vector<16xf32>
          %add3A_791 = arith.addf %add3A_659, %mul3A_790 : vector<16xf32>
          %mul3A_792 = arith.mulf %bitcast_convert_type3A_787, %get3A_715 : vector<16xf32>
          %add3A_793 = arith.addf %add3A_661, %mul3A_792 : vector<16xf32>
          %mul3A_794 = arith.mulf %bitcast_convert_type3A_787, %get3A_723 : vector<16xf32>
          %add3A_795 = arith.addf %add3A_663, %mul3A_794 : vector<16xf32>
          %add3A_796 = arith.constant 48 : i32
          %add3A_797 = arith.addi %mul3A_163, %add3A_796 : i32
          %get3A_798 = arith.constant 1 : i32
          %get3A_799 = arith.index_cast %get3A_798 : i32 to index
          %get3A_800 = arith.index_cast %add3A_691 : i32 to index
          %get3A_801 = arith.index_cast %add3A_797 : i32 to index
          %get3A_802 = tpu.vector_load %arg8[%get3A_799, %get3A_800, %get3A_801] {strides = array<i32>} : memref<2x32x1024xf32, #tpu.memory_space<vmem>>, vector<1x1x16xf32>,
          %get3A_803 = vector.shape_cast %get3A_802 : vector<1x1x16xf32> to vector<16xf32>
          %bitcast_convert_type3A_804 = tpu.bitcast %get3A_803 : vector<16xf32> -> vector<16xi32>
          %add3A_805 = arith.constant 32768 : i32
          %add3A_806 = vector.broadcast %add3A_805 : i32 to vector<16xi32>
          %add3A_807 = arith.addi %bitcast_convert_type3A_804, %add3A_806 : vector<16xi32>
          %and3A_808 = arith.constant -65536 : i32
          %and3A_809 = vector.broadcast %and3A_808 : i32 to vector<16xi32>
          %and3A_810 = arith.andi %add3A_807, %and3A_809 : vector<16xi32>
          %bitcast_convert_type3A_811 = tpu.bitcast %and3A_810 : vector<16xi32> -> vector<16xf32>
          %mul3A_812 = arith.mulf %bitcast_convert_type3A_811, %get3A_699 : vector<16xf32>
          %add3A_813 = arith.addf %add3A_681, %mul3A_812 : vector<16xf32>
          %mul3A_814 = arith.mulf %bitcast_convert_type3A_811, %get3A_707 : vector<16xf32>
          %add3A_815 = arith.addf %add3A_683, %mul3A_814 : vector<16xf32>
          %mul3A_816 = arith.mulf %bitcast_convert_type3A_811, %get3A_715 : vector<16xf32>
          %add3A_817 = arith.addf %add3A_685, %mul3A_816 : vector<16xf32>
          %mul3A_818 = arith.mulf %bitcast_convert_type3A_811, %get3A_723 : vector<16xf32>
          %add3A_819 = arith.addf %add3A_687, %mul3A_818 : vector<16xf32>
          %mul3A_820 = arith.constant 4 : i32
          %mul3A_821 = arith.muli %scan3A_408, %mul3A_820 : i32
          %add3A_822 = arith.constant 3 : i32
          %add3A_823 = arith.addi %mul3A_821, %add3A_822 : i32
          %add3A_824 = arith.addi %mul3A_147, %add3A_823 : i32
          %mul3A_825 = arith.constant 16 : i32
          %mul3A_826 = arith.muli %add3A_824, %mul3A_825 : i32
          %get3A_827 = arith.constant 0 : i32
          %get3A_828 = arith.index_cast %get3A_827 : i32 to index
          %get3A_829 = arith.index_cast %mul3A_826 : i32 to index
          %get3A_830 = tpu.vector_load %arg6[%get3A_828, %get3A_829] {strides = array<i32>} : memref<4x8192xf32, #tpu.memory_space<vmem>>, vector<1x16xf32>,
          %get3A_831 = vector.shape_cast %get3A_830 : vector<1x16xf32> to vector<16xf32>
          %add3A_832 = arith.addi %mul3A_147, %add3A_823 : i32
          %mul3A_833 = arith.constant 16 : i32
          %mul3A_834 = arith.muli %add3A_832, %mul3A_833 : i32
          %get3A_835 = arith.constant 1 : i32
          %get3A_836 = arith.index_cast %get3A_835 : i32 to index
          %get3A_837 = arith.index_cast %mul3A_834 : i32 to index
          %get3A_838 = tpu.vector_load %arg6[%get3A_836, %get3A_837] {strides = array<i32>} : memref<4x8192xf32, #tpu.memory_space<vmem>>, vector<1x16xf32>,
          %get3A_839 = vector.shape_cast %get3A_838 : vector<1x16xf32> to vector<16xf32>
          %add3A_840 = arith.addi %mul3A_147, %add3A_823 : i32
          %mul3A_841 = arith.constant 16 : i32
          %mul3A_842 = arith.muli %add3A_840, %mul3A_841 : i32
          %get3A_843 = arith.constant 2 : i32
          %get3A_844 = arith.index_cast %get3A_843 : i32 to index
          %get3A_845 = arith.index_cast %mul3A_842 : i32 to index
          %get3A_846 = tpu.vector_load %arg6[%get3A_844, %get3A_845] {strides = array<i32>} : memref<4x8192xf32, #tpu.memory_space<vmem>>, vector<1x16xf32>,
          %get3A_847 = vector.shape_cast %get3A_846 : vector<1x16xf32> to vector<16xf32>
          %add3A_848 = arith.addi %mul3A_147, %add3A_823 : i32
          %mul3A_849 = arith.constant 16 : i32
          %mul3A_850 = arith.muli %add3A_848, %mul3A_849 : i32
          %get3A_851 = arith.constant 3 : i32
          %get3A_852 = arith.index_cast %get3A_851 : i32 to index
          %get3A_853 = arith.index_cast %mul3A_850 : i32 to index
          %get3A_854 = tpu.vector_load %arg6[%get3A_852, %get3A_853] {strides = array<i32>} : memref<4x8192xf32, #tpu.memory_space<vmem>>, vector<1x16xf32>,
          %get3A_855 = vector.shape_cast %get3A_854 : vector<1x16xf32> to vector<16xf32>
          %add3A_856 = arith.constant 0 : i32
          %add3A_857 = arith.addi %mul3A_163, %add3A_856 : i32
          %get3A_858 = arith.constant 1 : i32
          %get3A_859 = arith.index_cast %get3A_858 : i32 to index
          %get3A_860 = arith.index_cast %add3A_823 : i32 to index
          %get3A_861 = arith.index_cast %add3A_857 : i32 to index
          %get3A_862 = tpu.vector_load %arg8[%get3A_859, %get3A_860, %get3A_861] {strides = array<i32>} : memref<2x32x1024xf32, #tpu.memory_space<vmem>>, vector<1x1x16xf32>,
          %get3A_863 = vector.shape_cast %get3A_862 : vector<1x1x16xf32> to vector<16xf32>
          %bitcast_convert_type3A_864 = tpu.bitcast %get3A_863 : vector<16xf32> -> vector<16xi32>
          %add3A_865 = arith.constant 32768 : i32
          %add3A_866 = vector.broadcast %add3A_865 : i32 to vector<16xi32>
          %add3A_867 = arith.addi %bitcast_convert_type3A_864, %add3A_866 : vector<16xi32>
          %and3A_868 = arith.constant -65536 : i32
          %and3A_869 = vector.broadcast %and3A_868 : i32 to vector<16xi32>
          %and3A_870 = arith.andi %add3A_867, %and3A_869 : vector<16xi32>
          %bitcast_convert_type3A_871 = tpu.bitcast %and3A_870 : vector<16xi32> -> vector<16xf32>
          %mul3A_872 = arith.mulf %bitcast_convert_type3A_871, %get3A_831 : vector<16xf32>
          %add3A_873 = arith.addf %add3A_741, %mul3A_872 : vector<16xf32>
          %mul3A_874 = arith.mulf %bitcast_convert_type3A_871, %get3A_839 : vector<16xf32>
          %add3A_875 = arith.addf %add3A_743, %mul3A_874 : vector<16xf32>
          %mul3A_876 = arith.mulf %bitcast_convert_type3A_871, %get3A_847 : vector<16xf32>
          %add3A_877 = arith.addf %add3A_745, %mul3A_876 : vector<16xf32>
          %mul3A_878 = arith.mulf %bitcast_convert_type3A_871, %get3A_855 : vector<16xf32>
          %add3A_879 = arith.addf %add3A_747, %mul3A_878 : vector<16xf32>
          %add3A_880 = arith.constant 16 : i32
          %add3A_881 = arith.addi %mul3A_163, %add3A_880 : i32
          %get3A_882 = arith.constant 1 : i32
          %get3A_883 = arith.index_cast %get3A_882 : i32 to index
          %get3A_884 = arith.index_cast %add3A_823 : i32 to index
          %get3A_885 = arith.index_cast %add3A_881 : i32 to index
          %get3A_886 = tpu.vector_load %arg8[%get3A_883, %get3A_884, %get3A_885] {strides = array<i32>} : memref<2x32x1024xf32, #tpu.memory_space<vmem>>, vector<1x1x16xf32>,
          %get3A_887 = vector.shape_cast %get3A_886 : vector<1x1x16xf32> to vector<16xf32>
          %bitcast_convert_type3A_888 = tpu.bitcast %get3A_887 : vector<16xf32> -> vector<16xi32>
          %add3A_889 = arith.constant 32768 : i32
          %add3A_890 = vector.broadcast %add3A_889 : i32 to vector<16xi32>
          %add3A_891 = arith.addi %bitcast_convert_type3A_888, %add3A_890 : vector<16xi32>
          %and3A_892 = arith.constant -65536 : i32
          %and3A_893 = vector.broadcast %and3A_892 : i32 to vector<16xi32>
          %and3A_894 = arith.andi %add3A_891, %and3A_893 : vector<16xi32>
          %bitcast_convert_type3A_895 = tpu.bitcast %and3A_894 : vector<16xi32> -> vector<16xf32>
          %mul3A_896 = arith.mulf %bitcast_convert_type3A_895, %get3A_831 : vector<16xf32>
          %add3A_897 = arith.addf %add3A_765, %mul3A_896 : vector<16xf32>
          %mul3A_898 = arith.mulf %bitcast_convert_type3A_895, %get3A_839 : vector<16xf32>
          %add3A_899 = arith.addf %add3A_767, %mul3A_898 : vector<16xf32>
          %mul3A_900 = arith.mulf %bitcast_convert_type3A_895, %get3A_847 : vector<16xf32>
          %add3A_901 = arith.addf %add3A_769, %mul3A_900 : vector<16xf32>
          %mul3A_902 = arith.mulf %bitcast_convert_type3A_895, %get3A_855 : vector<16xf32>
          %add3A_903 = arith.addf %add3A_771, %mul3A_902 : vector<16xf32>
          %add3A_904 = arith.constant 32 : i32
          %add3A_905 = arith.addi %mul3A_163, %add3A_904 : i32
          %get3A_906 = arith.constant 1 : i32
          %get3A_907 = arith.index_cast %get3A_906 : i32 to index
          %get3A_908 = arith.index_cast %add3A_823 : i32 to index
          %get3A_909 = arith.index_cast %add3A_905 : i32 to index
          %get3A_910 = tpu.vector_load %arg8[%get3A_907, %get3A_908, %get3A_909] {strides = array<i32>} : memref<2x32x1024xf32, #tpu.memory_space<vmem>>, vector<1x1x16xf32>,
          %get3A_911 = vector.shape_cast %get3A_910 : vector<1x1x16xf32> to vector<16xf32>
          %bitcast_convert_type3A_912 = tpu.bitcast %get3A_911 : vector<16xf32> -> vector<16xi32>
          %add3A_913 = arith.constant 32768 : i32
          %add3A_914 = vector.broadcast %add3A_913 : i32 to vector<16xi32>
          %add3A_915 = arith.addi %bitcast_convert_type3A_912, %add3A_914 : vector<16xi32>
          %and3A_916 = arith.constant -65536 : i32
          %and3A_917 = vector.broadcast %and3A_916 : i32 to vector<16xi32>
          %and3A_918 = arith.andi %add3A_915, %and3A_917 : vector<16xi32>
          %bitcast_convert_type3A_919 = tpu.bitcast %and3A_918 : vector<16xi32> -> vector<16xf32>
          %mul3A_920 = arith.mulf %bitcast_convert_type3A_919, %get3A_831 : vector<16xf32>
          %add3A_921 = arith.addf %add3A_789, %mul3A_920 : vector<16xf32>
          %mul3A_922 = arith.mulf %bitcast_convert_type3A_919, %get3A_839 : vector<16xf32>
          %add3A_923 = arith.addf %add3A_791, %mul3A_922 : vector<16xf32>
          %mul3A_924 = arith.mulf %bitcast_convert_type3A_919, %get3A_847 : vector<16xf32>
          %add3A_925 = arith.addf %add3A_793, %mul3A_924 : vector<16xf32>
          %mul3A_926 = arith.mulf %bitcast_convert_type3A_919, %get3A_855 : vector<16xf32>
          %add3A_927 = arith.addf %add3A_795, %mul3A_926 : vector<16xf32>
          %add3A_928 = arith.constant 48 : i32
          %add3A_929 = arith.addi %mul3A_163, %add3A_928 : i32
          %get3A_930 = arith.constant 1 : i32
          %get3A_931 = arith.index_cast %get3A_930 : i32 to index
          %get3A_932 = arith.index_cast %add3A_823 : i32 to index
          %get3A_933 = arith.index_cast %add3A_929 : i32 to index
          %get3A_934 = tpu.vector_load %arg8[%get3A_931, %get3A_932, %get3A_933] {strides = array<i32>} : memref<2x32x1024xf32, #tpu.memory_space<vmem>>, vector<1x1x16xf32>,
          %get3A_935 = vector.shape_cast %get3A_934 : vector<1x1x16xf32> to vector<16xf32>
          %bitcast_convert_type3A_936 = tpu.bitcast %get3A_935 : vector<16xf32> -> vector<16xi32>
          %add3A_937 = arith.constant 32768 : i32
          %add3A_938 = vector.broadcast %add3A_937 : i32 to vector<16xi32>
          %add3A_939 = arith.addi %bitcast_convert_type3A_936, %add3A_938 : vector<16xi32>
          %and3A_940 = arith.constant -65536 : i32
          %and3A_941 = vector.broadcast %and3A_940 : i32 to vector<16xi32>
          %and3A_942 = arith.andi %add3A_939, %and3A_941 : vector<16xi32>
          %bitcast_convert_type3A_943 = tpu.bitcast %and3A_942 : vector<16xi32> -> vector<16xf32>
          %mul3A_944 = arith.mulf %bitcast_convert_type3A_943, %get3A_831 : vector<16xf32>
          %add3A_945 = arith.addf %add3A_813, %mul3A_944 : vector<16xf32>
          %mul3A_946 = arith.mulf %bitcast_convert_type3A_943, %get3A_839 : vector<16xf32>
          %add3A_947 = arith.addf %add3A_815, %mul3A_946 : vector<16xf32>
          %mul3A_948 = arith.mulf %bitcast_convert_type3A_943, %get3A_847 : vector<16xf32>
          %add3A_949 = arith.addf %add3A_817, %mul3A_948 : vector<16xf32>
          %mul3A_950 = arith.mulf %bitcast_convert_type3A_943, %get3A_855 : vector<16xf32>
          %add3A_951 = arith.addf %add3A_819, %mul3A_950 : vector<16xf32>
          scf.yield %add3A_873, %add3A_897, %add3A_921, %add3A_945, %add3A_875, %add3A_899, %add3A_923, %add3A_947, %add3A_877, %add3A_901, %add3A_925, %add3A_949, %add3A_879, %add3A_903, %add3A_927, %add3A_951 : vector<16xf32>, vector<16xf32>, vector<16xf32>, vector<16xf32>, vector<16xf32>, vector<16xf32>, vector<16xf32>, vector<16xf32>, vector<16xf32>, vector<16xf32>, vector<16xf32>, vector<16xf32>, vector<16xf32>, vector<16xf32>, vector<16xf32>, vector<16xf32>
        }
        %scan3A_280 = arith.constant 8 : i32
        %add3A_281 = arith.constant 0 : i32
        %add3A_282 = arith.addi %mul3A_163, %add3A_281 : i32
        %swap3A = arith.constant 0 : i32
        %swap3A_283 = arith.index_cast %swap3A : i32 to index
        %swap3A_284 = arith.index_cast %add3A_282 : i32 to index
        %swap3A_285 = tpu.vector_load %arg9[%swap3A_283, %swap3A_284] {strides = array<i32>} : memref<4x1024xf32, #tpu.memory_space<vmem>>, vector<1x16xf32>,
        %swap3A_286 = vector.shape_cast %swap3A_285 : vector<1x16xf32> to vector<16xf32>
        %swap3A_287 = vector.shape_cast %scan3A_279#0 : vector<16xf32> to vector<1x16xf32>
        tpu.vector_store %arg9[%swap3A_283, %swap3A_284], %swap3A_287 {strides = array<i32>} : memref<4x1024xf32, #tpu.memory_space<vmem>>, vector<1x16xf32>,
        %add3A_288 = arith.constant 16 : i32
        %add3A_289 = arith.addi %mul3A_163, %add3A_288 : i32
        %swap3A_290 = arith.constant 0 : i32
        %swap3A_291 = arith.index_cast %swap3A_290 : i32 to index
        %swap3A_292 = arith.index_cast %add3A_289 : i32 to index
        %swap3A_293 = tpu.vector_load %arg9[%swap3A_291, %swap3A_292] {strides = array<i32>} : memref<4x1024xf32, #tpu.memory_space<vmem>>, vector<1x16xf32>,
        %swap3A_294 = vector.shape_cast %swap3A_293 : vector<1x16xf32> to vector<16xf32>
        %swap3A_295 = vector.shape_cast %scan3A_279#1 : vector<16xf32> to vector<1x16xf32>
        tpu.vector_store %arg9[%swap3A_291, %swap3A_292], %swap3A_295 {strides = array<i32>} : memref<4x1024xf32, #tpu.memory_space<vmem>>, vector<1x16xf32>,
        %add3A_296 = arith.constant 32 : i32
        %add3A_297 = arith.addi %mul3A_163, %add3A_296 : i32
        %swap3A_298 = arith.constant 0 : i32
        %swap3A_299 = arith.index_cast %swap3A_298 : i32 to index
        %swap3A_300 = arith.index_cast %add3A_297 : i32 to index
        %swap3A_301 = tpu.vector_load %arg9[%swap3A_299, %swap3A_300] {strides = array<i32>} : memref<4x1024xf32, #tpu.memory_space<vmem>>, vector<1x16xf32>,
        %swap3A_302 = vector.shape_cast %swap3A_301 : vector<1x16xf32> to vector<16xf32>
        %swap3A_303 = vector.shape_cast %scan3A_279#2 : vector<16xf32> to vector<1x16xf32>
        tpu.vector_store %arg9[%swap3A_299, %swap3A_300], %swap3A_303 {strides = array<i32>} : memref<4x1024xf32, #tpu.memory_space<vmem>>, vector<1x16xf32>,
        %add3A_304 = arith.constant 48 : i32
        %add3A_305 = arith.addi %mul3A_163, %add3A_304 : i32
        %swap3A_306 = arith.constant 0 : i32
        %swap3A_307 = arith.index_cast %swap3A_306 : i32 to index
        %swap3A_308 = arith.index_cast %add3A_305 : i32 to index
        %swap3A_309 = tpu.vector_load %arg9[%swap3A_307, %swap3A_308] {strides = array<i32>} : memref<4x1024xf32, #tpu.memory_space<vmem>>, vector<1x16xf32>,
        %swap3A_310 = vector.shape_cast %swap3A_309 : vector<1x16xf32> to vector<16xf32>
        %swap3A_311 = vector.shape_cast %scan3A_279#3 : vector<16xf32> to vector<1x16xf32>
        tpu.vector_store %arg9[%swap3A_307, %swap3A_308], %swap3A_311 {strides = array<i32>} : memref<4x1024xf32, #tpu.memory_space<vmem>>, vector<1x16xf32>,
        %add3A_312 = arith.constant 0 : i32
        %add3A_313 = arith.addi %mul3A_163, %add3A_312 : i32
        %swap3A_314 = arith.constant 1 : i32
        %swap3A_315 = arith.index_cast %swap3A_314 : i32 to index
        %swap3A_316 = arith.index_cast %add3A_313 : i32 to index
        %swap3A_317 = tpu.vector_load %arg9[%swap3A_315, %swap3A_316] {strides = array<i32>} : memref<4x1024xf32, #tpu.memory_space<vmem>>, vector<1x16xf32>,
        %swap3A_318 = vector.shape_cast %swap3A_317 : vector<1x16xf32> to vector<16xf32>
        %swap3A_319 = vector.shape_cast %scan3A_279#4 : vector<16xf32> to vector<1x16xf32>
        tpu.vector_store %arg9[%swap3A_315, %swap3A_316], %swap3A_319 {strides = array<i32>} : memref<4x1024xf32, #tpu.memory_space<vmem>>, vector<1x16xf32>,
        %add3A_320 = arith.constant 16 : i32
        %add3A_321 = arith.addi %mul3A_163, %add3A_320 : i32
        %swap3A_322 = arith.constant 1 : i32
        %swap3A_323 = arith.index_cast %swap3A_322 : i32 to index
        %swap3A_324 = arith.index_cast %add3A_321 : i32 to index
        %swap3A_325 = tpu.vector_load %arg9[%swap3A_323, %swap3A_324] {strides = array<i32>} : memref<4x1024xf32, #tpu.memory_space<vmem>>, vector<1x16xf32>,
        %swap3A_326 = vector.shape_cast %swap3A_325 : vector<1x16xf32> to vector<16xf32>
        %swap3A_327 = vector.shape_cast %scan3A_279#5 : vector<16xf32> to vector<1x16xf32>
        tpu.vector_store %arg9[%swap3A_323, %swap3A_324], %swap3A_327 {strides = array<i32>} : memref<4x1024xf32, #tpu.memory_space<vmem>>, vector<1x16xf32>,
        %add3A_328 = arith.constant 32 : i32
        %add3A_329 = arith.addi %mul3A_163, %add3A_328 : i32
        %swap3A_330 = arith.constant 1 : i32
        %swap3A_331 = arith.index_cast %swap3A_330 : i32 to index
        %swap3A_332 = arith.index_cast %add3A_329 : i32 to index
        %swap3A_333 = tpu.vector_load %arg9[%swap3A_331, %swap3A_332] {strides = array<i32>} : memref<4x1024xf32, #tpu.memory_space<vmem>>, vector<1x16xf32>,
        %swap3A_334 = vector.shape_cast %swap3A_333 : vector<1x16xf32> to vector<16xf32>
        %swap3A_335 = vector.shape_cast %scan3A_279#6 : vector<16xf32> to vector<1x16xf32>
        tpu.vector_store %arg9[%swap3A_331, %swap3A_332], %swap3A_335 {strides = array<i32>} : memref<4x1024xf32, #tpu.memory_space<vmem>>, vector<1x16xf32>,
        %add3A_336 = arith.constant 48 : i32
        %add3A_337 = arith.addi %mul3A_163, %add3A_336 : i32
        %swap3A_338 = arith.constant 1 : i32
        %swap3A_339 = arith.index_cast %swap3A_338 : i32 to index
        %swap3A_340 = arith.index_cast %add3A_337 : i32 to index
        %swap3A_341 = tpu.vector_load %arg9[%swap3A_339, %swap3A_340] {strides = array<i32>} : memref<4x1024xf32, #tpu.memory_space<vmem>>, vector<1x16xf32>,
        %swap3A_342 = vector.shape_cast %swap3A_341 : vector<1x16xf32> to vector<16xf32>
        %swap3A_343 = vector.shape_cast %scan3A_279#7 : vector<16xf32> to vector<1x16xf32>
        tpu.vector_store %arg9[%swap3A_339, %swap3A_340], %swap3A_343 {strides = array<i32>} : memref<4x1024xf32, #tpu.memory_space<vmem>>, vector<1x16xf32>,
        %add3A_344 = arith.constant 0 : i32
        %add3A_345 = arith.addi %mul3A_163, %add3A_344 : i32
        %swap3A_346 = arith.constant 2 : i32
        %swap3A_347 = arith.index_cast %swap3A_346 : i32 to index
        %swap3A_348 = arith.index_cast %add3A_345 : i32 to index
        %swap3A_349 = tpu.vector_load %arg9[%swap3A_347, %swap3A_348] {strides = array<i32>} : memref<4x1024xf32, #tpu.memory_space<vmem>>, vector<1x16xf32>,
        %swap3A_350 = vector.shape_cast %swap3A_349 : vector<1x16xf32> to vector<16xf32>
        %swap3A_351 = vector.shape_cast %scan3A_279#8 : vector<16xf32> to vector<1x16xf32>
        tpu.vector_store %arg9[%swap3A_347, %swap3A_348], %swap3A_351 {strides = array<i32>} : memref<4x1024xf32, #tpu.memory_space<vmem>>, vector<1x16xf32>,
        %add3A_352 = arith.constant 16 : i32
        %add3A_353 = arith.addi %mul3A_163, %add3A_352 : i32
        %swap3A_354 = arith.constant 2 : i32
        %swap3A_355 = arith.index_cast %swap3A_354 : i32 to index
        %swap3A_356 = arith.index_cast %add3A_353 : i32 to index
        %swap3A_357 = tpu.vector_load %arg9[%swap3A_355, %swap3A_356] {strides = array<i32>} : memref<4x1024xf32, #tpu.memory_space<vmem>>, vector<1x16xf32>,
        %swap3A_358 = vector.shape_cast %swap3A_357 : vector<1x16xf32> to vector<16xf32>
        %swap3A_359 = vector.shape_cast %scan3A_279#9 : vector<16xf32> to vector<1x16xf32>
        tpu.vector_store %arg9[%swap3A_355, %swap3A_356], %swap3A_359 {strides = array<i32>} : memref<4x1024xf32, #tpu.memory_space<vmem>>, vector<1x16xf32>,
        %add3A_360 = arith.constant 32 : i32
        %add3A_361 = arith.addi %mul3A_163, %add3A_360 : i32
        %swap3A_362 = arith.constant 2 : i32
        %swap3A_363 = arith.index_cast %swap3A_362 : i32 to index
        %swap3A_364 = arith.index_cast %add3A_361 : i32 to index
        %swap3A_365 = tpu.vector_load %arg9[%swap3A_363, %swap3A_364] {strides = array<i32>} : memref<4x1024xf32, #tpu.memory_space<vmem>>, vector<1x16xf32>,
        %swap3A_366 = vector.shape_cast %swap3A_365 : vector<1x16xf32> to vector<16xf32>
        %swap3A_367 = vector.shape_cast %scan3A_279#10 : vector<16xf32> to vector<1x16xf32>
        tpu.vector_store %arg9[%swap3A_363, %swap3A_364], %swap3A_367 {strides = array<i32>} : memref<4x1024xf32, #tpu.memory_space<vmem>>, vector<1x16xf32>,
        %add3A_368 = arith.constant 48 : i32
        %add3A_369 = arith.addi %mul3A_163, %add3A_368 : i32
        %swap3A_370 = arith.constant 2 : i32
        %swap3A_371 = arith.index_cast %swap3A_370 : i32 to index
        %swap3A_372 = arith.index_cast %add3A_369 : i32 to index
        %swap3A_373 = tpu.vector_load %arg9[%swap3A_371, %swap3A_372] {strides = array<i32>} : memref<4x1024xf32, #tpu.memory_space<vmem>>, vector<1x16xf32>,
        %swap3A_374 = vector.shape_cast %swap3A_373 : vector<1x16xf32> to vector<16xf32>
        %swap3A_375 = vector.shape_cast %scan3A_279#11 : vector<16xf32> to vector<1x16xf32>
        tpu.vector_store %arg9[%swap3A_371, %swap3A_372], %swap3A_375 {strides = array<i32>} : memref<4x1024xf32, #tpu.memory_space<vmem>>, vector<1x16xf32>,
        %add3A_376 = arith.constant 0 : i32
        %add3A_377 = arith.addi %mul3A_163, %add3A_376 : i32
        %swap3A_378 = arith.constant 3 : i32
        %swap3A_379 = arith.index_cast %swap3A_378 : i32 to index
        %swap3A_380 = arith.index_cast %add3A_377 : i32 to index
        %swap3A_381 = tpu.vector_load %arg9[%swap3A_379, %swap3A_380] {strides = array<i32>} : memref<4x1024xf32, #tpu.memory_space<vmem>>, vector<1x16xf32>,
        %swap3A_382 = vector.shape_cast %swap3A_381 : vector<1x16xf32> to vector<16xf32>
        %swap3A_383 = vector.shape_cast %scan3A_279#12 : vector<16xf32> to vector<1x16xf32>
        tpu.vector_store %arg9[%swap3A_379, %swap3A_380], %swap3A_383 {strides = array<i32>} : memref<4x1024xf32, #tpu.memory_space<vmem>>, vector<1x16xf32>,
        %add3A_384 = arith.constant 16 : i32
        %add3A_385 = arith.addi %mul3A_163, %add3A_384 : i32
        %swap3A_386 = arith.constant 3 : i32
        %swap3A_387 = arith.index_cast %swap3A_386 : i32 to index
        %swap3A_388 = arith.index_cast %add3A_385 : i32 to index
        %swap3A_389 = tpu.vector_load %arg9[%swap3A_387, %swap3A_388] {strides = array<i32>} : memref<4x1024xf32, #tpu.memory_space<vmem>>, vector<1x16xf32>,
        %swap3A_390 = vector.shape_cast %swap3A_389 : vector<1x16xf32> to vector<16xf32>
        %swap3A_391 = vector.shape_cast %scan3A_279#13 : vector<16xf32> to vector<1x16xf32>
        tpu.vector_store %arg9[%swap3A_387, %swap3A_388], %swap3A_391 {strides = array<i32>} : memref<4x1024xf32, #tpu.memory_space<vmem>>, vector<1x16xf32>,
        %add3A_392 = arith.constant 32 : i32
        %add3A_393 = arith.addi %mul3A_163, %add3A_392 : i32
        %swap3A_394 = arith.constant 3 : i32
        %swap3A_395 = arith.index_cast %swap3A_394 : i32 to index
        %swap3A_396 = arith.index_cast %add3A_393 : i32 to index
        %swap3A_397 = tpu.vector_load %arg9[%swap3A_395, %swap3A_396] {strides = array<i32>} : memref<4x1024xf32, #tpu.memory_space<vmem>>, vector<1x16xf32>,
        %swap3A_398 = vector.shape_cast %swap3A_397 : vector<1x16xf32> to vector<16xf32>
        %swap3A_399 = vector.shape_cast %scan3A_279#14 : vector<16xf32> to vector<1x16xf32>
        tpu.vector_store %arg9[%swap3A_395, %swap3A_396], %swap3A_399 {strides = array<i32>} : memref<4x1024xf32, #tpu.memory_space<vmem>>, vector<1x16xf32>,
        %add3A_400 = arith.constant 48 : i32
        %add3A_401 = arith.addi %mul3A_163, %add3A_400 : i32
        %swap3A_402 = arith.constant 3 : i32
        %swap3A_403 = arith.index_cast %swap3A_402 : i32 to index
        %swap3A_404 = arith.index_cast %add3A_401 : i32 to index
        %swap3A_405 = tpu.vector_load %arg9[%swap3A_403, %swap3A_404] {strides = array<i32>} : memref<4x1024xf32, #tpu.memory_space<vmem>>, vector<1x16xf32>,
        %swap3A_406 = vector.shape_cast %swap3A_405 : vector<1x16xf32> to vector<16xf32>
        %swap3A_407 = vector.shape_cast %scan3A_279#15 : vector<16xf32> to vector<1x16xf32>
        tpu.vector_store %arg9[%swap3A_403, %swap3A_404], %swap3A_407 {strides = array<i32>} : memref<4x1024xf32, #tpu.memory_space<vmem>>, vector<1x16xf32>,
      }
      %scan3A_153 = arith.constant 16 : i32
      %add3A_154 = arith.constant 2 : i32
      %add3A_155 = arith.addi %add3A_130, %add3A_154 : i32
      %lt3A_156 = arith.constant 16 : i32
      %lt3A_157 = arith.cmpi slt, %add3A_155, %lt3A_156 : i32
      %convert_element_type3A_158 = arith.extui %lt3A_157 : i1 to i32
      %cond3A_159 = arith.constant 0 : i32
      %cond3A_160 = arith.cmpi ne, %convert_element_type3A_158, %cond3A_159 : i32
      scf.if %cond3A_160 {
        %add3A_161 = arith.constant 2 : i32
        %add3A_162 = arith.addi %add3A_130, %add3A_161 : i32
        %mul3A_163 = arith.constant 32 : i32
        %mul3A_164 = arith.muli %add3A_162, %mul3A_163 : i32
        %dma_start3A_165 = arith.constant 1 : i32
        %dma_start3A_166 = arith.constant 0 : i32
        %dma_start3A_167 = arith.constant 0 : i32
        %dma_start3A_168 = tpu.memref_slice %arg8[%dma_start3A_165, %dma_start3A_166, %dma_start3A_167] : memref<2x32x1024xf32, #tpu.memory_space<vmem>> -> memref<1x32x1024xf32, #tpu.memory_space<vmem>>
        %dma_start3A_169 = tpu.memref_squeeze %dma_start3A_168 : memref<1x32x1024xf32, #tpu.memory_space<vmem>> -> memref<32x1024xf32, #tpu.memory_space<vmem>>
        %dma_start3A_170 = tpu.memref_slice %arg2[%select_n3A, %mul3A_164, %mul3A_48] : memref<16x512x2048xf32, #tpu.memory_space<hbm>> -> memref<1x32x1024xf32, #tpu.memory_space<hbm>>
        %dma_start3A_171 = tpu.memref_squeeze %dma_start3A_170 : memref<1x32x1024xf32, #tpu.memory_space<hbm>> -> memref<32x1024xf32, #tpu.memory_space<hbm>>
        %dma_start3A_172 = arith.constant 0 : i32
        %dma_start3A_173 = arith.constant 0 : i32
        %dma_start3A_174 = tpu.memref_slice %arg8[%dma_start3A_165, %dma_start3A_172, %dma_start3A_173] : memref<2x32x1024xf32, #tpu.memory_space<vmem>> -> memref<1x32x1024xf32, #tpu.memory_space<vmem>>
        %dma_start3A_175 = tpu.memref_squeeze %dma_start3A_174 : memref<1x32x1024xf32, #tpu.memory_space<vmem>> -> memref<32x1024xf32, #tpu.memory_space<vmem>>
        %dma_start3A_176 = tpu.memref_slice %arg2[%select_n3A, %mul3A_164, %mul3A_48] : memref<16x512x2048xf32, #tpu.memory_space<hbm>> -> memref<1x32x1024xf32, #tpu.memory_space<hbm>>
        %dma_start3A_177 = tpu.memref_squeeze %dma_start3A_176 : memref<1x32x1024xf32, #tpu.memory_space<hbm>> -> memref<32x1024xf32, #tpu.memory_space<hbm>>
        tpu.enqueue_dma source(%dma_start3A_177 : memref<32x1024xf32, #tpu.memory_space<hbm>>) target(%dma_start3A_175 : memref<32x1024xf32, #tpu.memory_space<vmem>>) target_semaphore(%arg12 : memref<!tpu.dma_semaphore, #tpu.memory_space<semaphore_mem>>)
      } else {
      }
    }
    %scan3A_88 = arith.constant 8 : i32
    %scan3A_89 = arith.constant 0 : i32
    %scan3A_90 = arith.constant 0 : i32
    %scan3A_91 = arith.constant 16 : i32
    %scan3A_92 = arith.addi %scan3A_90, %scan3A_91 : i32
    %scan3A_93 = arith.constant 1 : i32
    scf.for %scan3A_95 = %scan3A_90 to %scan3A_92 step %scan3A_93  : i32 {
      %mul3A_96 = arith.constant 64 : i32
      %mul3A_97 = arith.muli %scan3A_95, %mul3A_96 : i32
      %add3A_98 = arith.constant 0 : i32
      %add3A_99 = arith.addi %mul3A_97, %add3A_98 : i32
      %get3A = arith.constant 0 : i32
      %get3A_100 = arith.index_cast %get3A : i32 to index
      %get3A_101 = arith.index_cast %add3A_99 : i32 to index
      %get3A_102 = tpu.vector_load %arg9[%get3A_100, %get3A_101] {strides = array<i32>} : memref<4x1024xf32, #tpu.memory_space<vmem>>, vector<1x16xf32>,
      %get3A_103 = vector.shape_cast %get3A_102 : vector<1x16xf32> to vector<16xf32>
      %gt3A = arith.constant 0.255146444 : f32
      %gt3A_104 = vector.broadcast %gt3A : f32 to vector<16xf32>
      %gt3A_105 = arith.cmpf ogt, %get3A_103, %gt3A_104 : vector<16xf32>
      %jit3A_106 = arith.constant 1.000000e+00 : f32
      %jit3A_107 = arith.constant 0.000000e+00 : f32
      %broadcast_in_dim3A = vector.broadcast %jit3A_106 : f32 to vector<16xf32>
      %broadcast_in_dim3A_108 = vector.broadcast %jit3A_107 : f32 to vector<16xf32>
      %select_n3A_109 = arith.select %gt3A_105, %broadcast_in_dim3A, %broadcast_in_dim3A_108 : vector<16xi1>, vector<16xf32>
      %ge3A = arith.constant 0.971244692 : f32
      %ge3A_110 = vector.broadcast %ge3A : f32 to vector<16xf32>
      %ge3A_111 = arith.cmpf oge, %get3A_103, %ge3A_110 : vector<16xf32>
      %jit3A_112 = arith.constant 1.000000e+00 : f32
      %jit3A_113 = arith.constant 0.000000e+00 : f32
      %broadcast_in_dim3A_114 = vector.broadcast %jit3A_112 : f32 to vector<16xf32>
      %broadcast_in_dim3A_115 = vector.broadcast %jit3A_113 : f32 to vector<16xf32>
      %select_n3A_116 = arith.select %ge3A_111, %broadcast_in_dim3A_114, %broadcast_in_dim3A_115 : vector<16xi1>, vector<16xf32>
      %add3A_117 = arith.addf %select_n3A_109, %select_n3A_116 : vector<16xf32>
      %ge3A_118 = arith.constant -0.255146444 : f32
      %ge3A_119 = vector.broadcast %ge3A_118 : f32 to vector<16xf32>
      %ge3A_120 = arith.cmpf oge, %get3A_103, %ge3A_119 : vector<16xf32>
      %jit3A_121 = arith.constant 1.000000e+00 : f32
      %jit3A_122 = arith.constant 0.000000e+00 : f32
      %broadcast_in_dim3A_123 = vector.broadcast %jit3A_121 : f32 to vector<16xf32>
      %broadcast_in_dim3A_124 = vector.broadcast %jit3A_122 : f32 to vector<16xf32>
      %select_n3A_125 = arith.select %ge3A_120, %broadcast_in_dim3A_123, %broadcast_in_dim3A_124 : vector<16xi1>, vector<16xf32>
      %add3A_126 = arith.addf %add3A_117, %select_n3A_125 : vector<16xf32>
      %gt3A_127 = arith.constant -0.971244692 : f32
      %gt3A_128 = vector.broadcast %gt3A_127 : f32 to vector<16xf32>
      %gt3A_129 = arith.cmpf ogt, %get3A_103, %gt3A_128 : vector<16xf32>
      %jit3A_130 = arith.constant 1.000000e+00 : f32
      %jit3A_131 = arith.constant 0.000000e+00 : f32
      %broadcast_in_dim3A_132 = vector.broadcast %jit3A_130 : f32 to vector<16xf32>
      %broadcast_in_dim3A_133 = vector.broadcast %jit3A_131 : f32 to vector<16xf32>
      %select_n3A_134 = arith.select %gt3A_129, %broadcast_in_dim3A_132, %broadcast_in_dim3A_133 : vector<16xi1>, vector<16xf32>
      %add3A_135 = arith.addf %add3A_126, %select_n3A_134 : vector<16xf32>
      %mul3A_136 = arith.constant 4.000000e+00 : f32
      %mul3A_137 = vector.broadcast %mul3A_136 : f32 to vector<16xf32>
      %mul3A_138 = arith.mulf %mul3A_137, %get3A_103 : vector<16xf32>
      %sub3A_139 = arith.constant 2.000000e+00 : f32
      %sub3A_140 = vector.broadcast %sub3A_139 : f32 to vector<16xf32>
      %sub3A_141 = arith.subf %add3A_135, %sub3A_140 : vector<16xf32>
      %mul3A_142 = arith.constant 2.000000e+00 : f32
      %mul3A_143 = vector.broadcast %mul3A_142 : f32 to vector<16xf32>
      %mul3A_144 = arith.mulf %mul3A_143, %sub3A_141 : vector<16xf32>
      %sub3A_145 = arith.subf %mul3A_138, %mul3A_144 : vector<16xf32>
      %gt3A_146 = arith.constant 0.255146444 : f32
      %gt3A_147 = vector.broadcast %gt3A_146 : f32 to vector<16xf32>
      %gt3A_148 = arith.cmpf ogt, %sub3A_145, %gt3A_147 : vector<16xf32>
      %jit3A_149 = arith.constant 1.000000e+00 : f32
      %jit3A_150 = arith.constant 0.000000e+00 : f32
      %broadcast_in_dim3A_151 = vector.broadcast %jit3A_149 : f32 to vector<16xf32>
      %broadcast_in_dim3A_152 = vector.broadcast %jit3A_150 : f32 to vector<16xf32>
      %select_n3A_153 = arith.select %gt3A_148, %broadcast_in_dim3A_151, %broadcast_in_dim3A_152 : vector<16xi1>, vector<16xf32>
      %ge3A_154 = arith.constant 0.971244692 : f32
      %ge3A_155 = vector.broadcast %ge3A_154 : f32 to vector<16xf32>
      %ge3A_156 = arith.cmpf oge, %sub3A_145, %ge3A_155 : vector<16xf32>
      %jit3A_157 = arith.constant 1.000000e+00 : f32
      %jit3A_158 = arith.constant 0.000000e+00 : f32
      %broadcast_in_dim3A_159 = vector.broadcast %jit3A_157 : f32 to vector<16xf32>
      %broadcast_in_dim3A_160 = vector.broadcast %jit3A_158 : f32 to vector<16xf32>
      %select_n3A_161 = arith.select %ge3A_156, %broadcast_in_dim3A_159, %broadcast_in_dim3A_160 : vector<16xi1>, vector<16xf32>
      %add3A_162 = arith.addf %select_n3A_153, %select_n3A_161 : vector<16xf32>
      %ge3A_163 = arith.constant -0.255146444 : f32
      %ge3A_164 = vector.broadcast %ge3A_163 : f32 to vector<16xf32>
      %ge3A_165 = arith.cmpf oge, %sub3A_145, %ge3A_164 : vector<16xf32>
      %jit3A_166 = arith.constant 1.000000e+00 : f32
      %jit3A_167 = arith.constant 0.000000e+00 : f32
      %broadcast_in_dim3A_168 = vector.broadcast %jit3A_166 : f32 to vector<16xf32>
      %broadcast_in_dim3A_169 = vector.broadcast %jit3A_167 : f32 to vector<16xf32>
      %select_n3A_170 = arith.select %ge3A_165, %broadcast_in_dim3A_168, %broadcast_in_dim3A_169 : vector<16xi1>, vector<16xf32>
      %add3A_171 = arith.addf %add3A_162, %select_n3A_170 : vector<16xf32>
      %gt3A_172 = arith.constant -0.971244692 : f32
      %gt3A_173 = vector.broadcast %gt3A_172 : f32 to vector<16xf32>
      %gt3A_174 = arith.cmpf ogt, %sub3A_145, %gt3A_173 : vector<16xf32>
      %jit3A_175 = arith.constant 1.000000e+00 : f32
      %jit3A_176 = arith.constant 0.000000e+00 : f32
      %broadcast_in_dim3A_177 = vector.broadcast %jit3A_175 : f32 to vector<16xf32>
      %broadcast_in_dim3A_178 = vector.broadcast %jit3A_176 : f32 to vector<16xf32>
      %select_n3A_179 = arith.select %gt3A_174, %broadcast_in_dim3A_177, %broadcast_in_dim3A_178 : vector<16xi1>, vector<16xf32>
      %add3A_180 = arith.addf %add3A_171, %select_n3A_179 : vector<16xf32>
      %mul3A_181 = arith.constant 1.000000e+00 : f32
      %mul3A_182 = vector.broadcast %mul3A_181 : f32 to vector<16xf32>
      %mul3A_183 = arith.mulf %add3A_135, %mul3A_182 : vector<16xf32>
      %mul3A_184 = arith.constant 1.000000e+00 : f32
      %mul3A_185 = vector.broadcast %mul3A_184 : f32 to vector<16xf32>
      %mul3A_186 = arith.mulf %add3A_180, %mul3A_185 : vector<16xf32>
      %add3A_187 = arith.constant 0 : i32
      %add3A_188 = arith.addi %mul3A_97, %add3A_187 : i32
      %get3A_189 = arith.constant 1 : i32
      %get3A_190 = arith.index_cast %get3A_189 : i32 to index
      %get3A_191 = arith.index_cast %add3A_188 : i32 to index
      %get3A_192 = tpu.vector_load %arg9[%get3A_190, %get3A_191] {strides = array<i32>} : memref<4x1024xf32, #tpu.memory_space<vmem>>, vector<1x16xf32>,
      %get3A_193 = vector.shape_cast %get3A_192 : vector<1x16xf32> to vector<16xf32>
      %gt3A_194 = arith.constant 0.255146444 : f32
      %gt3A_195 = vector.broadcast %gt3A_194 : f32 to vector<16xf32>
      %gt3A_196 = arith.cmpf ogt, %get3A_193, %gt3A_195 : vector<16xf32>
      %jit3A_197 = arith.constant 1.000000e+00 : f32
      %jit3A_198 = arith.constant 0.000000e+00 : f32
      %broadcast_in_dim3A_199 = vector.broadcast %jit3A_197 : f32 to vector<16xf32>
      %broadcast_in_dim3A_200 = vector.broadcast %jit3A_198 : f32 to vector<16xf32>
      %select_n3A_201 = arith.select %gt3A_196, %broadcast_in_dim3A_199, %broadcast_in_dim3A_200 : vector<16xi1>, vector<16xf32>
      %ge3A_202 = arith.constant 0.971244692 : f32
      %ge3A_203 = vector.broadcast %ge3A_202 : f32 to vector<16xf32>
      %ge3A_204 = arith.cmpf oge, %get3A_193, %ge3A_203 : vector<16xf32>
      %jit3A_205 = arith.constant 1.000000e+00 : f32
      %jit3A_206 = arith.constant 0.000000e+00 : f32
      %broadcast_in_dim3A_207 = vector.broadcast %jit3A_205 : f32 to vector<16xf32>
      %broadcast_in_dim3A_208 = vector.broadcast %jit3A_206 : f32 to vector<16xf32>
      %select_n3A_209 = arith.select %ge3A_204, %broadcast_in_dim3A_207, %broadcast_in_dim3A_208 : vector<16xi1>, vector<16xf32>
      %add3A_210 = arith.addf %select_n3A_201, %select_n3A_209 : vector<16xf32>
      %ge3A_211 = arith.constant -0.255146444 : f32
      %ge3A_212 = vector.broadcast %ge3A_211 : f32 to vector<16xf32>
      %ge3A_213 = arith.cmpf oge, %get3A_193, %ge3A_212 : vector<16xf32>
      %jit3A_214 = arith.constant 1.000000e+00 : f32
      %jit3A_215 = arith.constant 0.000000e+00 : f32
      %broadcast_in_dim3A_216 = vector.broadcast %jit3A_214 : f32 to vector<16xf32>
      %broadcast_in_dim3A_217 = vector.broadcast %jit3A_215 : f32 to vector<16xf32>
      %select_n3A_218 = arith.select %ge3A_213, %broadcast_in_dim3A_216, %broadcast_in_dim3A_217 : vector<16xi1>, vector<16xf32>
      %add3A_219 = arith.addf %add3A_210, %select_n3A_218 : vector<16xf32>
      %gt3A_220 = arith.constant -0.971244692 : f32
      %gt3A_221 = vector.broadcast %gt3A_220 : f32 to vector<16xf32>
      %gt3A_222 = arith.cmpf ogt, %get3A_193, %gt3A_221 : vector<16xf32>
      %jit3A_223 = arith.constant 1.000000e+00 : f32
      %jit3A_224 = arith.constant 0.000000e+00 : f32
      %broadcast_in_dim3A_225 = vector.broadcast %jit3A_223 : f32 to vector<16xf32>
      %broadcast_in_dim3A_226 = vector.broadcast %jit3A_224 : f32 to vector<16xf32>
      %select_n3A_227 = arith.select %gt3A_222, %broadcast_in_dim3A_225, %broadcast_in_dim3A_226 : vector<16xi1>, vector<16xf32>
      %add3A_228 = arith.addf %add3A_219, %select_n3A_227 : vector<16xf32>
      %mul3A_229 = arith.constant 4.000000e+00 : f32
      %mul3A_230 = vector.broadcast %mul3A_229 : f32 to vector<16xf32>
      %mul3A_231 = arith.mulf %mul3A_230, %get3A_193 : vector<16xf32>
      %sub3A_232 = arith.constant 2.000000e+00 : f32
      %sub3A_233 = vector.broadcast %sub3A_232 : f32 to vector<16xf32>
      %sub3A_234 = arith.subf %add3A_228, %sub3A_233 : vector<16xf32>
      %mul3A_235 = arith.constant 2.000000e+00 : f32
      %mul3A_236 = vector.broadcast %mul3A_235 : f32 to vector<16xf32>
      %mul3A_237 = arith.mulf %mul3A_236, %sub3A_234 : vector<16xf32>
      %sub3A_238 = arith.subf %mul3A_231, %mul3A_237 : vector<16xf32>
      %gt3A_239 = arith.constant 0.255146444 : f32
      %gt3A_240 = vector.broadcast %gt3A_239 : f32 to vector<16xf32>
      %gt3A_241 = arith.cmpf ogt, %sub3A_238, %gt3A_240 : vector<16xf32>
      %jit3A_242 = arith.constant 1.000000e+00 : f32
      %jit3A_243 = arith.constant 0.000000e+00 : f32
      %broadcast_in_dim3A_244 = vector.broadcast %jit3A_242 : f32 to vector<16xf32>
      %broadcast_in_dim3A_245 = vector.broadcast %jit3A_243 : f32 to vector<16xf32>
      %select_n3A_246 = arith.select %gt3A_241, %broadcast_in_dim3A_244, %broadcast_in_dim3A_245 : vector<16xi1>, vector<16xf32>
      %ge3A_247 = arith.constant 0.971244692 : f32
      %ge3A_248 = vector.broadcast %ge3A_247 : f32 to vector<16xf32>
      %ge3A_249 = arith.cmpf oge, %sub3A_238, %ge3A_248 : vector<16xf32>
      %jit3A_250 = arith.constant 1.000000e+00 : f32
      %jit3A_251 = arith.constant 0.000000e+00 : f32
      %broadcast_in_dim3A_252 = vector.broadcast %jit3A_250 : f32 to vector<16xf32>
      %broadcast_in_dim3A_253 = vector.broadcast %jit3A_251 : f32 to vector<16xf32>
      %select_n3A_254 = arith.select %ge3A_249, %broadcast_in_dim3A_252, %broadcast_in_dim3A_253 : vector<16xi1>, vector<16xf32>
      %add3A_255 = arith.addf %select_n3A_246, %select_n3A_254 : vector<16xf32>
      %ge3A_256 = arith.constant -0.255146444 : f32
      %ge3A_257 = vector.broadcast %ge3A_256 : f32 to vector<16xf32>
      %ge3A_258 = arith.cmpf oge, %sub3A_238, %ge3A_257 : vector<16xf32>
      %jit3A_259 = arith.constant 1.000000e+00 : f32
      %jit3A_260 = arith.constant 0.000000e+00 : f32
      %broadcast_in_dim3A_261 = vector.broadcast %jit3A_259 : f32 to vector<16xf32>
      %broadcast_in_dim3A_262 = vector.broadcast %jit3A_260 : f32 to vector<16xf32>
      %select_n3A_263 = arith.select %ge3A_258, %broadcast_in_dim3A_261, %broadcast_in_dim3A_262 : vector<16xi1>, vector<16xf32>
      %add3A_264 = arith.addf %add3A_255, %select_n3A_263 : vector<16xf32>
      %gt3A_265 = arith.constant -0.971244692 : f32
      %gt3A_266 = vector.broadcast %gt3A_265 : f32 to vector<16xf32>
      %gt3A_267 = arith.cmpf ogt, %sub3A_238, %gt3A_266 : vector<16xf32>
      %jit3A_268 = arith.constant 1.000000e+00 : f32
      %jit3A_269 = arith.constant 0.000000e+00 : f32
      %broadcast_in_dim3A_270 = vector.broadcast %jit3A_268 : f32 to vector<16xf32>
      %broadcast_in_dim3A_271 = vector.broadcast %jit3A_269 : f32 to vector<16xf32>
      %select_n3A_272 = arith.select %gt3A_267, %broadcast_in_dim3A_270, %broadcast_in_dim3A_271 : vector<16xi1>, vector<16xf32>
      %add3A_273 = arith.addf %add3A_264, %select_n3A_272 : vector<16xf32>
      %mul3A_274 = arith.constant 5.000000e+00 : f32
      %mul3A_275 = vector.broadcast %mul3A_274 : f32 to vector<16xf32>
      %mul3A_276 = arith.mulf %add3A_228, %mul3A_275 : vector<16xf32>
      %mul3A_277 = arith.constant 5.000000e+00 : f32
      %mul3A_278 = vector.broadcast %mul3A_277 : f32 to vector<16xf32>
      %mul3A_279 = arith.mulf %add3A_273, %mul3A_278 : vector<16xf32>
      %add3A_280 = arith.addf %mul3A_183, %mul3A_276 : vector<16xf32>
      %add3A_281 = arith.addf %mul3A_186, %mul3A_279 : vector<16xf32>
      %add3A_282 = arith.constant 0 : i32
      %add3A_283 = arith.addi %mul3A_97, %add3A_282 : i32
      %get3A_284 = arith.constant 2 : i32
      %get3A_285 = arith.index_cast %get3A_284 : i32 to index
      %get3A_286 = arith.index_cast %add3A_283 : i32 to index
      %get3A_287 = tpu.vector_load %arg9[%get3A_285, %get3A_286] {strides = array<i32>} : memref<4x1024xf32, #tpu.memory_space<vmem>>, vector<1x16xf32>,
      %get3A_288 = vector.shape_cast %get3A_287 : vector<1x16xf32> to vector<16xf32>
      %gt3A_289 = arith.constant 0.255146444 : f32
      %gt3A_290 = vector.broadcast %gt3A_289 : f32 to vector<16xf32>
      %gt3A_291 = arith.cmpf ogt, %get3A_288, %gt3A_290 : vector<16xf32>
      %jit3A_292 = arith.constant 1.000000e+00 : f32
      %jit3A_293 = arith.constant 0.000000e+00 : f32
      %broadcast_in_dim3A_294 = vector.broadcast %jit3A_292 : f32 to vector<16xf32>
      %broadcast_in_dim3A_295 = vector.broadcast %jit3A_293 : f32 to vector<16xf32>
      %select_n3A_296 = arith.select %gt3A_291, %broadcast_in_dim3A_294, %broadcast_in_dim3A_295 : vector<16xi1>, vector<16xf32>
      %ge3A_297 = arith.constant 0.971244692 : f32
      %ge3A_298 = vector.broadcast %ge3A_297 : f32 to vector<16xf32>
      %ge3A_299 = arith.cmpf oge, %get3A_288, %ge3A_298 : vector<16xf32>
      %jit3A_300 = arith.constant 1.000000e+00 : f32
      %jit3A_301 = arith.constant 0.000000e+00 : f32
      %broadcast_in_dim3A_302 = vector.broadcast %jit3A_300 : f32 to vector<16xf32>
      %broadcast_in_dim3A_303 = vector.broadcast %jit3A_301 : f32 to vector<16xf32>
      %select_n3A_304 = arith.select %ge3A_299, %broadcast_in_dim3A_302, %broadcast_in_dim3A_303 : vector<16xi1>, vector<16xf32>
      %add3A_305 = arith.addf %select_n3A_296, %select_n3A_304 : vector<16xf32>
      %ge3A_306 = arith.constant -0.255146444 : f32
      %ge3A_307 = vector.broadcast %ge3A_306 : f32 to vector<16xf32>
      %ge3A_308 = arith.cmpf oge, %get3A_288, %ge3A_307 : vector<16xf32>
      %jit3A_309 = arith.constant 1.000000e+00 : f32
      %jit3A_310 = arith.constant 0.000000e+00 : f32
      %broadcast_in_dim3A_311 = vector.broadcast %jit3A_309 : f32 to vector<16xf32>
      %broadcast_in_dim3A_312 = vector.broadcast %jit3A_310 : f32 to vector<16xf32>
      %select_n3A_313 = arith.select %ge3A_308, %broadcast_in_dim3A_311, %broadcast_in_dim3A_312 : vector<16xi1>, vector<16xf32>
      %add3A_314 = arith.addf %add3A_305, %select_n3A_313 : vector<16xf32>
      %gt3A_315 = arith.constant -0.971244692 : f32
      %gt3A_316 = vector.broadcast %gt3A_315 : f32 to vector<16xf32>
      %gt3A_317 = arith.cmpf ogt, %get3A_288, %gt3A_316 : vector<16xf32>
      %jit3A_318 = arith.constant 1.000000e+00 : f32
      %jit3A_319 = arith.constant 0.000000e+00 : f32
      %broadcast_in_dim3A_320 = vector.broadcast %jit3A_318 : f32 to vector<16xf32>
      %broadcast_in_dim3A_321 = vector.broadcast %jit3A_319 : f32 to vector<16xf32>
      %select_n3A_322 = arith.select %gt3A_317, %broadcast_in_dim3A_320, %broadcast_in_dim3A_321 : vector<16xi1>, vector<16xf32>
      %add3A_323 = arith.addf %add3A_314, %select_n3A_322 : vector<16xf32>
      %mul3A_324 = arith.constant 4.000000e+00 : f32
      %mul3A_325 = vector.broadcast %mul3A_324 : f32 to vector<16xf32>
      %mul3A_326 = arith.mulf %mul3A_325, %get3A_288 : vector<16xf32>
      %sub3A_327 = arith.constant 2.000000e+00 : f32
      %sub3A_328 = vector.broadcast %sub3A_327 : f32 to vector<16xf32>
      %sub3A_329 = arith.subf %add3A_323, %sub3A_328 : vector<16xf32>
      %mul3A_330 = arith.constant 2.000000e+00 : f32
      %mul3A_331 = vector.broadcast %mul3A_330 : f32 to vector<16xf32>
      %mul3A_332 = arith.mulf %mul3A_331, %sub3A_329 : vector<16xf32>
      %sub3A_333 = arith.subf %mul3A_326, %mul3A_332 : vector<16xf32>
      %gt3A_334 = arith.constant 0.255146444 : f32
      %gt3A_335 = vector.broadcast %gt3A_334 : f32 to vector<16xf32>
      %gt3A_336 = arith.cmpf ogt, %sub3A_333, %gt3A_335 : vector<16xf32>
      %jit3A_337 = arith.constant 1.000000e+00 : f32
      %jit3A_338 = arith.constant 0.000000e+00 : f32
      %broadcast_in_dim3A_339 = vector.broadcast %jit3A_337 : f32 to vector<16xf32>
      %broadcast_in_dim3A_340 = vector.broadcast %jit3A_338 : f32 to vector<16xf32>
      %select_n3A_341 = arith.select %gt3A_336, %broadcast_in_dim3A_339, %broadcast_in_dim3A_340 : vector<16xi1>, vector<16xf32>
      %ge3A_342 = arith.constant 0.971244692 : f32
      %ge3A_343 = vector.broadcast %ge3A_342 : f32 to vector<16xf32>
      %ge3A_344 = arith.cmpf oge, %sub3A_333, %ge3A_343 : vector<16xf32>
      %jit3A_345 = arith.constant 1.000000e+00 : f32
      %jit3A_346 = arith.constant 0.000000e+00 : f32
      %broadcast_in_dim3A_347 = vector.broadcast %jit3A_345 : f32 to vector<16xf32>
      %broadcast_in_dim3A_348 = vector.broadcast %jit3A_346 : f32 to vector<16xf32>
      %select_n3A_349 = arith.select %ge3A_344, %broadcast_in_dim3A_347, %broadcast_in_dim3A_348 : vector<16xi1>, vector<16xf32>
      %add3A_350 = arith.addf %select_n3A_341, %select_n3A_349 : vector<16xf32>
      %ge3A_351 = arith.constant -0.255146444 : f32
      %ge3A_352 = vector.broadcast %ge3A_351 : f32 to vector<16xf32>
      %ge3A_353 = arith.cmpf oge, %sub3A_333, %ge3A_352 : vector<16xf32>
      %jit3A_354 = arith.constant 1.000000e+00 : f32
      %jit3A_355 = arith.constant 0.000000e+00 : f32
      %broadcast_in_dim3A_356 = vector.broadcast %jit3A_354 : f32 to vector<16xf32>
      %broadcast_in_dim3A_357 = vector.broadcast %jit3A_355 : f32 to vector<16xf32>
      %select_n3A_358 = arith.select %ge3A_353, %broadcast_in_dim3A_356, %broadcast_in_dim3A_357 : vector<16xi1>, vector<16xf32>
      %add3A_359 = arith.addf %add3A_350, %select_n3A_358 : vector<16xf32>
      %gt3A_360 = arith.constant -0.971244692 : f32
      %gt3A_361 = vector.broadcast %gt3A_360 : f32 to vector<16xf32>
      %gt3A_362 = arith.cmpf ogt, %sub3A_333, %gt3A_361 : vector<16xf32>
      %jit3A_363 = arith.constant 1.000000e+00 : f32
      %jit3A_364 = arith.constant 0.000000e+00 : f32
      %broadcast_in_dim3A_365 = vector.broadcast %jit3A_363 : f32 to vector<16xf32>
      %broadcast_in_dim3A_366 = vector.broadcast %jit3A_364 : f32 to vector<16xf32>
      %select_n3A_367 = arith.select %gt3A_362, %broadcast_in_dim3A_365, %broadcast_in_dim3A_366 : vector<16xi1>, vector<16xf32>
      %add3A_368 = arith.addf %add3A_359, %select_n3A_367 : vector<16xf32>
      %mul3A_369 = arith.constant 2.500000e+01 : f32
      %mul3A_370 = vector.broadcast %mul3A_369 : f32 to vector<16xf32>
      %mul3A_371 = arith.mulf %add3A_323, %mul3A_370 : vector<16xf32>
      %mul3A_372 = arith.constant 2.500000e+01 : f32
      %mul3A_373 = vector.broadcast %mul3A_372 : f32 to vector<16xf32>
      %mul3A_374 = arith.mulf %add3A_368, %mul3A_373 : vector<16xf32>
      %add3A_375 = arith.addf %add3A_280, %mul3A_371 : vector<16xf32>
      %add3A_376 = arith.addf %add3A_281, %mul3A_374 : vector<16xf32>
      %add3A_377 = arith.constant 0 : i32
      %add3A_378 = arith.addi %mul3A_97, %add3A_377 : i32
      %get3A_379 = arith.constant 3 : i32
      %get3A_380 = arith.index_cast %get3A_379 : i32 to index
      %get3A_381 = arith.index_cast %add3A_378 : i32 to index
      %get3A_382 = tpu.vector_load %arg9[%get3A_380, %get3A_381] {strides = array<i32>} : memref<4x1024xf32, #tpu.memory_space<vmem>>, vector<1x16xf32>,
      %get3A_383 = vector.shape_cast %get3A_382 : vector<1x16xf32> to vector<16xf32>
      %gt3A_384 = arith.constant 0.255146444 : f32
      %gt3A_385 = vector.broadcast %gt3A_384 : f32 to vector<16xf32>
      %gt3A_386 = arith.cmpf ogt, %get3A_383, %gt3A_385 : vector<16xf32>
      %jit3A_387 = arith.constant 1.000000e+00 : f32
      %jit3A_388 = arith.constant 0.000000e+00 : f32
      %broadcast_in_dim3A_389 = vector.broadcast %jit3A_387 : f32 to vector<16xf32>
      %broadcast_in_dim3A_390 = vector.broadcast %jit3A_388 : f32 to vector<16xf32>
      %select_n3A_391 = arith.select %gt3A_386, %broadcast_in_dim3A_389, %broadcast_in_dim3A_390 : vector<16xi1>, vector<16xf32>
      %ge3A_392 = arith.constant 0.971244692 : f32
      %ge3A_393 = vector.broadcast %ge3A_392 : f32 to vector<16xf32>
      %ge3A_394 = arith.cmpf oge, %get3A_383, %ge3A_393 : vector<16xf32>
      %jit3A_395 = arith.constant 1.000000e+00 : f32
      %jit3A_396 = arith.constant 0.000000e+00 : f32
      %broadcast_in_dim3A_397 = vector.broadcast %jit3A_395 : f32 to vector<16xf32>
      %broadcast_in_dim3A_398 = vector.broadcast %jit3A_396 : f32 to vector<16xf32>
      %select_n3A_399 = arith.select %ge3A_394, %broadcast_in_dim3A_397, %broadcast_in_dim3A_398 : vector<16xi1>, vector<16xf32>
      %add3A_400 = arith.addf %select_n3A_391, %select_n3A_399 : vector<16xf32>
      %ge3A_401 = arith.constant -0.255146444 : f32
      %ge3A_402 = vector.broadcast %ge3A_401 : f32 to vector<16xf32>
      %ge3A_403 = arith.cmpf oge, %get3A_383, %ge3A_402 : vector<16xf32>
      %jit3A_404 = arith.constant 1.000000e+00 : f32
      %jit3A_405 = arith.constant 0.000000e+00 : f32
      %broadcast_in_dim3A_406 = vector.broadcast %jit3A_404 : f32 to vector<16xf32>
      %broadcast_in_dim3A_407 = vector.broadcast %jit3A_405 : f32 to vector<16xf32>
      %select_n3A_408 = arith.select %ge3A_403, %broadcast_in_dim3A_406, %broadcast_in_dim3A_407 : vector<16xi1>, vector<16xf32>
      %add3A_409 = arith.addf %add3A_400, %select_n3A_408 : vector<16xf32>
      %gt3A_410 = arith.constant -0.971244692 : f32
      %gt3A_411 = vector.broadcast %gt3A_410 : f32 to vector<16xf32>
      %gt3A_412 = arith.cmpf ogt, %get3A_383, %gt3A_411 : vector<16xf32>
      %jit3A_413 = arith.constant 1.000000e+00 : f32
      %jit3A_414 = arith.constant 0.000000e+00 : f32
      %broadcast_in_dim3A_415 = vector.broadcast %jit3A_413 : f32 to vector<16xf32>
      %broadcast_in_dim3A_416 = vector.broadcast %jit3A_414 : f32 to vector<16xf32>
      %select_n3A_417 = arith.select %gt3A_412, %broadcast_in_dim3A_415, %broadcast_in_dim3A_416 : vector<16xi1>, vector<16xf32>
      %add3A_418 = arith.addf %add3A_409, %select_n3A_417 : vector<16xf32>
      %mul3A_419 = arith.constant 4.000000e+00 : f32
      %mul3A_420 = vector.broadcast %mul3A_419 : f32 to vector<16xf32>
      %mul3A_421 = arith.mulf %mul3A_420, %get3A_383 : vector<16xf32>
      %sub3A_422 = arith.constant 2.000000e+00 : f32
      %sub3A_423 = vector.broadcast %sub3A_422 : f32 to vector<16xf32>
      %sub3A_424 = arith.subf %add3A_418, %sub3A_423 : vector<16xf32>
      %mul3A_425 = arith.constant 2.000000e+00 : f32
      %mul3A_426 = vector.broadcast %mul3A_425 : f32 to vector<16xf32>
      %mul3A_427 = arith.mulf %mul3A_426, %sub3A_424 : vector<16xf32>
      %sub3A_428 = arith.subf %mul3A_421, %mul3A_427 : vector<16xf32>
      %gt3A_429 = arith.constant 0.255146444 : f32
      %gt3A_430 = vector.broadcast %gt3A_429 : f32 to vector<16xf32>
      %gt3A_431 = arith.cmpf ogt, %sub3A_428, %gt3A_430 : vector<16xf32>
      %jit3A_432 = arith.constant 1.000000e+00 : f32
      %jit3A_433 = arith.constant 0.000000e+00 : f32
      %broadcast_in_dim3A_434 = vector.broadcast %jit3A_432 : f32 to vector<16xf32>
      %broadcast_in_dim3A_435 = vector.broadcast %jit3A_433 : f32 to vector<16xf32>
      %select_n3A_436 = arith.select %gt3A_431, %broadcast_in_dim3A_434, %broadcast_in_dim3A_435 : vector<16xi1>, vector<16xf32>
      %ge3A_437 = arith.constant 0.971244692 : f32
      %ge3A_438 = vector.broadcast %ge3A_437 : f32 to vector<16xf32>
      %ge3A_439 = arith.cmpf oge, %sub3A_428, %ge3A_438 : vector<16xf32>
      %jit3A_440 = arith.constant 1.000000e+00 : f32
      %jit3A_441 = arith.constant 0.000000e+00 : f32
      %broadcast_in_dim3A_442 = vector.broadcast %jit3A_440 : f32 to vector<16xf32>
      %broadcast_in_dim3A_443 = vector.broadcast %jit3A_441 : f32 to vector<16xf32>
      %select_n3A_444 = arith.select %ge3A_439, %broadcast_in_dim3A_442, %broadcast_in_dim3A_443 : vector<16xi1>, vector<16xf32>
      %add3A_445 = arith.addf %select_n3A_436, %select_n3A_444 : vector<16xf32>
      %ge3A_446 = arith.constant -0.255146444 : f32
      %ge3A_447 = vector.broadcast %ge3A_446 : f32 to vector<16xf32>
      %ge3A_448 = arith.cmpf oge, %sub3A_428, %ge3A_447 : vector<16xf32>
      %jit3A_449 = arith.constant 1.000000e+00 : f32
      %jit3A_450 = arith.constant 0.000000e+00 : f32
      %broadcast_in_dim3A_451 = vector.broadcast %jit3A_449 : f32 to vector<16xf32>
      %broadcast_in_dim3A_452 = vector.broadcast %jit3A_450 : f32 to vector<16xf32>
      %select_n3A_453 = arith.select %ge3A_448, %broadcast_in_dim3A_451, %broadcast_in_dim3A_452 : vector<16xi1>, vector<16xf32>
      %add3A_454 = arith.addf %add3A_445, %select_n3A_453 : vector<16xf32>
      %gt3A_455 = arith.constant -0.971244692 : f32
      %gt3A_456 = vector.broadcast %gt3A_455 : f32 to vector<16xf32>
      %gt3A_457 = arith.cmpf ogt, %sub3A_428, %gt3A_456 : vector<16xf32>
      %jit3A_458 = arith.constant 1.000000e+00 : f32
      %jit3A_459 = arith.constant 0.000000e+00 : f32
      %broadcast_in_dim3A_460 = vector.broadcast %jit3A_458 : f32 to vector<16xf32>
      %broadcast_in_dim3A_461 = vector.broadcast %jit3A_459 : f32 to vector<16xf32>
      %select_n3A_462 = arith.select %gt3A_457, %broadcast_in_dim3A_460, %broadcast_in_dim3A_461 : vector<16xi1>, vector<16xf32>
      %add3A_463 = arith.addf %add3A_454, %select_n3A_462 : vector<16xf32>
      %mul3A_464 = arith.constant 1.250000e+02 : f32
      %mul3A_465 = vector.broadcast %mul3A_464 : f32 to vector<16xf32>
      %mul3A_466 = arith.mulf %add3A_418, %mul3A_465 : vector<16xf32>
      %mul3A_467 = arith.constant 1.250000e+02 : f32
      %mul3A_468 = vector.broadcast %mul3A_467 : f32 to vector<16xf32>
      %mul3A_469 = arith.mulf %add3A_463, %mul3A_468 : vector<16xf32>
      %add3A_470 = arith.addf %add3A_375, %mul3A_466 : vector<16xf32>
      %add3A_471 = arith.addf %add3A_376, %mul3A_469 : vector<16xf32>
      %convert_element_type3A = arith.fptosi %add3A_470 : vector<16xf32> to vector<16xi32>
      %add3A_472 = arith.constant 0 : i32
      %add3A_473 = arith.addi %mul3A_97, %add3A_472 : i32
      %swap3A = arith.constant 0 : i32
      %swap3A_474 = arith.index_cast %swap3A : i32 to index
      %swap3A_475 = arith.index_cast %add3A_473 : i32 to index
      %swap3A_476 = tpu.vector_load %arg10[%swap3A_474, %swap3A_475] {strides = array<i32>} : memref<2x1024xi32, #tpu.memory_space<vmem>>, vector<1x16xi32>,
      %swap3A_477 = vector.shape_cast %swap3A_476 : vector<1x16xi32> to vector<16xi32>
      %swap3A_478 = vector.shape_cast %convert_element_type3A : vector<16xi32> to vector<1x16xi32>
      tpu.vector_store %arg10[%swap3A_474, %swap3A_475], %swap3A_478 {strides = array<i32>} : memref<2x1024xi32, #tpu.memory_space<vmem>>, vector<1x16xi32>,
      %convert_element_type3A_479 = arith.fptosi %add3A_471 : vector<16xf32> to vector<16xi32>
      %add3A_480 = arith.constant 0 : i32
      %add3A_481 = arith.addi %mul3A_97, %add3A_480 : i32
      %swap3A_482 = arith.constant 1 : i32
      %swap3A_483 = arith.index_cast %swap3A_482 : i32 to index
      %swap3A_484 = arith.index_cast %add3A_481 : i32 to index
      %swap3A_485 = tpu.vector_load %arg10[%swap3A_483, %swap3A_484] {strides = array<i32>} : memref<2x1024xi32, #tpu.memory_space<vmem>>, vector<1x16xi32>,
      %swap3A_486 = vector.shape_cast %swap3A_485 : vector<1x16xi32> to vector<16xi32>
      %swap3A_487 = vector.shape_cast %convert_element_type3A_479 : vector<16xi32> to vector<1x16xi32>
      tpu.vector_store %arg10[%swap3A_483, %swap3A_484], %swap3A_487 {strides = array<i32>} : memref<2x1024xi32, #tpu.memory_space<vmem>>, vector<1x16xi32>,
      %add3A_488 = arith.constant 16 : i32
      %add3A_489 = arith.addi %mul3A_97, %add3A_488 : i32
      %get3A_490 = arith.constant 0 : i32
      %get3A_491 = arith.index_cast %get3A_490 : i32 to index
      %get3A_492 = arith.index_cast %add3A_489 : i32 to index
      %get3A_493 = tpu.vector_load %arg9[%get3A_491, %get3A_492] {strides = array<i32>} : memref<4x1024xf32, #tpu.memory_space<vmem>>, vector<1x16xf32>,
      %get3A_494 = vector.shape_cast %get3A_493 : vector<1x16xf32> to vector<16xf32>
      %gt3A_495 = arith.constant 0.255146444 : f32
      %gt3A_496 = vector.broadcast %gt3A_495 : f32 to vector<16xf32>
      %gt3A_497 = arith.cmpf ogt, %get3A_494, %gt3A_496 : vector<16xf32>
      %jit3A_498 = arith.constant 1.000000e+00 : f32
      %jit3A_499 = arith.constant 0.000000e+00 : f32
      %broadcast_in_dim3A_500 = vector.broadcast %jit3A_498 : f32 to vector<16xf32>
      %broadcast_in_dim3A_501 = vector.broadcast %jit3A_499 : f32 to vector<16xf32>
      %select_n3A_502 = arith.select %gt3A_497, %broadcast_in_dim3A_500, %broadcast_in_dim3A_501 : vector<16xi1>, vector<16xf32>
      %ge3A_503 = arith.constant 0.971244692 : f32
      %ge3A_504 = vector.broadcast %ge3A_503 : f32 to vector<16xf32>
      %ge3A_505 = arith.cmpf oge, %get3A_494, %ge3A_504 : vector<16xf32>
      %jit3A_506 = arith.constant 1.000000e+00 : f32
      %jit3A_507 = arith.constant 0.000000e+00 : f32
      %broadcast_in_dim3A_508 = vector.broadcast %jit3A_506 : f32 to vector<16xf32>
      %broadcast_in_dim3A_509 = vector.broadcast %jit3A_507 : f32 to vector<16xf32>
      %select_n3A_510 = arith.select %ge3A_505, %broadcast_in_dim3A_508, %broadcast_in_dim3A_509 : vector<16xi1>, vector<16xf32>
      %add3A_511 = arith.addf %select_n3A_502, %select_n3A_510 : vector<16xf32>
      %ge3A_512 = arith.constant -0.255146444 : f32
      %ge3A_513 = vector.broadcast %ge3A_512 : f32 to vector<16xf32>
      %ge3A_514 = arith.cmpf oge, %get3A_494, %ge3A_513 : vector<16xf32>
      %jit3A_515 = arith.constant 1.000000e+00 : f32
      %jit3A_516 = arith.constant 0.000000e+00 : f32
      %broadcast_in_dim3A_517 = vector.broadcast %jit3A_515 : f32 to vector<16xf32>
      %broadcast_in_dim3A_518 = vector.broadcast %jit3A_516 : f32 to vector<16xf32>
      %select_n3A_519 = arith.select %ge3A_514, %broadcast_in_dim3A_517, %broadcast_in_dim3A_518 : vector<16xi1>, vector<16xf32>
      %add3A_520 = arith.addf %add3A_511, %select_n3A_519 : vector<16xf32>
      %gt3A_521 = arith.constant -0.971244692 : f32
      %gt3A_522 = vector.broadcast %gt3A_521 : f32 to vector<16xf32>
      %gt3A_523 = arith.cmpf ogt, %get3A_494, %gt3A_522 : vector<16xf32>
      %jit3A_524 = arith.constant 1.000000e+00 : f32
      %jit3A_525 = arith.constant 0.000000e+00 : f32
      %broadcast_in_dim3A_526 = vector.broadcast %jit3A_524 : f32 to vector<16xf32>
      %broadcast_in_dim3A_527 = vector.broadcast %jit3A_525 : f32 to vector<16xf32>
      %select_n3A_528 = arith.select %gt3A_523, %broadcast_in_dim3A_526, %broadcast_in_dim3A_527 : vector<16xi1>, vector<16xf32>
      %add3A_529 = arith.addf %add3A_520, %select_n3A_528 : vector<16xf32>
      %mul3A_530 = arith.constant 4.000000e+00 : f32
      %mul3A_531 = vector.broadcast %mul3A_530 : f32 to vector<16xf32>
      %mul3A_532 = arith.mulf %mul3A_531, %get3A_494 : vector<16xf32>
      %sub3A_533 = arith.constant 2.000000e+00 : f32
      %sub3A_534 = vector.broadcast %sub3A_533 : f32 to vector<16xf32>
      %sub3A_535 = arith.subf %add3A_529, %sub3A_534 : vector<16xf32>
      %mul3A_536 = arith.constant 2.000000e+00 : f32
      %mul3A_537 = vector.broadcast %mul3A_536 : f32 to vector<16xf32>
      %mul3A_538 = arith.mulf %mul3A_537, %sub3A_535 : vector<16xf32>
      %sub3A_539 = arith.subf %mul3A_532, %mul3A_538 : vector<16xf32>
      %gt3A_540 = arith.constant 0.255146444 : f32
      %gt3A_541 = vector.broadcast %gt3A_540 : f32 to vector<16xf32>
      %gt3A_542 = arith.cmpf ogt, %sub3A_539, %gt3A_541 : vector<16xf32>
      %jit3A_543 = arith.constant 1.000000e+00 : f32
      %jit3A_544 = arith.constant 0.000000e+00 : f32
      %broadcast_in_dim3A_545 = vector.broadcast %jit3A_543 : f32 to vector<16xf32>
      %broadcast_in_dim3A_546 = vector.broadcast %jit3A_544 : f32 to vector<16xf32>
      %select_n3A_547 = arith.select %gt3A_542, %broadcast_in_dim3A_545, %broadcast_in_dim3A_546 : vector<16xi1>, vector<16xf32>
      %ge3A_548 = arith.constant 0.971244692 : f32
      %ge3A_549 = vector.broadcast %ge3A_548 : f32 to vector<16xf32>
      %ge3A_550 = arith.cmpf oge, %sub3A_539, %ge3A_549 : vector<16xf32>
      %jit3A_551 = arith.constant 1.000000e+00 : f32
      %jit3A_552 = arith.constant 0.000000e+00 : f32
      %broadcast_in_dim3A_553 = vector.broadcast %jit3A_551 : f32 to vector<16xf32>
      %broadcast_in_dim3A_554 = vector.broadcast %jit3A_552 : f32 to vector<16xf32>
      %select_n3A_555 = arith.select %ge3A_550, %broadcast_in_dim3A_553, %broadcast_in_dim3A_554 : vector<16xi1>, vector<16xf32>
      %add3A_556 = arith.addf %select_n3A_547, %select_n3A_555 : vector<16xf32>
      %ge3A_557 = arith.constant -0.255146444 : f32
      %ge3A_558 = vector.broadcast %ge3A_557 : f32 to vector<16xf32>
      %ge3A_559 = arith.cmpf oge, %sub3A_539, %ge3A_558 : vector<16xf32>
      %jit3A_560 = arith.constant 1.000000e+00 : f32
      %jit3A_561 = arith.constant 0.000000e+00 : f32
      %broadcast_in_dim3A_562 = vector.broadcast %jit3A_560 : f32 to vector<16xf32>
      %broadcast_in_dim3A_563 = vector.broadcast %jit3A_561 : f32 to vector<16xf32>
      %select_n3A_564 = arith.select %ge3A_559, %broadcast_in_dim3A_562, %broadcast_in_dim3A_563 : vector<16xi1>, vector<16xf32>
      %add3A_565 = arith.addf %add3A_556, %select_n3A_564 : vector<16xf32>
      %gt3A_566 = arith.constant -0.971244692 : f32
      %gt3A_567 = vector.broadcast %gt3A_566 : f32 to vector<16xf32>
      %gt3A_568 = arith.cmpf ogt, %sub3A_539, %gt3A_567 : vector<16xf32>
      %jit3A_569 = arith.constant 1.000000e+00 : f32
      %jit3A_570 = arith.constant 0.000000e+00 : f32
      %broadcast_in_dim3A_571 = vector.broadcast %jit3A_569 : f32 to vector<16xf32>
      %broadcast_in_dim3A_572 = vector.broadcast %jit3A_570 : f32 to vector<16xf32>
      %select_n3A_573 = arith.select %gt3A_568, %broadcast_in_dim3A_571, %broadcast_in_dim3A_572 : vector<16xi1>, vector<16xf32>
      %add3A_574 = arith.addf %add3A_565, %select_n3A_573 : vector<16xf32>
      %mul3A_575 = arith.constant 1.000000e+00 : f32
      %mul3A_576 = vector.broadcast %mul3A_575 : f32 to vector<16xf32>
      %mul3A_577 = arith.mulf %add3A_529, %mul3A_576 : vector<16xf32>
      %mul3A_578 = arith.constant 1.000000e+00 : f32
      %mul3A_579 = vector.broadcast %mul3A_578 : f32 to vector<16xf32>
      %mul3A_580 = arith.mulf %add3A_574, %mul3A_579 : vector<16xf32>
      %add3A_581 = arith.constant 16 : i32
      %add3A_582 = arith.addi %mul3A_97, %add3A_581 : i32
      %get3A_583 = arith.constant 1 : i32
      %get3A_584 = arith.index_cast %get3A_583 : i32 to index
      %get3A_585 = arith.index_cast %add3A_582 : i32 to index
      %get3A_586 = tpu.vector_load %arg9[%get3A_584, %get3A_585] {strides = array<i32>} : memref<4x1024xf32, #tpu.memory_space<vmem>>, vector<1x16xf32>,
      %get3A_587 = vector.shape_cast %get3A_586 : vector<1x16xf32> to vector<16xf32>
      %gt3A_588 = arith.constant 0.255146444 : f32
      %gt3A_589 = vector.broadcast %gt3A_588 : f32 to vector<16xf32>
      %gt3A_590 = arith.cmpf ogt, %get3A_587, %gt3A_589 : vector<16xf32>
      %jit3A_591 = arith.constant 1.000000e+00 : f32
      %jit3A_592 = arith.constant 0.000000e+00 : f32
      %broadcast_in_dim3A_593 = vector.broadcast %jit3A_591 : f32 to vector<16xf32>
      %broadcast_in_dim3A_594 = vector.broadcast %jit3A_592 : f32 to vector<16xf32>
      %select_n3A_595 = arith.select %gt3A_590, %broadcast_in_dim3A_593, %broadcast_in_dim3A_594 : vector<16xi1>, vector<16xf32>
      %ge3A_596 = arith.constant 0.971244692 : f32
      %ge3A_597 = vector.broadcast %ge3A_596 : f32 to vector<16xf32>
      %ge3A_598 = arith.cmpf oge, %get3A_587, %ge3A_597 : vector<16xf32>
      %jit3A_599 = arith.constant 1.000000e+00 : f32
      %jit3A_600 = arith.constant 0.000000e+00 : f32
      %broadcast_in_dim3A_601 = vector.broadcast %jit3A_599 : f32 to vector<16xf32>
      %broadcast_in_dim3A_602 = vector.broadcast %jit3A_600 : f32 to vector<16xf32>
      %select_n3A_603 = arith.select %ge3A_598, %broadcast_in_dim3A_601, %broadcast_in_dim3A_602 : vector<16xi1>, vector<16xf32>
      %add3A_604 = arith.addf %select_n3A_595, %select_n3A_603 : vector<16xf32>
      %ge3A_605 = arith.constant -0.255146444 : f32
      %ge3A_606 = vector.broadcast %ge3A_605 : f32 to vector<16xf32>
      %ge3A_607 = arith.cmpf oge, %get3A_587, %ge3A_606 : vector<16xf32>
      %jit3A_608 = arith.constant 1.000000e+00 : f32
      %jit3A_609 = arith.constant 0.000000e+00 : f32
      %broadcast_in_dim3A_610 = vector.broadcast %jit3A_608 : f32 to vector<16xf32>
      %broadcast_in_dim3A_611 = vector.broadcast %jit3A_609 : f32 to vector<16xf32>
      %select_n3A_612 = arith.select %ge3A_607, %broadcast_in_dim3A_610, %broadcast_in_dim3A_611 : vector<16xi1>, vector<16xf32>
      %add3A_613 = arith.addf %add3A_604, %select_n3A_612 : vector<16xf32>
      %gt3A_614 = arith.constant -0.971244692 : f32
      %gt3A_615 = vector.broadcast %gt3A_614 : f32 to vector<16xf32>
      %gt3A_616 = arith.cmpf ogt, %get3A_587, %gt3A_615 : vector<16xf32>
      %jit3A_617 = arith.constant 1.000000e+00 : f32
      %jit3A_618 = arith.constant 0.000000e+00 : f32
      %broadcast_in_dim3A_619 = vector.broadcast %jit3A_617 : f32 to vector<16xf32>
      %broadcast_in_dim3A_620 = vector.broadcast %jit3A_618 : f32 to vector<16xf32>
      %select_n3A_621 = arith.select %gt3A_616, %broadcast_in_dim3A_619, %broadcast_in_dim3A_620 : vector<16xi1>, vector<16xf32>
      %add3A_622 = arith.addf %add3A_613, %select_n3A_621 : vector<16xf32>
      %mul3A_623 = arith.constant 4.000000e+00 : f32
      %mul3A_624 = vector.broadcast %mul3A_623 : f32 to vector<16xf32>
      %mul3A_625 = arith.mulf %mul3A_624, %get3A_587 : vector<16xf32>
      %sub3A_626 = arith.constant 2.000000e+00 : f32
      %sub3A_627 = vector.broadcast %sub3A_626 : f32 to vector<16xf32>
      %sub3A_628 = arith.subf %add3A_622, %sub3A_627 : vector<16xf32>
      %mul3A_629 = arith.constant 2.000000e+00 : f32
      %mul3A_630 = vector.broadcast %mul3A_629 : f32 to vector<16xf32>
      %mul3A_631 = arith.mulf %mul3A_630, %sub3A_628 : vector<16xf32>
      %sub3A_632 = arith.subf %mul3A_625, %mul3A_631 : vector<16xf32>
      %gt3A_633 = arith.constant 0.255146444 : f32
      %gt3A_634 = vector.broadcast %gt3A_633 : f32 to vector<16xf32>
      %gt3A_635 = arith.cmpf ogt, %sub3A_632, %gt3A_634 : vector<16xf32>
      %jit3A_636 = arith.constant 1.000000e+00 : f32
      %jit3A_637 = arith.constant 0.000000e+00 : f32
      %broadcast_in_dim3A_638 = vector.broadcast %jit3A_636 : f32 to vector<16xf32>
      %broadcast_in_dim3A_639 = vector.broadcast %jit3A_637 : f32 to vector<16xf32>
      %select_n3A_640 = arith.select %gt3A_635, %broadcast_in_dim3A_638, %broadcast_in_dim3A_639 : vector<16xi1>, vector<16xf32>
      %ge3A_641 = arith.constant 0.971244692 : f32
      %ge3A_642 = vector.broadcast %ge3A_641 : f32 to vector<16xf32>
      %ge3A_643 = arith.cmpf oge, %sub3A_632, %ge3A_642 : vector<16xf32>
      %jit3A_644 = arith.constant 1.000000e+00 : f32
      %jit3A_645 = arith.constant 0.000000e+00 : f32
      %broadcast_in_dim3A_646 = vector.broadcast %jit3A_644 : f32 to vector<16xf32>
      %broadcast_in_dim3A_647 = vector.broadcast %jit3A_645 : f32 to vector<16xf32>
      %select_n3A_648 = arith.select %ge3A_643, %broadcast_in_dim3A_646, %broadcast_in_dim3A_647 : vector<16xi1>, vector<16xf32>
      %add3A_649 = arith.addf %select_n3A_640, %select_n3A_648 : vector<16xf32>
      %ge3A_650 = arith.constant -0.255146444 : f32
      %ge3A_651 = vector.broadcast %ge3A_650 : f32 to vector<16xf32>
      %ge3A_652 = arith.cmpf oge, %sub3A_632, %ge3A_651 : vector<16xf32>
      %jit3A_653 = arith.constant 1.000000e+00 : f32
      %jit3A_654 = arith.constant 0.000000e+00 : f32
      %broadcast_in_dim3A_655 = vector.broadcast %jit3A_653 : f32 to vector<16xf32>
      %broadcast_in_dim3A_656 = vector.broadcast %jit3A_654 : f32 to vector<16xf32>
      %select_n3A_657 = arith.select %ge3A_652, %broadcast_in_dim3A_655, %broadcast_in_dim3A_656 : vector<16xi1>, vector<16xf32>
      %add3A_658 = arith.addf %add3A_649, %select_n3A_657 : vector<16xf32>
      %gt3A_659 = arith.constant -0.971244692 : f32
      %gt3A_660 = vector.broadcast %gt3A_659 : f32 to vector<16xf32>
      %gt3A_661 = arith.cmpf ogt, %sub3A_632, %gt3A_660 : vector<16xf32>
      %jit3A_662 = arith.constant 1.000000e+00 : f32
      %jit3A_663 = arith.constant 0.000000e+00 : f32
      %broadcast_in_dim3A_664 = vector.broadcast %jit3A_662 : f32 to vector<16xf32>
      %broadcast_in_dim3A_665 = vector.broadcast %jit3A_663 : f32 to vector<16xf32>
      %select_n3A_666 = arith.select %gt3A_661, %broadcast_in_dim3A_664, %broadcast_in_dim3A_665 : vector<16xi1>, vector<16xf32>
      %add3A_667 = arith.addf %add3A_658, %select_n3A_666 : vector<16xf32>
      %mul3A_668 = arith.constant 5.000000e+00 : f32
      %mul3A_669 = vector.broadcast %mul3A_668 : f32 to vector<16xf32>
      %mul3A_670 = arith.mulf %add3A_622, %mul3A_669 : vector<16xf32>
      %mul3A_671 = arith.constant 5.000000e+00 : f32
      %mul3A_672 = vector.broadcast %mul3A_671 : f32 to vector<16xf32>
      %mul3A_673 = arith.mulf %add3A_667, %mul3A_672 : vector<16xf32>
      %add3A_674 = arith.addf %mul3A_577, %mul3A_670 : vector<16xf32>
      %add3A_675 = arith.addf %mul3A_580, %mul3A_673 : vector<16xf32>
      %add3A_676 = arith.constant 16 : i32
      %add3A_677 = arith.addi %mul3A_97, %add3A_676 : i32
      %get3A_678 = arith.constant 2 : i32
      %get3A_679 = arith.index_cast %get3A_678 : i32 to index
      %get3A_680 = arith.index_cast %add3A_677 : i32 to index
      %get3A_681 = tpu.vector_load %arg9[%get3A_679, %get3A_680] {strides = array<i32>} : memref<4x1024xf32, #tpu.memory_space<vmem>>, vector<1x16xf32>,
      %get3A_682 = vector.shape_cast %get3A_681 : vector<1x16xf32> to vector<16xf32>
      %gt3A_683 = arith.constant 0.255146444 : f32
      %gt3A_684 = vector.broadcast %gt3A_683 : f32 to vector<16xf32>
      %gt3A_685 = arith.cmpf ogt, %get3A_682, %gt3A_684 : vector<16xf32>
      %jit3A_686 = arith.constant 1.000000e+00 : f32
      %jit3A_687 = arith.constant 0.000000e+00 : f32
      %broadcast_in_dim3A_688 = vector.broadcast %jit3A_686 : f32 to vector<16xf32>
      %broadcast_in_dim3A_689 = vector.broadcast %jit3A_687 : f32 to vector<16xf32>
      %select_n3A_690 = arith.select %gt3A_685, %broadcast_in_dim3A_688, %broadcast_in_dim3A_689 : vector<16xi1>, vector<16xf32>
      %ge3A_691 = arith.constant 0.971244692 : f32
      %ge3A_692 = vector.broadcast %ge3A_691 : f32 to vector<16xf32>
      %ge3A_693 = arith.cmpf oge, %get3A_682, %ge3A_692 : vector<16xf32>
      %jit3A_694 = arith.constant 1.000000e+00 : f32
      %jit3A_695 = arith.constant 0.000000e+00 : f32
      %broadcast_in_dim3A_696 = vector.broadcast %jit3A_694 : f32 to vector<16xf32>
      %broadcast_in_dim3A_697 = vector.broadcast %jit3A_695 : f32 to vector<16xf32>
      %select_n3A_698 = arith.select %ge3A_693, %broadcast_in_dim3A_696, %broadcast_in_dim3A_697 : vector<16xi1>, vector<16xf32>
      %add3A_699 = arith.addf %select_n3A_690, %select_n3A_698 : vector<16xf32>
      %ge3A_700 = arith.constant -0.255146444 : f32
      %ge3A_701 = vector.broadcast %ge3A_700 : f32 to vector<16xf32>
      %ge3A_702 = arith.cmpf oge, %get3A_682, %ge3A_701 : vector<16xf32>
      %jit3A_703 = arith.constant 1.000000e+00 : f32
      %jit3A_704 = arith.constant 0.000000e+00 : f32
      %broadcast_in_dim3A_705 = vector.broadcast %jit3A_703 : f32 to vector<16xf32>
      %broadcast_in_dim3A_706 = vector.broadcast %jit3A_704 : f32 to vector<16xf32>
      %select_n3A_707 = arith.select %ge3A_702, %broadcast_in_dim3A_705, %broadcast_in_dim3A_706 : vector<16xi1>, vector<16xf32>
      %add3A_708 = arith.addf %add3A_699, %select_n3A_707 : vector<16xf32>
      %gt3A_709 = arith.constant -0.971244692 : f32
      %gt3A_710 = vector.broadcast %gt3A_709 : f32 to vector<16xf32>
      %gt3A_711 = arith.cmpf ogt, %get3A_682, %gt3A_710 : vector<16xf32>
      %jit3A_712 = arith.constant 1.000000e+00 : f32
      %jit3A_713 = arith.constant 0.000000e+00 : f32
      %broadcast_in_dim3A_714 = vector.broadcast %jit3A_712 : f32 to vector<16xf32>
      %broadcast_in_dim3A_715 = vector.broadcast %jit3A_713 : f32 to vector<16xf32>
      %select_n3A_716 = arith.select %gt3A_711, %broadcast_in_dim3A_714, %broadcast_in_dim3A_715 : vector<16xi1>, vector<16xf32>
      %add3A_717 = arith.addf %add3A_708, %select_n3A_716 : vector<16xf32>
      %mul3A_718 = arith.constant 4.000000e+00 : f32
      %mul3A_719 = vector.broadcast %mul3A_718 : f32 to vector<16xf32>
      %mul3A_720 = arith.mulf %mul3A_719, %get3A_682 : vector<16xf32>
      %sub3A_721 = arith.constant 2.000000e+00 : f32
      %sub3A_722 = vector.broadcast %sub3A_721 : f32 to vector<16xf32>
      %sub3A_723 = arith.subf %add3A_717, %sub3A_722 : vector<16xf32>
      %mul3A_724 = arith.constant 2.000000e+00 : f32
      %mul3A_725 = vector.broadcast %mul3A_724 : f32 to vector<16xf32>
      %mul3A_726 = arith.mulf %mul3A_725, %sub3A_723 : vector<16xf32>
      %sub3A_727 = arith.subf %mul3A_720, %mul3A_726 : vector<16xf32>
      %gt3A_728 = arith.constant 0.255146444 : f32
      %gt3A_729 = vector.broadcast %gt3A_728 : f32 to vector<16xf32>
      %gt3A_730 = arith.cmpf ogt, %sub3A_727, %gt3A_729 : vector<16xf32>
      %jit3A_731 = arith.constant 1.000000e+00 : f32
      %jit3A_732 = arith.constant 0.000000e+00 : f32
      %broadcast_in_dim3A_733 = vector.broadcast %jit3A_731 : f32 to vector<16xf32>
      %broadcast_in_dim3A_734 = vector.broadcast %jit3A_732 : f32 to vector<16xf32>
      %select_n3A_735 = arith.select %gt3A_730, %broadcast_in_dim3A_733, %broadcast_in_dim3A_734 : vector<16xi1>, vector<16xf32>
      %ge3A_736 = arith.constant 0.971244692 : f32
      %ge3A_737 = vector.broadcast %ge3A_736 : f32 to vector<16xf32>
      %ge3A_738 = arith.cmpf oge, %sub3A_727, %ge3A_737 : vector<16xf32>
      %jit3A_739 = arith.constant 1.000000e+00 : f32
      %jit3A_740 = arith.constant 0.000000e+00 : f32
      %broadcast_in_dim3A_741 = vector.broadcast %jit3A_739 : f32 to vector<16xf32>
      %broadcast_in_dim3A_742 = vector.broadcast %jit3A_740 : f32 to vector<16xf32>
      %select_n3A_743 = arith.select %ge3A_738, %broadcast_in_dim3A_741, %broadcast_in_dim3A_742 : vector<16xi1>, vector<16xf32>
      %add3A_744 = arith.addf %select_n3A_735, %select_n3A_743 : vector<16xf32>
      %ge3A_745 = arith.constant -0.255146444 : f32
      %ge3A_746 = vector.broadcast %ge3A_745 : f32 to vector<16xf32>
      %ge3A_747 = arith.cmpf oge, %sub3A_727, %ge3A_746 : vector<16xf32>
      %jit3A_748 = arith.constant 1.000000e+00 : f32
      %jit3A_749 = arith.constant 0.000000e+00 : f32
      %broadcast_in_dim3A_750 = vector.broadcast %jit3A_748 : f32 to vector<16xf32>
      %broadcast_in_dim3A_751 = vector.broadcast %jit3A_749 : f32 to vector<16xf32>
      %select_n3A_752 = arith.select %ge3A_747, %broadcast_in_dim3A_750, %broadcast_in_dim3A_751 : vector<16xi1>, vector<16xf32>
      %add3A_753 = arith.addf %add3A_744, %select_n3A_752 : vector<16xf32>
      %gt3A_754 = arith.constant -0.971244692 : f32
      %gt3A_755 = vector.broadcast %gt3A_754 : f32 to vector<16xf32>
      %gt3A_756 = arith.cmpf ogt, %sub3A_727, %gt3A_755 : vector<16xf32>
      %jit3A_757 = arith.constant 1.000000e+00 : f32
      %jit3A_758 = arith.constant 0.000000e+00 : f32
      %broadcast_in_dim3A_759 = vector.broadcast %jit3A_757 : f32 to vector<16xf32>
      %broadcast_in_dim3A_760 = vector.broadcast %jit3A_758 : f32 to vector<16xf32>
      %select_n3A_761 = arith.select %gt3A_756, %broadcast_in_dim3A_759, %broadcast_in_dim3A_760 : vector<16xi1>, vector<16xf32>
      %add3A_762 = arith.addf %add3A_753, %select_n3A_761 : vector<16xf32>
      %mul3A_763 = arith.constant 2.500000e+01 : f32
      %mul3A_764 = vector.broadcast %mul3A_763 : f32 to vector<16xf32>
      %mul3A_765 = arith.mulf %add3A_717, %mul3A_764 : vector<16xf32>
      %mul3A_766 = arith.constant 2.500000e+01 : f32
      %mul3A_767 = vector.broadcast %mul3A_766 : f32 to vector<16xf32>
      %mul3A_768 = arith.mulf %add3A_762, %mul3A_767 : vector<16xf32>
      %add3A_769 = arith.addf %add3A_674, %mul3A_765 : vector<16xf32>
      %add3A_770 = arith.addf %add3A_675, %mul3A_768 : vector<16xf32>
      %add3A_771 = arith.constant 16 : i32
      %add3A_772 = arith.addi %mul3A_97, %add3A_771 : i32
      %get3A_773 = arith.constant 3 : i32
      %get3A_774 = arith.index_cast %get3A_773 : i32 to index
      %get3A_775 = arith.index_cast %add3A_772 : i32 to index
      %get3A_776 = tpu.vector_load %arg9[%get3A_774, %get3A_775] {strides = array<i32>} : memref<4x1024xf32, #tpu.memory_space<vmem>>, vector<1x16xf32>,
      %get3A_777 = vector.shape_cast %get3A_776 : vector<1x16xf32> to vector<16xf32>
      %gt3A_778 = arith.constant 0.255146444 : f32
      %gt3A_779 = vector.broadcast %gt3A_778 : f32 to vector<16xf32>
      %gt3A_780 = arith.cmpf ogt, %get3A_777, %gt3A_779 : vector<16xf32>
      %jit3A_781 = arith.constant 1.000000e+00 : f32
      %jit3A_782 = arith.constant 0.000000e+00 : f32
      %broadcast_in_dim3A_783 = vector.broadcast %jit3A_781 : f32 to vector<16xf32>
      %broadcast_in_dim3A_784 = vector.broadcast %jit3A_782 : f32 to vector<16xf32>
      %select_n3A_785 = arith.select %gt3A_780, %broadcast_in_dim3A_783, %broadcast_in_dim3A_784 : vector<16xi1>, vector<16xf32>
      %ge3A_786 = arith.constant 0.971244692 : f32
      %ge3A_787 = vector.broadcast %ge3A_786 : f32 to vector<16xf32>
      %ge3A_788 = arith.cmpf oge, %get3A_777, %ge3A_787 : vector<16xf32>
      %jit3A_789 = arith.constant 1.000000e+00 : f32
      %jit3A_790 = arith.constant 0.000000e+00 : f32
      %broadcast_in_dim3A_791 = vector.broadcast %jit3A_789 : f32 to vector<16xf32>
      %broadcast_in_dim3A_792 = vector.broadcast %jit3A_790 : f32 to vector<16xf32>
      %select_n3A_793 = arith.select %ge3A_788, %broadcast_in_dim3A_791, %broadcast_in_dim3A_792 : vector<16xi1>, vector<16xf32>
      %add3A_794 = arith.addf %select_n3A_785, %select_n3A_793 : vector<16xf32>
      %ge3A_795 = arith.constant -0.255146444 : f32
      %ge3A_796 = vector.broadcast %ge3A_795 : f32 to vector<16xf32>
      %ge3A_797 = arith.cmpf oge, %get3A_777, %ge3A_796 : vector<16xf32>
      %jit3A_798 = arith.constant 1.000000e+00 : f32
      %jit3A_799 = arith.constant 0.000000e+00 : f32
      %broadcast_in_dim3A_800 = vector.broadcast %jit3A_798 : f32 to vector<16xf32>
      %broadcast_in_dim3A_801 = vector.broadcast %jit3A_799 : f32 to vector<16xf32>
      %select_n3A_802 = arith.select %ge3A_797, %broadcast_in_dim3A_800, %broadcast_in_dim3A_801 : vector<16xi1>, vector<16xf32>
      %add3A_803 = arith.addf %add3A_794, %select_n3A_802 : vector<16xf32>
      %gt3A_804 = arith.constant -0.971244692 : f32
      %gt3A_805 = vector.broadcast %gt3A_804 : f32 to vector<16xf32>
      %gt3A_806 = arith.cmpf ogt, %get3A_777, %gt3A_805 : vector<16xf32>
      %jit3A_807 = arith.constant 1.000000e+00 : f32
      %jit3A_808 = arith.constant 0.000000e+00 : f32
      %broadcast_in_dim3A_809 = vector.broadcast %jit3A_807 : f32 to vector<16xf32>
      %broadcast_in_dim3A_810 = vector.broadcast %jit3A_808 : f32 to vector<16xf32>
      %select_n3A_811 = arith.select %gt3A_806, %broadcast_in_dim3A_809, %broadcast_in_dim3A_810 : vector<16xi1>, vector<16xf32>
      %add3A_812 = arith.addf %add3A_803, %select_n3A_811 : vector<16xf32>
      %mul3A_813 = arith.constant 4.000000e+00 : f32
      %mul3A_814 = vector.broadcast %mul3A_813 : f32 to vector<16xf32>
      %mul3A_815 = arith.mulf %mul3A_814, %get3A_777 : vector<16xf32>
      %sub3A_816 = arith.constant 2.000000e+00 : f32
      %sub3A_817 = vector.broadcast %sub3A_816 : f32 to vector<16xf32>
      %sub3A_818 = arith.subf %add3A_812, %sub3A_817 : vector<16xf32>
      %mul3A_819 = arith.constant 2.000000e+00 : f32
      %mul3A_820 = vector.broadcast %mul3A_819 : f32 to vector<16xf32>
      %mul3A_821 = arith.mulf %mul3A_820, %sub3A_818 : vector<16xf32>
      %sub3A_822 = arith.subf %mul3A_815, %mul3A_821 : vector<16xf32>
      %gt3A_823 = arith.constant 0.255146444 : f32
      %gt3A_824 = vector.broadcast %gt3A_823 : f32 to vector<16xf32>
      %gt3A_825 = arith.cmpf ogt, %sub3A_822, %gt3A_824 : vector<16xf32>
      %jit3A_826 = arith.constant 1.000000e+00 : f32
      %jit3A_827 = arith.constant 0.000000e+00 : f32
      %broadcast_in_dim3A_828 = vector.broadcast %jit3A_826 : f32 to vector<16xf32>
      %broadcast_in_dim3A_829 = vector.broadcast %jit3A_827 : f32 to vector<16xf32>
      %select_n3A_830 = arith.select %gt3A_825, %broadcast_in_dim3A_828, %broadcast_in_dim3A_829 : vector<16xi1>, vector<16xf32>
      %ge3A_831 = arith.constant 0.971244692 : f32
      %ge3A_832 = vector.broadcast %ge3A_831 : f32 to vector<16xf32>
      %ge3A_833 = arith.cmpf oge, %sub3A_822, %ge3A_832 : vector<16xf32>
      %jit3A_834 = arith.constant 1.000000e+00 : f32
      %jit3A_835 = arith.constant 0.000000e+00 : f32
      %broadcast_in_dim3A_836 = vector.broadcast %jit3A_834 : f32 to vector<16xf32>
      %broadcast_in_dim3A_837 = vector.broadcast %jit3A_835 : f32 to vector<16xf32>
      %select_n3A_838 = arith.select %ge3A_833, %broadcast_in_dim3A_836, %broadcast_in_dim3A_837 : vector<16xi1>, vector<16xf32>
      %add3A_839 = arith.addf %select_n3A_830, %select_n3A_838 : vector<16xf32>
      %ge3A_840 = arith.constant -0.255146444 : f32
      %ge3A_841 = vector.broadcast %ge3A_840 : f32 to vector<16xf32>
      %ge3A_842 = arith.cmpf oge, %sub3A_822, %ge3A_841 : vector<16xf32>
      %jit3A_843 = arith.constant 1.000000e+00 : f32
      %jit3A_844 = arith.constant 0.000000e+00 : f32
      %broadcast_in_dim3A_845 = vector.broadcast %jit3A_843 : f32 to vector<16xf32>
      %broadcast_in_dim3A_846 = vector.broadcast %jit3A_844 : f32 to vector<16xf32>
      %select_n3A_847 = arith.select %ge3A_842, %broadcast_in_dim3A_845, %broadcast_in_dim3A_846 : vector<16xi1>, vector<16xf32>
      %add3A_848 = arith.addf %add3A_839, %select_n3A_847 : vector<16xf32>
      %gt3A_849 = arith.constant -0.971244692 : f32
      %gt3A_850 = vector.broadcast %gt3A_849 : f32 to vector<16xf32>
      %gt3A_851 = arith.cmpf ogt, %sub3A_822, %gt3A_850 : vector<16xf32>
      %jit3A_852 = arith.constant 1.000000e+00 : f32
      %jit3A_853 = arith.constant 0.000000e+00 : f32
      %broadcast_in_dim3A_854 = vector.broadcast %jit3A_852 : f32 to vector<16xf32>
      %broadcast_in_dim3A_855 = vector.broadcast %jit3A_853 : f32 to vector<16xf32>
      %select_n3A_856 = arith.select %gt3A_851, %broadcast_in_dim3A_854, %broadcast_in_dim3A_855 : vector<16xi1>, vector<16xf32>
      %add3A_857 = arith.addf %add3A_848, %select_n3A_856 : vector<16xf32>
      %mul3A_858 = arith.constant 1.250000e+02 : f32
      %mul3A_859 = vector.broadcast %mul3A_858 : f32 to vector<16xf32>
      %mul3A_860 = arith.mulf %add3A_812, %mul3A_859 : vector<16xf32>
      %mul3A_861 = arith.constant 1.250000e+02 : f32
      %mul3A_862 = vector.broadcast %mul3A_861 : f32 to vector<16xf32>
      %mul3A_863 = arith.mulf %add3A_857, %mul3A_862 : vector<16xf32>
      %add3A_864 = arith.addf %add3A_769, %mul3A_860 : vector<16xf32>
      %add3A_865 = arith.addf %add3A_770, %mul3A_863 : vector<16xf32>
      %convert_element_type3A_866 = arith.fptosi %add3A_864 : vector<16xf32> to vector<16xi32>
      %add3A_867 = arith.constant 16 : i32
      %add3A_868 = arith.addi %mul3A_97, %add3A_867 : i32
      %swap3A_869 = arith.constant 0 : i32
      %swap3A_870 = arith.index_cast %swap3A_869 : i32 to index
      %swap3A_871 = arith.index_cast %add3A_868 : i32 to index
      %swap3A_872 = tpu.vector_load %arg10[%swap3A_870, %swap3A_871] {strides = array<i32>} : memref<2x1024xi32, #tpu.memory_space<vmem>>, vector<1x16xi32>,
      %swap3A_873 = vector.shape_cast %swap3A_872 : vector<1x16xi32> to vector<16xi32>
      %swap3A_874 = vector.shape_cast %convert_element_type3A_866 : vector<16xi32> to vector<1x16xi32>
      tpu.vector_store %arg10[%swap3A_870, %swap3A_871], %swap3A_874 {strides = array<i32>} : memref<2x1024xi32, #tpu.memory_space<vmem>>, vector<1x16xi32>,
      %convert_element_type3A_875 = arith.fptosi %add3A_865 : vector<16xf32> to vector<16xi32>
      %add3A_876 = arith.constant 16 : i32
      %add3A_877 = arith.addi %mul3A_97, %add3A_876 : i32
      %swap3A_878 = arith.constant 1 : i32
      %swap3A_879 = arith.index_cast %swap3A_878 : i32 to index
      %swap3A_880 = arith.index_cast %add3A_877 : i32 to index
      %swap3A_881 = tpu.vector_load %arg10[%swap3A_879, %swap3A_880] {strides = array<i32>} : memref<2x1024xi32, #tpu.memory_space<vmem>>, vector<1x16xi32>,
      %swap3A_882 = vector.shape_cast %swap3A_881 : vector<1x16xi32> to vector<16xi32>
      %swap3A_883 = vector.shape_cast %convert_element_type3A_875 : vector<16xi32> to vector<1x16xi32>
      tpu.vector_store %arg10[%swap3A_879, %swap3A_880], %swap3A_883 {strides = array<i32>} : memref<2x1024xi32, #tpu.memory_space<vmem>>, vector<1x16xi32>,
      %add3A_884 = arith.constant 32 : i32
      %add3A_885 = arith.addi %mul3A_97, %add3A_884 : i32
      %get3A_886 = arith.constant 0 : i32
      %get3A_887 = arith.index_cast %get3A_886 : i32 to index
      %get3A_888 = arith.index_cast %add3A_885 : i32 to index
      %get3A_889 = tpu.vector_load %arg9[%get3A_887, %get3A_888] {strides = array<i32>} : memref<4x1024xf32, #tpu.memory_space<vmem>>, vector<1x16xf32>,
      %get3A_890 = vector.shape_cast %get3A_889 : vector<1x16xf32> to vector<16xf32>
      %gt3A_891 = arith.constant 0.255146444 : f32
      %gt3A_892 = vector.broadcast %gt3A_891 : f32 to vector<16xf32>
      %gt3A_893 = arith.cmpf ogt, %get3A_890, %gt3A_892 : vector<16xf32>
      %jit3A_894 = arith.constant 1.000000e+00 : f32
      %jit3A_895 = arith.constant 0.000000e+00 : f32
      %broadcast_in_dim3A_896 = vector.broadcast %jit3A_894 : f32 to vector<16xf32>
      %broadcast_in_dim3A_897 = vector.broadcast %jit3A_895 : f32 to vector<16xf32>
      %select_n3A_898 = arith.select %gt3A_893, %broadcast_in_dim3A_896, %broadcast_in_dim3A_897 : vector<16xi1>, vector<16xf32>
      %ge3A_899 = arith.constant 0.971244692 : f32
      %ge3A_900 = vector.broadcast %ge3A_899 : f32 to vector<16xf32>
      %ge3A_901 = arith.cmpf oge, %get3A_890, %ge3A_900 : vector<16xf32>
      %jit3A_902 = arith.constant 1.000000e+00 : f32
      %jit3A_903 = arith.constant 0.000000e+00 : f32
      %broadcast_in_dim3A_904 = vector.broadcast %jit3A_902 : f32 to vector<16xf32>
      %broadcast_in_dim3A_905 = vector.broadcast %jit3A_903 : f32 to vector<16xf32>
      %select_n3A_906 = arith.select %ge3A_901, %broadcast_in_dim3A_904, %broadcast_in_dim3A_905 : vector<16xi1>, vector<16xf32>
      %add3A_907 = arith.addf %select_n3A_898, %select_n3A_906 : vector<16xf32>
      %ge3A_908 = arith.constant -0.255146444 : f32
      %ge3A_909 = vector.broadcast %ge3A_908 : f32 to vector<16xf32>
      %ge3A_910 = arith.cmpf oge, %get3A_890, %ge3A_909 : vector<16xf32>
      %jit3A_911 = arith.constant 1.000000e+00 : f32
      %jit3A_912 = arith.constant 0.000000e+00 : f32
      %broadcast_in_dim3A_913 = vector.broadcast %jit3A_911 : f32 to vector<16xf32>
      %broadcast_in_dim3A_914 = vector.broadcast %jit3A_912 : f32 to vector<16xf32>
      %select_n3A_915 = arith.select %ge3A_910, %broadcast_in_dim3A_913, %broadcast_in_dim3A_914 : vector<16xi1>, vector<16xf32>
      %add3A_916 = arith.addf %add3A_907, %select_n3A_915 : vector<16xf32>
      %gt3A_917 = arith.constant -0.971244692 : f32
      %gt3A_918 = vector.broadcast %gt3A_917 : f32 to vector<16xf32>
      %gt3A_919 = arith.cmpf ogt, %get3A_890, %gt3A_918 : vector<16xf32>
      %jit3A_920 = arith.constant 1.000000e+00 : f32
      %jit3A_921 = arith.constant 0.000000e+00 : f32
      %broadcast_in_dim3A_922 = vector.broadcast %jit3A_920 : f32 to vector<16xf32>
      %broadcast_in_dim3A_923 = vector.broadcast %jit3A_921 : f32 to vector<16xf32>
      %select_n3A_924 = arith.select %gt3A_919, %broadcast_in_dim3A_922, %broadcast_in_dim3A_923 : vector<16xi1>, vector<16xf32>
      %add3A_925 = arith.addf %add3A_916, %select_n3A_924 : vector<16xf32>
      %mul3A_926 = arith.constant 4.000000e+00 : f32
      %mul3A_927 = vector.broadcast %mul3A_926 : f32 to vector<16xf32>
      %mul3A_928 = arith.mulf %mul3A_927, %get3A_890 : vector<16xf32>
      %sub3A_929 = arith.constant 2.000000e+00 : f32
      %sub3A_930 = vector.broadcast %sub3A_929 : f32 to vector<16xf32>
      %sub3A_931 = arith.subf %add3A_925, %sub3A_930 : vector<16xf32>
      %mul3A_932 = arith.constant 2.000000e+00 : f32
      %mul3A_933 = vector.broadcast %mul3A_932 : f32 to vector<16xf32>
      %mul3A_934 = arith.mulf %mul3A_933, %sub3A_931 : vector<16xf32>
      %sub3A_935 = arith.subf %mul3A_928, %mul3A_934 : vector<16xf32>
      %gt3A_936 = arith.constant 0.255146444 : f32
      %gt3A_937 = vector.broadcast %gt3A_936 : f32 to vector<16xf32>
      %gt3A_938 = arith.cmpf ogt, %sub3A_935, %gt3A_937 : vector<16xf32>
      %jit3A_939 = arith.constant 1.000000e+00 : f32
      %jit3A_940 = arith.constant 0.000000e+00 : f32
      %broadcast_in_dim3A_941 = vector.broadcast %jit3A_939 : f32 to vector<16xf32>
      %broadcast_in_dim3A_942 = vector.broadcast %jit3A_940 : f32 to vector<16xf32>
      %select_n3A_943 = arith.select %gt3A_938, %broadcast_in_dim3A_941, %broadcast_in_dim3A_942 : vector<16xi1>, vector<16xf32>
      %ge3A_944 = arith.constant 0.971244692 : f32
      %ge3A_945 = vector.broadcast %ge3A_944 : f32 to vector<16xf32>
      %ge3A_946 = arith.cmpf oge, %sub3A_935, %ge3A_945 : vector<16xf32>
      %jit3A_947 = arith.constant 1.000000e+00 : f32
      %jit3A_948 = arith.constant 0.000000e+00 : f32
      %broadcast_in_dim3A_949 = vector.broadcast %jit3A_947 : f32 to vector<16xf32>
      %broadcast_in_dim3A_950 = vector.broadcast %jit3A_948 : f32 to vector<16xf32>
      %select_n3A_951 = arith.select %ge3A_946, %broadcast_in_dim3A_949, %broadcast_in_dim3A_950 : vector<16xi1>, vector<16xf32>
      %add3A_952 = arith.addf %select_n3A_943, %select_n3A_951 : vector<16xf32>
      %ge3A_953 = arith.constant -0.255146444 : f32
      %ge3A_954 = vector.broadcast %ge3A_953 : f32 to vector<16xf32>
      %ge3A_955 = arith.cmpf oge, %sub3A_935, %ge3A_954 : vector<16xf32>
      %jit3A_956 = arith.constant 1.000000e+00 : f32
      %jit3A_957 = arith.constant 0.000000e+00 : f32
      %broadcast_in_dim3A_958 = vector.broadcast %jit3A_956 : f32 to vector<16xf32>
      %broadcast_in_dim3A_959 = vector.broadcast %jit3A_957 : f32 to vector<16xf32>
      %select_n3A_960 = arith.select %ge3A_955, %broadcast_in_dim3A_958, %broadcast_in_dim3A_959 : vector<16xi1>, vector<16xf32>
      %add3A_961 = arith.addf %add3A_952, %select_n3A_960 : vector<16xf32>
      %gt3A_962 = arith.constant -0.971244692 : f32
      %gt3A_963 = vector.broadcast %gt3A_962 : f32 to vector<16xf32>
      %gt3A_964 = arith.cmpf ogt, %sub3A_935, %gt3A_963 : vector<16xf32>
      %jit3A_965 = arith.constant 1.000000e+00 : f32
      %jit3A_966 = arith.constant 0.000000e+00 : f32
      %broadcast_in_dim3A_967 = vector.broadcast %jit3A_965 : f32 to vector<16xf32>
      %broadcast_in_dim3A_968 = vector.broadcast %jit3A_966 : f32 to vector<16xf32>
      %select_n3A_969 = arith.select %gt3A_964, %broadcast_in_dim3A_967, %broadcast_in_dim3A_968 : vector<16xi1>, vector<16xf32>
      %add3A_970 = arith.addf %add3A_961, %select_n3A_969 : vector<16xf32>
      %mul3A_971 = arith.constant 1.000000e+00 : f32
      %mul3A_972 = vector.broadcast %mul3A_971 : f32 to vector<16xf32>
      %mul3A_973 = arith.mulf %add3A_925, %mul3A_972 : vector<16xf32>
      %mul3A_974 = arith.constant 1.000000e+00 : f32
      %mul3A_975 = vector.broadcast %mul3A_974 : f32 to vector<16xf32>
      %mul3A_976 = arith.mulf %add3A_970, %mul3A_975 : vector<16xf32>
      %add3A_977 = arith.constant 32 : i32
      %add3A_978 = arith.addi %mul3A_97, %add3A_977 : i32
      %get3A_979 = arith.constant 1 : i32
      %get3A_980 = arith.index_cast %get3A_979 : i32 to index
      %get3A_981 = arith.index_cast %add3A_978 : i32 to index
      %get3A_982 = tpu.vector_load %arg9[%get3A_980, %get3A_981] {strides = array<i32>} : memref<4x1024xf32, #tpu.memory_space<vmem>>, vector<1x16xf32>,
      %get3A_983 = vector.shape_cast %get3A_982 : vector<1x16xf32> to vector<16xf32>
      %gt3A_984 = arith.constant 0.255146444 : f32
      %gt3A_985 = vector.broadcast %gt3A_984 : f32 to vector<16xf32>
      %gt3A_986 = arith.cmpf ogt, %get3A_983, %gt3A_985 : vector<16xf32>
      %jit3A_987 = arith.constant 1.000000e+00 : f32
      %jit3A_988 = arith.constant 0.000000e+00 : f32
      %broadcast_in_dim3A_989 = vector.broadcast %jit3A_987 : f32 to vector<16xf32>
      %broadcast_in_dim3A_990 = vector.broadcast %jit3A_988 : f32 to vector<16xf32>
      %select_n3A_991 = arith.select %gt3A_986, %broadcast_in_dim3A_989, %broadcast_in_dim3A_990 : vector<16xi1>, vector<16xf32>
      %ge3A_992 = arith.constant 0.971244692 : f32
      %ge3A_993 = vector.broadcast %ge3A_992 : f32 to vector<16xf32>
      %ge3A_994 = arith.cmpf oge, %get3A_983, %ge3A_993 : vector<16xf32>
      %jit3A_995 = arith.constant 1.000000e+00 : f32
      %jit3A_996 = arith.constant 0.000000e+00 : f32
      %broadcast_in_dim3A_997 = vector.broadcast %jit3A_995 : f32 to vector<16xf32>
      %broadcast_in_dim3A_998 = vector.broadcast %jit3A_996 : f32 to vector<16xf32>
      %select_n3A_999 = arith.select %ge3A_994, %broadcast_in_dim3A_997, %broadcast_in_dim3A_998 : vector<16xi1>, vector<16xf32>
      %add3A_1000 = arith.addf %select_n3A_991, %select_n3A_999 : vector<16xf32>
      %ge3A_1001 = arith.constant -0.255146444 : f32
      %ge3A_1002 = vector.broadcast %ge3A_1001 : f32 to vector<16xf32>
      %ge3A_1003 = arith.cmpf oge, %get3A_983, %ge3A_1002 : vector<16xf32>
      %jit3A_1004 = arith.constant 1.000000e+00 : f32
      %jit3A_1005 = arith.constant 0.000000e+00 : f32
      %broadcast_in_dim3A_1006 = vector.broadcast %jit3A_1004 : f32 to vector<16xf32>
      %broadcast_in_dim3A_1007 = vector.broadcast %jit3A_1005 : f32 to vector<16xf32>
      %select_n3A_1008 = arith.select %ge3A_1003, %broadcast_in_dim3A_1006, %broadcast_in_dim3A_1007 : vector<16xi1>, vector<16xf32>
      %add3A_1009 = arith.addf %add3A_1000, %select_n3A_1008 : vector<16xf32>
      %gt3A_1010 = arith.constant -0.971244692 : f32
      %gt3A_1011 = vector.broadcast %gt3A_1010 : f32 to vector<16xf32>
      %gt3A_1012 = arith.cmpf ogt, %get3A_983, %gt3A_1011 : vector<16xf32>
      %jit3A_1013 = arith.constant 1.000000e+00 : f32
      %jit3A_1014 = arith.constant 0.000000e+00 : f32
      %broadcast_in_dim3A_1015 = vector.broadcast %jit3A_1013 : f32 to vector<16xf32>
      %broadcast_in_dim3A_1016 = vector.broadcast %jit3A_1014 : f32 to vector<16xf32>
      %select_n3A_1017 = arith.select %gt3A_1012, %broadcast_in_dim3A_1015, %broadcast_in_dim3A_1016 : vector<16xi1>, vector<16xf32>
      %add3A_1018 = arith.addf %add3A_1009, %select_n3A_1017 : vector<16xf32>
      %mul3A_1019 = arith.constant 4.000000e+00 : f32
      %mul3A_1020 = vector.broadcast %mul3A_1019 : f32 to vector<16xf32>
      %mul3A_1021 = arith.mulf %mul3A_1020, %get3A_983 : vector<16xf32>
      %sub3A_1022 = arith.constant 2.000000e+00 : f32
      %sub3A_1023 = vector.broadcast %sub3A_1022 : f32 to vector<16xf32>
      %sub3A_1024 = arith.subf %add3A_1018, %sub3A_1023 : vector<16xf32>
      %mul3A_1025 = arith.constant 2.000000e+00 : f32
      %mul3A_1026 = vector.broadcast %mul3A_1025 : f32 to vector<16xf32>
      %mul3A_1027 = arith.mulf %mul3A_1026, %sub3A_1024 : vector<16xf32>
      %sub3A_1028 = arith.subf %mul3A_1021, %mul3A_1027 : vector<16xf32>
      %gt3A_1029 = arith.constant 0.255146444 : f32
      %gt3A_1030 = vector.broadcast %gt3A_1029 : f32 to vector<16xf32>
      %gt3A_1031 = arith.cmpf ogt, %sub3A_1028, %gt3A_1030 : vector<16xf32>
      %jit3A_1032 = arith.constant 1.000000e+00 : f32
      %jit3A_1033 = arith.constant 0.000000e+00 : f32
      %broadcast_in_dim3A_1034 = vector.broadcast %jit3A_1032 : f32 to vector<16xf32>
      %broadcast_in_dim3A_1035 = vector.broadcast %jit3A_1033 : f32 to vector<16xf32>
      %select_n3A_1036 = arith.select %gt3A_1031, %broadcast_in_dim3A_1034, %broadcast_in_dim3A_1035 : vector<16xi1>, vector<16xf32>
      %ge3A_1037 = arith.constant 0.971244692 : f32
      %ge3A_1038 = vector.broadcast %ge3A_1037 : f32 to vector<16xf32>
      %ge3A_1039 = arith.cmpf oge, %sub3A_1028, %ge3A_1038 : vector<16xf32>
      %jit3A_1040 = arith.constant 1.000000e+00 : f32
      %jit3A_1041 = arith.constant 0.000000e+00 : f32
      %broadcast_in_dim3A_1042 = vector.broadcast %jit3A_1040 : f32 to vector<16xf32>
      %broadcast_in_dim3A_1043 = vector.broadcast %jit3A_1041 : f32 to vector<16xf32>
      %select_n3A_1044 = arith.select %ge3A_1039, %broadcast_in_dim3A_1042, %broadcast_in_dim3A_1043 : vector<16xi1>, vector<16xf32>
      %add3A_1045 = arith.addf %select_n3A_1036, %select_n3A_1044 : vector<16xf32>
      %ge3A_1046 = arith.constant -0.255146444 : f32
      %ge3A_1047 = vector.broadcast %ge3A_1046 : f32 to vector<16xf32>
      %ge3A_1048 = arith.cmpf oge, %sub3A_1028, %ge3A_1047 : vector<16xf32>
      %jit3A_1049 = arith.constant 1.000000e+00 : f32
      %jit3A_1050 = arith.constant 0.000000e+00 : f32
      %broadcast_in_dim3A_1051 = vector.broadcast %jit3A_1049 : f32 to vector<16xf32>
      %broadcast_in_dim3A_1052 = vector.broadcast %jit3A_1050 : f32 to vector<16xf32>
      %select_n3A_1053 = arith.select %ge3A_1048, %broadcast_in_dim3A_1051, %broadcast_in_dim3A_1052 : vector<16xi1>, vector<16xf32>
      %add3A_1054 = arith.addf %add3A_1045, %select_n3A_1053 : vector<16xf32>
      %gt3A_1055 = arith.constant -0.971244692 : f32
      %gt3A_1056 = vector.broadcast %gt3A_1055 : f32 to vector<16xf32>
      %gt3A_1057 = arith.cmpf ogt, %sub3A_1028, %gt3A_1056 : vector<16xf32>
      %jit3A_1058 = arith.constant 1.000000e+00 : f32
      %jit3A_1059 = arith.constant 0.000000e+00 : f32
      %broadcast_in_dim3A_1060 = vector.broadcast %jit3A_1058 : f32 to vector<16xf32>
      %broadcast_in_dim3A_1061 = vector.broadcast %jit3A_1059 : f32 to vector<16xf32>
      %select_n3A_1062 = arith.select %gt3A_1057, %broadcast_in_dim3A_1060, %broadcast_in_dim3A_1061 : vector<16xi1>, vector<16xf32>
      %add3A_1063 = arith.addf %add3A_1054, %select_n3A_1062 : vector<16xf32>
      %mul3A_1064 = arith.constant 5.000000e+00 : f32
      %mul3A_1065 = vector.broadcast %mul3A_1064 : f32 to vector<16xf32>
      %mul3A_1066 = arith.mulf %add3A_1018, %mul3A_1065 : vector<16xf32>
      %mul3A_1067 = arith.constant 5.000000e+00 : f32
      %mul3A_1068 = vector.broadcast %mul3A_1067 : f32 to vector<16xf32>
      %mul3A_1069 = arith.mulf %add3A_1063, %mul3A_1068 : vector<16xf32>
      %add3A_1070 = arith.addf %mul3A_973, %mul3A_1066 : vector<16xf32>
      %add3A_1071 = arith.addf %mul3A_976, %mul3A_1069 : vector<16xf32>
      %add3A_1072 = arith.constant 32 : i32
      %add3A_1073 = arith.addi %mul3A_97, %add3A_1072 : i32
      %get3A_1074 = arith.constant 2 : i32
      %get3A_1075 = arith.index_cast %get3A_1074 : i32 to index
      %get3A_1076 = arith.index_cast %add3A_1073 : i32 to index
      %get3A_1077 = tpu.vector_load %arg9[%get3A_1075, %get3A_1076] {strides = array<i32>} : memref<4x1024xf32, #tpu.memory_space<vmem>>, vector<1x16xf32>,
      %get3A_1078 = vector.shape_cast %get3A_1077 : vector<1x16xf32> to vector<16xf32>
      %gt3A_1079 = arith.constant 0.255146444 : f32
      %gt3A_1080 = vector.broadcast %gt3A_1079 : f32 to vector<16xf32>
      %gt3A_1081 = arith.cmpf ogt, %get3A_1078, %gt3A_1080 : vector<16xf32>
      %jit3A_1082 = arith.constant 1.000000e+00 : f32
      %jit3A_1083 = arith.constant 0.000000e+00 : f32
      %broadcast_in_dim3A_1084 = vector.broadcast %jit3A_1082 : f32 to vector<16xf32>
      %broadcast_in_dim3A_1085 = vector.broadcast %jit3A_1083 : f32 to vector<16xf32>
      %select_n3A_1086 = arith.select %gt3A_1081, %broadcast_in_dim3A_1084, %broadcast_in_dim3A_1085 : vector<16xi1>, vector<16xf32>
      %ge3A_1087 = arith.constant 0.971244692 : f32
      %ge3A_1088 = vector.broadcast %ge3A_1087 : f32 to vector<16xf32>
      %ge3A_1089 = arith.cmpf oge, %get3A_1078, %ge3A_1088 : vector<16xf32>
      %jit3A_1090 = arith.constant 1.000000e+00 : f32
      %jit3A_1091 = arith.constant 0.000000e+00 : f32
      %broadcast_in_dim3A_1092 = vector.broadcast %jit3A_1090 : f32 to vector<16xf32>
      %broadcast_in_dim3A_1093 = vector.broadcast %jit3A_1091 : f32 to vector<16xf32>
      %select_n3A_1094 = arith.select %ge3A_1089, %broadcast_in_dim3A_1092, %broadcast_in_dim3A_1093 : vector<16xi1>, vector<16xf32>
      %add3A_1095 = arith.addf %select_n3A_1086, %select_n3A_1094 : vector<16xf32>
      %ge3A_1096 = arith.constant -0.255146444 : f32
      %ge3A_1097 = vector.broadcast %ge3A_1096 : f32 to vector<16xf32>
      %ge3A_1098 = arith.cmpf oge, %get3A_1078, %ge3A_1097 : vector<16xf32>
      %jit3A_1099 = arith.constant 1.000000e+00 : f32
      %jit3A_1100 = arith.constant 0.000000e+00 : f32
      %broadcast_in_dim3A_1101 = vector.broadcast %jit3A_1099 : f32 to vector<16xf32>
      %broadcast_in_dim3A_1102 = vector.broadcast %jit3A_1100 : f32 to vector<16xf32>
      %select_n3A_1103 = arith.select %ge3A_1098, %broadcast_in_dim3A_1101, %broadcast_in_dim3A_1102 : vector<16xi1>, vector<16xf32>
      %add3A_1104 = arith.addf %add3A_1095, %select_n3A_1103 : vector<16xf32>
      %gt3A_1105 = arith.constant -0.971244692 : f32
      %gt3A_1106 = vector.broadcast %gt3A_1105 : f32 to vector<16xf32>
      %gt3A_1107 = arith.cmpf ogt, %get3A_1078, %gt3A_1106 : vector<16xf32>
      %jit3A_1108 = arith.constant 1.000000e+00 : f32
      %jit3A_1109 = arith.constant 0.000000e+00 : f32
      %broadcast_in_dim3A_1110 = vector.broadcast %jit3A_1108 : f32 to vector<16xf32>
      %broadcast_in_dim3A_1111 = vector.broadcast %jit3A_1109 : f32 to vector<16xf32>
      %select_n3A_1112 = arith.select %gt3A_1107, %broadcast_in_dim3A_1110, %broadcast_in_dim3A_1111 : vector<16xi1>, vector<16xf32>
      %add3A_1113 = arith.addf %add3A_1104, %select_n3A_1112 : vector<16xf32>
      %mul3A_1114 = arith.constant 4.000000e+00 : f32
      %mul3A_1115 = vector.broadcast %mul3A_1114 : f32 to vector<16xf32>
      %mul3A_1116 = arith.mulf %mul3A_1115, %get3A_1078 : vector<16xf32>
      %sub3A_1117 = arith.constant 2.000000e+00 : f32
      %sub3A_1118 = vector.broadcast %sub3A_1117 : f32 to vector<16xf32>
      %sub3A_1119 = arith.subf %add3A_1113, %sub3A_1118 : vector<16xf32>
      %mul3A_1120 = arith.constant 2.000000e+00 : f32
      %mul3A_1121 = vector.broadcast %mul3A_1120 : f32 to vector<16xf32>
      %mul3A_1122 = arith.mulf %mul3A_1121, %sub3A_1119 : vector<16xf32>
      %sub3A_1123 = arith.subf %mul3A_1116, %mul3A_1122 : vector<16xf32>
      %gt3A_1124 = arith.constant 0.255146444 : f32
      %gt3A_1125 = vector.broadcast %gt3A_1124 : f32 to vector<16xf32>
      %gt3A_1126 = arith.cmpf ogt, %sub3A_1123, %gt3A_1125 : vector<16xf32>
      %jit3A_1127 = arith.constant 1.000000e+00 : f32
      %jit3A_1128 = arith.constant 0.000000e+00 : f32
      %broadcast_in_dim3A_1129 = vector.broadcast %jit3A_1127 : f32 to vector<16xf32>
      %broadcast_in_dim3A_1130 = vector.broadcast %jit3A_1128 : f32 to vector<16xf32>
      %select_n3A_1131 = arith.select %gt3A_1126, %broadcast_in_dim3A_1129, %broadcast_in_dim3A_1130 : vector<16xi1>, vector<16xf32>
      %ge3A_1132 = arith.constant 0.971244692 : f32
      %ge3A_1133 = vector.broadcast %ge3A_1132 : f32 to vector<16xf32>
      %ge3A_1134 = arith.cmpf oge, %sub3A_1123, %ge3A_1133 : vector<16xf32>
      %jit3A_1135 = arith.constant 1.000000e+00 : f32
      %jit3A_1136 = arith.constant 0.000000e+00 : f32
      %broadcast_in_dim3A_1137 = vector.broadcast %jit3A_1135 : f32 to vector<16xf32>
      %broadcast_in_dim3A_1138 = vector.broadcast %jit3A_1136 : f32 to vector<16xf32>
      %select_n3A_1139 = arith.select %ge3A_1134, %broadcast_in_dim3A_1137, %broadcast_in_dim3A_1138 : vector<16xi1>, vector<16xf32>
      %add3A_1140 = arith.addf %select_n3A_1131, %select_n3A_1139 : vector<16xf32>
      %ge3A_1141 = arith.constant -0.255146444 : f32
      %ge3A_1142 = vector.broadcast %ge3A_1141 : f32 to vector<16xf32>
      %ge3A_1143 = arith.cmpf oge, %sub3A_1123, %ge3A_1142 : vector<16xf32>
      %jit3A_1144 = arith.constant 1.000000e+00 : f32
      %jit3A_1145 = arith.constant 0.000000e+00 : f32
      %broadcast_in_dim3A_1146 = vector.broadcast %jit3A_1144 : f32 to vector<16xf32>
      %broadcast_in_dim3A_1147 = vector.broadcast %jit3A_1145 : f32 to vector<16xf32>
      %select_n3A_1148 = arith.select %ge3A_1143, %broadcast_in_dim3A_1146, %broadcast_in_dim3A_1147 : vector<16xi1>, vector<16xf32>
      %add3A_1149 = arith.addf %add3A_1140, %select_n3A_1148 : vector<16xf32>
      %gt3A_1150 = arith.constant -0.971244692 : f32
      %gt3A_1151 = vector.broadcast %gt3A_1150 : f32 to vector<16xf32>
      %gt3A_1152 = arith.cmpf ogt, %sub3A_1123, %gt3A_1151 : vector<16xf32>
      %jit3A_1153 = arith.constant 1.000000e+00 : f32
      %jit3A_1154 = arith.constant 0.000000e+00 : f32
      %broadcast_in_dim3A_1155 = vector.broadcast %jit3A_1153 : f32 to vector<16xf32>
      %broadcast_in_dim3A_1156 = vector.broadcast %jit3A_1154 : f32 to vector<16xf32>
      %select_n3A_1157 = arith.select %gt3A_1152, %broadcast_in_dim3A_1155, %broadcast_in_dim3A_1156 : vector<16xi1>, vector<16xf32>
      %add3A_1158 = arith.addf %add3A_1149, %select_n3A_1157 : vector<16xf32>
      %mul3A_1159 = arith.constant 2.500000e+01 : f32
      %mul3A_1160 = vector.broadcast %mul3A_1159 : f32 to vector<16xf32>
      %mul3A_1161 = arith.mulf %add3A_1113, %mul3A_1160 : vector<16xf32>
      %mul3A_1162 = arith.constant 2.500000e+01 : f32
      %mul3A_1163 = vector.broadcast %mul3A_1162 : f32 to vector<16xf32>
      %mul3A_1164 = arith.mulf %add3A_1158, %mul3A_1163 : vector<16xf32>
      %add3A_1165 = arith.addf %add3A_1070, %mul3A_1161 : vector<16xf32>
      %add3A_1166 = arith.addf %add3A_1071, %mul3A_1164 : vector<16xf32>
      %add3A_1167 = arith.constant 32 : i32
      %add3A_1168 = arith.addi %mul3A_97, %add3A_1167 : i32
      %get3A_1169 = arith.constant 3 : i32
      %get3A_1170 = arith.index_cast %get3A_1169 : i32 to index
      %get3A_1171 = arith.index_cast %add3A_1168 : i32 to index
      %get3A_1172 = tpu.vector_load %arg9[%get3A_1170, %get3A_1171] {strides = array<i32>} : memref<4x1024xf32, #tpu.memory_space<vmem>>, vector<1x16xf32>,
      %get3A_1173 = vector.shape_cast %get3A_1172 : vector<1x16xf32> to vector<16xf32>
      %gt3A_1174 = arith.constant 0.255146444 : f32
      %gt3A_1175 = vector.broadcast %gt3A_1174 : f32 to vector<16xf32>
      %gt3A_1176 = arith.cmpf ogt, %get3A_1173, %gt3A_1175 : vector<16xf32>
      %jit3A_1177 = arith.constant 1.000000e+00 : f32
      %jit3A_1178 = arith.constant 0.000000e+00 : f32
      %broadcast_in_dim3A_1179 = vector.broadcast %jit3A_1177 : f32 to vector<16xf32>
      %broadcast_in_dim3A_1180 = vector.broadcast %jit3A_1178 : f32 to vector<16xf32>
      %select_n3A_1181 = arith.select %gt3A_1176, %broadcast_in_dim3A_1179, %broadcast_in_dim3A_1180 : vector<16xi1>, vector<16xf32>
      %ge3A_1182 = arith.constant 0.971244692 : f32
      %ge3A_1183 = vector.broadcast %ge3A_1182 : f32 to vector<16xf32>
      %ge3A_1184 = arith.cmpf oge, %get3A_1173, %ge3A_1183 : vector<16xf32>
      %jit3A_1185 = arith.constant 1.000000e+00 : f32
      %jit3A_1186 = arith.constant 0.000000e+00 : f32
      %broadcast_in_dim3A_1187 = vector.broadcast %jit3A_1185 : f32 to vector<16xf32>
      %broadcast_in_dim3A_1188 = vector.broadcast %jit3A_1186 : f32 to vector<16xf32>
      %select_n3A_1189 = arith.select %ge3A_1184, %broadcast_in_dim3A_1187, %broadcast_in_dim3A_1188 : vector<16xi1>, vector<16xf32>
      %add3A_1190 = arith.addf %select_n3A_1181, %select_n3A_1189 : vector<16xf32>
      %ge3A_1191 = arith.constant -0.255146444 : f32
      %ge3A_1192 = vector.broadcast %ge3A_1191 : f32 to vector<16xf32>
      %ge3A_1193 = arith.cmpf oge, %get3A_1173, %ge3A_1192 : vector<16xf32>
      %jit3A_1194 = arith.constant 1.000000e+00 : f32
      %jit3A_1195 = arith.constant 0.000000e+00 : f32
      %broadcast_in_dim3A_1196 = vector.broadcast %jit3A_1194 : f32 to vector<16xf32>
      %broadcast_in_dim3A_1197 = vector.broadcast %jit3A_1195 : f32 to vector<16xf32>
      %select_n3A_1198 = arith.select %ge3A_1193, %broadcast_in_dim3A_1196, %broadcast_in_dim3A_1197 : vector<16xi1>, vector<16xf32>
      %add3A_1199 = arith.addf %add3A_1190, %select_n3A_1198 : vector<16xf32>
      %gt3A_1200 = arith.constant -0.971244692 : f32
      %gt3A_1201 = vector.broadcast %gt3A_1200 : f32 to vector<16xf32>
      %gt3A_1202 = arith.cmpf ogt, %get3A_1173, %gt3A_1201 : vector<16xf32>
      %jit3A_1203 = arith.constant 1.000000e+00 : f32
      %jit3A_1204 = arith.constant 0.000000e+00 : f32
      %broadcast_in_dim3A_1205 = vector.broadcast %jit3A_1203 : f32 to vector<16xf32>
      %broadcast_in_dim3A_1206 = vector.broadcast %jit3A_1204 : f32 to vector<16xf32>
      %select_n3A_1207 = arith.select %gt3A_1202, %broadcast_in_dim3A_1205, %broadcast_in_dim3A_1206 : vector<16xi1>, vector<16xf32>
      %add3A_1208 = arith.addf %add3A_1199, %select_n3A_1207 : vector<16xf32>
      %mul3A_1209 = arith.constant 4.000000e+00 : f32
      %mul3A_1210 = vector.broadcast %mul3A_1209 : f32 to vector<16xf32>
      %mul3A_1211 = arith.mulf %mul3A_1210, %get3A_1173 : vector<16xf32>
      %sub3A_1212 = arith.constant 2.000000e+00 : f32
      %sub3A_1213 = vector.broadcast %sub3A_1212 : f32 to vector<16xf32>
      %sub3A_1214 = arith.subf %add3A_1208, %sub3A_1213 : vector<16xf32>
      %mul3A_1215 = arith.constant 2.000000e+00 : f32
      %mul3A_1216 = vector.broadcast %mul3A_1215 : f32 to vector<16xf32>
      %mul3A_1217 = arith.mulf %mul3A_1216, %sub3A_1214 : vector<16xf32>
      %sub3A_1218 = arith.subf %mul3A_1211, %mul3A_1217 : vector<16xf32>
      %gt3A_1219 = arith.constant 0.255146444 : f32
      %gt3A_1220 = vector.broadcast %gt3A_1219 : f32 to vector<16xf32>
      %gt3A_1221 = arith.cmpf ogt, %sub3A_1218, %gt3A_1220 : vector<16xf32>
      %jit3A_1222 = arith.constant 1.000000e+00 : f32
      %jit3A_1223 = arith.constant 0.000000e+00 : f32
      %broadcast_in_dim3A_1224 = vector.broadcast %jit3A_1222 : f32 to vector<16xf32>
      %broadcast_in_dim3A_1225 = vector.broadcast %jit3A_1223 : f32 to vector<16xf32>
      %select_n3A_1226 = arith.select %gt3A_1221, %broadcast_in_dim3A_1224, %broadcast_in_dim3A_1225 : vector<16xi1>, vector<16xf32>
      %ge3A_1227 = arith.constant 0.971244692 : f32
      %ge3A_1228 = vector.broadcast %ge3A_1227 : f32 to vector<16xf32>
      %ge3A_1229 = arith.cmpf oge, %sub3A_1218, %ge3A_1228 : vector<16xf32>
      %jit3A_1230 = arith.constant 1.000000e+00 : f32
      %jit3A_1231 = arith.constant 0.000000e+00 : f32
      %broadcast_in_dim3A_1232 = vector.broadcast %jit3A_1230 : f32 to vector<16xf32>
      %broadcast_in_dim3A_1233 = vector.broadcast %jit3A_1231 : f32 to vector<16xf32>
      %select_n3A_1234 = arith.select %ge3A_1229, %broadcast_in_dim3A_1232, %broadcast_in_dim3A_1233 : vector<16xi1>, vector<16xf32>
      %add3A_1235 = arith.addf %select_n3A_1226, %select_n3A_1234 : vector<16xf32>
      %ge3A_1236 = arith.constant -0.255146444 : f32
      %ge3A_1237 = vector.broadcast %ge3A_1236 : f32 to vector<16xf32>
      %ge3A_1238 = arith.cmpf oge, %sub3A_1218, %ge3A_1237 : vector<16xf32>
      %jit3A_1239 = arith.constant 1.000000e+00 : f32
      %jit3A_1240 = arith.constant 0.000000e+00 : f32
      %broadcast_in_dim3A_1241 = vector.broadcast %jit3A_1239 : f32 to vector<16xf32>
      %broadcast_in_dim3A_1242 = vector.broadcast %jit3A_1240 : f32 to vector<16xf32>
      %select_n3A_1243 = arith.select %ge3A_1238, %broadcast_in_dim3A_1241, %broadcast_in_dim3A_1242 : vector<16xi1>, vector<16xf32>
      %add3A_1244 = arith.addf %add3A_1235, %select_n3A_1243 : vector<16xf32>
      %gt3A_1245 = arith.constant -0.971244692 : f32
      %gt3A_1246 = vector.broadcast %gt3A_1245 : f32 to vector<16xf32>
      %gt3A_1247 = arith.cmpf ogt, %sub3A_1218, %gt3A_1246 : vector<16xf32>
      %jit3A_1248 = arith.constant 1.000000e+00 : f32
      %jit3A_1249 = arith.constant 0.000000e+00 : f32
      %broadcast_in_dim3A_1250 = vector.broadcast %jit3A_1248 : f32 to vector<16xf32>
      %broadcast_in_dim3A_1251 = vector.broadcast %jit3A_1249 : f32 to vector<16xf32>
      %select_n3A_1252 = arith.select %gt3A_1247, %broadcast_in_dim3A_1250, %broadcast_in_dim3A_1251 : vector<16xi1>, vector<16xf32>
      %add3A_1253 = arith.addf %add3A_1244, %select_n3A_1252 : vector<16xf32>
      %mul3A_1254 = arith.constant 1.250000e+02 : f32
      %mul3A_1255 = vector.broadcast %mul3A_1254 : f32 to vector<16xf32>
      %mul3A_1256 = arith.mulf %add3A_1208, %mul3A_1255 : vector<16xf32>
      %mul3A_1257 = arith.constant 1.250000e+02 : f32
      %mul3A_1258 = vector.broadcast %mul3A_1257 : f32 to vector<16xf32>
      %mul3A_1259 = arith.mulf %add3A_1253, %mul3A_1258 : vector<16xf32>
      %add3A_1260 = arith.addf %add3A_1165, %mul3A_1256 : vector<16xf32>
      %add3A_1261 = arith.addf %add3A_1166, %mul3A_1259 : vector<16xf32>
      %convert_element_type3A_1262 = arith.fptosi %add3A_1260 : vector<16xf32> to vector<16xi32>
      %add3A_1263 = arith.constant 32 : i32
      %add3A_1264 = arith.addi %mul3A_97, %add3A_1263 : i32
      %swap3A_1265 = arith.constant 0 : i32
      %swap3A_1266 = arith.index_cast %swap3A_1265 : i32 to index
      %swap3A_1267 = arith.index_cast %add3A_1264 : i32 to index
      %swap3A_1268 = tpu.vector_load %arg10[%swap3A_1266, %swap3A_1267] {strides = array<i32>} : memref<2x1024xi32, #tpu.memory_space<vmem>>, vector<1x16xi32>,
      %swap3A_1269 = vector.shape_cast %swap3A_1268 : vector<1x16xi32> to vector<16xi32>
      %swap3A_1270 = vector.shape_cast %convert_element_type3A_1262 : vector<16xi32> to vector<1x16xi32>
      tpu.vector_store %arg10[%swap3A_1266, %swap3A_1267], %swap3A_1270 {strides = array<i32>} : memref<2x1024xi32, #tpu.memory_space<vmem>>, vector<1x16xi32>,
      %convert_element_type3A_1271 = arith.fptosi %add3A_1261 : vector<16xf32> to vector<16xi32>
      %add3A_1272 = arith.constant 32 : i32
      %add3A_1273 = arith.addi %mul3A_97, %add3A_1272 : i32
      %swap3A_1274 = arith.constant 1 : i32
      %swap3A_1275 = arith.index_cast %swap3A_1274 : i32 to index
      %swap3A_1276 = arith.index_cast %add3A_1273 : i32 to index
      %swap3A_1277 = tpu.vector_load %arg10[%swap3A_1275, %swap3A_1276] {strides = array<i32>} : memref<2x1024xi32, #tpu.memory_space<vmem>>, vector<1x16xi32>,
      %swap3A_1278 = vector.shape_cast %swap3A_1277 : vector<1x16xi32> to vector<16xi32>
      %swap3A_1279 = vector.shape_cast %convert_element_type3A_1271 : vector<16xi32> to vector<1x16xi32>
      tpu.vector_store %arg10[%swap3A_1275, %swap3A_1276], %swap3A_1279 {strides = array<i32>} : memref<2x1024xi32, #tpu.memory_space<vmem>>, vector<1x16xi32>,
      %add3A_1280 = arith.constant 48 : i32
      %add3A_1281 = arith.addi %mul3A_97, %add3A_1280 : i32
      %get3A_1282 = arith.constant 0 : i32
      %get3A_1283 = arith.index_cast %get3A_1282 : i32 to index
      %get3A_1284 = arith.index_cast %add3A_1281 : i32 to index
      %get3A_1285 = tpu.vector_load %arg9[%get3A_1283, %get3A_1284] {strides = array<i32>} : memref<4x1024xf32, #tpu.memory_space<vmem>>, vector<1x16xf32>,
      %get3A_1286 = vector.shape_cast %get3A_1285 : vector<1x16xf32> to vector<16xf32>
      %gt3A_1287 = arith.constant 0.255146444 : f32
      %gt3A_1288 = vector.broadcast %gt3A_1287 : f32 to vector<16xf32>
      %gt3A_1289 = arith.cmpf ogt, %get3A_1286, %gt3A_1288 : vector<16xf32>
      %jit3A_1290 = arith.constant 1.000000e+00 : f32
      %jit3A_1291 = arith.constant 0.000000e+00 : f32
      %broadcast_in_dim3A_1292 = vector.broadcast %jit3A_1290 : f32 to vector<16xf32>
      %broadcast_in_dim3A_1293 = vector.broadcast %jit3A_1291 : f32 to vector<16xf32>
      %select_n3A_1294 = arith.select %gt3A_1289, %broadcast_in_dim3A_1292, %broadcast_in_dim3A_1293 : vector<16xi1>, vector<16xf32>
      %ge3A_1295 = arith.constant 0.971244692 : f32
      %ge3A_1296 = vector.broadcast %ge3A_1295 : f32 to vector<16xf32>
      %ge3A_1297 = arith.cmpf oge, %get3A_1286, %ge3A_1296 : vector<16xf32>
      %jit3A_1298 = arith.constant 1.000000e+00 : f32
      %jit3A_1299 = arith.constant 0.000000e+00 : f32
      %broadcast_in_dim3A_1300 = vector.broadcast %jit3A_1298 : f32 to vector<16xf32>
      %broadcast_in_dim3A_1301 = vector.broadcast %jit3A_1299 : f32 to vector<16xf32>
      %select_n3A_1302 = arith.select %ge3A_1297, %broadcast_in_dim3A_1300, %broadcast_in_dim3A_1301 : vector<16xi1>, vector<16xf32>
      %add3A_1303 = arith.addf %select_n3A_1294, %select_n3A_1302 : vector<16xf32>
      %ge3A_1304 = arith.constant -0.255146444 : f32
      %ge3A_1305 = vector.broadcast %ge3A_1304 : f32 to vector<16xf32>
      %ge3A_1306 = arith.cmpf oge, %get3A_1286, %ge3A_1305 : vector<16xf32>
      %jit3A_1307 = arith.constant 1.000000e+00 : f32
      %jit3A_1308 = arith.constant 0.000000e+00 : f32
      %broadcast_in_dim3A_1309 = vector.broadcast %jit3A_1307 : f32 to vector<16xf32>
      %broadcast_in_dim3A_1310 = vector.broadcast %jit3A_1308 : f32 to vector<16xf32>
      %select_n3A_1311 = arith.select %ge3A_1306, %broadcast_in_dim3A_1309, %broadcast_in_dim3A_1310 : vector<16xi1>, vector<16xf32>
      %add3A_1312 = arith.addf %add3A_1303, %select_n3A_1311 : vector<16xf32>
      %gt3A_1313 = arith.constant -0.971244692 : f32
      %gt3A_1314 = vector.broadcast %gt3A_1313 : f32 to vector<16xf32>
      %gt3A_1315 = arith.cmpf ogt, %get3A_1286, %gt3A_1314 : vector<16xf32>
      %jit3A_1316 = arith.constant 1.000000e+00 : f32
      %jit3A_1317 = arith.constant 0.000000e+00 : f32
      %broadcast_in_dim3A_1318 = vector.broadcast %jit3A_1316 : f32 to vector<16xf32>
      %broadcast_in_dim3A_1319 = vector.broadcast %jit3A_1317 : f32 to vector<16xf32>
      %select_n3A_1320 = arith.select %gt3A_1315, %broadcast_in_dim3A_1318, %broadcast_in_dim3A_1319 : vector<16xi1>, vector<16xf32>
      %add3A_1321 = arith.addf %add3A_1312, %select_n3A_1320 : vector<16xf32>
      %mul3A_1322 = arith.constant 4.000000e+00 : f32
      %mul3A_1323 = vector.broadcast %mul3A_1322 : f32 to vector<16xf32>
      %mul3A_1324 = arith.mulf %mul3A_1323, %get3A_1286 : vector<16xf32>
      %sub3A_1325 = arith.constant 2.000000e+00 : f32
      %sub3A_1326 = vector.broadcast %sub3A_1325 : f32 to vector<16xf32>
      %sub3A_1327 = arith.subf %add3A_1321, %sub3A_1326 : vector<16xf32>
      %mul3A_1328 = arith.constant 2.000000e+00 : f32
      %mul3A_1329 = vector.broadcast %mul3A_1328 : f32 to vector<16xf32>
      %mul3A_1330 = arith.mulf %mul3A_1329, %sub3A_1327 : vector<16xf32>
      %sub3A_1331 = arith.subf %mul3A_1324, %mul3A_1330 : vector<16xf32>
      %gt3A_1332 = arith.constant 0.255146444 : f32
      %gt3A_1333 = vector.broadcast %gt3A_1332 : f32 to vector<16xf32>
      %gt3A_1334 = arith.cmpf ogt, %sub3A_1331, %gt3A_1333 : vector<16xf32>
      %jit3A_1335 = arith.constant 1.000000e+00 : f32
      %jit3A_1336 = arith.constant 0.000000e+00 : f32
      %broadcast_in_dim3A_1337 = vector.broadcast %jit3A_1335 : f32 to vector<16xf32>
      %broadcast_in_dim3A_1338 = vector.broadcast %jit3A_1336 : f32 to vector<16xf32>
      %select_n3A_1339 = arith.select %gt3A_1334, %broadcast_in_dim3A_1337, %broadcast_in_dim3A_1338 : vector<16xi1>, vector<16xf32>
      %ge3A_1340 = arith.constant 0.971244692 : f32
      %ge3A_1341 = vector.broadcast %ge3A_1340 : f32 to vector<16xf32>
      %ge3A_1342 = arith.cmpf oge, %sub3A_1331, %ge3A_1341 : vector<16xf32>
      %jit3A_1343 = arith.constant 1.000000e+00 : f32
      %jit3A_1344 = arith.constant 0.000000e+00 : f32
      %broadcast_in_dim3A_1345 = vector.broadcast %jit3A_1343 : f32 to vector<16xf32>
      %broadcast_in_dim3A_1346 = vector.broadcast %jit3A_1344 : f32 to vector<16xf32>
      %select_n3A_1347 = arith.select %ge3A_1342, %broadcast_in_dim3A_1345, %broadcast_in_dim3A_1346 : vector<16xi1>, vector<16xf32>
      %add3A_1348 = arith.addf %select_n3A_1339, %select_n3A_1347 : vector<16xf32>
      %ge3A_1349 = arith.constant -0.255146444 : f32
      %ge3A_1350 = vector.broadcast %ge3A_1349 : f32 to vector<16xf32>
      %ge3A_1351 = arith.cmpf oge, %sub3A_1331, %ge3A_1350 : vector<16xf32>
      %jit3A_1352 = arith.constant 1.000000e+00 : f32
      %jit3A_1353 = arith.constant 0.000000e+00 : f32
      %broadcast_in_dim3A_1354 = vector.broadcast %jit3A_1352 : f32 to vector<16xf32>
      %broadcast_in_dim3A_1355 = vector.broadcast %jit3A_1353 : f32 to vector<16xf32>
      %select_n3A_1356 = arith.select %ge3A_1351, %broadcast_in_dim3A_1354, %broadcast_in_dim3A_1355 : vector<16xi1>, vector<16xf32>
      %add3A_1357 = arith.addf %add3A_1348, %select_n3A_1356 : vector<16xf32>
      %gt3A_1358 = arith.constant -0.971244692 : f32
      %gt3A_1359 = vector.broadcast %gt3A_1358 : f32 to vector<16xf32>
      %gt3A_1360 = arith.cmpf ogt, %sub3A_1331, %gt3A_1359 : vector<16xf32>
      %jit3A_1361 = arith.constant 1.000000e+00 : f32
      %jit3A_1362 = arith.constant 0.000000e+00 : f32
      %broadcast_in_dim3A_1363 = vector.broadcast %jit3A_1361 : f32 to vector<16xf32>
      %broadcast_in_dim3A_1364 = vector.broadcast %jit3A_1362 : f32 to vector<16xf32>
      %select_n3A_1365 = arith.select %gt3A_1360, %broadcast_in_dim3A_1363, %broadcast_in_dim3A_1364 : vector<16xi1>, vector<16xf32>
      %add3A_1366 = arith.addf %add3A_1357, %select_n3A_1365 : vector<16xf32>
      %mul3A_1367 = arith.constant 1.000000e+00 : f32
      %mul3A_1368 = vector.broadcast %mul3A_1367 : f32 to vector<16xf32>
      %mul3A_1369 = arith.mulf %add3A_1321, %mul3A_1368 : vector<16xf32>
      %mul3A_1370 = arith.constant 1.000000e+00 : f32
      %mul3A_1371 = vector.broadcast %mul3A_1370 : f32 to vector<16xf32>
      %mul3A_1372 = arith.mulf %add3A_1366, %mul3A_1371 : vector<16xf32>
      %add3A_1373 = arith.constant 48 : i32
      %add3A_1374 = arith.addi %mul3A_97, %add3A_1373 : i32
      %get3A_1375 = arith.constant 1 : i32
      %get3A_1376 = arith.index_cast %get3A_1375 : i32 to index
      %get3A_1377 = arith.index_cast %add3A_1374 : i32 to index
      %get3A_1378 = tpu.vector_load %arg9[%get3A_1376, %get3A_1377] {strides = array<i32>} : memref<4x1024xf32, #tpu.memory_space<vmem>>, vector<1x16xf32>,
      %get3A_1379 = vector.shape_cast %get3A_1378 : vector<1x16xf32> to vector<16xf32>
      %gt3A_1380 = arith.constant 0.255146444 : f32
      %gt3A_1381 = vector.broadcast %gt3A_1380 : f32 to vector<16xf32>
      %gt3A_1382 = arith.cmpf ogt, %get3A_1379, %gt3A_1381 : vector<16xf32>
      %jit3A_1383 = arith.constant 1.000000e+00 : f32
      %jit3A_1384 = arith.constant 0.000000e+00 : f32
      %broadcast_in_dim3A_1385 = vector.broadcast %jit3A_1383 : f32 to vector<16xf32>
      %broadcast_in_dim3A_1386 = vector.broadcast %jit3A_1384 : f32 to vector<16xf32>
      %select_n3A_1387 = arith.select %gt3A_1382, %broadcast_in_dim3A_1385, %broadcast_in_dim3A_1386 : vector<16xi1>, vector<16xf32>
      %ge3A_1388 = arith.constant 0.971244692 : f32
      %ge3A_1389 = vector.broadcast %ge3A_1388 : f32 to vector<16xf32>
      %ge3A_1390 = arith.cmpf oge, %get3A_1379, %ge3A_1389 : vector<16xf32>
      %jit3A_1391 = arith.constant 1.000000e+00 : f32
      %jit3A_1392 = arith.constant 0.000000e+00 : f32
      %broadcast_in_dim3A_1393 = vector.broadcast %jit3A_1391 : f32 to vector<16xf32>
      %broadcast_in_dim3A_1394 = vector.broadcast %jit3A_1392 : f32 to vector<16xf32>
      %select_n3A_1395 = arith.select %ge3A_1390, %broadcast_in_dim3A_1393, %broadcast_in_dim3A_1394 : vector<16xi1>, vector<16xf32>
      %add3A_1396 = arith.addf %select_n3A_1387, %select_n3A_1395 : vector<16xf32>
      %ge3A_1397 = arith.constant -0.255146444 : f32
      %ge3A_1398 = vector.broadcast %ge3A_1397 : f32 to vector<16xf32>
      %ge3A_1399 = arith.cmpf oge, %get3A_1379, %ge3A_1398 : vector<16xf32>
      %jit3A_1400 = arith.constant 1.000000e+00 : f32
      %jit3A_1401 = arith.constant 0.000000e+00 : f32
      %broadcast_in_dim3A_1402 = vector.broadcast %jit3A_1400 : f32 to vector<16xf32>
      %broadcast_in_dim3A_1403 = vector.broadcast %jit3A_1401 : f32 to vector<16xf32>
      %select_n3A_1404 = arith.select %ge3A_1399, %broadcast_in_dim3A_1402, %broadcast_in_dim3A_1403 : vector<16xi1>, vector<16xf32>
      %add3A_1405 = arith.addf %add3A_1396, %select_n3A_1404 : vector<16xf32>
      %gt3A_1406 = arith.constant -0.971244692 : f32
      %gt3A_1407 = vector.broadcast %gt3A_1406 : f32 to vector<16xf32>
      %gt3A_1408 = arith.cmpf ogt, %get3A_1379, %gt3A_1407 : vector<16xf32>
      %jit3A_1409 = arith.constant 1.000000e+00 : f32
      %jit3A_1410 = arith.constant 0.000000e+00 : f32
      %broadcast_in_dim3A_1411 = vector.broadcast %jit3A_1409 : f32 to vector<16xf32>
      %broadcast_in_dim3A_1412 = vector.broadcast %jit3A_1410 : f32 to vector<16xf32>
      %select_n3A_1413 = arith.select %gt3A_1408, %broadcast_in_dim3A_1411, %broadcast_in_dim3A_1412 : vector<16xi1>, vector<16xf32>
      %add3A_1414 = arith.addf %add3A_1405, %select_n3A_1413 : vector<16xf32>
      %mul3A_1415 = arith.constant 4.000000e+00 : f32
      %mul3A_1416 = vector.broadcast %mul3A_1415 : f32 to vector<16xf32>
      %mul3A_1417 = arith.mulf %mul3A_1416, %get3A_1379 : vector<16xf32>
      %sub3A_1418 = arith.constant 2.000000e+00 : f32
      %sub3A_1419 = vector.broadcast %sub3A_1418 : f32 to vector<16xf32>
      %sub3A_1420 = arith.subf %add3A_1414, %sub3A_1419 : vector<16xf32>
      %mul3A_1421 = arith.constant 2.000000e+00 : f32
      %mul3A_1422 = vector.broadcast %mul3A_1421 : f32 to vector<16xf32>
      %mul3A_1423 = arith.mulf %mul3A_1422, %sub3A_1420 : vector<16xf32>
      %sub3A_1424 = arith.subf %mul3A_1417, %mul3A_1423 : vector<16xf32>
      %gt3A_1425 = arith.constant 0.255146444 : f32
      %gt3A_1426 = vector.broadcast %gt3A_1425 : f32 to vector<16xf32>
      %gt3A_1427 = arith.cmpf ogt, %sub3A_1424, %gt3A_1426 : vector<16xf32>
      %jit3A_1428 = arith.constant 1.000000e+00 : f32
      %jit3A_1429 = arith.constant 0.000000e+00 : f32
      %broadcast_in_dim3A_1430 = vector.broadcast %jit3A_1428 : f32 to vector<16xf32>
      %broadcast_in_dim3A_1431 = vector.broadcast %jit3A_1429 : f32 to vector<16xf32>
      %select_n3A_1432 = arith.select %gt3A_1427, %broadcast_in_dim3A_1430, %broadcast_in_dim3A_1431 : vector<16xi1>, vector<16xf32>
      %ge3A_1433 = arith.constant 0.971244692 : f32
      %ge3A_1434 = vector.broadcast %ge3A_1433 : f32 to vector<16xf32>
      %ge3A_1435 = arith.cmpf oge, %sub3A_1424, %ge3A_1434 : vector<16xf32>
      %jit3A_1436 = arith.constant 1.000000e+00 : f32
      %jit3A_1437 = arith.constant 0.000000e+00 : f32
      %broadcast_in_dim3A_1438 = vector.broadcast %jit3A_1436 : f32 to vector<16xf32>
      %broadcast_in_dim3A_1439 = vector.broadcast %jit3A_1437 : f32 to vector<16xf32>
      %select_n3A_1440 = arith.select %ge3A_1435, %broadcast_in_dim3A_1438, %broadcast_in_dim3A_1439 : vector<16xi1>, vector<16xf32>
      %add3A_1441 = arith.addf %select_n3A_1432, %select_n3A_1440 : vector<16xf32>
      %ge3A_1442 = arith.constant -0.255146444 : f32
      %ge3A_1443 = vector.broadcast %ge3A_1442 : f32 to vector<16xf32>
      %ge3A_1444 = arith.cmpf oge, %sub3A_1424, %ge3A_1443 : vector<16xf32>
      %jit3A_1445 = arith.constant 1.000000e+00 : f32
      %jit3A_1446 = arith.constant 0.000000e+00 : f32
      %broadcast_in_dim3A_1447 = vector.broadcast %jit3A_1445 : f32 to vector<16xf32>
      %broadcast_in_dim3A_1448 = vector.broadcast %jit3A_1446 : f32 to vector<16xf32>
      %select_n3A_1449 = arith.select %ge3A_1444, %broadcast_in_dim3A_1447, %broadcast_in_dim3A_1448 : vector<16xi1>, vector<16xf32>
      %add3A_1450 = arith.addf %add3A_1441, %select_n3A_1449 : vector<16xf32>
      %gt3A_1451 = arith.constant -0.971244692 : f32
      %gt3A_1452 = vector.broadcast %gt3A_1451 : f32 to vector<16xf32>
      %gt3A_1453 = arith.cmpf ogt, %sub3A_1424, %gt3A_1452 : vector<16xf32>
      %jit3A_1454 = arith.constant 1.000000e+00 : f32
      %jit3A_1455 = arith.constant 0.000000e+00 : f32
      %broadcast_in_dim3A_1456 = vector.broadcast %jit3A_1454 : f32 to vector<16xf32>
      %broadcast_in_dim3A_1457 = vector.broadcast %jit3A_1455 : f32 to vector<16xf32>
      %select_n3A_1458 = arith.select %gt3A_1453, %broadcast_in_dim3A_1456, %broadcast_in_dim3A_1457 : vector<16xi1>, vector<16xf32>
      %add3A_1459 = arith.addf %add3A_1450, %select_n3A_1458 : vector<16xf32>
      %mul3A_1460 = arith.constant 5.000000e+00 : f32
      %mul3A_1461 = vector.broadcast %mul3A_1460 : f32 to vector<16xf32>
      %mul3A_1462 = arith.mulf %add3A_1414, %mul3A_1461 : vector<16xf32>
      %mul3A_1463 = arith.constant 5.000000e+00 : f32
      %mul3A_1464 = vector.broadcast %mul3A_1463 : f32 to vector<16xf32>
      %mul3A_1465 = arith.mulf %add3A_1459, %mul3A_1464 : vector<16xf32>
      %add3A_1466 = arith.addf %mul3A_1369, %mul3A_1462 : vector<16xf32>
      %add3A_1467 = arith.addf %mul3A_1372, %mul3A_1465 : vector<16xf32>
      %add3A_1468 = arith.constant 48 : i32
      %add3A_1469 = arith.addi %mul3A_97, %add3A_1468 : i32
      %get3A_1470 = arith.constant 2 : i32
      %get3A_1471 = arith.index_cast %get3A_1470 : i32 to index
      %get3A_1472 = arith.index_cast %add3A_1469 : i32 to index
      %get3A_1473 = tpu.vector_load %arg9[%get3A_1471, %get3A_1472] {strides = array<i32>} : memref<4x1024xf32, #tpu.memory_space<vmem>>, vector<1x16xf32>,
      %get3A_1474 = vector.shape_cast %get3A_1473 : vector<1x16xf32> to vector<16xf32>
      %gt3A_1475 = arith.constant 0.255146444 : f32
      %gt3A_1476 = vector.broadcast %gt3A_1475 : f32 to vector<16xf32>
      %gt3A_1477 = arith.cmpf ogt, %get3A_1474, %gt3A_1476 : vector<16xf32>
      %jit3A_1478 = arith.constant 1.000000e+00 : f32
      %jit3A_1479 = arith.constant 0.000000e+00 : f32
      %broadcast_in_dim3A_1480 = vector.broadcast %jit3A_1478 : f32 to vector<16xf32>
      %broadcast_in_dim3A_1481 = vector.broadcast %jit3A_1479 : f32 to vector<16xf32>
      %select_n3A_1482 = arith.select %gt3A_1477, %broadcast_in_dim3A_1480, %broadcast_in_dim3A_1481 : vector<16xi1>, vector<16xf32>
      %ge3A_1483 = arith.constant 0.971244692 : f32
      %ge3A_1484 = vector.broadcast %ge3A_1483 : f32 to vector<16xf32>
      %ge3A_1485 = arith.cmpf oge, %get3A_1474, %ge3A_1484 : vector<16xf32>
      %jit3A_1486 = arith.constant 1.000000e+00 : f32
      %jit3A_1487 = arith.constant 0.000000e+00 : f32
      %broadcast_in_dim3A_1488 = vector.broadcast %jit3A_1486 : f32 to vector<16xf32>
      %broadcast_in_dim3A_1489 = vector.broadcast %jit3A_1487 : f32 to vector<16xf32>
      %select_n3A_1490 = arith.select %ge3A_1485, %broadcast_in_dim3A_1488, %broadcast_in_dim3A_1489 : vector<16xi1>, vector<16xf32>
      %add3A_1491 = arith.addf %select_n3A_1482, %select_n3A_1490 : vector<16xf32>
      %ge3A_1492 = arith.constant -0.255146444 : f32
      %ge3A_1493 = vector.broadcast %ge3A_1492 : f32 to vector<16xf32>
      %ge3A_1494 = arith.cmpf oge, %get3A_1474, %ge3A_1493 : vector<16xf32>
      %jit3A_1495 = arith.constant 1.000000e+00 : f32
      %jit3A_1496 = arith.constant 0.000000e+00 : f32
      %broadcast_in_dim3A_1497 = vector.broadcast %jit3A_1495 : f32 to vector<16xf32>
      %broadcast_in_dim3A_1498 = vector.broadcast %jit3A_1496 : f32 to vector<16xf32>
      %select_n3A_1499 = arith.select %ge3A_1494, %broadcast_in_dim3A_1497, %broadcast_in_dim3A_1498 : vector<16xi1>, vector<16xf32>
      %add3A_1500 = arith.addf %add3A_1491, %select_n3A_1499 : vector<16xf32>
      %gt3A_1501 = arith.constant -0.971244692 : f32
      %gt3A_1502 = vector.broadcast %gt3A_1501 : f32 to vector<16xf32>
      %gt3A_1503 = arith.cmpf ogt, %get3A_1474, %gt3A_1502 : vector<16xf32>
      %jit3A_1504 = arith.constant 1.000000e+00 : f32
      %jit3A_1505 = arith.constant 0.000000e+00 : f32
      %broadcast_in_dim3A_1506 = vector.broadcast %jit3A_1504 : f32 to vector<16xf32>
      %broadcast_in_dim3A_1507 = vector.broadcast %jit3A_1505 : f32 to vector<16xf32>
      %select_n3A_1508 = arith.select %gt3A_1503, %broadcast_in_dim3A_1506, %broadcast_in_dim3A_1507 : vector<16xi1>, vector<16xf32>
      %add3A_1509 = arith.addf %add3A_1500, %select_n3A_1508 : vector<16xf32>
      %mul3A_1510 = arith.constant 4.000000e+00 : f32
      %mul3A_1511 = vector.broadcast %mul3A_1510 : f32 to vector<16xf32>
      %mul3A_1512 = arith.mulf %mul3A_1511, %get3A_1474 : vector<16xf32>
      %sub3A_1513 = arith.constant 2.000000e+00 : f32
      %sub3A_1514 = vector.broadcast %sub3A_1513 : f32 to vector<16xf32>
      %sub3A_1515 = arith.subf %add3A_1509, %sub3A_1514 : vector<16xf32>
      %mul3A_1516 = arith.constant 2.000000e+00 : f32
      %mul3A_1517 = vector.broadcast %mul3A_1516 : f32 to vector<16xf32>
      %mul3A_1518 = arith.mulf %mul3A_1517, %sub3A_1515 : vector<16xf32>
      %sub3A_1519 = arith.subf %mul3A_1512, %mul3A_1518 : vector<16xf32>
      %gt3A_1520 = arith.constant 0.255146444 : f32
      %gt3A_1521 = vector.broadcast %gt3A_1520 : f32 to vector<16xf32>
      %gt3A_1522 = arith.cmpf ogt, %sub3A_1519, %gt3A_1521 : vector<16xf32>
      %jit3A_1523 = arith.constant 1.000000e+00 : f32
      %jit3A_1524 = arith.constant 0.000000e+00 : f32
      %broadcast_in_dim3A_1525 = vector.broadcast %jit3A_1523 : f32 to vector<16xf32>
      %broadcast_in_dim3A_1526 = vector.broadcast %jit3A_1524 : f32 to vector<16xf32>
      %select_n3A_1527 = arith.select %gt3A_1522, %broadcast_in_dim3A_1525, %broadcast_in_dim3A_1526 : vector<16xi1>, vector<16xf32>
      %ge3A_1528 = arith.constant 0.971244692 : f32
      %ge3A_1529 = vector.broadcast %ge3A_1528 : f32 to vector<16xf32>
      %ge3A_1530 = arith.cmpf oge, %sub3A_1519, %ge3A_1529 : vector<16xf32>
      %jit3A_1531 = arith.constant 1.000000e+00 : f32
      %jit3A_1532 = arith.constant 0.000000e+00 : f32
      %broadcast_in_dim3A_1533 = vector.broadcast %jit3A_1531 : f32 to vector<16xf32>
      %broadcast_in_dim3A_1534 = vector.broadcast %jit3A_1532 : f32 to vector<16xf32>
      %select_n3A_1535 = arith.select %ge3A_1530, %broadcast_in_dim3A_1533, %broadcast_in_dim3A_1534 : vector<16xi1>, vector<16xf32>
      %add3A_1536 = arith.addf %select_n3A_1527, %select_n3A_1535 : vector<16xf32>
      %ge3A_1537 = arith.constant -0.255146444 : f32
      %ge3A_1538 = vector.broadcast %ge3A_1537 : f32 to vector<16xf32>
      %ge3A_1539 = arith.cmpf oge, %sub3A_1519, %ge3A_1538 : vector<16xf32>
      %jit3A_1540 = arith.constant 1.000000e+00 : f32
      %jit3A_1541 = arith.constant 0.000000e+00 : f32
      %broadcast_in_dim3A_1542 = vector.broadcast %jit3A_1540 : f32 to vector<16xf32>
      %broadcast_in_dim3A_1543 = vector.broadcast %jit3A_1541 : f32 to vector<16xf32>
      %select_n3A_1544 = arith.select %ge3A_1539, %broadcast_in_dim3A_1542, %broadcast_in_dim3A_1543 : vector<16xi1>, vector<16xf32>
      %add3A_1545 = arith.addf %add3A_1536, %select_n3A_1544 : vector<16xf32>
      %gt3A_1546 = arith.constant -0.971244692 : f32
      %gt3A_1547 = vector.broadcast %gt3A_1546 : f32 to vector<16xf32>
      %gt3A_1548 = arith.cmpf ogt, %sub3A_1519, %gt3A_1547 : vector<16xf32>
      %jit3A_1549 = arith.constant 1.000000e+00 : f32
      %jit3A_1550 = arith.constant 0.000000e+00 : f32
      %broadcast_in_dim3A_1551 = vector.broadcast %jit3A_1549 : f32 to vector<16xf32>
      %broadcast_in_dim3A_1552 = vector.broadcast %jit3A_1550 : f32 to vector<16xf32>
      %select_n3A_1553 = arith.select %gt3A_1548, %broadcast_in_dim3A_1551, %broadcast_in_dim3A_1552 : vector<16xi1>, vector<16xf32>
      %add3A_1554 = arith.addf %add3A_1545, %select_n3A_1553 : vector<16xf32>
      %mul3A_1555 = arith.constant 2.500000e+01 : f32
      %mul3A_1556 = vector.broadcast %mul3A_1555 : f32 to vector<16xf32>
      %mul3A_1557 = arith.mulf %add3A_1509, %mul3A_1556 : vector<16xf32>
      %mul3A_1558 = arith.constant 2.500000e+01 : f32
      %mul3A_1559 = vector.broadcast %mul3A_1558 : f32 to vector<16xf32>
      %mul3A_1560 = arith.mulf %add3A_1554, %mul3A_1559 : vector<16xf32>
      %add3A_1561 = arith.addf %add3A_1466, %mul3A_1557 : vector<16xf32>
      %add3A_1562 = arith.addf %add3A_1467, %mul3A_1560 : vector<16xf32>
      %add3A_1563 = arith.constant 48 : i32
      %add3A_1564 = arith.addi %mul3A_97, %add3A_1563 : i32
      %get3A_1565 = arith.constant 3 : i32
      %get3A_1566 = arith.index_cast %get3A_1565 : i32 to index
      %get3A_1567 = arith.index_cast %add3A_1564 : i32 to index
      %get3A_1568 = tpu.vector_load %arg9[%get3A_1566, %get3A_1567] {strides = array<i32>} : memref<4x1024xf32, #tpu.memory_space<vmem>>, vector<1x16xf32>,
      %get3A_1569 = vector.shape_cast %get3A_1568 : vector<1x16xf32> to vector<16xf32>
      %gt3A_1570 = arith.constant 0.255146444 : f32
      %gt3A_1571 = vector.broadcast %gt3A_1570 : f32 to vector<16xf32>
      %gt3A_1572 = arith.cmpf ogt, %get3A_1569, %gt3A_1571 : vector<16xf32>
      %jit3A_1573 = arith.constant 1.000000e+00 : f32
      %jit3A_1574 = arith.constant 0.000000e+00 : f32
      %broadcast_in_dim3A_1575 = vector.broadcast %jit3A_1573 : f32 to vector<16xf32>
      %broadcast_in_dim3A_1576 = vector.broadcast %jit3A_1574 : f32 to vector<16xf32>
      %select_n3A_1577 = arith.select %gt3A_1572, %broadcast_in_dim3A_1575, %broadcast_in_dim3A_1576 : vector<16xi1>, vector<16xf32>
      %ge3A_1578 = arith.constant 0.971244692 : f32
      %ge3A_1579 = vector.broadcast %ge3A_1578 : f32 to vector<16xf32>
      %ge3A_1580 = arith.cmpf oge, %get3A_1569, %ge3A_1579 : vector<16xf32>
      %jit3A_1581 = arith.constant 1.000000e+00 : f32
      %jit3A_1582 = arith.constant 0.000000e+00 : f32
      %broadcast_in_dim3A_1583 = vector.broadcast %jit3A_1581 : f32 to vector<16xf32>
      %broadcast_in_dim3A_1584 = vector.broadcast %jit3A_1582 : f32 to vector<16xf32>
      %select_n3A_1585 = arith.select %ge3A_1580, %broadcast_in_dim3A_1583, %broadcast_in_dim3A_1584 : vector<16xi1>, vector<16xf32>
      %add3A_1586 = arith.addf %select_n3A_1577, %select_n3A_1585 : vector<16xf32>
      %ge3A_1587 = arith.constant -0.255146444 : f32
      %ge3A_1588 = vector.broadcast %ge3A_1587 : f32 to vector<16xf32>
      %ge3A_1589 = arith.cmpf oge, %get3A_1569, %ge3A_1588 : vector<16xf32>
      %jit3A_1590 = arith.constant 1.000000e+00 : f32
      %jit3A_1591 = arith.constant 0.000000e+00 : f32
      %broadcast_in_dim3A_1592 = vector.broadcast %jit3A_1590 : f32 to vector<16xf32>
      %broadcast_in_dim3A_1593 = vector.broadcast %jit3A_1591 : f32 to vector<16xf32>
      %select_n3A_1594 = arith.select %ge3A_1589, %broadcast_in_dim3A_1592, %broadcast_in_dim3A_1593 : vector<16xi1>, vector<16xf32>
      %add3A_1595 = arith.addf %add3A_1586, %select_n3A_1594 : vector<16xf32>
      %gt3A_1596 = arith.constant -0.971244692 : f32
      %gt3A_1597 = vector.broadcast %gt3A_1596 : f32 to vector<16xf32>
      %gt3A_1598 = arith.cmpf ogt, %get3A_1569, %gt3A_1597 : vector<16xf32>
      %jit3A_1599 = arith.constant 1.000000e+00 : f32
      %jit3A_1600 = arith.constant 0.000000e+00 : f32
      %broadcast_in_dim3A_1601 = vector.broadcast %jit3A_1599 : f32 to vector<16xf32>
      %broadcast_in_dim3A_1602 = vector.broadcast %jit3A_1600 : f32 to vector<16xf32>
      %select_n3A_1603 = arith.select %gt3A_1598, %broadcast_in_dim3A_1601, %broadcast_in_dim3A_1602 : vector<16xi1>, vector<16xf32>
      %add3A_1604 = arith.addf %add3A_1595, %select_n3A_1603 : vector<16xf32>
      %mul3A_1605 = arith.constant 4.000000e+00 : f32
      %mul3A_1606 = vector.broadcast %mul3A_1605 : f32 to vector<16xf32>
      %mul3A_1607 = arith.mulf %mul3A_1606, %get3A_1569 : vector<16xf32>
      %sub3A_1608 = arith.constant 2.000000e+00 : f32
      %sub3A_1609 = vector.broadcast %sub3A_1608 : f32 to vector<16xf32>
      %sub3A_1610 = arith.subf %add3A_1604, %sub3A_1609 : vector<16xf32>
      %mul3A_1611 = arith.constant 2.000000e+00 : f32
      %mul3A_1612 = vector.broadcast %mul3A_1611 : f32 to vector<16xf32>
      %mul3A_1613 = arith.mulf %mul3A_1612, %sub3A_1610 : vector<16xf32>
      %sub3A_1614 = arith.subf %mul3A_1607, %mul3A_1613 : vector<16xf32>
      %gt3A_1615 = arith.constant 0.255146444 : f32
      %gt3A_1616 = vector.broadcast %gt3A_1615 : f32 to vector<16xf32>
      %gt3A_1617 = arith.cmpf ogt, %sub3A_1614, %gt3A_1616 : vector<16xf32>
      %jit3A_1618 = arith.constant 1.000000e+00 : f32
      %jit3A_1619 = arith.constant 0.000000e+00 : f32
      %broadcast_in_dim3A_1620 = vector.broadcast %jit3A_1618 : f32 to vector<16xf32>
      %broadcast_in_dim3A_1621 = vector.broadcast %jit3A_1619 : f32 to vector<16xf32>
      %select_n3A_1622 = arith.select %gt3A_1617, %broadcast_in_dim3A_1620, %broadcast_in_dim3A_1621 : vector<16xi1>, vector<16xf32>
      %ge3A_1623 = arith.constant 0.971244692 : f32
      %ge3A_1624 = vector.broadcast %ge3A_1623 : f32 to vector<16xf32>
      %ge3A_1625 = arith.cmpf oge, %sub3A_1614, %ge3A_1624 : vector<16xf32>
      %jit3A_1626 = arith.constant 1.000000e+00 : f32
      %jit3A_1627 = arith.constant 0.000000e+00 : f32
      %broadcast_in_dim3A_1628 = vector.broadcast %jit3A_1626 : f32 to vector<16xf32>
      %broadcast_in_dim3A_1629 = vector.broadcast %jit3A_1627 : f32 to vector<16xf32>
      %select_n3A_1630 = arith.select %ge3A_1625, %broadcast_in_dim3A_1628, %broadcast_in_dim3A_1629 : vector<16xi1>, vector<16xf32>
      %add3A_1631 = arith.addf %select_n3A_1622, %select_n3A_1630 : vector<16xf32>
      %ge3A_1632 = arith.constant -0.255146444 : f32
      %ge3A_1633 = vector.broadcast %ge3A_1632 : f32 to vector<16xf32>
      %ge3A_1634 = arith.cmpf oge, %sub3A_1614, %ge3A_1633 : vector<16xf32>
      %jit3A_1635 = arith.constant 1.000000e+00 : f32
      %jit3A_1636 = arith.constant 0.000000e+00 : f32
      %broadcast_in_dim3A_1637 = vector.broadcast %jit3A_1635 : f32 to vector<16xf32>
      %broadcast_in_dim3A_1638 = vector.broadcast %jit3A_1636 : f32 to vector<16xf32>
      %select_n3A_1639 = arith.select %ge3A_1634, %broadcast_in_dim3A_1637, %broadcast_in_dim3A_1638 : vector<16xi1>, vector<16xf32>
      %add3A_1640 = arith.addf %add3A_1631, %select_n3A_1639 : vector<16xf32>
      %gt3A_1641 = arith.constant -0.971244692 : f32
      %gt3A_1642 = vector.broadcast %gt3A_1641 : f32 to vector<16xf32>
      %gt3A_1643 = arith.cmpf ogt, %sub3A_1614, %gt3A_1642 : vector<16xf32>
      %jit3A_1644 = arith.constant 1.000000e+00 : f32
      %jit3A_1645 = arith.constant 0.000000e+00 : f32
      %broadcast_in_dim3A_1646 = vector.broadcast %jit3A_1644 : f32 to vector<16xf32>
      %broadcast_in_dim3A_1647 = vector.broadcast %jit3A_1645 : f32 to vector<16xf32>
      %select_n3A_1648 = arith.select %gt3A_1643, %broadcast_in_dim3A_1646, %broadcast_in_dim3A_1647 : vector<16xi1>, vector<16xf32>
      %add3A_1649 = arith.addf %add3A_1640, %select_n3A_1648 : vector<16xf32>
      %mul3A_1650 = arith.constant 1.250000e+02 : f32
      %mul3A_1651 = vector.broadcast %mul3A_1650 : f32 to vector<16xf32>
      %mul3A_1652 = arith.mulf %add3A_1604, %mul3A_1651 : vector<16xf32>
      %mul3A_1653 = arith.constant 1.250000e+02 : f32
      %mul3A_1654 = vector.broadcast %mul3A_1653 : f32 to vector<16xf32>
      %mul3A_1655 = arith.mulf %add3A_1649, %mul3A_1654 : vector<16xf32>
      %add3A_1656 = arith.addf %add3A_1561, %mul3A_1652 : vector<16xf32>
      %add3A_1657 = arith.addf %add3A_1562, %mul3A_1655 : vector<16xf32>
      %convert_element_type3A_1658 = arith.fptosi %add3A_1656 : vector<16xf32> to vector<16xi32>
      %add3A_1659 = arith.constant 48 : i32
      %add3A_1660 = arith.addi %mul3A_97, %add3A_1659 : i32
      %swap3A_1661 = arith.constant 0 : i32
      %swap3A_1662 = arith.index_cast %swap3A_1661 : i32 to index
      %swap3A_1663 = arith.index_cast %add3A_1660 : i32 to index
      %swap3A_1664 = tpu.vector_load %arg10[%swap3A_1662, %swap3A_1663] {strides = array<i32>} : memref<2x1024xi32, #tpu.memory_space<vmem>>, vector<1x16xi32>,
      %swap3A_1665 = vector.shape_cast %swap3A_1664 : vector<1x16xi32> to vector<16xi32>
      %swap3A_1666 = vector.shape_cast %convert_element_type3A_1658 : vector<16xi32> to vector<1x16xi32>
      tpu.vector_store %arg10[%swap3A_1662, %swap3A_1663], %swap3A_1666 {strides = array<i32>} : memref<2x1024xi32, #tpu.memory_space<vmem>>, vector<1x16xi32>,
      %convert_element_type3A_1667 = arith.fptosi %add3A_1657 : vector<16xf32> to vector<16xi32>
      %add3A_1668 = arith.constant 48 : i32
      %add3A_1669 = arith.addi %mul3A_97, %add3A_1668 : i32
      %swap3A_1670 = arith.constant 1 : i32
      %swap3A_1671 = arith.index_cast %swap3A_1670 : i32 to index
      %swap3A_1672 = arith.index_cast %add3A_1669 : i32 to index
      %swap3A_1673 = tpu.vector_load %arg10[%swap3A_1671, %swap3A_1672] {strides = array<i32>} : memref<2x1024xi32, #tpu.memory_space<vmem>>, vector<1x16xi32>,
      %swap3A_1674 = vector.shape_cast %swap3A_1673 : vector<1x16xi32> to vector<16xi32>
      %swap3A_1675 = vector.shape_cast %convert_element_type3A_1667 : vector<16xi32> to vector<1x16xi32>
      tpu.vector_store %arg10[%swap3A_1671, %swap3A_1672], %swap3A_1675 {strides = array<i32>} : memref<2x1024xi32, #tpu.memory_space<vmem>>, vector<1x16xi32>,
    }
    %scan3A_94 = arith.constant 16 : i32
    "tpu.region"() ({
      %run_scoped3A = tpu.sem_alloc : memref<!tpu.dma_semaphore, #tpu.memory_space<semaphore_mem>>
      %dma_start3A_95 = arith.constant 0 : i32
      %dma_start3A_96 = tpu.memref_slice %arg5[%select_n3A, %dma_start3A_95, %mul3A_48] : memref<16x2x2048xi32, #tpu.memory_space<hbm>> -> memref<1x2x1024xi32, #tpu.memory_space<hbm>>
      %dma_start3A_97 = tpu.memref_squeeze %dma_start3A_96 : memref<1x2x1024xi32, #tpu.memory_space<hbm>> -> memref<2x1024xi32, #tpu.memory_space<hbm>>
      %dma_start3A_98 = arith.constant 0 : i32
      %dma_start3A_99 = tpu.memref_slice %arg5[%select_n3A, %dma_start3A_98, %mul3A_48] : memref<16x2x2048xi32, #tpu.memory_space<hbm>> -> memref<1x2x1024xi32, #tpu.memory_space<hbm>>
      %dma_start3A_100 = tpu.memref_squeeze %dma_start3A_99 : memref<1x2x1024xi32, #tpu.memory_space<hbm>> -> memref<2x1024xi32, #tpu.memory_space<hbm>>
      tpu.enqueue_dma source(%arg10 : memref<2x1024xi32, #tpu.memory_space<vmem>>) target(%dma_start3A_100 : memref<2x1024xi32, #tpu.memory_space<hbm>>) target_semaphore(%run_scoped3A : memref<!tpu.dma_semaphore, #tpu.memory_space<semaphore_mem>>)
      %dma_wait3A = arith.constant 0 : i32
      %dma_wait3A_101 = tpu.memref_slice %arg5[%select_n3A, %dma_wait3A, %mul3A_48] : memref<16x2x2048xi32, #tpu.memory_space<hbm>> -> memref<1x2x1024xi32, #tpu.memory_space<hbm>>
      %dma_wait3A_102 = tpu.memref_squeeze %dma_wait3A_101 : memref<1x2x1024xi32, #tpu.memory_space<hbm>> -> memref<2x1024xi32, #tpu.memory_space<hbm>>
      %dma_wait3A_103 = arith.constant 0 : i32
      %dma_wait3A_104 = tpu.memref_slice %arg5[%select_n3A, %dma_wait3A_103, %mul3A_48] : memref<16x2x2048xi32, #tpu.memory_space<hbm>> -> memref<1x2x1024xi32, #tpu.memory_space<hbm>>
      %dma_wait3A_105 = tpu.memref_squeeze %dma_wait3A_104 : memref<1x2x1024xi32, #tpu.memory_space<hbm>> -> memref<2x1024xi32, #tpu.memory_space<hbm>>
      tpu.wait_dma2 semaphore(%run_scoped3A : memref<!tpu.dma_semaphore, #tpu.memory_space<semaphore_mem>>) src(%arg10 : memref<2x1024xi32, #tpu.memory_space<vmem>>) dst(%dma_wait3A_105 : memref<2x1024xi32, #tpu.memory_space<hbm>>)
      tpu.yield
    }) : () -> ()
    return
  }
}

</mosaic_0001>

<sc_bundles>
// kernel: kernel.3.cloned.1.call-start
scs
__scs_entry_jumppad:
0x0: {  	(pc) =	sbr.rel $0x88, $3  }
0x1: {  	(tag) =	ssettag $0x0;
	lr =	simm.s32 $0x1  }
0x2: {  	[smem:$0x3F9E] =	sst lr;
	_ =	strace $0xD0000000  }
0x3: {  	_ = 	snop  }
0x4: {  	_ = 	snop  }
0x5: {  	_ = 	snop  }
0x6: {  	_ = 	snop  }
0x7: {  	_ = 	snop  }
__scs_overlays_trampoline_lowered:
0x8: {  	[smem:$0x3FAD] =	sst s0  }
0x9: {  	[smem:$0x3FAE] =	sst s1  }
0xa: {  	[smem:$0x3FAF] =	sst s2  }
0xb: {  	[smem:$0x3FB0] =	sst s3  }
0xc: {  	[smem:$0x3FB1] =	sst s4  }
0xd: {  	[smem:$0x3FB2] =	sst s5  }
0xe: {  	[smem:$0x3FB3] =	sst s6  }
0xf: {  	[smem:$0x3FB4] =	sst s7  }
0x10: {  	[smem:$0x3FB5] =	sst s8  }
0x11: {  	[smem:$0x3FB6] =	sst s9;
	s0 =	simm.s32 @!p0 $0x0  }
0x12: {  	s1 =	sld [smem:$0x3F9C];
	s0 =	simm.s32 @p0 $0x1  }
0x13: {  	[smem:$0x3FB7] =	sst s0;
	s0 =	simm.s32 @!p1 $0x0  }
0x14: {  	s2 =	sld [smem:$0x3F9B];
	s0 =	simm.s32 @p1 $0x1  }
0x15: {  	[smem:$0x3FB8] =	sst s0;
	s0 =	simm.s32 @!p2 $0x0  }
0x16: {  	s3 =	sld [smem:$0x3FDB];
	s0 =	simm.s32 @p2 $0x1  }
0x17: {  	s4 =	simm.s32 $0x1BF5;
	[smem:$0x3FBA] =	sst s0  }
0x18: {  	s0 =	sld [smem:$0x3F9D];
	_ =	swait.ge [sflag:s4], $0x0  }
0x19: {  	s7 =	sld [smem:$0x3F9E]  }
0x1a: {  	s8 =	sadd.s32 $0xFFFFE003, lr  }
0x1b: {  	s9 =	sadd.s32 $0xFFFFFEF7, lr;
	s5 =	simm.s32 $0xFFFFFFFF;
	p2 =	slt.u32 s8, $0xFFFFF086  }
0x1c: {  	p1 =	slt.u32 s9, $0xF7A;
	s5 =	simm.s32 @!p2 $0x0  }
0x1d: {  	s5 =	simm.s32 @p1 $0x1;
	p0 =	seq.s32 s7, s2  }
0x1e: {  	s7 =	smul.u32 @!p0 $0xF7A, s2;
	p2 =	seq.s32 @!p0 s5, $0x0  }
0x1f: {  	s9 =	smul.u32 $0xF7A, s1;
	s8 =	simm.s32 @!p0 $0x1BF5;
	p2 =	por !p2, p0  }
0x20: {  	[sflag:s8] =	ssyncset.s32 @!p0 $0xFFFFF086;
	s6 =	sadd.s32 @!p0 s3, s7;
	s7 =	simm.s32 @!p0 $0x108  }
0x21: {  	s3 =	sadd.s32 s3, s9;
	s6 =	sadd.s32 @!p0 $0x88, s6;
	s7 =	simm.s32 @p2 $0x1082  }
0x22: {  	[simem:s7], [sflag:s8] =	dma.local @!p0 [hbm:s6], $0xF7A  }
0x23: {  	s9 =	sor.u32 $0xD0000000, s2;
	s6 =	simm.s32 $0x108;
	_ =	swait.ge @!p0 [sflag:s8], $0x0  }
0x24: {  	s3 =	sadd.s32 $0x88, s3;
	s6 =	simm.s32 @!p1 $0x1082;
	[sflag:s4] =	ssyncset.s32 $0xFFFFF086  }
0x25: {  	[simem:s6], [sflag:s4] =	dma.local [hbm:s3], $0xF7A  }
0x26: {  	[smem:$0x3F9E] =	sst s1;
	(tag) =	ssettag s2;
	_ =	strace s9  }
0x27: {  	s1 =	sld [smem:$0x3FAE]  }
0x28: {  	s2 =	sld [smem:$0x3FAF]  }
0x29: {  	s4 =	sld [smem:$0x3FB1]  }
0x2a: {  	p0 =	seq.s32 s5, $0x0;
	s5 =	sld [smem:$0x3FB2]  }
0x2b: {  	s6 =	sld [smem:$0x3FB3]  }
0x2c: {  	s7 =	sld [smem:$0x3FB4]  }
0x2d: {  	s3 =	simm.s32 $0x108;
	s8 =	sld [smem:$0x3FB5]  }
0x2e: {  	s3 =	simm.s32 @!p0 $0x1082;
	s9 =	sld [smem:$0x3FB6]  }
0x2f: {  	lr =	sadd.s32 s0, s3;
	s0 =	sld [smem:$0x3FAD]  }
0x30: {  	s3 =	sld [smem:$0x3FB0]  }
0x31: {  	[smem:$0x3FB9] =	sst s10  }
0x32: {  	s10 =	sld [smem:$0x3FB7];
	_ =	sdelay $0x3  }
0x33: {  	p0 =	seq.s32 s10, $0x1;
	s10 =	sld [smem:$0x3FB9];
	_ =	sdelay $0x3  }
0x34: {  	[smem:$0x3FB9] =	sst s10  }
0x35: {  	s10 =	sld [smem:$0x3FB8];
	_ =	sdelay $0x3  }
0x36: {  	p1 =	seq.s32 s10, $0x1;
	s10 =	sld [smem:$0x3FB9];
	_ =	sdelay $0x3  }
0x37: {  	[smem:$0x3FB9] =	sst s10  }
0x38: {  	s10 =	sld [smem:$0x3FBA]  }
0x39: {  	_ = 	snop;
	(pc) =	sbr.ind lr, $3  }
0x3a: {  	_ = 	snop  }
0x3b: {  	_ = 	snop  }
0x3c: {  	p2 =	seq.s32 s10, $0x1;
	s10 =	sld [smem:$0x3FB9]  }
0x3d: {  	_ =	shalt  }
0x3e: {  	_ =	shalt  }
0x3f: {  	_ =	shalt  }
0x40: {  	_ =	shalt  }
0x41: {  	_ =	shalt  }
0x42: {  	_ =	shalt  }
0x43: {  	_ =	shalt  }
0x44: {  	_ =	shalt  }
0x45: {  	_ =	shalt  }
0x46: {  	_ =	shalt  }
0x47: {  	_ =	shalt  }
0x48: {  	_ =	shalt  }
0x49: {  	_ =	shalt  }
0x4a: {  	_ =	shalt  }
0x4b: {  	_ =	shalt  }
0x4c: {  	_ =	shalt  }
0x4d: {  	_ =	shalt  }
0x4e: {  	_ =	shalt  }
0x4f: {  	_ =	shalt  }
0x50: {  	_ =	shalt  }
0x51: {  	_ =	shalt  }
0x52: {  	_ =	shalt  }
0x53: {  	_ =	shalt  }
0x54: {  	_ =	shalt  }
0x55: {  	_ =	shalt  }
0x56: {  	_ =	shalt  }
0x57: {  	_ =	shalt  }
0x58: {  	_ =	shalt  }
0x59: {  	_ =	shalt  }
0x5a: {  	_ =	shalt  }
0x5b: {  	_ =	shalt  }
0x5c: {  	_ =	shalt  }
0x5d: {  	_ =	shalt  }
0x5e: {  	_ =	shalt  }
0x5f: {  	_ =	shalt  }
0x60: {  	_ =	shalt  }
0x61: {  	_ =	shalt  }
0x62: {  	_ =	shalt  }
0x63: {  	_ =	shalt  }
0x64: {  	_ =	shalt  }
0x65: {  	_ =	shalt  }
0x66: {  	_ =	shalt  }
0x67: {  	_ =	shalt  }
0x68: {  	_ =	shalt  }
0x69: {  	_ =	shalt  }
0x6a: {  	_ =	shalt  }
0x6b: {  	_ =	shalt  }
0x6c: {  	_ =	shalt  }
0x6d: {  	_ =	shalt  }
0x6e: {  	_ =	shalt  }
0x6f: {  	_ =	shalt  }
0x70: {  	_ =	shalt  }
0x71: {  	_ =	shalt  }
0x72: {  	_ =	shalt  }
0x73: {  	_ =	shalt  }
0x74: {  	_ =	shalt  }
0x75: {  	_ =	shalt  }
0x76: {  	_ =	shalt  }
0x77: {  	_ =	shalt  }
0x78: {  	_ =	shalt  }
0x79: {  	_ =	shalt  }
0x7a: {  	_ =	shalt  }
0x7b: {  	_ =	shalt  }
0x7c: {  	_ =	shalt  }
0x7d: {  	_ =	shalt  }
0x7e: {  	_ =	shalt  }
0x7f: {  	_ =	shalt  }
0x80: {  	_ =	shalt  }
0x81: {  	_ =	shalt  }
0x82: {  	_ =	shalt  }
0x83: {  	_ =	shalt  }
0x84: {  	_ =	shalt  }
0x85: {  	_ =	shalt  }
0x86: {  	_ =	shalt  }
0x87: {  	_ =	shalt  }
.Lfunc_end0:
.L_simem_size_0:
called_computation_lowered:
.L_overlay_start_0:
0x88: {  	s2 =	sld [smem:$0x3FD9]  }
0x89: {  	s3 =	sld [smem:$0x3FFE];
	_ =	sdelay $0x1  }
0x8a: {  	s1 =	srdreg.scid  }
0x8b: {  	s0 =	sand.u32 $0x1, s1  }
0x8c: {  	s17 =	sshll.u32 s0, $0xA;
	s2 =	sadd.s32 s3, s2  }
0x8d: {  	s2 =	sadd.s32 s2, s17  }
0x8e: {  	[smem:$0x3FC5] =	sst s2  }
0x8f: {  	_ = 	snop  }
0x90: {  	s2 =	sld [smem:$0x3FC9]  }
0x91: {  	s18 =	sld [smem:$0x3FD0];
	(tm) =	ssettm $0x1  }
0x92: {  	s4 =	sld [smem:$0x3FFB];
	_ =	sdelay $0x3  }
0x93: {  	_ =	strace s4  }
0x94: {  	s4 =	sld [smem:$0x3FFC];
	_ =	sdelay $0x3  }
0x95: {  	_ =	strace s4  }
0x96: {  	s4 =	sld [smem:$0x3FFD];
	_ =	sdelay $0x3  }
0x97: {  	_ =	strace s4  }
0x98: {  	_ =	strace $0x8FFFFFFF  }
0x99: {  	s19 =	sld [smem:$0x3FDB];
	_ =	sdelay $0x1  }
0x9a: {  	s5 =	simm.s32 $_scs_section_size  }
0x9b: {  	s6 =	simm.s32 $_size__tile_overlayer_lowered;
	s7 =	simm.s32 $_tile_overlayer_lowered  }
0x9c: {  	s22 =	simm.s32 $0x1BFF;
	s21 =	sshll.u32 s7, $0x1;
	s4 =	sadd.s32 s5, s19  }
0x9d: {  	s8 =	simm.s32 $0x0;
	s20 =	sshll.u32 s6, $0x1;
	s6 =	sadd.s32 s21, s4  }
0x9e: {  	[timem:s8], [sflag:s22] =	dma.local [hbm:s6], s20  }
0x9f: {  	_ =	swait.ge [sflag:s22], s20  }
0xa0: {  	s5 =	ssub.s32 $0x0, s20;
	[sflag:s22] =	ssyncset.done $0x0  }
0xa1: {  	[sflag:s22] =	ssyncadd.s32 s5;
	_ =	sdelay $0x1  }
0xa2: {  	s23 =	simm.s32 $0x1B8B  }
0xa3: {  	_ =	swait.ge [sflag:s23], $0x1  }
0xa4: {  	[sflag:s23] =	ssyncset.done $0x0  }
0xa5: {  	s25 =	simm.s32 $0x1B8E;
	s24 =	sld [smem:$0x3FFE];
	[sflag:s23] =	ssyncadd.s32 $0xFFFFFFFF  }
0xa6: {  	s26 =	simm.s32 $execute0_lowered;
	[smem:$0x3FD2] =	sst s25  }
0xa7: {  	s6 =	sshll.u32 s26, $0x1;
	_ =	strace $0x80000046;
	[dreg:$0x1] =	wrdreg $0xFFFFFFFF  }
0xa8: {  	s28 =	simm.s32 $_size_execute0_lowered;
	s4 =	sadd.s32 s4, s6;
	[dreg:$0x0] =	wrdreg $0x0  }
0xa9: {  	s6 =	sshll.u32 s28, $0x1;
	[dreg:$0x2] =	wrdreg s4  }
0xaa: {  	[dreg:$0x3] =	wrdreg s6  }
0xab: {  	[dreg:$0x4] =	wrdreg $0xC0  }
0xac: {  	_ =	task [dreg:s8], $0x5FFFF  }
0xad: {  	[dreg:$0x1] =	wrdreg $0xFFFFFFFF  }
0xae: {  	[dreg:$0x0] =	wrdreg $0x60  }
0xaf: {  	[dreg:$0x2] =	wrdreg s2  }
0xb0: {  	[dreg:$0x3] =	wrdreg s18  }
0xb1: {  	[dreg:$0x4] =	wrdreg s24  }
0xb2: {  	[dreg:$0x5] =	wrdreg $0x9  }
0xb3: {  	_ =	task.clear_ibuf [dreg:s8], $0x6FFFF;
	_ =	strace $0x90000046  }
0xb4: {  	s29 =	simm.s32 $0x9;
	_ =	strace $0x80000048  }
0xb5: {  	_ =	swait.ge [sflag:s29], $0x1  }
0xb6: {  	[sflag:s29] =	ssyncadd.s32 $0xFFFFFFFF  }
0xb7: {  	_ =	strace $0x90000048  }
0xb8: {  	_ =	sfence  }
0xb9: {  	s30 =	sld [smem:$0x0];
	_ =	sdelay $0x2  }
0xba: {  	s31 =	sshll.u32 s1, $0xD;
	s1 =	sshrl.u32 s1, $0x2  }
0xbb: {  	s3 =	sand.u32 $0x4000, s31;
	s1 =	sadd.s32 s1, s30  }
0xbc: {  	s0 =	sor.u32 s3, s0;
	s1 =	sshll.u32 s1, $0x11  }
0xbd: {  	s0 =	sor.u32 s1, s0  }
0xbe: {  	s0 =	sadd.s32 $0x8F2B, s0  }
0xbf: {  	[sflag:s0] =	ssyncadd.remote.s32 $0x1  }
0xc0: {  	_ =	sfence.sel $0xFFFF  }
0xc1: {  	[dreg:$0x0] =	wrdreg $0xFFFFFFFF;
	(pc) =	sbr.abs _section_cstart, $3  }
0xc2: {  	[dreg:$0x1] =	wrdreg $0xFFFFFFFF  }
0xc3: {  	_ =	task.clear_ibuf [dreg:s8], $0x2FFFF;
	_ =	strace $0x9FFFFFFF  }
0xc4: {  	(tm) =	ssettm $0x7FFFFFFF  }
0xc5: {  	_ =	shalt  }
tec
execute0_lowered:
.L_overlay_start_1:
0x0: {  	(tag) =	ssettag $0x1  }
0x1: {  	s1 =	rddreg [dreg:$0x0]  }
0x2: {  	s0 =	srdreg.scid;
	s5 =	rddreg [dreg:$0x1]  }
0x3: {  	s6 =	stileid.u32;
	s23 =	rddreg [dreg:$0x2]  }
0x4: {  	s4 =	simm.s32 $0x1;
	s11 =	simm.s32 $0x0;
	s0 =	sand.u32 $0x1, s0  }
0x5: {  	s19 =	simm.s32 $0x2;
	s3 =	sand.u32 $0x1, s6;
	s2 =	sshll.u32 s0, $0x4  }
0x6: {  	[smem:$0x7FF] =	sst s11;
	s24 =	sshll.u32 s6, $0x3;
	s2 =	sor.u32 s6, s2  }
0x7: {  	p1 =	seq.s32 s3, $0x1;
	_ =	strace $0x80000047;
	p0 =	seq.s32 s2, $0x0  }
0x8: {  	s7 =	sand.u32 $0x8, s24;
	s0 =	ssub.s32 $0x2, s0;
	p0 =	por !p0, !p1  }
0x9: {  	s10 =	sshll.u32 s7, $0x8;
	s26 =	sshrl.u32 s0, $0x1;
	p0 =	por !p0, !p0  }
0xa: {  	s2 =	sshrl.u32 s2, $0x1;
	s0 =	ssub.s32 s0, s26;
	s4 =	simm.s32 @!p0 $0x0  }
0xb: {  	s7 =	sshll.u32 s7, $0xA;
	s0 =	smax.u32 s0, $0x1;
	s2 =	ssub.s32 s2, s4  }
0xc: {  	[dreg:$0xb] =	wrdreg s0;
	s4 =	simm.s32 $0x1;
	s25 =	sand.u32 $0x1, s2  }
0xd: {  	s9 =	sshll.u32 s2, $0xC;
	s2 =	sshll.u32 s2, $0x14;
	s8 =	sshll.u32 s25, $0x6  }
0xe: {  	s9 =	sor.u32 s10, s9;
	s2 =	sor.u32 s7, s2;
	s6 =	sshll.u32 s25, $0xC  }
0xf: {  	s8 =	sadd.s32 s8, s23;
	s9 =	sshrl.u32 s9, $0x3;
	s5 =	sadd.s32 s5, s6  }
0x10: {  	s28 =	sshrl.u32 s2, $0x3;
	[dreg:$0x6] =	wrdreg s5;
	s30 =	sadd.s32 $0x400, s8  }
0x11: {  	s10 =	sor.u32 $0x30000, s2;
	s29 =	sadd.s32 s1, s28;
	[dreg:$0x8] =	wrdreg s30  }
0x12: {  	s3 =	sadd.s32 s9, s23;
	[dreg:$0x7] =	wrdreg s29;
	s5 =	sadd.s32 $0x2000, s29  }
0x13: {  	s9 =	sor.u32 $0x20000, s2;
	s31 =	sadd.s32 $0x600, s3;
	[dreg:$0x9] =	wrdreg s5  }
0x14: {  	s2 =	simm.s32 $0x3;
	s3 =	simm.s32 $0x0;
	[dreg:$0xa] =	wrdreg s31  }
.LBB2_1:
0x15: {  	[dreg:$0xc] =	wrdreg s3  }
0x16: {  	s0 =	rddreg [dreg:$0x6]  }
0x17: {  	[tilespmem:s11], [sflag:$0x3] =	stream.linear.gather [hbm4b:s0+s11], $0x8000, $0x38;
	[tilespmem:$0x19A00] =	vst v63  }
0x18: {  	_ =	swait.ge [sflag:s2], $0x8000  }
0x19: {  	[sflag:s2] =	ssyncset.done $0x0  }
0x1a: {  	s23 =	simm.s32 $0x8000;
	s22 =	rddreg [dreg:$0x8];
	[sflag:s2] =	ssyncadd.s32 $0xFFFF8000  }
0x1b: {  	[tilespmem:s23], [sflag:$0x3] =	stream.linear.gather [hbm4b:s22+s11], $0x200, $0x38;
	[tilespmem:$0x19A00] =	vst v63  }
0x1c: {  	_ =	swait.ge [sflag:s2], $0x200  }
0x1d: {  	s25 =	simm.s32 $0x2000;
	s26 =	simm.s32 $0x4000;
	[sflag:s2] =	ssyncset.done $0x0  }
0x1e: {  	s5 =	simm.s32 $0x8200;
	s24 =	rddreg [dreg:$0x7];
	[sflag:s2] =	ssyncadd.s32 $0xFFFFFE00  }
0x1f: {  	[tilespmem:s5], [sflag:$0x1] =	stream.strided.gather [hbm4b:s24+s25], $0x8000, s26, s25, $0x38;
	[tilespmem:$0x19A00] =	vst v63  }
0x20: {  	s29 =	simm.s32 $0x10200;
	s28 =	rddreg [dreg:$0x9]  }
0x21: {  	[tilespmem:s29], [sflag:$0x2] =	stream.strided.gather [hbm4b:s28+s25], $0x8000, s26, s25, $0x38;
	[tilespmem:$0x19A00] =	vst v63  }
0x22: {  	v1 =	vld [tilespmem:$0x8000];
	_ =	sdelay $0x2  }
0x23: {  	s30 =	sand.u32 $0x70, s11;
	s31 =	sand.u32 $0xE00, s11  }
0x24: {  	s0 =	sor.u32 s30, s31  }
0x25: {  	[tilespmem:s0+$0x18200] =	vst v1  }
0x26: {  	v1 =	vld [tilespmem:$0x8080];
	_ =	sdelay $0x3  }
0x27: {  	s0 =	sadd.s32 $0x18200, s0  }
0x28: {  	[tilespmem:s0+$0x80] =	vst v1  }
0x29: {  	v1 =	vld [tilespmem:$0x8100];
	_ =	sdelay $0x4  }
0x2a: {  	[tilespmem:s0+$0x100] =	vst v1  }
0x2b: {  	v1 =	vld [tilespmem:$0x8180];
	_ =	sdelay $0x4  }
0x2c: {  	[tilespmem:s0+$0x180] =	vst v1  }
0x2d: {  	s3 =	simm.s32 $0x20;
	s2 =	simm.s32 $0x0;
	s0 =	simm.s32 $0x10;
	v1 =	vld [tilespmem:$0x8000]  }
.LBB2_2:
0x2e: {  	p0 =	sne.s32 s3, $0x3F0  }
0x2f: {  	s2 =	sadd.s32 $0x40, s2  }
0x30: {  	s5 =	sand.u32 $0x70, s0;
	s0 =	smov.u32 s3;
	s6 =	sand.u32 $0xE00, s2  }
0x31: {  	s5 =	sor.u32 s5, s6  }
0x32: {  	[tilespmem:s5+$0x18200] =	vst v1  }
0x33: {  	v1 =	vld [tilespmem:$0x8080];
	_ =	sdelay $0x3  }
0x34: {  	s5 =	sadd.s32 $0x18200, s5  }
0x35: {  	[tilespmem:s5+$0x80] =	vst v1  }
0x36: {  	v1 =	vld [tilespmem:$0x8100];
	_ =	sdelay $0x4  }
0x37: {  	[tilespmem:s5+$0x100] =	vst v1  }
0x38: {  	v1 =	vld [tilespmem:$0x8180];
	_ =	sdelay $0x1  }
.Ltmp0:
0x39: {  	(pc) =	sbr.rel @p0 .LBB2_2-.Ltmp0, $3  }
0x3a: {  	_ =	sdelay $0x1  }
0x3b: {  	[tilespmem:s5+$0x180] =	vst v1  }
0x3c: {  	s3 =	sadd.s32 $0x10, s3;
	v1 =	vld [tilespmem:$0x8000]  }
0x3d: {  	_ = 	snop  }
0x3e: {  	s2 =	sadd.s32 $0x40, s2  }
0x3f: {  	s0 =	sand.u32 $0x70, s0;
	s2 =	sand.u32 $0xE00, s2  }
0x40: {  	s0 =	sor.u32 s0, s2  }
0x41: {  	[tilespmem:s0+$0x18200] =	vst v1  }
0x42: {  	v1 =	vld [tilespmem:$0x8080];
	_ =	sdelay $0x3  }
0x43: {  	s0 =	sadd.s32 $0x18200, s0  }
0x44: {  	[tilespmem:s0+$0x80] =	vst v1  }
0x45: {  	v1 =	vld [tilespmem:$0x8100];
	_ =	sdelay $0x4  }
0x46: {  	[tilespmem:s0+$0x100] =	vst v1  }
0x47: {  	v1 =	vld [tilespmem:$0x8180];
	_ =	sdelay $0x3  }
0x48: {  	s22 =	simm.s32 $0x80;
	s7 =	simm.s32 $0x0;
	s24 =	simm.s32 $0xA0  }
0x49: {  	s6 =	simm.s32 $0x800;
	s12 =	simm.s32 $0x8A0;
	s28 =	simm.s32 $0x0;
	[tilespmem:s0+$0x180] =	vst v1  }
.LBB2_4:
0x4a: {  	_ =	swait.ge [sflag:s4], $0x8000  }
0x4b: {  	[sflag:s4] =	ssyncset.done $0x0  }
0x4c: {  	s29 =	simm.s32 $0x0;
	[sflag:s4] =	ssyncadd.s32 $0xFFFF8000  }
.LBB2_5:
0x4d: {  	s0 =	sshll.u32 s29, $0x8;
	s2 =	sshll.u32 s29, $0x6;
	s5 =	sshll.u32 s29, $0x9  }
0x4e: {  	s11 =	sadd.s32 $0xFFFFFF80, s22;
	s15 =	simm.s32 $0x30;
	s30 =	simm.s32 $0x0  }
0x4f: {  	s20 =	simm.s32 $0x180;
	s23 =	simm.s32 $0x100;
	s0 =	sand.u32 $0x3FFFFE00, s0  }
0x50: {  	s14 =	sand.u32 $0x40, s2;
	s5 =	sand.u32 $0x3FFFFC00, s5;
	s13 =	sand.u32 $0x7600, s11  }
0x51: {  	s16 =	sand.u32 $0x6000, s30;
	s11 =	sor.u32 s11, s30;
	s5 =	sadd.s32 $0x8200, s5  }
0x52: {  	v0 =	vmov s14;
	s11 =	sor.u32 $0x180, s11;
	[dreg:$0x4] =	wrdreg s5;
	s5 =	sand.u32 $0x70, s15  }
0x53: {  	s3 =	sadd.s32 $0x18200, s0;
	s0 =	sor.u32 $0x10, s14;
	v33 =	vld [tilespmem:s11+$0x0];
	s18 =	sor.u32 s5, s13  }
0x54: {  	s21 =	sand.u32 $0x380, s20;
	s8 =	sor.u32 $0x20, s14;
	v3 =	vmov s0;
	s17 =	rddreg [dreg:$0x4];
	v10 =	vld [tilespmem:s18+$0x0]  }
0x55: {  	s2 =	sor.u32 s14, s3;
	v4 =	vmov s8;
	s5 =	sor.u32 $0x30, s14;
	s14 =	sadd.s32 s16, s17;
	v13 =	vld [tilespmem:s18+$0x80]  }
0x56: {  	s20 =	sand.u32 $0x300, s23;
	v1 =	vld [tilespmem:s18+$0x100];
	s17 =	sadd.s32 s21, s14  }
0x57: {  	s20 =	sadd.s32 s20, s14;
	v2 =	vld.idx.msk [tilespmem:v0+s17+$0x0 ss:$0x1], $0xffff  }
0x58: {  	v5 =	vmov s5;
	v12 =	vld.idx.msk [tilespmem:v0+s20+$0x0 ss:$0x1], $0xffff  }
0x59: {  	v7 =	vld.idx.msk [tilespmem:v3+s17+$0x0 ss:$0x1], $0xffff  }
0x5a: {  	v8 =	vld.idx.msk [tilespmem:v4+s17+$0x0 ss:$0x1], $0xffff  }
0x5b: {  	v14 =	vld.idx.msk [tilespmem:v3+s20+$0x0 ss:$0x1], $0xffff  }
0x5c: {  	s25 =	simm.s32 $0x80;
	v15 =	vld.idx.msk [tilespmem:v4+s20+$0x0 ss:$0x1], $0xffff  }
0x5d: {  	v9 =	vld.idx.msk [tilespmem:v5+s17+$0x0 ss:$0x1], $0xffff;
	s17 =	sand.u32 $0x280, s25  }
0x5e: {  	v16 =	vld.idx.msk [tilespmem:v5+s20+$0x0 ss:$0x1], $0xffff;
	s17 =	sadd.s32 s17, s14  }
0x5f: {  	v17 =	vld.idx.msk [tilespmem:v0+s17+$0x0 ss:$0x1], $0xffff  }
0x60: {  	v18 =	vld.idx.msk [tilespmem:v3+s17+$0x0 ss:$0x1], $0xffff  }
0x61: {  	s26 =	sand.u32 $0x200, s30;
	v19 =	vld.idx.msk [tilespmem:v4+s17+$0x0 ss:$0x1], $0xffff  }
0x62: {  	s14 =	sadd.s32 s26, s14;
	v20 =	vld.idx.msk [tilespmem:v5+s17+$0x0 ss:$0x1], $0xffff  }
0x63: {  	v21 =	vld.idx.msk [tilespmem:v0+s14+$0x0 ss:$0x1], $0xffff  }
0x64: {  	v22 =	vld.idx.msk [tilespmem:v3+s14+$0x0 ss:$0x1], $0xffff;
	v24 =	vadd.s32 $0x8000, v2;
	v12 =	vadd.s32 $0x8000, v12;
	v7 =	vadd.s32 $0x8000, v7  }
0x65: {  	v23 =	vld.idx.msk [tilespmem:v4+s14+$0x0 ss:$0x1], $0xffff;
	v25 =	vadd.s32 $0x8000, v8;
	v26 =	vadd.s32 $0x8000, v14;
	v27 =	vadd.s32 $0x8000, v15  }
0x66: {  	s31 =	simm.s32 $0x20;
	v2 =	vld [tilespmem:s18+$0x180];
	v7 =	vand.u32 $0xFFFF0000, v7;
	v58 =	vand.u32 $0xFFFF0000, v25;
	v50 =	vadd.s32 $0x8000, v9  }
0x67: {  	s15 =	sand.u32 $0x7600, s22;
	v8 =	vld.idx.msk [tilespmem:v5+s14+$0x0 ss:$0x1], $0xffff;
	s14 =	sand.u32 $0x60, s31;
	v28 =	vadd.s32 $0x8000, v16;
	v32 =	vmul.f32 v7, v10;
	v31 =	vmul.f32 v7, v13  }
0x68: {  	v11 =	vld [tilespmem:s2+$0x0];
	[tilespmem:$0x1FF50] =	vst v3;
	s14 =	sor.u32 s14, s15;
	v9 =	vand.u32 $0xFFFF0000, v24;
	v30 =	vmul.f32 v7, v1;
	v3 =	vmul.f32 v58, v13  }
0x69: {  	s16 =	sand.u32 $0x3, s30;
	v53 =	vld [tilespmem:s14+$0x80];
	v24 =	vand.u32 $0xFFFF0000, v26;
	v26 =	vand.u32 $0xFFFF0000, v27;
	v47 =	vmul.f32 v9, v10  }
0x6a: {  	[tilespmem:$0x1FF60] =	vst v4;
	s20 =	sshll.u32 s16, $0x5;
	v45 =	vld [tilespmem:s14+$0x0];
	v59 =	vmul.f32 v9, v13;
	v4 =	vmul.f32 v9, v1;
	v17 =	vadd.s32 $0x8000, v17  }
0x6b: {  	p0 =	por $0x0, $0x0;
	s23 =	simm.s32 $0x10;
	v29 =	vld [tilespmem:s2+$0x80];
	s17 =	sadd.s32 s20, s24;
	v34 =	vadd.s32 $0x8000, v18;
	v35 =	vadd.s32 $0x8000, v19;
	v61 =	vmul.f32 v9, v2  }
0x6c: {  	s25 =	sand.u32 $0x50, s23;
	s21 =	sor.u32 $0x100, s17;
	s17 =	simm.s32 $0x1;
	v42 =	vadd.s32 $0x8000, v20;
	v9 =	vld [tilespmem:s14+$0x100];
	v18 =	vmul.f32 v7, v2;
	[tilespmem:$0x1FF80] =	vst v3;
	v3 =	vmul.f32 v58, v1  }
0x6d: {  	s26 =	sand.u32 $0x40, s30;
	s17 =	simm.s32 @!p0 $0x0;
	v20 =	vmul.f32 v58, v10;
	s14 =	sor.u32 s25, s13;
	v19 =	vand.u32 $0xFFFF0000, v12;
	v62 =	vadd.s32 $0x8000, v8;
	v8 =	vld [tilespmem:s21+$0x0]  }
0x6e: {  	s17 =	sshll.u32 s17, $0x6;
	v21 =	vadd.s32 $0x8000, v21;
	s13 =	sor.u32 s26, s13;
	v36 =	vld [tilespmem:s14+$0x0];
	[tilespmem:$0x1FF90] =	vst v3;
	v3 =	vmul.f32 v58, v2;
	v25 =	vmul.f32 v19, v53  }
0x6f: {  	[tilespmem:$0x1FF40] =	vst v0;
	s17 =	sadd.s32 s17, s7;
	v0 =	vadd.s32 $0x8000, v23;
	v41 =	vld [tilespmem:s13+$0x0];
	v54 =	vmul.f32 v24, v45;
	v55 =	vmul.f32 v24, v53  }
0x70: {  	v7 =	vand.u32 $0xFFFF0000, v50;
	s31 =	sor.u32 $0x100, s17;
	v38 =	vld [tilespmem:s13+$0x80];
	v52 =	vmul.f32 v26, v45;
	v49 =	vmul.f32 v26, v53  }
0x71: {  	v39 =	vld [tilespmem:s31+$0x0];
	v17 =	vand.u32 $0xFFFF0000, v17;
	[tilespmem:$0x1FFA0] =	vst v3;
	v3 =	vmul.f32 v7, v10;
	v27 =	vmul.f32 v19, v9  }
0x72: {  	v46 =	vand.u32 $0xFFFF0000, v34;
	v37 =	vld [tilespmem:s14+$0x100];
	v56 =	vmul.f32 v24, v9;
	v44 =	vmul.f32 v26, v9  }
0x73: {  	v40 =	vld [tilespmem:s14+$0x80];
	v21 =	vand.u32 $0xFFFF0000, v21;
	[tilespmem:$0x1FFB0] =	vst v3;
	v3 =	vmul.f32 v7, v13;
	v13 =	vmul.f32 v19, v45  }
0x74: {  	v43 =	vld [tilespmem:s2+$0x100];
	v50 =	vand.u32 $0xFFFF0000, v35;
	v63 =	vmul.f32 v19, v8;
	v57 =	vmul.f32 v24, v8  }
0x75: {  	v23 =	vld [tilespmem:s2+$0x180];
	v19 =	vand.u32 $0xFFFF0000, v28;
	v24 =	vmul.f32 v21, v41;
	v28 =	vmul.f32 v21, v38  }
0x76: {  	v35 =	vld [tilespmem:s14+$0x180];
	v34 =	vand.u32 $0xFFFF0000, v42;
	v60 =	vmul.f32 v21, v39;
	v21 =	vmul.f32 v21, v33  }
0x77: {  	v58 =	vmul.f32 v17, v37;
	v48 =	vmul.f32 v26, v8;
	v11 =	vadd.f32 v24, v11  }
0x78: {  	v24 =	vmul.f32 v17, v36;
	v28 =	vadd.f32 v28, v29;
	v29 =	vmul.f32 v17, v40  }
0x79: {  	v51 =	vmul.f32 v19, v45;
	v45 =	vmul.f32 v19, v53;
	v42 =	vadd.f32 v60, v43  }
0x7a: {  	s0 =	sor.u32 s0, s3;
	v53 =	vand.u32 $0xFFFF0000, v62;
	v11 =	vadd.f32 v24, v11;
	v26 =	vadd.f32 v29, v28  }
0x7b: {  	v62 =	vld [tilespmem:s0+$0x180];
	v21 =	vadd.f32 v21, v23;
	v17 =	vmul.f32 v17, v35;
	v28 =	vadd.f32 v58, v42  }
0x7c: {  	v60 =	vld [tilespmem:s0+$0x0];
	v11 =	vadd.f32 v13, v11;
	v13 =	vadd.f32 v25, v26  }
0x7d: {  	v22 =	vadd.s32 $0x8000, v22;
	s17 =	sor.u32 s5, s3;
	v43 =	vld [tilespmem:s0+$0x80];
	v17 =	vadd.f32 v17, v21  }
0x7e: {  	s14 =	sor.u32 s8, s3;
	v23 =	vld [tilespmem:s17+$0x0];
	v58 =	vand.u32 $0xFFFF0000, v0;
	v27 =	vadd.f32 v27, v28;
	v0 =	vadd.f32 v59, v13  }
0x7f: {  	v22 =	vand.u32 $0xFFFF0000, v22;
	v24 =	vld [tilespmem:s14+$0x0]  }
0x80: {  	v12 =	vmul.f32 v22, v38;
	v42 =	vld [tilespmem:s0+$0x100];
	v29 =	vadd.f32 v63, v17;
	[tilespmem:$0x1FFD0] =	vst v0;
	v0 =	vadd.f32 v4, v27  }
0x81: {  	v25 =	vmul.f32 v22, v41;
	v28 =	vld [tilespmem:s14+$0x80]  }
0x82: {  	v14 =	vmul.f32 v46, v36;
	v26 =	vld [tilespmem:s17+$0x80];
	v63 =	vadd.f32 v12, v43;
	[tilespmem:$0x1FFE0] =	vst v0;
	v0 =	vadd.f32 v61, v29  }
0x83: {  	v13 =	vmul.f32 v22, v39;
	v22 =	vmul.f32 v22, v33;
	v15 =	vadd.f32 v25, v60;
	v25 =	vld [tilespmem:s17+$0x100]  }
0x84: {  	v21 =	vadd.f32 v47, v11;
	v60 =	vmul.f32 v46, v37;
	v27 =	vld [tilespmem:s14+$0x180];
	[tilespmem:$0x1FFF0] =	vst v0;
	v0 =	vmul.f32 v46, v40  }
0x85: {  	s11 =	simm.s32 $0x0;
	[tilespmem:$0x1FF70] =	vst v5;
	s23 =	smov.u32 s24;
	s20 =	simm.s32 $0x40;
	v59 =	vmul.f32 v50, v36;
	v43 =	vadd.f32 v13, v42;
	v47 =	vadd.f32 v22, v62;
	v22 =	vld [tilespmem:s17+$0x180]  }
0x86: {  	s5 =	sadd.s32 $0x100, s22;
	s25 =	smov.u32 s7;
	s8 =	simm.s32 $0x200;
	[tilespmem:$0x1FFC0] =	vst v3;
	v42 =	vadd.f32 v14, v15;
	v29 =	vld [tilespmem:s14+$0x100];
	v61 =	vmul.f32 v46, v35;
	v46 =	vadd.f32 v0, v63  }
.LBB2_6:
0x87: {  	v3 =	vld [tilespmem:$0x1FF40]  }
0x88: {  	v4 =	vld [tilespmem:$0x1FF50]  }
0x89: {  	s3 =	sadd.s32 $0xFFFFFF80, s5;
	s18 =	sadd.s32 $0x30, s20;
	v13 =	vmul.f32 v50, v40;
	v5 =	vld [tilespmem:$0x1FF60]  }
0x8a: {  	v14 =	vmul.f32 v58, v41;
	v62 =	vmul.f32 v58, v38;
	v6 =	vld [tilespmem:$0x1FF70];
	v0 =	vadd.f32 v60, v43;
	s13 =	sand.u32 $0x7600, s3;
	s18 =	sand.u32 $0x70, s18  }
0x8b: {  	s30 =	sadd.s32 $0x1000, s30;
	v15 =	vmul.f32 v58, v39;
	v10 =	vld [tilespmem:$0x1FF80];
	v12 =	vadd.f32 v61, v47;
	v42 =	vadd.f32 v54, v42;
	s26 =	sor.u32 s18, s13  }
0x8c: {  	s21 =	rddreg [dreg:$0x4];
	s31 =	sadd.s32 $0x180, s8;
	v36 =	vmul.f32 v34, v36;
	v46 =	vadd.f32 v55, v46;
	s16 =	sand.u32 $0x6000, s30;
	v0 =	vadd.f32 v56, v0;
	v54 =	vld [tilespmem:s26+$0x0]  }
0x8d: {  	v9 =	vmul.f32 v19, v9;
	s15 =	sand.u32 $0x380, s31;
	s21 =	sadd.s32 s16, s21;
	v47 =	vadd.f32 v57, v12;
	v42 =	vadd.f32 v32, v42;
	v55 =	vld [tilespmem:s26+$0x80]  }
0x8e: {  	v43 =	vadd.f32 v31, v46;
	v31 =	vmul.f32 v58, v33;
	s18 =	sadd.s32 s15, s21;
	v46 =	vadd.f32 v30, v0;
	v0 =	vld [tilespmem:s26+$0x100]  }
0x8f: {  	v60 =	vmul.f32 v53, v39;
	v47 =	vadd.f32 v18, v47;
	v18 =	vadd.f32 v14, v24;
	v30 =	vld.idx.msk [tilespmem:v3+s18+$0x0 ss:$0x1], $0xffff  }
0x90: {  	s16 =	sadd.s32 $0x100, s8;
	v24 =	vadd.f32 v62, v28;
	v27 =	vadd.f32 v31, v27;
	v31 =	vmul.f32 v50, v35;
	v32 =	vld.idx.msk [tilespmem:v4+s18+$0x0 ss:$0x1], $0xffff  }
0x91: {  	v29 =	vadd.f32 v15, v29;
	s31 =	sand.u32 $0x300, s16;
	v28 =	vmul.f32 v50, v37;
	v18 =	vadd.f32 v59, v18;
	v50 =	vld.idx.msk [tilespmem:v5+s18+$0x0 ss:$0x1], $0xffff  }
0x92: {  	s31 =	sadd.s32 s31, s21;
	v24 =	vadd.f32 v13, v24;
	v27 =	vadd.f32 v31, v27;
	v31 =	vmul.f32 v34, v40;
	v40 =	vld.idx.msk [tilespmem:v6+s18+$0x0 ss:$0x1], $0xffff  }
0x93: {  	v56 =	vmul.f32 v53, v41;
	v25 =	vadd.f32 v60, v25;
	v57 =	vld.idx.msk [tilespmem:v3+s31+$0x0 ss:$0x1], $0xffff;
	v18 =	vadd.f32 v52, v18  }
0x94: {  	v8 =	vmul.f32 v19, v8;
	v28 =	vadd.f32 v28, v29;
	v59 =	vld.idx.msk [tilespmem:v4+s31+$0x0 ss:$0x1], $0xffff;
	v29 =	vadd.f32 v49, v24  }
0x95: {  	s15 =	sadd.s32 $0x80, s8;
	v14 =	vadd.f32 v56, v23;
	v16 =	vld.idx.msk [tilespmem:v5+s31+$0x0 ss:$0x1], $0xffff;
	v24 =	vadd.f32 v20, v18;
	v18 =	vmul.f32 v53, v33  }
0x96: {  	v23 =	vmul.f32 v34, v37;
	s18 =	sand.u32 $0x280, s15;
	v44 =	vadd.f32 v44, v28;
	v28 =	vadd.f32 v10, v29;
	v10 =	vld [tilespmem:$0x1FF90]  }
0x97: {  	v14 =	vadd.f32 v36, v14;
	v12 =	vld.idx.msk [tilespmem:v6+s31+$0x0 ss:$0x1], $0xffff;
	s18 =	sadd.s32 s18, s21;
	v18 =	vadd.f32 v18, v22;
	v22 =	vmul.f32 v34, v35  }
0x98: {  	v58 =	vmul.f32 v53, v38;
	v23 =	vadd.f32 v23, v25;
	v27 =	vadd.f32 v48, v27;
	v61 =	vld.idx.msk [tilespmem:v3+s18+$0x0 ss:$0x1], $0xffff  }
0x99: {  	v14 =	vadd.f32 v51, v14;
	v18 =	vadd.f32 v22, v18;
	v22 =	vmul.f32 v7, v1;
	v1 =	vld [tilespmem:$0x1FFB0]  }
0x9a: {  	s16 =	sand.u32 $0x200, s8;
	v9 =	vadd.f32 v9, v23;
	v62 =	vld.idx.msk [tilespmem:v4+s18+$0x0 ss:$0x1], $0xffff;
	v20 =	vadd.f32 v58, v26  }
0x9b: {  	v2 =	vmul.f32 v7, v2;
	s21 =	sadd.s32 s16, s21;
	v29 =	vadd.f32 v10, v44;
	v10 =	vld [tilespmem:$0x1FFA0];
	v8 =	vadd.f32 v8, v18  }
0x9c: {  	v20 =	vadd.f32 v31, v20;
	v15 =	vadd.s32 $0x8000, v57;
	v37 =	vadd.s32 $0x8000, v59;
	v7 =	vld.idx.msk [tilespmem:v4+s21+$0x0 ss:$0x1], $0xffff  }
0x9d: {  	v36 =	vadd.s32 $0x8000, v40;
	v25 =	vadd.f32 v22, v9;
	v22 =	vadd.f32 v2, v8;
	v2 =	vld [tilespmem:s26+$0x180]  }
0x9e: {  	v38 =	vadd.s32 $0x8000, v16;
	v39 =	vadd.s32 $0x8000, v12;
	v23 =	vadd.f32 v1, v14;
	v1 =	vld [tilespmem:$0x1FFC0]  }
0x9f: {  	v19 =	vld.idx.msk [tilespmem:v6+s18+$0x0 ss:$0x1], $0xffff;
	v20 =	vadd.f32 v45, v20;
	v33 =	vadd.s32 $0x8000, v61;
	v34 =	vadd.s32 $0x8000, v62  }
0xa0: {  	v63 =	vld.idx.msk [tilespmem:v3+s21+$0x0 ss:$0x1], $0xffff;
	v8 =	vadd.s32 $0x8000, v30;
	s26 =	sadd.s32 $0x20, s20;
	v27 =	vadd.f32 v10, v27;
	v10 =	vadd.s32 $0x8000, v50  }
0xa1: {  	s31 =	sand.u32 $0x7600, s5;
	v31 =	vld.idx.msk [tilespmem:v5+s18+$0x0 ss:$0x1], $0xffff;
	s18 =	sand.u32 $0x60, s26;
	v53 =	vadd.s32 $0x8000, v7;
	v7 =	vand.u32 $0xFFFF0000, v8;
	v10 =	vand.u32 $0xFFFF0000, v10  }
0xa2: {  	s11 =	sadd.s32 $0x2, s11;
	v9 =	vadd.s32 $0x8000, v32;
	v14 =	vld.idx.msk [tilespmem:v6+s21+$0x0 ss:$0x1], $0xffff;
	s18 =	sor.u32 s18, s31;
	v59 =	vmul.f32 v7, v54;
	v3 =	vmul.f32 v10, v55  }
0xa3: {  	s15 =	sand.u32 $0x3, s11;
	v60 =	vmul.f32 v7, v55;
	v51 =	vld [tilespmem:s18+$0x0];
	v62 =	vmul.f32 v7, v2;
	v26 =	vadd.f32 v1, v20;
	v1 =	vmovc v0  }
0xa4: {  	s23 =	sadd.s32 $0x100, s23;
	s16 =	sshll.u32 s15, $0x5;
	v58 =	vld [tilespmem:s18+$0x80];
	[tilespmem:$0x1FF80] =	vst v3;
	v61 =	vmul.f32 v7, v1;
	v7 =	vand.u32 $0xFFFF0000, v9;
	v3 =	vmul.f32 v10, v1  }
0xa5: {  	v37 =	vand.u32 $0xFFFF0000, v37;
	v13 =	vadd.s32 $0x8000, v19;
	v0 =	vld.idx.msk [tilespmem:v5+s21+$0x0 ss:$0x1], $0xffff;
	s21 =	sadd.s32 s16, s23;
	v32 =	vmul.f32 v7, v54  }
0xa6: {  	p0 =	por !p0, !p0;
	v12 =	vadd.s32 $0x8000, v31;
	s31 =	sadd.s32 $0x10, s20;
	v9 =	vld [tilespmem:s18+$0x100];
	s26 =	sor.u32 $0x100, s21;
	v31 =	vmul.f32 v7, v55;
	[tilespmem:$0x1FF90] =	vst v3;
	v3 =	vmul.f32 v10, v2  }
0xa7: {  	s15 =	sand.u32 $0x50, s31;
	s16 =	sand.u32 $0x40, s20;
	v8 =	vld [tilespmem:s26+$0x0];
	v30 =	vmul.f32 v7, v1;
	v18 =	vmul.f32 v7, v2;
	v7 =	vand.u32 $0xFFFF0000, v36;
	s26 =	simm.s32 $0x1  }
0xa8: {  	v35 =	vadd.s32 $0x8000, v63;
	v19 =	vand.u32 $0xFFFF0000, v15;
	s18 =	sor.u32 s15, s13;
	s13 =	sor.u32 s16, s13;
	s26 =	simm.s32 @!p0 $0x0;
	[tilespmem:$0x1FFA0] =	vst v3;
	v3 =	vmul.f32 v7, v54  }
0xa9: {  	s25 =	sadd.s32 $0x100, s25;
	v11 =	vand.u32 $0xFFFF0000, v34;
	v34 =	vand.u32 $0xFFFF0000, v13;
	v63 =	vadd.s32 $0x8000, v14;
	v41 =	vld [tilespmem:s13+$0x0];
	s26 =	sshll.u32 s26, $0x6  }
0xaa: {  	v13 =	vand.u32 $0xFFFF0000, v53;
	v53 =	vand.u32 $0xFFFF0000, v63;
	v63 =	vld [tilespmem:$0x1FFE0];
	s21 =	sadd.s32 s26, s25;
	[tilespmem:$0x1FFB0] =	vst v3;
	v3 =	vmul.f32 v7, v55  }
0xab: {  	v15 =	vand.u32 $0xFFFF0000, v38;
	v36 =	vld [tilespmem:s18+$0x0];
	v4 =	vmul.f32 v19, v58;
	v5 =	vmul.f32 v19, v9;
	s31 =	sor.u32 $0x100, s21  }
0xac: {  	v6 =	vmul.f32 v19, v8;
	[tilespmem:$0x1FFC0] =	vst v3;
	v3 =	vmul.f32 v19, v51;
	v19 =	vand.u32 $0xFFFF0000, v39;
	v39 =	vld [tilespmem:s31+$0x0]  }
0xad: {  	s3 =	sor.u32 s3, s20;
	v50 =	vand.u32 $0xFFFF0000, v12;
	v12 =	vand.u32 $0xFFFF0000, v35;
	v20 =	vmul.f32 v10, v54;
	v40 =	vld [tilespmem:s18+$0x80]  }
0xae: {  	s3 =	sor.u32 $0x180, s3;
	v38 =	vld [tilespmem:s13+$0x80];
	v49 =	vmul.f32 v15, v58;
	v10 =	vand.u32 $0xFFFF0000, v33;
	v16 =	vmul.f32 v12, v41  }
0xaf: {  	v33 =	vld [tilespmem:s3+$0x0];
	v0 =	vadd.s32 $0x8000, v0;
	v54 =	vmul.f32 v37, v51;
	v56 =	vmul.f32 v37, v9  }
0xb0: {  	v55 =	vmul.f32 v37, v58;
	v57 =	vmul.f32 v37, v8;
	v37 =	vld [tilespmem:s18+$0x100];
	v16 =	vadd.f32 v16, v21  }
0xb1: {  	v21 =	vld [tilespmem:$0x1FFD0];
	v45 =	vmul.f32 v19, v58;
	v58 =	vand.u32 $0xFFFF0000, v0;
	v0 =	vmul.f32 v12, v39  }
0xb2: {  	v35 =	vld [tilespmem:s18+$0x180]  }
0xb3: {  	v0 =	vadd.f32 v0, v63;
	v63 =	vld [tilespmem:$0x1FFF0]  }
0xb4: {  	v52 =	vmul.f32 v15, v51;
	v17 =	vmul.f32 v12, v38  }
0xb5: {  	v44 =	vmul.f32 v15, v9;
	v48 =	vmul.f32 v15, v8  }
0xb6: {  	v12 =	vmul.f32 v12, v33;
	v17 =	vadd.f32 v17, v21;
	v21 =	vmul.f32 v10, v37  }
0xb7: {  	v14 =	vmul.f32 v10, v36;
	v15 =	vmul.f32 v10, v40  }
0xb8: {  	v10 =	vmul.f32 v10, v35;
	v0 =	vadd.f32 v21, v0;
	v12 =	vadd.f32 v12, v63  }
0xb9: {  	v14 =	vadd.f32 v14, v16;
	v15 =	vadd.f32 v15, v17  }
0xba: {  	v0 =	vadd.f32 v5, v0;
	v10 =	vadd.f32 v10, v12  }
0xbb: {  	v51 =	vmul.f32 v19, v51;
	v3 =	vadd.f32 v3, v14;
	v4 =	vadd.f32 v4, v15  }
0xbc: {  	v16 =	vmul.f32 v11, v36;
	v0 =	vadd.f32 v61, v0;
	v5 =	vadd.f32 v6, v10  }
0xbd: {  	p1 =	sne.s32 s8, $0xE00;
	v17 =	vmul.f32 v13, v41;
	v21 =	vadd.f32 v59, v3;
	v3 =	vadd.f32 v60, v4  }
.Ltmp1:
0xbe: {  	v59 =	vmul.f32 v50, v36;
	v63 =	vmul.f32 v13, v38;
	[tilespmem:$0x1FFE0] =	vst v0;
	v0 =	vadd.f32 v62, v5;
	(pc) =	sbr.rel @p1 .LBB2_6-.Ltmp1, $4  }
0xbf: {  	[tilespmem:$0x1FFD0] =	vst v3;
	v3 =	vmul.f32 v13, v33;
	v6 =	vmul.f32 v13, v39  }
0xc0: {  	v12 =	vmul.f32 v11, v40;
	v4 =	vadd.f32 v63, v43;
	[tilespmem:$0x1FFF0] =	vst v0;
	v0 =	vadd.f32 v17, v42  }
0xc1: {  	v60 =	vmul.f32 v11, v37;
	v47 =	vadd.f32 v3, v47;
	v43 =	vadd.f32 v6, v46  }
0xc2: {  	s8 =	sadd.s32 $0x200, s8;
	s5 =	sadd.s32 $0x100, s5;
	s20 =	sadd.s32 $0x40, s20;
	v61 =	vmul.f32 v11, v35;
	v46 =	vadd.f32 v12, v4;
	v42 =	vadd.f32 v16, v0  }
0xc3: {  	v0 =	vadd.f32 v60, v43;
	v4 =	vmul.f32 v58, v41  }
0xc4: {  	v10 =	vmul.f32 v53, v41;
	v11 =	vmul.f32 v58, v38;
	v3 =	vadd.f32 v61, v47  }
0xc5: {  	v13 =	vmul.f32 v58, v39;
	v5 =	vadd.f32 v54, v42;
	v6 =	vadd.f32 v55, v46  }
0xc6: {  	v14 =	vmul.f32 v53, v38;
	v0 =	vadd.f32 v56, v0;
	v4 =	vadd.f32 v4, v24  }
0xc7: {  	v16 =	vmul.f32 v58, v33;
	v10 =	vadd.f32 v10, v23;
	v11 =	vadd.f32 v11, v28  }
0xc8: {  	v13 =	vadd.f32 v13, v29;
	v14 =	vadd.f32 v14, v26  }
0xc9: {  	v38 =	vmul.f32 v50, v40;
	v62 =	vld [tilespmem:$0x1FFF0];
	v46 =	vadd.f32 v16, v27;
	v3 =	vadd.f32 v57, v3  }
0xca: {  	v12 =	vmul.f32 v34, v36;
	v42 =	vld [tilespmem:$0x1FFB0];
	v5 =	vadd.f32 v32, v5;
	v6 =	vadd.f32 v31, v6  }
0xcb: {  	v57 =	vld [tilespmem:$0x1FFE0];
	v4 =	vadd.f32 v59, v4;
	v11 =	vadd.f32 v38, v11  }
0xcc: {  	v15 =	vmul.f32 v34, v40;
	[tilespmem:s2+$0x0] =	vst v21;
	v10 =	vadd.f32 v12, v10;
	v3 =	vadd.f32 v18, v3  }
0xcd: {  	v41 =	vmul.f32 v53, v39;
	[tilespmem:s0+$0x0] =	vst v5;
	v4 =	vadd.f32 v52, v4;
	v11 =	vadd.f32 v49, v11;
	v49 =	vld [tilespmem:$0x1FF80]  }
0xce: {  	v43 =	vmul.f32 v50, v37;
	v14 =	vadd.f32 v15, v14;
	[tilespmem:s2+$0x180] =	vst v62;
	v10 =	vadd.f32 v51, v10;
	v52 =	vld [tilespmem:$0x1FFD0]  }
0xcf: {  	v9 =	vmul.f32 v19, v9;
	v56 =	vld [tilespmem:$0x1FF90];
	v12 =	vadd.f32 v41, v25;
	[tilespmem:s0+$0x180] =	vst v3;
	v4 =	vadd.f32 v20, v4  }
0xd0: {  	v47 =	vmul.f32 v34, v37;
	v5 =	vadd.f32 v43, v13;
	v10 =	vadd.f32 v42, v10;
	[tilespmem:s2+$0x100] =	vst v57  }
0xd1: {  	v0 =	vadd.f32 v30, v0;
	v14 =	vadd.f32 v45, v14;
	v51 =	vmul.f32 v53, v33;
	v53 =	vld [tilespmem:$0x1FFC0];
	[tilespmem:s14+$0x0] =	vst v4  }
0xd2: {  	v54 =	vmul.f32 v50, v35;
	v5 =	vadd.f32 v44, v5;
	v4 =	vadd.f32 v47, v12;
	[tilespmem:s17+$0x0] =	vst v10  }
0xd3: {  	v55 =	vmul.f32 v34, v35;
	v61 =	vld [tilespmem:$0x1FFA0];
	v10 =	vadd.f32 v49, v11;
	[tilespmem:s2+$0x80] =	vst v52;
	v11 =	vadd.f32 v51, v22  }
0xd4: {  	v1 =	vmul.f32 v7, v1;
	v5 =	vadd.f32 v56, v5;
	[tilespmem:s0+$0x80] =	vst v6;
	v6 =	vadd.f32 v54, v46  }
0xd5: {  	v8 =	vmul.f32 v19, v8;
	s29 =	sadd.s32 $0x1, s29;
	[tilespmem:s0+$0x100] =	vst v0;
	v4 =	vadd.f32 v9, v4;
	v58 =	vadd.f32 v55, v11  }
0xd6: {  	p0 =	sne.s32 s29, $0x10;
	v12 =	vadd.f32 v53, v14;
	[tilespmem:s14+$0x100] =	vst v5;
	v59 =	vadd.f32 v48, v6  }
.Ltmp2:
0xd7: {  	v2 =	vmul.f32 v7, v2;
	[tilespmem:s14+$0x80] =	vst v10;
	v1 =	vadd.f32 v1, v4;
	v60 =	vadd.f32 v8, v58;
	(pc) =	sbr.rel @p0 .LBB2_5-.Ltmp2, $4  }
0xd8: {  	[tilespmem:s17+$0x80] =	vst v12;
	v0 =	vadd.f32 v61, v59  }
0xd9: {  	[tilespmem:s17+$0x100] =	vst v1;
	v63 =	vadd.f32 v2, v60  }
0xda: {  	[tilespmem:s14+$0x180] =	vst v0  }
0xdb: {  	[tilespmem:s17+$0x180] =	vst v63  }
0xdc: {  	s29 =	sshll.u32 s28, $0x11;
	p0 =	seq.s32 s28, $0x7  }
0xdd: {  	s0 =	sadd.s32 @!p0 s29, s9  }
0xde: {  	s2 =	simm.s32 @!p0 $0x2000;
	s0 =	sshrl.u32 @!p0 s0, $0x3  }
0xdf: {  	s3 =	simm.s32 @!p0 $0x4000;
	s5 =	simm.s32 @!p0 $0x8200;
	s0 =	sadd.s32 @!p0 s1, s0  }
0xe0: {  	[tilespmem:s5], [sflag:$0x1] =	stream.strided.gather @!p0 [hbm4b:s0+s2], $0x8000, s3, s2, $0x38;
	[tilespmem:$0x19A00] =	vst v63  }
0xe1: {  	_ =	swait.ge [sflag:s19], $0x8000  }
0xe2: {  	[sflag:s19] =	ssyncset.done $0x0  }
0xe3: {  	s30 =	simm.s32 $0x0;
	s31 =	simm.s32 $0x0;
	[sflag:s19] =	ssyncadd.s32 $0xFFFF8000  }
.LBB2_9:
0xe4: {  	s0 =	sshll.u32 s31, $0x8  }
0xe5: {  	s2 =	sshll.u32 s31, $0xB;
	s3 =	sshll.u32 s31, $0x6;
	s11 =	sadd.s32 $0x800, s7  }
0xe6: {  	s8 =	simm.s32 $0x30;
	s18 =	sand.u32 $0x6000, s30;
	s0 =	sand.u32 $0x3FFFFE00, s0  }
0xe7: {  	s2 =	sand.u32 $0xFFFFF000, s2;
	s13 =	sand.u32 $0x7E00, s11;
	s17 =	sand.u32 $0x70, s8  }
0xe8: {  	s5 =	sand.u32 $0x40, s3;
	s20 =	sshra.s32 s2, $0x2;
	s17 =	sor.u32 s17, s13  }
0xe9: {  	s3 =	sadd.s32 $0x18200, s0;
	s0 =	sor.u32 $0x10, s5;
	v3 =	vmov s5;
	[dreg:$0x5] =	wrdreg s20;
	v0 =	vld [tilespmem:s17+$0x0]  }
0xea: {  	s11 =	sor.u32 s11, s30;
	s8 =	sor.u32 $0x20, s5;
	v4 =	vmov s0;
	v10 =	vld [tilespmem:s17+$0x80];
	s14 =	rddreg [dreg:$0x5]  }
0xeb: {  	s21 =	simm.s32 $0x180;
	s11 =	sor.u32 $0x180, s11;
	v5 =	vmov s8;
	v1 =	vld [tilespmem:s17+$0x100];
	s14 =	sadd.s32 s14, s18  }
0xec: {  	s2 =	sor.u32 s5, s3;
	v33 =	vld [tilespmem:s11+$0x0];
	s18 =	sand.u32 $0x380, s21;
	s14 =	sadd.s32 $0x10200, s14  }
0xed: {  	v48 =	vld [tilespmem:s2+$0x0];
	s18 =	sadd.s32 s18, s14  }
0xee: {  	s5 =	sor.u32 $0x30, s5;
	s20 =	simm.s32 $0x100;
	v2 =	vld.idx.msk [tilespmem:v3+s18+$0x0 ss:$0x1], $0xffff  }
0xef: {  	v6 =	vmov s5;
	s20 =	sand.u32 $0x300, s20;
	v7 =	vld.idx.msk [tilespmem:v4+s18+$0x0 ss:$0x1], $0xffff  }
0xf0: {  	s20 =	sadd.s32 s20, s14;
	v8 =	vld.idx.msk [tilespmem:v5+s18+$0x0 ss:$0x1], $0xffff  }
0xf1: {  	v12 =	vld.idx.msk [tilespmem:v3+s20+$0x0 ss:$0x1], $0xffff  }
0xf2: {  	v13 =	vld.idx.msk [tilespmem:v4+s20+$0x0 ss:$0x1], $0xffff  }
0xf3: {  	s23 =	simm.s32 $0x80;
	v14 =	vld.idx.msk [tilespmem:v5+s20+$0x0 ss:$0x1], $0xffff  }
0xf4: {  	v9 =	vld.idx.msk [tilespmem:v6+s18+$0x0 ss:$0x1], $0xffff;
	s18 =	sand.u32 $0x280, s23  }
0xf5: {  	v15 =	vld.idx.msk [tilespmem:v6+s20+$0x0 ss:$0x1], $0xffff;
	s18 =	sadd.s32 s18, s14  }
0xf6: {  	v16 =	vld.idx.msk [tilespmem:v3+s18+$0x0 ss:$0x1], $0xffff  }
0xf7: {  	s25 =	sand.u32 $0x200, s30;
	v17 =	vld.idx.msk [tilespmem:v4+s18+$0x0 ss:$0x1], $0xffff  }
0xf8: {  	s14 =	sadd.s32 s25, s14;
	v19 =	vld.idx.msk [tilespmem:v6+s18+$0x0 ss:$0x1], $0xffff  }
0xf9: {  	v20 =	vld.idx.msk [tilespmem:v3+s14+$0x0 ss:$0x1], $0xffff  }
0xfa: {  	v21 =	vld.idx.msk [tilespmem:v4+s14+$0x0 ss:$0x1], $0xffff  }
0xfb: {  	v22 =	vld.idx.msk [tilespmem:v5+s14+$0x0 ss:$0x1], $0xffff;
	v23 =	vadd.s32 $0x8000, v2;
	v7 =	vadd.s32 $0x8000, v7;
	v24 =	vadd.s32 $0x8000, v8  }
0xfc: {  	s26 =	simm.s32 $0x20;
	s15 =	sadd.s32 $0x880, s7;
	v2 =	vld [tilespmem:s17+$0x180];
	v12 =	vadd.s32 $0x8000, v12;
	v13 =	vadd.s32 $0x8000, v13;
	v27 =	vadd.s32 $0x8000, v14  }
0xfd: {  	v8 =	vld.idx.msk [tilespmem:v6+s14+$0x0 ss:$0x1], $0xffff;
	s14 =	sand.u32 $0x60, s26;
	s17 =	sand.u32 $0x7E00, s15;
	v25 =	vadd.s32 $0x8000, v9;
	v28 =	vadd.s32 $0x8000, v15;
	v9 =	vand.u32 $0xFFFF0000, v23  }
0xfe: {  	[tilespmem:$0x1FEA0] =	vst v4;
	v18 =	vld.idx.msk [tilespmem:v5+s18+$0x0 ss:$0x1], $0xffff;
	s14 =	sor.u32 s14, s17;
	v7 =	vand.u32 $0xFFFF0000, v7;
	v15 =	vand.u32 $0xFFFF0000, v24;
	v4 =	vmul.f32 v9, v0  }
0xff: {  	[tilespmem:$0x1FEB0] =	vst v5;
	v13 =	vand.u32 $0xFFFF0000, v13;
	v45 =	vld [tilespmem:s14+$0x0];
	v5 =	vmul.f32 v9, v10;
	v59 =	vmul.f32 v9, v1  }
0x100: {  	s16 =	sand.u32 $0x3, s30;
	v27 =	vand.u32 $0xFFFF0000, v27;
	v53 =	vld [tilespmem:s14+$0x80];
	v32 =	vmul.f32 v7, v0;
	v31 =	vmul.f32 v7, v10  }
0x101: {  	v29 =	vld [tilespmem:s2+$0x80];
	s18 =	sshll.u32 s16, $0x5;
	v30 =	vmul.f32 v7, v1;
	v26 =	vadd.s32 $0x8000, v16;
	v43 =	vadd.s32 $0x8000, v19  }
0x102: {  	[tilespmem:$0x1FE90] =	vst v3;
	s21 =	simm.s32 $0x10;
	s17 =	sadd.s32 s18, s12;
	v23 =	vld [tilespmem:s2+$0x180];
	v35 =	vadd.s32 $0x8000, v20;
	v20 =	vmul.f32 v15, v0;
	v3 =	vmul.f32 v7, v2  }
0x103: {  	s23 =	sand.u32 $0x50, s21;
	s20 =	sor.u32 $0x100, s17;
	v19 =	vand.u32 $0xFFFF0000, v12;
	v60 =	vmul.f32 v9, v2;
	v9 =	vld [tilespmem:s14+$0x100];
	v7 =	vand.u32 $0xFFFF0000, v25  }
0x104: {  	s25 =	sand.u32 $0x40, s30;
	v61 =	vadd.s32 $0x8000, v8;
	v8 =	vld [tilespmem:s20+$0x0];
	s14 =	sor.u32 s23, s13;
	v0 =	vmul.f32 v7, v0;
	[tilespmem:$0x1FED0] =	vst v3;
	v3 =	vmul.f32 v15, v10  }
0x105: {  	p1 =	por $0x0, $0x0;
	s17 =	simm.s32 $0x1;
	v17 =	vadd.s32 $0x8000, v17;
	s13 =	sor.u32 s25, s13;
	v36 =	vld [tilespmem:s14+$0x0];
	v11 =	vmul.f32 v19, v45;
	v25 =	vmul.f32 v19, v53  }
0x106: {  	v34 =	vadd.s32 $0x8000, v18;
	s17 =	simm.s32 @!p1 $0x0;
	v41 =	vld [tilespmem:s13+$0x0];
	v54 =	vmul.f32 v13, v45;
	v55 =	vmul.f32 v13, v53  }
0x107: {  	v58 =	vadd.s32 $0x8000, v21;
	s17 =	sshll.u32 s17, $0x6;
	v38 =	vld [tilespmem:s13+$0x80];
	v52 =	vmul.f32 v27, v45;
	v49 =	vmul.f32 v27, v53;
	[tilespmem:$0x1FF10] =	vst v0  }
0x108: {  	v22 =	vadd.s32 $0x8000, v22;
	s17 =	sadd.s32 s17, s6;
	v40 =	vld [tilespmem:s14+$0x80];
	v0 =	vmul.f32 v7, v10;
	[tilespmem:$0x1FEE0] =	vst v3;
	v3 =	vmul.f32 v15, v1  }
0x109: {  	v26 =	vand.u32 $0xFFFF0000, v26;
	s26 =	sor.u32 $0x100, s17;
	v37 =	vld [tilespmem:s14+$0x100];
	v62 =	vmul.f32 v19, v9;
	v63 =	vmul.f32 v19, v8  }
0x10a: {  	v47 =	vand.u32 $0xFFFF0000, v35;
	v39 =	vld [tilespmem:s26+$0x0];
	v56 =	vmul.f32 v13, v9;
	v57 =	vmul.f32 v13, v8  }
0x10b: {  	v50 =	vand.u32 $0xFFFF0000, v34;
	v35 =	vld [tilespmem:s14+$0x180];
	[tilespmem:$0x1FF20] =	vst v0;
	v42 =	vmul.f32 v27, v9;
	v13 =	vmul.f32 v47, v33  }
0x10c: {  	v44 =	vld [tilespmem:s2+$0x100];
	v0 =	vand.u32 $0xFFFF0000, v17;
	[tilespmem:$0x1FEF0] =	vst v3;
	v3 =	vmul.f32 v15, v2;
	v17 =	vmul.f32 v47, v41  }
0x10d: {  	v34 =	vand.u32 $0xFFFF0000, v43;
	v24 =	vmul.f32 v47, v38;
	v43 =	vmul.f32 v26, v36  }
0x10e: {  	s0 =	sor.u32 s0, s3;
	v19 =	vand.u32 $0xFFFF0000, v28;
	v51 =	vmul.f32 v26, v40;
	v14 =	vmul.f32 v26, v37  }
0x10f: {  	v46 =	vld [tilespmem:s0+$0x180];
	v28 =	vmul.f32 v47, v39;
	v13 =	vadd.f32 v13, v23;
	v17 =	vadd.f32 v17, v48  }
0x110: {  	v47 =	vld [tilespmem:s0+$0x0];
	v29 =	vadd.f32 v24, v29;
	v48 =	vmul.f32 v27, v8;
	v27 =	vmul.f32 v26, v35  }
0x111: {  	v21 =	vld [tilespmem:s0+$0x100];
	s17 =	sor.u32 s5, s3;
	v28 =	vadd.f32 v28, v44;
	v44 =	vand.u32 $0xFFFF0000, v58;
	v58 =	vand.u32 $0xFFFF0000, v22  }
0x112: {  	s14 =	sor.u32 s8, s3;
	v23 =	vld [tilespmem:s17+$0x0];
	v17 =	vadd.f32 v43, v17;
	v29 =	vadd.f32 v51, v29;
	v51 =	vmul.f32 v19, v45  }
0x113: {  	v24 =	vld [tilespmem:s14+$0x0];
	v45 =	vmul.f32 v19, v53;
	v13 =	vadd.f32 v27, v13;
	v12 =	vmul.f32 v44, v41  }
0x114: {  	v43 =	vld [tilespmem:s0+$0x80];
	v53 =	vand.u32 $0xFFFF0000, v61;
	v28 =	vadd.f32 v14, v28;
	v11 =	vadd.f32 v11, v17  }
0x115: {  	v26 =	vld [tilespmem:s14+$0x80];
	v14 =	vmul.f32 v44, v39;
	v17 =	vadd.f32 v25, v29;
	v61 =	vadd.f32 v12, v47  }
0x116: {  	v27 =	vld [tilespmem:s17+$0x80];
	v47 =	vmul.f32 v0, v35;
	v25 =	vadd.f32 v62, v28;
	v28 =	vadd.f32 v63, v13  }
0x117: {  	[tilespmem:$0x1FF00] =	vst v3;
	v29 =	vld [tilespmem:s14+$0x100];
	v13 =	vmul.f32 v44, v38;
	v22 =	vadd.f32 v4, v11;
	v3 =	vadd.f32 v5, v17  }
0x118: {  	s11 =	simm.s32 $0x0;
	v44 =	vmul.f32 v44, v33;
	v18 =	vadd.f32 v59, v25;
	v17 =	vadd.f32 v60, v28;
	v25 =	vld [tilespmem:s17+$0x100]  }
0x119: {  	[tilespmem:$0x1FEC0] =	vst v6;
	s20 =	simm.s32 $0x200;
	s23 =	smov.u32 s7;
	s25 =	smov.u32 s6;
	v59 =	vmul.f32 v0, v36;
	v28 =	vld [tilespmem:s14+$0x180];
	v62 =	vadd.f32 v13, v43;
	v60 =	vmul.f32 v0, v40  }
0x11a: {  	s5 =	simm.s32 $0x0;
	s8 =	simm.s32 $0x0;
	s26 =	smov.u32 s12;
	v43 =	vadd.f32 v14, v21;
	v21 =	vld [tilespmem:s17+$0x180];
	v46 =	vadd.f32 v44, v46;
	v44 =	vmul.f32 v0, v37;
	[tilespmem:$0x1FF30] =	vst v3  }
.LBB2_10:
0x11b: {  	v3 =	vld [tilespmem:$0x1FED0]  }
0x11c: {  	s5 =	sadd.s32 $0x40, s5;
	s23 =	sadd.s32 $0x100, s23;
	v63 =	vmul.f32 v58, v38;
	v4 =	vld [tilespmem:$0x1FEA0];
	v0 =	vadd.f32 v59, v61;
	v13 =	vadd.f32 v60, v62  }
0x11d: {  	v6 =	vld [tilespmem:$0x1FEC0];
	s3 =	sadd.s32 $0x800, s23;
	s21 =	sadd.s32 $0x30, s5;
	v43 =	vadd.f32 v44, v43;
	v14 =	vadd.f32 v47, v46  }
0x11e: {  	v5 =	vld [tilespmem:$0x1FEB0];
	v62 =	vmul.f32 v58, v41;
	s13 =	sand.u32 $0x7E00, s3;
	s21 =	sand.u32 $0x70, s21;
	v26 =	vadd.f32 v63, v26;
	v0 =	vadd.f32 v54, v0  }
0x11f: {  	s8 =	sadd.s32 $0x1000, s8;
	v10 =	vld [tilespmem:$0x1FEE0];
	v61 =	vmul.f32 v50, v40;
	v46 =	vadd.f32 v55, v13;
	s21 =	sor.u32 s21, s13;
	v12 =	vadd.f32 v56, v43  }
0x120: {  	s18 =	rddreg [dreg:$0x5];
	s15 =	sand.u32 $0x6000, s8;
	v13 =	vadd.f32 v57, v14;
	v24 =	vadd.f32 v62, v24;
	v54 =	vld [tilespmem:s21+$0x0]  }
0x121: {  	s16 =	sadd.s32 $0x180, s20;
	s15 =	sadd.s32 s18, s15;
	v14 =	vmul.f32 v58, v39;
	v55 =	vld [tilespmem:s21+$0x80];
	v26 =	vadd.f32 v61, v26;
	v0 =	vadd.f32 v32, v0  }
0x122: {  	v60 =	vmul.f32 v50, v36;
	s16 =	sand.u32 $0x380, s16;
	s18 =	sadd.s32 $0x10200, s15;
	v44 =	vadd.f32 v31, v46;
	v47 =	vadd.f32 v3, v13;
	v3 =	vld [tilespmem:$0x1FE90]  }
0x123: {  	s15 =	sadd.s32 s16, s18;
	v46 =	vadd.f32 v30, v12;
	v43 =	vmovc v18;
	v18 =	vld [tilespmem:s21+$0x100];
	v30 =	vmul.f32 v50, v37;
	v29 =	vadd.f32 v14, v29  }
0x124: {  	s16 =	sadd.s32 $0x100, s20;
	v24 =	vadd.f32 v60, v24;
	v26 =	vadd.f32 v49, v26;
	[tilespmem:$0x1FE80] =	vst v0;
	v32 =	vld.idx.msk [tilespmem:v4+s15+$0x0 ss:$0x1], $0xffff  }
0x125: {  	s16 =	sand.u32 $0x300, s16;
	v0 =	vmul.f32 v58, v33;
	v29 =	vadd.f32 v30, v29;
	v30 =	vmul.f32 v34, v40;
	v40 =	vld.idx.msk [tilespmem:v6+s15+$0x0 ss:$0x1], $0xffff  }
0x126: {  	s16 =	sadd.s32 s16, s18;
	v24 =	vadd.f32 v52, v24;
	v26 =	vadd.f32 v10, v26;
	v10 =	vld [tilespmem:$0x1FEF0]  }
0x127: {  	v59 =	vld.idx.msk [tilespmem:v4+s16+$0x0 ss:$0x1], $0xffff;
	v0 =	vadd.f32 v0, v28;
	v28 =	vmul.f32 v50, v35  }
0x128: {  	v16 =	vld.idx.msk [tilespmem:v5+s16+$0x0 ss:$0x1], $0xffff;
	v24 =	vadd.f32 v20, v24;
	v20 =	vmul.f32 v53, v33  }
0x129: {  	v56 =	vmul.f32 v53, v41;
	v50 =	vld.idx.msk [tilespmem:v5+s15+$0x0 ss:$0x1], $0xffff;
	v0 =	vadd.f32 v28, v0;
	v28 =	vadd.f32 v42, v29  }
0x12a: {  	v63 =	vmul.f32 v34, v36;
	v20 =	vadd.f32 v20, v21;
	v21 =	vmul.f32 v34, v35;
	v31 =	vld.idx.msk [tilespmem:v3+s15+$0x0 ss:$0x1], $0xffff  }
0x12b: {  	v60 =	vmul.f32 v53, v39;
	v12 =	vadd.f32 v56, v23;
	s15 =	sadd.s32 $0x80, s20;
	v29 =	vadd.f32 v10, v28;
	v10 =	vld [tilespmem:$0x1FF00]  }
0x12c: {  	v20 =	vadd.f32 v21, v20;
	v21 =	vmul.f32 v7, v1;
	v1 =	vld [tilespmem:$0x1FF10];
	s15 =	sand.u32 $0x280, s15  }
0x12d: {  	v23 =	vmul.f32 v34, v37;
	v25 =	vadd.f32 v60, v25;
	v12 =	vadd.f32 v63, v12;
	v57 =	vld.idx.msk [tilespmem:v3+s16+$0x0 ss:$0x1], $0xffff;
	s15 =	sadd.s32 s15, s18  }
0x12e: {  	v58 =	vmul.f32 v53, v38;
	v0 =	vadd.f32 v48, v0;
	v61 =	vld.idx.msk [tilespmem:v3+s15+$0x0 ss:$0x1], $0xffff  }
0x12f: {  	v9 =	vmul.f32 v19, v9;
	v23 =	vadd.f32 v23, v25;
	v12 =	vadd.f32 v51, v12;
	v62 =	vld.idx.msk [tilespmem:v4+s15+$0x0 ss:$0x1], $0xffff  }
0x130: {  	v8 =	vmul.f32 v19, v8;
	v14 =	vadd.f32 v58, v27;
	v28 =	vadd.f32 v10, v0;
	v0 =	vld.idx.msk [tilespmem:v6+s16+$0x0 ss:$0x1], $0xffff;
	s16 =	sand.u32 $0x200, s20  }
0x131: {  	v9 =	vadd.f32 v9, v23;
	v23 =	vadd.f32 v1, v12;
	v1 =	vld [tilespmem:$0x1FF20];
	s16 =	sadd.s32 s16, s18  }
0x132: {  	v2 =	vmul.f32 v7, v2;
	v8 =	vadd.f32 v8, v20;
	v7 =	vld.idx.msk [tilespmem:v4+s16+$0x0 ss:$0x1], $0xffff  }
0x133: {  	v14 =	vadd.f32 v30, v14;
	v63 =	vld.idx.msk [tilespmem:v3+s16+$0x0 ss:$0x1], $0xffff  }
0x134: {  	v25 =	vadd.f32 v21, v9;
	v21 =	vadd.f32 v2, v8;
	v2 =	vld [tilespmem:s21+$0x180]  }
0x135: {  	v14 =	vadd.f32 v45, v14;
	v9 =	vadd.s32 $0x8000, v32  }
0x136: {  	v8 =	vadd.s32 $0x8000, v31;
	v10 =	vld.idx.msk [tilespmem:v5+s16+$0x0 ss:$0x1], $0xffff;
	v33 =	vadd.s32 $0x8000, v61;
	v34 =	vadd.s32 $0x8000, v62  }
0x137: {  	v27 =	vadd.f32 v1, v14;
	v53 =	vadd.s32 $0x8000, v7;
	v7 =	vand.u32 $0xFFFF0000, v8  }
0x138: {  	v30 =	vld.idx.msk [tilespmem:v5+s15+$0x0 ss:$0x1], $0xffff;
	v1 =	vmovc v18;
	v35 =	vadd.s32 $0x8000, v63;
	v61 =	vmul.f32 v7, v54;
	v62 =	vmul.f32 v7, v55  }
0x139: {  	s11 =	sadd.s32 $0x2, s11;
	s18 =	sadd.s32 $0x880, s23;
	v14 =	vld.idx.msk [tilespmem:v6+s16+$0x0 ss:$0x1], $0xffff;
	s16 =	sadd.s32 $0x20, s5;
	v63 =	vmul.f32 v7, v1;
	v3 =	vmul.f32 v7, v2;
	v7 =	vand.u32 $0xFFFF0000, v9  }
0x13a: {  	v19 =	vld.idx.msk [tilespmem:v6+s15+$0x0 ss:$0x1], $0xffff;
	s21 =	sand.u32 $0x3, s11;
	v12 =	vadd.s32 $0x8000, v50;
	s15 =	sand.u32 $0x60, s16;
	s16 =	sand.u32 $0x7E00, s18;
	v4 =	vmul.f32 v7, v2  }
0x13b: {  	s26 =	sadd.s32 $0x100, s26;
	s21 =	sshll.u32 s21, $0x5;
	s15 =	sor.u32 s15, s16;
	v58 =	vadd.s32 $0x8000, v10;
	v10 =	vand.u32 $0xFFFF0000, v12  }
0x13c: {  	v37 =	vadd.s32 $0x8000, v59;
	s16 =	sadd.s32 s21, s26;
	v59 =	vld [tilespmem:s15+$0x80];
	[tilespmem:$0x1FED0] =	vst v4;
	v4 =	vmul.f32 v10, v55  }
0x13d: {  	v36 =	vadd.s32 $0x8000, v40;
	v38 =	vadd.s32 $0x8000, v16;
	s21 =	sadd.s32 $0x10, s5;
	v9 =	vld [tilespmem:s15+$0x100];
	s18 =	sor.u32 $0x100, s16  }
0x13e: {  	v37 =	vand.u32 $0xFFFF0000, v37;
	v15 =	vadd.s32 $0x8000, v57;
	v8 =	vld [tilespmem:s18+$0x0];
	s18 =	sand.u32 $0x50, s21;
	s21 =	sand.u32 $0x40, s5;
	[tilespmem:$0x1FEE0] =	vst v4;
	v4 =	vmul.f32 v10, v1  }
0x13f: {  	v42 =	vadd.s32 $0x8000, v30;
	v13 =	vadd.s32 $0x8000, v19;
	v51 =	vld [tilespmem:s15+$0x0];
	v20 =	vmul.f32 v10, v54;
	s15 =	sor.u32 s18, s13;
	s13 =	sor.u32 s21, s13  }
0x140: {  	p1 =	por !p1, !p1;
	v19 =	vand.u32 $0xFFFF0000, v15;
	v32 =	vmul.f32 v7, v54;
	s18 =	simm.s32 $0x1;
	v41 =	vld [tilespmem:s13+$0x0];
	[tilespmem:$0x1FEF0] =	vst v4;
	v4 =	vmul.f32 v10, v2  }
0x141: {  	v31 =	vmul.f32 v7, v55;
	v30 =	vmul.f32 v7, v1;
	v7 =	vand.u32 $0xFFFF0000, v36;
	v36 =	vld [tilespmem:s15+$0x0];
	s18 =	simm.s32 @!p1 $0x0  }
0x142: {  	s25 =	sadd.s32 $0x100, s25;
	v60 =	vadd.s32 $0x8000, v14;
	v40 =	vld [tilespmem:s15+$0x80];
	s18 =	sshll.u32 s18, $0x6;
	v5 =	vmul.f32 v19, v59;
	[tilespmem:$0x1FF00] =	vst v4;
	v4 =	vmul.f32 v7, v54  }
0x143: {  	v14 =	vand.u32 $0xFFFF0000, v38;
	v38 =	vld [tilespmem:s13+$0x80];
	v6 =	vmul.f32 v19, v9;
	s16 =	sadd.s32 s18, s25;
	v56 =	vmul.f32 v37, v9  }
0x144: {  	s3 =	sor.u32 s3, s5;
	v12 =	vand.u32 $0xFFFF0000, v35;
	v35 =	vld [tilespmem:s15+$0x180];
	v52 =	vmul.f32 v14, v51;
	s21 =	sor.u32 $0x100, s16;
	[tilespmem:$0x1FF10] =	vst v4;
	v4 =	vmul.f32 v7, v55  }
0x145: {  	s3 =	sor.u32 $0x180, s3;
	v0 =	vadd.s32 $0x8000, v0;
	v10 =	vmul.f32 v19, v8;
	v39 =	vld [tilespmem:s21+$0x0];
	v15 =	vmul.f32 v12, v41  }
0x146: {  	[tilespmem:$0x1FF20] =	vst v4;
	v4 =	vmul.f32 v19, v51;
	v19 =	vand.u32 $0xFFFF0000, v0;
	v0 =	vand.u32 $0xFFFF0000, v33;
	v33 =	vld [tilespmem:s3+$0x0]  }
0x147: {  	v49 =	vmul.f32 v14, v59;
	v57 =	vmul.f32 v37, v8;
	v15 =	vadd.f32 v15, v22;
	v22 =	vld [tilespmem:$0x1FF30]  }
0x148: {  	v54 =	vmul.f32 v37, v51;
	v55 =	vmul.f32 v37, v59;
	v37 =	vld [tilespmem:s15+$0x100]  }
0x149: {  	v50 =	vand.u32 $0xFFFF0000, v42;
	v42 =	vmul.f32 v14, v9;
	v48 =	vmul.f32 v14, v8  }
0x14a: {  	v18 =	vmov v17;
	v16 =	vmul.f32 v12, v38;
	v17 =	vmul.f32 v12, v39  }
0x14b: {  	v45 =	vmul.f32 v19, v59;
	v12 =	vmul.f32 v12, v33  }
0x14c: {  	v59 =	vmul.f32 v0, v36;
	v14 =	vmul.f32 v0, v40;
	v16 =	vadd.f32 v16, v22  }
0x14d: {  	v22 =	vmul.f32 v0, v37;
	v0 =	vmul.f32 v0, v35;
	v12 =	vadd.f32 v12, v18  }
0x14e: {  	v11 =	vand.u32 $0xFFFF0000, v34  }
0x14f: {  	v34 =	vand.u32 $0xFFFF0000, v13;
	v13 =	vand.u32 $0xFFFF0000, v53;
	v0 =	vadd.f32 v0, v12  }
0x150: {  	v58 =	vand.u32 $0xFFFF0000, v58;
	v15 =	vadd.f32 v59, v15;
	v14 =	vadd.f32 v14, v16  }
0x151: {  	v53 =	vand.u32 $0xFFFF0000, v60;
	v17 =	vadd.f32 v17, v43;
	v0 =	vadd.f32 v10, v0  }
0x152: {  	v60 =	vmul.f32 v11, v40;
	v4 =	vadd.f32 v4, v15;
	v5 =	vadd.f32 v5, v14  }
0x153: {  	p2 =	sne.s32 s20, $0xE00;
	v51 =	vmul.f32 v19, v51;
	v16 =	vadd.f32 v22, v17;
	v17 =	vadd.f32 v3, v0;
	v0 =	vld [tilespmem:$0x1FE80]  }
.Ltmp3:
0x154: {  	v43 =	vmul.f32 v13, v38;
	v22 =	vadd.f32 v61, v4;
	v4 =	vadd.f32 v62, v5;
	(pc) =	sbr.rel @p2 .LBB2_10-.Ltmp3, $4  }
0x155: {  	v59 =	vmul.f32 v11, v36;
	v6 =	vadd.f32 v6, v16;
	v10 =	vmul.f32 v13, v39  }
0x156: {  	v62 =	vadd.f32 v43, v44;
	v12 =	vmul.f32 v13, v41;
	[tilespmem:$0x1FF30] =	vst v4;
	v4 =	vmul.f32 v13, v33  }
0x157: {  	v44 =	vmul.f32 v11, v37;
	v18 =	vadd.f32 v63, v6;
	v43 =	vadd.f32 v10, v46  }
0x158: {  	s20 =	sadd.s32 $0x200, s20;
	v46 =	vadd.f32 v4, v47;
	v47 =	vmul.f32 v11, v35;
	v61 =	vadd.f32 v12, v0  }
0x159: {  	v3 =	vadd.f32 v60, v62;
	v4 =	vmul.f32 v50, v36;
	v10 =	vmul.f32 v58, v41  }
0x15a: {  	v5 =	vadd.f32 v44, v43;
	v11 =	vmul.f32 v53, v41;
	v12 =	vmul.f32 v58, v38  }
0x15b: {  	v14 =	vmul.f32 v58, v39;
	v0 =	vadd.f32 v59, v61;
	v6 =	vadd.f32 v47, v46  }
0x15c: {  	v38 =	vmul.f32 v53, v38;
	v3 =	vadd.f32 v55, v3;
	v5 =	vadd.f32 v56, v5  }
0x15d: {  	v16 =	vmul.f32 v58, v33;
	v10 =	vadd.f32 v10, v24;
	v11 =	vadd.f32 v11, v23  }
0x15e: {  	v13 =	vmul.f32 v34, v36;
	v36 =	vadd.f32 v12, v26;
	v14 =	vadd.f32 v14, v29  }
0x15f: {  	v12 =	vadd.f32 v38, v27;
	v47 =	vadd.f32 v16, v28  }
0x160: {  	v41 =	vmul.f32 v50, v40;
	v0 =	vadd.f32 v54, v0;
	v6 =	vadd.f32 v57, v6  }
0x161: {  	v15 =	vmul.f32 v34, v40;
	v3 =	vadd.f32 v31, v3;
	v5 =	vadd.f32 v30, v5  }
0x162: {  	v43 =	vmul.f32 v53, v39;
	v55 =	vld [tilespmem:$0x1FF30];
	v4 =	vadd.f32 v4, v10;
	v11 =	vadd.f32 v13, v11  }
0x163: {  	[tilespmem:s2+$0x0] =	vst v22;
	v44 =	vld [tilespmem:$0x1FF10];
	v10 =	vadd.f32 v41, v36;
	v12 =	vadd.f32 v15, v12  }
0x164: {  	[tilespmem:s2+$0x100] =	vst v18;
	v13 =	vadd.f32 v43, v25;
	v0 =	vadd.f32 v32, v0  }
0x165: {  	[tilespmem:s2+$0x180] =	vst v17;
	v46 =	vmul.f32 v50, v37;
	v4 =	vadd.f32 v52, v4;
	v11 =	vadd.f32 v51, v11;
	v52 =	vld [tilespmem:$0x1FEE0]  }
0x166: {  	v59 =	vld [tilespmem:$0x1FEF0];
	v57 =	vmul.f32 v50, v35;
	v10 =	vadd.f32 v49, v10;
	v12 =	vadd.f32 v45, v12;
	[tilespmem:s0+$0x0] =	vst v0  }
0x167: {  	v56 =	vld [tilespmem:$0x1FF20];
	v51 =	vmul.f32 v34, v37;
	v0 =	vadd.f32 v46, v14;
	[tilespmem:s2+$0x80] =	vst v55;
	v4 =	vadd.f32 v20, v4  }
0x168: {  	v54 =	vmul.f32 v53, v33;
	v11 =	vadd.f32 v44, v11;
	[tilespmem:s0+$0x80] =	vst v3;
	v3 =	vadd.f32 v57, v47  }
0x169: {  	v9 =	vmul.f32 v19, v9;
	v61 =	vld [tilespmem:$0x1FED0];
	v0 =	vadd.f32 v42, v0;
	[tilespmem:s14+$0x0] =	vst v4;
	v4 =	vadd.f32 v51, v13  }
0x16a: {  	v58 =	vmul.f32 v34, v35;
	v63 =	vld [tilespmem:$0x1FF00];
	[tilespmem:s17+$0x0] =	vst v11;
	v10 =	vadd.f32 v52, v10;
	v11 =	vadd.f32 v54, v21  }
0x16b: {  	v1 =	vmul.f32 v7, v1;
	[tilespmem:s0+$0x100] =	vst v5;
	v0 =	vadd.f32 v59, v0;
	v4 =	vadd.f32 v9, v4  }
0x16c: {  	v8 =	vmul.f32 v19, v8;
	s31 =	sadd.s32 $0x1, s31;
	v12 =	vadd.f32 v56, v12;
	[tilespmem:s14+$0x80] =	vst v10;
	v60 =	vadd.f32 v58, v11  }
0x16d: {  	p1 =	sne.s32 s31, $0x10;
	v3 =	vadd.f32 v48, v3;
	[tilespmem:s14+$0x100] =	vst v0;
	v1 =	vadd.f32 v1, v4  }
.Ltmp4:
0x16e: {  	v2 =	vmul.f32 v7, v2;
	v0 =	vadd.f32 v61, v6;
	[tilespmem:s17+$0x80] =	vst v12;
	v62 =	vadd.f32 v8, v60;
	(pc) =	sbr.rel @p1 .LBB2_9-.Ltmp4, $4  }
0x16f: {  	[tilespmem:s17+$0x100] =	vst v1;
	v1 =	vadd.f32 v63, v3  }
0x170: {  	[tilespmem:s0+$0x180] =	vst v0;
	v2 =	vadd.f32 v2, v62  }
0x171: {  	[tilespmem:s14+$0x180] =	vst v1  }
0x172: {  	[tilespmem:s17+$0x180] =	vst v2  }
.Ltmp5:
0x173: {  	(pc) =	sbr.rel @p0 .LBB2_13-.Ltmp5, $1  }
0x174: {  	_ =	sdelay $0x3  }
0x175: {  	s0 =	sadd.s32 s29, s10  }
.Ltmp6:
0x176: {  	s2 =	simm.s32 $0x2000;
	s3 =	simm.s32 $0x4000;
	(pc) =	sbr.rel .LBB2_4-.Ltmp6, $4  }
0x177: {  	s5 =	simm.s32 $0x10200;
	s28 =	sadd.s32 $0x1, s28;
	s22 =	sadd.s32 $0x1000, s22  }
0x178: {  	s7 =	sadd.s32 $0x1000, s7;
	s24 =	sadd.s32 $0x1000, s24;
	s0 =	sshrl.u32 s0, $0x3  }
0x179: {  	s6 =	sadd.s32 $0x1000, s6;
	s12 =	sadd.s32 $0x1000, s12;
	s0 =	sadd.s32 s1, s0  }
0x17a: {  	[tilespmem:s5], [sflag:$0x2] =	stream.strided.gather [hbm4b:s0+s2], $0x8000, s3, s2, $0x38;
	[tilespmem:$0x19A00] =	vst v63  }
.LBB2_13:
0x17b: {  	s2 =	simm.s32 $0x0;
	s22 =	simm.s32 $0x0;
	s11 =	simm.s32 $0x0;
	v14 =	vimm.f32 $0.0e+00  }
.LBB2_14:
0x17c: {  	s0 =	sshll.u32 s22, $0x8  }
0x17d: {  	s0 =	sand.u32 $0x3FFFFE00, s0  }
0x17e: {  	s14 =	sand.u32 $0x40, s2;
	s0 =	sadd.s32 $0x18200, s0  }
0x17f: {  	s3 =	sor.u32 s14, s0  }
0x180: {  	v0 =	vld [tilespmem:s3+$0x0];
	_ =	sdelay $0x4  }
0x181: {  	v44 =	vld [tilespmem:s3+$0x80];
	vm0 =	vgt.f32 v0, $2.551464440e-01;
	vm1 =	vge.f32 v0, $9.712446920e-01  }
0x182: {  	v1 =	vsel vm0, $0x3F800000, v14;
	v2 =	vsel vm1, $0x3F800000, v14  }
0x183: {  	vm11 =	vge.f32 v0, $-2.551464440e-01;
	v1 =	vadd.f32 v2, v1  }
0x184: {  	v3 =	vsel vm11, $0x3F800000, v14  }
0x185: {  	v48 =	vld [tilespmem:s3+$0x100];
	vm12 =	vgt.f32 v0, $-9.712446920e-01;
	v1 =	vadd.f32 v1, v3  }
0x186: {  	vm13 =	vgt.f32 v44, $2.551464440e-01;
	v45 =	vsel vm12, $0x3F800000, v14  }
0x187: {  	vm14 =	vge.f32 v44, $9.712446920e-01;
	vm15 =	vge.f32 v44, $-2.551464440e-01;
	v1 =	vadd.f32 v1, v45  }
0x188: {  	v0 =	vmul.f32 $4.000000000e+00, v0;
	v4 =	vsel vm13, $0x3F800000, v14;
	v5 =	vsel vm14, $0x3F800000, v14  }
0x189: {  	v50 =	vld [tilespmem:s3+$0x180];
	vm4 =	vgt.f32 v44, $-9.712446920e-01;
	v4 =	vadd.f32 v5, v4;
	v3 =	vadd.f32 $-2.000000000e+00, v1  }
0x18a: {  	vm9 =	vgt.f32 v48, $2.551464440e-01;
	vm2 =	vge.f32 v48, $9.712446920e-01;
	v46 =	vsel vm15, $0x3F800000, v14  }
0x18b: {  	vm10 =	vge.f32 v48, $-2.551464440e-01;
	v4 =	vadd.f32 v4, v46;
	v3 =	vadd.f32 v3, v3  }
0x18c: {  	v47 =	vsel vm4, $0x3F800000, v14;
	v52 =	vsel vm9, $0x3F800000, v14;
	v53 =	vsel vm2, $0x3F800000, v14  }
0x18d: {  	v54 =	vsel vm10, $0x3F800000, v14;
	v0 =	vsub.f32 v0, v3;
	v3 =	vadd.f32 v4, v47  }
0x18e: {  	vm11 =	vgt.f32 v50, $2.551464440e-01;
	vm13 =	vge.f32 v50, $9.712446920e-01;
	vm14 =	vgt.f32 v48, $-9.712446920e-01  }
0x18f: {  	vm15 =	vge.f32 v50, $-2.551464440e-01;
	v2 =	vmul.f32 $4.000000000e+00, v44;
	v7 =	vadd.f32 $-2.000000000e+00, v3  }
0x190: {  	v55 =	vsel vm11, $0x3F800000, v14;
	v56 =	vsel vm13, $0x3F800000, v14;
	v9 =	vsel vm14, $0x3F800000, v14  }
0x191: {  	v58 =	vsel vm15, $0x3F800000, v14;
	v4 =	vmul.f32 $4.000000000e+00, v48;
	v7 =	vadd.f32 v7, v7  }
0x192: {  	vm5 =	vgt.f32 v0, $2.551464440e-01;
	vm6 =	vge.f32 v0, $9.712446920e-01;
	vm7 =	vge.f32 v0, $-2.551464440e-01  }
0x193: {  	vm8 =	vgt.f32 v0, $-9.712446920e-01;
	v51 =	vsub.f32 v2, v7;
	v2 =	vadd.f32 v53, v52  }
0x194: {  	v49 =	vsel vm5, $0x3F800000, v14;
	v6 =	vsel vm6, $0x3F800000, v14;
	v7 =	vadd.f32 v56, v55  }
0x195: {  	v8 =	vsel vm7, $0x3F800000, v14;
	v5 =	vadd.f32 v6, v49;
	v2 =	vadd.f32 v2, v54  }
0x196: {  	vm5 =	vgt.f32 v50, $-9.712446920e-01;
	v12 =	vsel vm8, $0x3F800000, v14;
	v7 =	vadd.f32 v7, v58  }
0x197: {  	v11 =	vsel vm5, $0x3F800000, v14;
	v5 =	vadd.f32 v5, v8;
	v2 =	vadd.f32 v2, v9  }
0x198: {  	vm12 =	vgt.f32 v51, $2.551464440e-01;
	vm4 =	vge.f32 v51, $9.712446920e-01;
	v7 =	vadd.f32 v7, v11  }
0x199: {  	v57 =	vsel vm12, $0x3F800000, v14;
	v59 =	vsel vm4, $0x3F800000, v14;
	v10 =	vadd.f32 $-2.000000000e+00, v2  }
0x19a: {  	vm6 =	vge.f32 v51, $-2.551464440e-01;
	v8 =	vadd.f32 v59, v57;
	v11 =	vadd.f32 $-2.000000000e+00, v7  }
0x19b: {  	v6 =	vmul.f32 $4.000000000e+00, v50;
	v61 =	vsel vm6, $0x3F800000, v14;
	v60 =	vadd.f32 v10, v10  }
0x19c: {  	vm7 =	vgt.f32 v51, $-9.712446920e-01;
	v8 =	vadd.f32 v8, v61;
	v16 =	vadd.f32 v11, v11  }
0x19d: {  	v5 =	vadd.f32 v5, v12;
	v63 =	vsel vm7, $0x3F800000, v14;
	v62 =	vsub.f32 v4, v60  }
0x19e: {  	v3 =	vmul.f32 $5.000000000e+00, v3;
	v4 =	vadd.f32 v8, v63;
	v6 =	vsub.f32 v6, v16  }
0x19f: {  	vm8 =	vgt.f32 v62, $2.551464440e-01;
	vm9 =	vge.f32 v62, $9.712446920e-01;
	vm10 =	vge.f32 v62, $-2.551464440e-01  }
0x1a0: {  	vm11 =	vgt.f32 v6, $2.551464440e-01;
	v17 =	vsel vm8, $0x3F800000, v14;
	v18 =	vsel vm9, $0x3F800000, v14  }
0x1a1: {  	vm12 =	vge.f32 v6, $9.712446920e-01;
	vm13 =	vgt.f32 v62, $-9.712446920e-01;
	v8 =	vadd.f32 v18, v17  }
0x1a2: {  	v19 =	vsel vm10, $0x3F800000, v14;
	v20 =	vsel vm11, $0x3F800000, v14;
	v21 =	vsel vm12, $0x3F800000, v14  }
0x1a3: {  	vm14 =	vge.f32 v6, $-2.551464440e-01;
	v22 =	vadd.f32 v21, v20;
	v8 =	vadd.f32 v8, v19  }
0x1a4: {  	v4 =	vmul.f32 $5.000000000e+00, v4;
	v23 =	vsel vm13, $0x3F800000, v14;
	v24 =	vsel vm14, $0x3F800000, v14  }
0x1a5: {  	vm15 =	vgt.f32 v6, $-9.712446920e-01;
	v0 =	vadd.f32 v22, v24;
	v8 =	vadd.f32 v8, v23  }
0x1a6: {  	v1 =	vadd.f32 v3, v1;
	v2 =	vmul.f32 $2.500000000e+01, v2;
	v25 =	vsel vm15, $0x3F800000, v14  }
0x1a7: {  	v4 =	vadd.f32 v4, v5;
	v0 =	vadd.f32 v0, v25;
	v26 =	vmul.f32 $2.500000000e+01, v8  }
0x1a8: {  	v27 =	vmul.f32 $1.250000000e+02, v7;
	v1 =	vadd.f32 v2, v1  }
0x1a9: {  	v0 =	vmul.f32 $1.250000000e+02, v0;
	v28 =	vadd.f32 v26, v4  }
0x1aa: {  	v1 =	vadd.f32 v27, v1  }
0x1ab: {  	s21 =	sshll.u32 s22, $0x7;
	v0 =	vadd.f32 v0, v28  }
0x1ac: {  	s3 =	sand.u32 $0x3FFFFF00, s21;
	v1 =	vtrunc.f32 v1  }
0x1ad: {  	s17 =	sadd.s32 $0x19200, s3;
	v1 =	vcvt.f32.s32 v1;
	v0 =	vtrunc.f32 v0  }
0x1ae: {  	s5 =	sor.u32 s14, s17;
	v0 =	vcvt.f32.s32 v0  }
0x1af: {  	s23 =	sor.u32 $0x10, s14;
	[tilespmem:s5+$0x0] =	vst v1  }
0x1b0: {  	s24 =	sor.u32 s23, s0;
	[tilespmem:s5+$0x80] =	vst v0  }
0x1b1: {  	v0 =	vld [tilespmem:s24+$0x0];
	_ =	sdelay $0x4  }
0x1b2: {  	v31 =	vld [tilespmem:s24+$0x80];
	vm4 =	vgt.f32 v0, $2.551464440e-01;
	vm5 =	vge.f32 v0, $9.712446920e-01  }
0x1b3: {  	v29 =	vsel vm4, $0x3F800000, v14;
	v30 =	vsel vm5, $0x3F800000, v14  }
0x1b4: {  	vm6 =	vge.f32 v0, $-2.551464440e-01;
	v1 =	vadd.f32 v30, v29  }
0x1b5: {  	v32 =	vsel vm6, $0x3F800000, v14  }
0x1b6: {  	v42 =	vld [tilespmem:s24+$0x180];
	vm7 =	vgt.f32 v0, $-9.712446920e-01;
	v1 =	vadd.f32 v1, v32  }
0x1b7: {  	vm8 =	vgt.f32 v31, $2.551464440e-01;
	v33 =	vsel vm7, $0x3F800000, v14  }
0x1b8: {  	v38 =	vld [tilespmem:s24+$0x100];
	vm9 =	vge.f32 v31, $9.712446920e-01;
	vm10 =	vge.f32 v31, $-2.551464440e-01;
	v1 =	vadd.f32 v1, v33  }
0x1b9: {  	v0 =	vmul.f32 $4.000000000e+00, v0;
	v34 =	vsel vm8, $0x3F800000, v14;
	v35 =	vsel vm9, $0x3F800000, v14  }
0x1ba: {  	vm11 =	vgt.f32 v31, $-9.712446920e-01;
	v4 =	vadd.f32 v35, v34;
	v3 =	vadd.f32 $-2.000000000e+00, v1  }
0x1bb: {  	v2 =	vmul.f32 $4.000000000e+00, v31;
	v6 =	vmul.f32 $4.000000000e+00, v42;
	v36 =	vsel vm10, $0x3F800000, v14  }
0x1bc: {  	v37 =	vsel vm11, $0x3F800000, v14;
	v4 =	vadd.f32 v4, v36;
	v3 =	vadd.f32 v3, v3  }
0x1bd: {  	vm4 =	vgt.f32 v38, $2.551464440e-01;
	vm5 =	vge.f32 v38, $9.712446920e-01;
	vm6 =	vge.f32 v38, $-2.551464440e-01  }
0x1be: {  	vm7 =	vgt.f32 v42, $2.551464440e-01;
	v0 =	vsub.f32 v0, v3;
	v3 =	vadd.f32 v4, v37  }
0x1bf: {  	vm9 =	vge.f32 v42, $9.712446920e-01;
	vm10 =	vgt.f32 v38, $-9.712446920e-01;
	vm11 =	vge.f32 v42, $-2.551464440e-01  }
0x1c0: {  	v45 =	vsel vm4, $0x3F800000, v14;
	v46 =	vsel vm5, $0x3F800000, v14;
	v41 =	vadd.f32 $-2.000000000e+00, v3  }
0x1c1: {  	v47 =	vsel vm6, $0x3F800000, v14;
	v48 =	vsel vm7, $0x3F800000, v14;
	v49 =	vsel vm9, $0x3F800000, v14  }
0x1c2: {  	v50 =	vsel vm10, $0x3F800000, v14;
	v52 =	vsel vm11, $0x3F800000, v14;
	v7 =	vadd.f32 v41, v41  }
0x1c3: {  	v4 =	vmul.f32 $4.000000000e+00, v38;
	vm12 =	vgt.f32 v0, $2.551464440e-01;
	vm13 =	vge.f32 v0, $9.712446920e-01  }
0x1c4: {  	vm14 =	vge.f32 v0, $-2.551464440e-01;
	v44 =	vsub.f32 v2, v7;
	v2 =	vadd.f32 v46, v45  }
0x1c5: {  	vm15 =	vgt.f32 v0, $-9.712446920e-01;
	v39 =	vsel vm12, $0x3F800000, v14;
	v7 =	vadd.f32 v49, v48  }
0x1c6: {  	v40 =	vsel vm13, $0x3F800000, v14;
	v43 =	vsel vm14, $0x3F800000, v14;
	v2 =	vadd.f32 v2, v47  }
0x1c7: {  	vm13 =	vgt.f32 v42, $-9.712446920e-01;
	v12 =	vsel vm15, $0x3F800000, v14;
	v7 =	vadd.f32 v7, v52  }
0x1c8: {  	v5 =	vadd.f32 v40, v39;
	v55 =	vsel vm13, $0x3F800000, v14;
	v2 =	vadd.f32 v2, v50  }
0x1c9: {  	vm8 =	vgt.f32 v44, $2.551464440e-01;
	vm12 =	vge.f32 v44, $9.712446920e-01;
	v7 =	vadd.f32 v7, v55  }
0x1ca: {  	v51 =	vsel vm8, $0x3F800000, v14;
	v53 =	vsel vm12, $0x3F800000, v14;
	v54 =	vadd.f32 $-2.000000000e+00, v2  }
0x1cb: {  	vm14 =	vge.f32 v44, $-2.551464440e-01;
	v8 =	vadd.f32 v53, v51;
	v11 =	vadd.f32 $-2.000000000e+00, v7  }
0x1cc: {  	v5 =	vadd.f32 v5, v43;
	v57 =	vsel vm14, $0x3F800000, v14;
	v56 =	vadd.f32 v54, v54  }
0x1cd: {  	vm15 =	vgt.f32 v44, $-9.712446920e-01;
	v8 =	vadd.f32 v8, v57;
	v60 =	vadd.f32 v11, v11  }
0x1ce: {  	v5 =	vadd.f32 v5, v12;
	v59 =	vsel vm15, $0x3F800000, v14;
	v58 =	vsub.f32 v4, v56  }
0x1cf: {  	v3 =	vmul.f32 $5.000000000e+00, v3;
	v4 =	vadd.f32 v8, v59;
	v6 =	vsub.f32 v6, v60  }
0x1d0: {  	vm4 =	vgt.f32 v58, $2.551464440e-01;
	vm5 =	vge.f32 v58, $9.712446920e-01;
	vm6 =	vge.f32 v58, $-2.551464440e-01  }
0x1d1: {  	vm7 =	vgt.f32 v6, $2.551464440e-01;
	v61 =	vsel vm4, $0x3F800000, v14;
	v62 =	vsel vm5, $0x3F800000, v14  }
0x1d2: {  	vm8 =	vge.f32 v6, $9.712446920e-01;
	vm9 =	vgt.f32 v58, $-9.712446920e-01;
	v8 =	vadd.f32 v62, v61  }
0x1d3: {  	v63 =	vsel vm6, $0x3F800000, v14;
	v16 =	vsel vm7, $0x3F800000, v14;
	v17 =	vsel vm8, $0x3F800000, v14  }
0x1d4: {  	vm10 =	vge.f32 v6, $-2.551464440e-01;
	v18 =	vadd.f32 v17, v16;
	v8 =	vadd.f32 v8, v63  }
0x1d5: {  	v4 =	vmul.f32 $5.000000000e+00, v4;
	v19 =	vsel vm9, $0x3F800000, v14;
	v20 =	vsel vm10, $0x3F800000, v14  }
0x1d6: {  	vm11 =	vgt.f32 v6, $-9.712446920e-01;
	v0 =	vadd.f32 v18, v20;
	v8 =	vadd.f32 v8, v19  }
0x1d7: {  	v1 =	vadd.f32 v3, v1;
	v2 =	vmul.f32 $2.500000000e+01, v2;
	v21 =	vsel vm11, $0x3F800000, v14  }
0x1d8: {  	v4 =	vadd.f32 v4, v5;
	v0 =	vadd.f32 v0, v21;
	v22 =	vmul.f32 $2.500000000e+01, v8  }
0x1d9: {  	v23 =	vmul.f32 $1.250000000e+02, v7;
	v1 =	vadd.f32 v2, v1  }
0x1da: {  	v0 =	vmul.f32 $1.250000000e+02, v0;
	v24 =	vadd.f32 v22, v4  }
0x1db: {  	v1 =	vadd.f32 v23, v1  }
0x1dc: {  	v0 =	vadd.f32 v0, v24  }
0x1dd: {  	v1 =	vtrunc.f32 v1  }
0x1de: {  	v1 =	vcvt.f32.s32 v1;
	v0 =	vtrunc.f32 v0  }
0x1df: {  	s25 =	sor.u32 s23, s17;
	v0 =	vcvt.f32.s32 v0  }
0x1e0: {  	s26 =	sor.u32 $0x20, s14;
	[tilespmem:s25+$0x0] =	vst v1  }
0x1e1: {  	s28 =	sor.u32 s26, s0;
	[tilespmem:s25+$0x80] =	vst v0  }
0x1e2: {  	v0 =	vld [tilespmem:s28+$0x0];
	_ =	sdelay $0x4  }
0x1e3: {  	v27 =	vld [tilespmem:s28+$0x80];
	vm12 =	vgt.f32 v0, $2.551464440e-01;
	vm13 =	vge.f32 v0, $9.712446920e-01  }
0x1e4: {  	v25 =	vsel vm12, $0x3F800000, v14;
	v26 =	vsel vm13, $0x3F800000, v14  }
0x1e5: {  	vm14 =	vge.f32 v0, $-2.551464440e-01;
	v1 =	vadd.f32 v26, v25  }
0x1e6: {  	v28 =	vsel vm14, $0x3F800000, v14  }
0x1e7: {  	v38 =	vld [tilespmem:s28+$0x180];
	vm15 =	vgt.f32 v0, $-9.712446920e-01;
	v1 =	vadd.f32 v1, v28  }
0x1e8: {  	vm4 =	vgt.f32 v27, $2.551464440e-01;
	v29 =	vsel vm15, $0x3F800000, v14  }
0x1e9: {  	v34 =	vld [tilespmem:s28+$0x100];
	vm5 =	vge.f32 v27, $9.712446920e-01;
	vm6 =	vge.f32 v27, $-2.551464440e-01;
	v1 =	vadd.f32 v1, v29  }
0x1ea: {  	v0 =	vmul.f32 $4.000000000e+00, v0;
	v30 =	vsel vm4, $0x3F800000, v14;
	v31 =	vsel vm5, $0x3F800000, v14  }
0x1eb: {  	vm7 =	vgt.f32 v27, $-9.712446920e-01;
	v4 =	vadd.f32 v31, v30;
	v3 =	vadd.f32 $-2.000000000e+00, v1  }
0x1ec: {  	v2 =	vmul.f32 $4.000000000e+00, v27;
	v6 =	vmul.f32 $4.000000000e+00, v38;
	v32 =	vsel vm6, $0x3F800000, v14  }
0x1ed: {  	v33 =	vsel vm7, $0x3F800000, v14;
	v4 =	vadd.f32 v4, v32;
	v3 =	vadd.f32 v3, v3  }
0x1ee: {  	vm12 =	vgt.f32 v34, $2.551464440e-01;
	vm13 =	vge.f32 v34, $9.712446920e-01;
	vm14 =	vge.f32 v34, $-2.551464440e-01  }
0x1ef: {  	vm15 =	vgt.f32 v38, $2.551464440e-01;
	v0 =	vsub.f32 v0, v3;
	v3 =	vadd.f32 v4, v33  }
0x1f0: {  	vm5 =	vge.f32 v38, $9.712446920e-01;
	vm6 =	vgt.f32 v34, $-9.712446920e-01;
	vm7 =	vge.f32 v38, $-2.551464440e-01  }
0x1f1: {  	v41 =	vsel vm12, $0x3F800000, v14;
	v42 =	vsel vm13, $0x3F800000, v14;
	v37 =	vadd.f32 $-2.000000000e+00, v3  }
0x1f2: {  	v43 =	vsel vm14, $0x3F800000, v14;
	v44 =	vsel vm15, $0x3F800000, v14;
	v45 =	vsel vm5, $0x3F800000, v14  }
0x1f3: {  	v46 =	vsel vm6, $0x3F800000, v14;
	v48 =	vsel vm7, $0x3F800000, v14;
	v7 =	vadd.f32 v37, v37  }
0x1f4: {  	v4 =	vmul.f32 $4.000000000e+00, v34;
	vm8 =	vgt.f32 v0, $2.551464440e-01;
	vm9 =	vge.f32 v0, $9.712446920e-01  }
0x1f5: {  	vm10 =	vge.f32 v0, $-2.551464440e-01;
	v40 =	vsub.f32 v2, v7;
	v2 =	vadd.f32 v42, v41  }
0x1f6: {  	vm11 =	vgt.f32 v0, $-9.712446920e-01;
	v35 =	vsel vm8, $0x3F800000, v14;
	v7 =	vadd.f32 v45, v44  }
0x1f7: {  	v36 =	vsel vm9, $0x3F800000, v14;
	v39 =	vsel vm10, $0x3F800000, v14;
	v2 =	vadd.f32 v2, v43  }
0x1f8: {  	vm9 =	vgt.f32 v38, $-9.712446920e-01;
	v12 =	vsel vm11, $0x3F800000, v14;
	v7 =	vadd.f32 v7, v48  }
0x1f9: {  	v5 =	vadd.f32 v36, v35;
	v51 =	vsel vm9, $0x3F800000, v14;
	v2 =	vadd.f32 v2, v46  }
0x1fa: {  	vm4 =	vgt.f32 v40, $2.551464440e-01;
	vm8 =	vge.f32 v40, $9.712446920e-01;
	v7 =	vadd.f32 v7, v51  }
0x1fb: {  	v47 =	vsel vm4, $0x3F800000, v14;
	v49 =	vsel vm8, $0x3F800000, v14;
	v50 =	vadd.f32 $-2.000000000e+00, v2  }
0x1fc: {  	vm10 =	vge.f32 v40, $-2.551464440e-01;
	v8 =	vadd.f32 v49, v47;
	v11 =	vadd.f32 $-2.000000000e+00, v7  }
0x1fd: {  	v5 =	vadd.f32 v5, v39;
	v53 =	vsel vm10, $0x3F800000, v14;
	v52 =	vadd.f32 v50, v50  }
0x1fe: {  	vm11 =	vgt.f32 v40, $-9.712446920e-01;
	v8 =	vadd.f32 v8, v53;
	v56 =	vadd.f32 v11, v11  }
0x1ff: {  	v5 =	vadd.f32 v5, v12;
	v55 =	vsel vm11, $0x3F800000, v14;
	v54 =	vsub.f32 v4, v52  }
0x200: {  	v3 =	vmul.f32 $5.000000000e+00, v3;
	v4 =	vadd.f32 v8, v55;
	v6 =	vsub.f32 v6, v56  }
0x201: {  	vm12 =	vgt.f32 v54, $2.551464440e-01;
	vm13 =	vge.f32 v54, $9.712446920e-01;
	vm14 =	vge.f32 v54, $-2.551464440e-01  }
0x202: {  	vm15 =	vgt.f32 v6, $2.551464440e-01;
	v57 =	vsel vm12, $0x3F800000, v14;
	v58 =	vsel vm13, $0x3F800000, v14  }
0x203: {  	vm4 =	vge.f32 v6, $9.712446920e-01;
	vm5 =	vgt.f32 v54, $-9.712446920e-01;
	v8 =	vadd.f32 v58, v57  }
0x204: {  	v59 =	vsel vm14, $0x3F800000, v14;
	v60 =	vsel vm15, $0x3F800000, v14;
	v61 =	vsel vm4, $0x3F800000, v14  }
0x205: {  	vm6 =	vge.f32 v6, $-2.551464440e-01;
	v62 =	vadd.f32 v61, v60;
	v8 =	vadd.f32 v8, v59  }
0x206: {  	v4 =	vmul.f32 $5.000000000e+00, v4;
	v63 =	vsel vm5, $0x3F800000, v14;
	v16 =	vsel vm6, $0x3F800000, v14  }
0x207: {  	vm7 =	vgt.f32 v6, $-9.712446920e-01;
	v0 =	vadd.f32 v62, v16;
	v8 =	vadd.f32 v8, v63  }
0x208: {  	v1 =	vadd.f32 v3, v1;
	v2 =	vmul.f32 $2.500000000e+01, v2;
	v17 =	vsel vm7, $0x3F800000, v14  }
0x209: {  	v4 =	vadd.f32 v4, v5;
	v0 =	vadd.f32 v0, v17;
	v18 =	vmul.f32 $2.500000000e+01, v8  }
0x20a: {  	v19 =	vmul.f32 $1.250000000e+02, v7;
	v1 =	vadd.f32 v2, v1  }
0x20b: {  	v0 =	vmul.f32 $1.250000000e+02, v0;
	v20 =	vadd.f32 v18, v4  }
0x20c: {  	v1 =	vadd.f32 v19, v1  }
0x20d: {  	v0 =	vadd.f32 v0, v20  }
0x20e: {  	v1 =	vtrunc.f32 v1  }
0x20f: {  	v1 =	vcvt.f32.s32 v1;
	v0 =	vtrunc.f32 v0  }
0x210: {  	s29 =	sor.u32 s26, s17;
	v0 =	vcvt.f32.s32 v0  }
0x211: {  	s30 =	sor.u32 $0x30, s14;
	[tilespmem:s29+$0x0] =	vst v1  }
0x212: {  	s0 =	sor.u32 s30, s0;
	[tilespmem:s29+$0x80] =	vst v0  }
0x213: {  	v0 =	vld [tilespmem:s0+$0x0];
	_ =	sdelay $0x1  }
0x214: {  	v25 =	vld [tilespmem:s0+$0x80]  }
0x215: {  	v26 =	vld [tilespmem:s0+$0x100];
	_ =	sdelay $0x1  }
0x216: {  	vm8 =	vgt.f32 v0, $2.551464440e-01;
	vm9 =	vge.f32 v0, $9.712446920e-01  }
0x217: {  	vm10 =	vge.f32 v0, $-2.551464440e-01;
	vm11 =	vgt.f32 v0, $-9.712446920e-01;
	v0 =	vmul.f32 $4.000000000e+00, v0  }
0x218: {  	vm12 =	vgt.f32 v25, $2.551464440e-01;
	vm13 =	vge.f32 v25, $9.712446920e-01;
	vm4 =	vge.f32 v25, $-2.551464440e-01  }
0x219: {  	vm6 =	vgt.f32 v25, $-9.712446920e-01;
	vm7 =	vgt.f32 v26, $2.551464440e-01;
	v3 =	vmul.f32 $4.000000000e+00, v25  }
0x21a: {  	v21 =	vsel vm8, $0x3F800000, v14;
	v22 =	vsel vm9, $0x3F800000, v14;
	v23 =	vsel vm10, $0x3F800000, v14  }
0x21b: {  	v32 =	vld [tilespmem:s0+$0x180];
	v24 =	vsel vm11, $0x3F800000, v14;
	v27 =	vsel vm12, $0x3F800000, v14;
	v28 =	vsel vm13, $0x3F800000, v14  }
0x21c: {  	v31 =	vsel vm4, $0x3F800000, v14;
	v34 =	vsel vm6, $0x3F800000, v14;
	v1 =	vadd.f32 v22, v21  }
0x21d: {  	v35 =	vsel vm7, $0x3F800000, v14;
	vm8 =	vge.f32 v26, $9.712446920e-01;
	v4 =	vadd.f32 v28, v27  }
0x21e: {  	vm9 =	vge.f32 v26, $-2.551464440e-01;
	v36 =	vsel vm8, $0x3F800000, v14;
	v1 =	vadd.f32 v1, v23  }
0x21f: {  	vm10 =	vgt.f32 v26, $-9.712446920e-01;
	v9 =	vadd.f32 v36, v35;
	v4 =	vadd.f32 v4, v31  }
0x220: {  	vm11 =	vgt.f32 v32, $2.551464440e-01;
	v12 =	vsel vm9, $0x3F800000, v14;
	v1 =	vadd.f32 v1, v24  }
0x221: {  	vm12 =	vge.f32 v32, $9.712446920e-01;
	v9 =	vadd.f32 v9, v12;
	v4 =	vadd.f32 v4, v34  }
0x222: {  	v38 =	vsel vm10, $0x3F800000, v14;
	v13 =	vsel vm11, $0x3F800000, v14;
	v2 =	vadd.f32 $-2.000000000e+00, v1  }
0x223: {  	v12 =	vsel vm12, $0x3F800000, v14;
	v41 =	vadd.f32 v9, v38;
	v37 =	vadd.f32 $-2.000000000e+00, v4  }
0x224: {  	vm13 =	vge.f32 v32, $-2.551464440e-01;
	v39 =	vadd.f32 v12, v13;
	v2 =	vadd.f32 v2, v2  }
0x225: {  	v12 =	vsel vm13, $0x3F800000, v14;
	v44 =	vadd.f32 $-2.000000000e+00, v41;
	v11 =	vadd.f32 v37, v37  }
0x226: {  	v49 =	vmul.f32 $4.000000000e+00, v32;
	v6 =	vadd.f32 v39, v12;
	v0 =	vsub.f32 v0, v2  }
0x227: {  	v4 =	vmul.f32 $5.000000000e+00, v4;
	v46 =	vadd.f32 v44, v44;
	v40 =	vsub.f32 v3, v11  }
0x228: {  	v2 =	vmul.f32 $4.000000000e+00, v26;
	vm14 =	vgt.f32 v0, $2.551464440e-01;
	vm15 =	vge.f32 v0, $9.712446920e-01  }
0x229: {  	vm5 =	vge.f32 v0, $-2.551464440e-01;
	vm4 =	vgt.f32 v40, $2.551464440e-01;
	vm6 =	vge.f32 v40, $-2.551464440e-01  }
0x22a: {  	v2 =	vsub.f32 v2, v46;
	v30 =	vsel vm15, $0x3F800000, v14;
	vm15 =	vgt.f32 v32, $-9.712446920e-01  }
0x22b: {  	vm7 =	vgt.f32 v40, $-9.712446920e-01;
	v29 =	vsel vm14, $0x3F800000, v14;
	v43 =	vsel vm15, $0x3F800000, v14  }
0x22c: {  	v33 =	vsel vm5, $0x3F800000, v14;
	vm14 =	vgt.f32 v0, $-9.712446920e-01;
	v6 =	vadd.f32 v6, v43  }
0x22d: {  	v45 =	vsel vm4, $0x3F800000, v14;
	vm5 =	vge.f32 v40, $9.712446920e-01;
	v48 =	vsel vm6, $0x3F800000, v14  }
0x22e: {  	v51 =	vsel vm7, $0x3F800000, v14;
	v5 =	vadd.f32 v30, v29;
	v12 =	vadd.f32 $-2.000000000e+00, v6  }
0x22f: {  	v42 =	vsel vm14, $0x3F800000, v14;
	v47 =	vsel vm5, $0x3F800000, v14;
	vm8 =	vgt.f32 v2, $2.551464440e-01  }
0x230: {  	vm9 =	vge.f32 v2, $9.712446920e-01;
	vm10 =	vge.f32 v2, $-2.551464440e-01;
	v50 =	vadd.f32 v12, v12  }
0x231: {  	vm13 =	vgt.f32 v2, $-9.712446920e-01;
	v8 =	vadd.f32 v47, v45;
	v52 =	vsel vm8, $0x3F800000, v14  }
0x232: {  	v53 =	vsel vm9, $0x3F800000, v14;
	v54 =	vsel vm10, $0x3F800000, v14;
	v0 =	vsub.f32 v49, v50  }
0x233: {  	v58 =	vsel vm13, $0x3F800000, v14;
	v5 =	vadd.f32 v5, v33;
	v7 =	vadd.f32 v53, v52  }
0x234: {  	v8 =	vadd.f32 v8, v48;
	vm11 =	vgt.f32 v0, $2.551464440e-01;
	vm12 =	vge.f32 v0, $9.712446920e-01  }
0x235: {  	v7 =	vadd.f32 v7, v54;
	v55 =	vsel vm11, $0x3F800000, v14;
	v56 =	vsel vm12, $0x3F800000, v14  }
0x236: {  	v8 =	vadd.f32 v8, v51;
	vm14 =	vge.f32 v0, $-2.551464440e-01;
	v57 =	vadd.f32 v56, v55  }
0x237: {  	v5 =	vadd.f32 v5, v42;
	v7 =	vadd.f32 v7, v58;
	v59 =	vsel vm14, $0x3F800000, v14  }
0x238: {  	v60 =	vmul.f32 $5.000000000e+00, v8;
	vm15 =	vgt.f32 v0, $-9.712446920e-01;
	v2 =	vadd.f32 v57, v59  }
0x239: {  	v1 =	vadd.f32 v4, v1;
	v3 =	vmul.f32 $2.500000000e+01, v41;
	v61 =	vsel vm15, $0x3F800000, v14  }
0x23a: {  	v62 =	vmul.f32 $2.500000000e+01, v7;
	v0 =	vadd.f32 v60, v5;
	v2 =	vadd.f32 v2, v61  }
0x23b: {  	v1 =	vadd.f32 v3, v1;
	v63 =	vmul.f32 $1.250000000e+02, v6  }
0x23c: {  	v0 =	vadd.f32 v62, v0;
	v2 =	vmul.f32 $1.250000000e+02, v2  }
0x23d: {  	v1 =	vadd.f32 v63, v1  }
0x23e: {  	p0 =	sne.s32 s22, $0xF;
	v0 =	vadd.f32 v2, v0  }
.Ltmp7:
0x23f: {  	v1 =	vtrunc.f32 v1;
	(pc) =	sbr.rel @p0 .LBB2_14-.Ltmp7, $4  }
0x240: {  	v1 =	vcvt.f32.s32 v1;
	v0 =	vtrunc.f32 v0  }
0x241: {  	s31 =	sor.u32 s30, s17;
	v0 =	vcvt.f32.s32 v0  }
0x242: {  	[tilespmem:s31+$0x0] =	vst v1  }
0x243: {  	s2 =	sadd.s32 $0x40, s2;
	s22 =	sadd.s32 $0x1, s22;
	[tilespmem:s31+$0x80] =	vst v0  }
0x244: {  	s0 =	rddreg [dreg:$0xa];
	s2 =	simm.s32 $0x19200  }
0x245: {  	[hbm4b:s0+s11] =	stream.linear.scatter [tilespmem:s2], [sflag:$0x3], $0x800, $0x38;
	[tilespmem:$0x19A00] =	vst v63  }
0x246: {  	s2 =	simm.s32 $0x3  }
0x247: {  	_ =	swait.ge [sflag:s2], $0x800  }
0x248: {  	s3 =	rddreg [dreg:$0xc]  }
0x249: {  	s31 =	rddreg [dreg:$0xb];
	s3 =	sadd.s32 $0x1, s3  }
0x24a: {  	p0 =	sne.s32 s3, s31  }
.Ltmp8:
0x24b: {  	_ = 	snop;
	(pc) =	sbr.rel @p0 .LBB2_1-.Ltmp8, $3  }
0x24c: {  	_ =	sdelay $0x1  }
0x24d: {  	[sflag:s2] =	ssyncset.done $0x0  }
0x24e: {  	[sflag:s2] =	ssyncadd.s32 $0xFFFFF800  }
0x24f: {  	_ =	sfence.sel $0x180000  }
0x250: {  	[bflag:$0x0] =	sbarrier.arrive $0xFFFF  }
0x251: {  	_ =	strace $0x90000047  }
0x252: {  	s0 =	stileid.u32;
	[bflag:$0x2] =	sbarrier.arrive $0xFFFF  }
0x253: {  	p0 =	sne.s32 s0, $0x0;
	s0 =	rddreg [dreg:$0x3]  }
0x254: {  	s0 =	sadd.s32 @!p0 $0x100000, s0  }
0x255: {  	[sflag:s0] =	ssyncadd.tile.s32 @!p0 $0x1;
	_ =	shalt  }
.Lfunc_end2:
_tile_overlayer_lowered:
.L_overlay_start_2:
0x256: {  	(tag) =	ssettag $0x2  }
0x257: {  	s0 =	rddreg [dreg:$0x0];
	s2 =	stileid.u32  }
0x258: {  	s1 =	rddreg [dreg:$0x1];
	p0 =	sne.s32 s2, $0x0  }
0x259: {  	s3 =	rddreg [dreg:$0x2];
	[bflag:$0x3] =	sbarrier.arrive $0xFFFF;
	s2 =	simm.s32 @!p0 $0x1C03  }
0x25a: {  	[timem:s3], [sflag:s2] =	dma.local @!p0 [hbm:s0], s1  }
0x25b: {  	s0 =	simm.s32 @!p0 $0x3  }
0x25c: {  	_ =	swait.ge @!p0 [sflag:s0], s1  }
0x25d: {  	s1 =	ssub.s32 @!p0 $0x0, s1;
	[sflag:s0] =	ssyncset.done @!p0 $0x0  }
0x25e: {  	[sflag:s0] =	ssyncadd.s32 @!p0 s1  }
0x25f: {  	[bflag:$0x3] =	sbarrier.arrive $0xFFFF  }
0x260: {  	_ =	shalt  }

</sc_bundles>
